<compile_context>
chip_gen: v7x
topology: tpu7x:2x2x1
jax: 0.10.2.dev20260603
libtpu: 0.0.44.dev20260713+nightly
codegen_flags: <defaults>
</compile_context>

<pallas_src>
import functools

import jax
import jax.numpy as jnp
from jax import lax
from jax.experimental import pallas as pl
from jax.experimental.pallas import tpu as pltpu
from jax.experimental.pallas import tpu_sc as plsc

_N = 10000
_E = 320000
_D = 128
_G = 128
_C = 16

_NC = 2
_NS = 16
_NW = _NC * _NS
_CHUNK = 128
_CH = 80
_PW = _CH * _CHUNK
_EPAD = _NW * _PW
_NROWS = 10240
_STRIPE = _NROWS // _NS

_mesh = plsc.VectorSubcoreMesh(core_axis_name="c", subcore_axis_name="s")


@functools.partial(
    pl.kernel,
    mesh=_mesh,
    compiler_params=pltpu.CompilerParams(needs_layout_passes=False),
    out_type=jax.ShapeDtypeStruct((_NC, _NROWS, _D), jnp.float32),
    scratch_types=[
        pltpu.VMEM((_CH, _CHUNK), jnp.int32),
        pltpu.VMEM((_NROWS,), jnp.float32),
        pltpu.VMEM((_NS, _STRIPE), jnp.float32),
        pltpu.VMEM((_STRIPE,), jnp.float32),
        pltpu.VMEM((_CHUNK, _D), jnp.float32),
        pltpu.VMEM_SHARED((_NS, _NROWS), jnp.float32),
    ],
)
def _deg_kernel(dst_hbm, out_hbm, idx_v, hist, gbuf, dsum, brow, shared):
    c = lax.axis_index("c")
    s = lax.axis_index("s")
    wid = c * _NS + s

    def hz(r, carry):
        hist[pl.ds(r * 16, 16)] = jnp.zeros((16,), jnp.float32)
        return carry

    lax.fori_loop(0, _NROWS // 16, hz, 0)
    pltpu.sync_copy(dst_hbm.at[pl.ds(wid * _CH, _CH)], idx_v)
    ones16 = jnp.ones((16,), jnp.float32)

    def hloop(j, carry):
        for k in range(_CHUNK // 16):
            idx16 = idx_v[j, pl.ds(k * 16, 16)]
            plsc.addupdate_scatter(hist, [idx16], ones16)
        return carry

    lax.fori_loop(0, _CH, hloop, 0)
    pltpu.sync_copy(hist, shared.at[s])
    plsc.subcore_barrier()
    pltpu.sync_copy(shared.at[:, pl.ds(s * _STRIPE, _STRIPE)], gbuf)

    def rloop(g, carry):
        v = gbuf[0, pl.ds(g * 16, 16)]
        for r in range(1, _NS):
            v = v + gbuf[r, pl.ds(g * 16, 16)]
        dsum[pl.ds(g * 16, 16)] = v
        return carry

    lax.fori_loop(0, _STRIPE // 16, rloop, 0)

    for b in range(_STRIPE // _CHUNK):
        def bloop(r, carry):
            idx16 = jnp.zeros((16,), jnp.int32) + (b * _CHUNK + r)
            row = plsc.load_gather(dsum, [idx16])
            for k in range(_D // 16):
                brow[r, pl.ds(k * 16, 16)] = row
            return carry

        lax.fori_loop(0, _CHUNK, bloop, 0)

        @pl.when(c == 0)
        def _():
            pltpu.sync_copy(brow, out_hbm.at[0, pl.ds(s * _STRIPE + b * _CHUNK, _CHUNK)])

        @pl.when(c == 1)
        def _():
            pltpu.sync_copy(brow, out_hbm.at[1, pl.ds(s * _STRIPE + b * _CHUNK, _CHUNK)])


@functools.partial(
    pl.kernel,
    mesh=_mesh,
    out_type=jax.ShapeDtypeStruct((_NC, _NROWS, _D), jnp.float32),
    scratch_types=[
        pltpu.VMEM((_CH, _CHUNK), jnp.int32),
        pltpu.VMEM((2, 8, _CHUNK), jnp.int32),
        pltpu.VMEM((_CHUNK, _D), jnp.float32),
        pltpu.VMEM((_CHUNK, _D), jnp.float32),
        pltpu.VMEM((16, _D), jnp.float32),
        pltpu.VMEM_SHARED((_NROWS, _D), jnp.float32),
        pltpu.SemaphoreType.DMA,
        pltpu.SemaphoreType.DMA,
        pltpu.SemaphoreType.DMA,
    ],
)
def _prop_kernel(g_hbm, src_hbm, dst_hbm, out_hbm, srcv, dstv, bufa, bufb, zero_v, acc,
                 sema, semb, semd):
    c = lax.axis_index("c")
    s = lax.axis_index("s")
    wid = c * _NS + s

    def fz(r, carry):
        for k in range(_D // 16):
            zero_v[r, pl.ds(k * 16, 16)] = jnp.zeros((16,), jnp.float32)
        return carry

    lax.fori_loop(0, 16, fz, 0)

    def zloop(i, carry):
        for k in range(8):
            pltpu.async_copy(zero_v, acc.at[pl.ds(s * _STRIPE + (i * 8 + k) * 16, 16)], sema)
        for k in range(8):
            pltpu.make_async_copy(zero_v, acc.at[pl.ds(s * _STRIPE, 16)], sema).wait()
        return carry

    lax.fori_loop(0, _STRIPE // 16 // 8, zloop, 0)
    pltpu.sync_copy(src_hbm.at[pl.ds(wid * _CH, _CH)], srcv)

    def drain(buf, sem):
        pltpu.make_async_copy(g_hbm.at[pl.ds(0, _CHUNK)], buf, sem).wait()

    pltpu.sync_copy(dst_hbm.at[pl.ds(wid * _CH, 8)], dstv.at[0])
    pltpu.async_copy(g_hbm.at[srcv.at[0]], bufa, sema)
    plsc.subcore_barrier()
    ngrp = _CH // 8

    def gloop(g8, carry):
        par = lax.rem(g8, 2)
        nxt = lax.rem(g8 + 1, 2)
        gn = jnp.minimum(g8 + 1, ngrp - 1)
        pltpu.async_copy(dst_hbm.at[pl.ds(wid * _CH + gn * 8, 8)], dstv.at[nxt], semd)
        for k in range(4):
            j0 = g8 * 8 + 2 * k
            pltpu.async_copy(g_hbm.at[srcv.at[j0 + 1]], bufb, semb)
            drain(bufa, sema)
            pltpu.sync_copy(bufa, acc.at[dstv.at[par, 2 * k]], add=True)
            jn = jnp.minimum(j0 + 2, _CH - 1)
            pltpu.async_copy(g_hbm.at[srcv.at[jn]], bufa, sema)
            drain(bufb, semb)
            pltpu.sync_copy(bufb, acc.at[dstv.at[par, 2 * k + 1]], add=True)
        pltpu.make_async_copy(dst_hbm.at[pl.ds(0, 8)], dstv.at[nxt], semd).wait()
        return carry

    lax.fori_loop(0, ngrp, gloop, 0)
    drain(bufa, sema)
    plsc.subcore_barrier()

    @pl.when(c == 0)
    def _():
        pltpu.sync_copy(acc.at[pl.ds(s * _STRIPE, _STRIPE)],
                        out_hbm.at[0, pl.ds(s * _STRIPE, _STRIPE)])

    @pl.when(c == 1)
    def _():
        pltpu.sync_copy(acc.at[pl.ds(s * _STRIPE, _STRIPE)],
                        out_hbm.at[1, pl.ds(s * _STRIPE, _STRIPE)])


def _prep_body(x_ref, w1_ref, degp_ref, g_ref, dinv_ref):
    degp = degp_ref[...]
    deg = degp[0, :, 0:1] + degp[1, :, 0:1] + 1.0
    dinv = lax.rsqrt(deg)
    rows = lax.broadcasted_iota(jnp.int32, (_NROWS, 1), 0)
    dinv = jnp.where(rows < _N, dinv, 0.0)
    dinvb = jnp.broadcast_to(dinv, (_NROWS, _D))
    dinv_ref[...] = dinvb
    g_ref[...] = dinvb * jnp.dot(x_ref[...], w1_ref[...],
                                 preferred_element_type=jnp.float32)


_prep = pl.pallas_call(
    _prep_body,
    out_shape=[
        jax.ShapeDtypeStruct((_NROWS, _D), jnp.float32),
        jax.ShapeDtypeStruct((_NROWS, _D), jnp.float32),
    ],
)


def _layer_body(acc_ref, gprev_ref, dinv_ref, b_ref, w_ref, gnext_ref):
    a = acc_ref[0] + acc_ref[1]
    dinvb = dinv_ref[...]
    h = jnp.maximum(b_ref[...] + dinvb * (a + gprev_ref[...]), 0.0)
    gnext_ref[...] = dinvb * jnp.dot(h, w_ref[...],
                                     preferred_element_type=jnp.float32)


_layer = pl.pallas_call(
    _layer_body,
    out_shape=jax.ShapeDtypeStruct((_NROWS, _D), jnp.float32),
)


def _final_body(acc_ref, g3_ref, dinv_ref, b3_ref, batch_ref, wl1_ref, bl1_ref,
                wl2_ref, bl2_ref, out_ref):
    a = acc_ref[0] + acc_ref[1]
    h3 = jnp.maximum(b3_ref[...] + dinv_ref[...] * (a + g3_ref[...]), 0.0)
    gid = lax.broadcasted_iota(jnp.int32, (_NROWS, _G), 1)
    S = (batch_ref[...] == gid).astype(jnp.float32)
    ps = lax.dot_general(S, h3, (((0,), (0,)), ((), ())),
                         preferred_element_type=jnp.float32)
    cnt = lax.dot_general(S, jnp.ones((_NROWS, 1), jnp.float32),
                          (((0,), (0,)), ((), ())),
                          preferred_element_type=jnp.float32)
    pooled = ps / jnp.maximum(cnt, 1.0)
    hh = jnp.maximum(jnp.dot(pooled, wl1_ref[...],
                             preferred_element_type=jnp.float32) + bl1_ref[...], 0.0)
    logits = jnp.dot(hh, wl2_ref[...],
                     preferred_element_type=jnp.float32) + bl2_ref[...]
    m = jnp.max(logits, axis=-1, keepdims=True)
    e = jnp.exp(logits - m)
    out_ref[...] = (logits - m) - jnp.log(jnp.sum(e, axis=-1, keepdims=True))


_final = pl.pallas_call(
    _final_body,
    out_shape=jax.ShapeDtypeStruct((_G, _C), jnp.float32),
)


def kernel(x, edge_index, batch, W1, b1, W2, b2, W3, b3, Wl1, bl1, Wl2, bl2):
    src = edge_index[0]
    dst = edge_index[1]
    npad = _EPAD - _E
    padi = (jnp.arange(npad, dtype=jnp.int32) % (_NROWS - _N)) + _N
    src_p = jnp.concatenate([src, padi]).reshape(_EPAD // _CHUNK, _CHUNK)
    dst_p = jnp.concatenate([dst, padi]).reshape(_EPAD // _CHUNK, _CHUNK)
    x_p = jnp.pad(x, ((0, _NROWS - _N), (0, 0)))
    batch_p = jnp.concatenate(
        [batch, jnp.full((_NROWS - _N,), _G, jnp.int32)]).reshape(_NROWS, 1)

    degp = _deg_kernel(dst_p)
    g1, dinvb = _prep(x_p, W1, degp)
    a1 = _prop_kernel(g1, src_p, dst_p)
    g2 = _layer(a1, g1, dinvb, b1.reshape(1, _D), W2)
    a2 = _prop_kernel(g2, src_p, dst_p)
    g3 = _layer(a2, g2, dinvb, b2.reshape(1, _D), W3)
    a3 = _prop_kernel(g3, src_p, dst_p)
    return _final(a3, g3, dinvb, b3.reshape(1, _D), batch_p,
                  Wl1, bl1.reshape(1, _D), Wl2, bl2.reshape(1, _C))

# --- scband reference (transcript-rebuilt; emitter-appended) ---
"""Pipeline reference for scband-net-gcn-11227044511897 (READ-ONLY COPY).

The authoritative reference and input builder live on the scoring server;
editing this copy changes nothing except your own understanding.
"""

import jax, jax.numpy as jnp
import numpy as np

N = 10000
E = 320000
D = 128
H = 128
C = 16
G = 128


def setup_inputs(seed: int = 0) -> dict:
    key = jax.random.key(seed)
    ks = jax.random.split(key, 14)
    x = jax.random.normal(ks[0], (N, D), dtype=jnp.float32)
    edge_index = jax.random.randint(ks[1], (2, E), 0, N, dtype=jnp.int32)
    batch = jnp.sort(jax.random.randint(ks[2], (N,), 0, G, dtype=jnp.int32))
    def lin(k, fan_in, fan_out):
        bound = 1.0 / np.sqrt(fan_in)
        kw, kb = jax.random.split(k)
        W = jax.random.uniform(kw, (fan_in, fan_out), minval=-bound, maxval=bound, dtype=jnp.float32)
        b = jax.random.uniform(kb, (fan_out,), minval=-bound, maxval=bound, dtype=jnp.float32)
        return W, b
    W1, b1 = lin(ks[3], D, H)
    W2, b2 = lin(ks[4], H, H)
    W3, b3 = lin(ks[5], H, H)
    Wl1, bl1 = lin(ks[6], H, H)
    Wl2, bl2 = lin(ks[7], H, C)
    return dict(x=x, edge_index=edge_index, batch=batch, W1=W1, b1=b1, W2=W2, b2=b2, W3=W3, b3=b3, Wl1=Wl1, bl1=bl1, Wl2=Wl2, bl2=bl2)


def gcn_conv(x, W, b, src, dst, n):
    # PyG-style GCNConv: add self-loops, symmetric degree normalization, scatter-add
    h = x @ W
    loop = jnp.arange(n, dtype=src.dtype)
    s = jnp.concatenate([src, loop])
    d = jnp.concatenate([dst, loop])
    deg = jnp.zeros((n,), x.dtype).at[d].add(1.0)
    dinv = jax.lax.rsqrt(deg)
    norm = dinv[s] * dinv[d]
    msg = h[s] * norm[:, None]
    out = jnp.zeros_like(h).at[d].add(msg)
    return out + b


def reference(x, edge_index, batch, W1, b1, W2, b2, W3, b3, Wl1, bl1, Wl2, bl2):
    src, dst = edge_index[0], edge_index[1]
    h = jax.nn.relu(gcn_conv(x, W1, b1, src, dst, N))
    h = jax.nn.relu(gcn_conv(h, W2, b2, src, dst, N))
    h = jax.nn.relu(gcn_conv(h, W3, b3, src, dst, N))
    # global_mean_pool over graph assignment vector `batch`
    sums = jax.ops.segment_sum(h, batch, num_segments=G)
    cnt = jax.ops.segment_sum(jnp.ones((h.shape[0], 1), h.dtype), batch, num_segments=G)
    pooled = sums / jnp.maximum(cnt, 1.0)
    h = jax.nn.relu(pooled @ Wl1 + bl1)
    # dropout is identity in eval mode
    out = h @ Wl2 + bl2
    return jax.nn.log_softmax(out, axis=-1)

if __name__ == "__main__":
    import jax
    _d = setup_inputs()
    print(jax.jit(kernel)(*tuple(_d.values())))

</pallas_src>

<mosaic_0001>
#map = affine_map<(d0, d1) -> (0, 0)>
#map1 = affine_map<(d0, d1) -> (0, 0, 0)>
module attributes {stable_mosaic.version = 14 : i64} {
  func.func @_deg_kernel(%arg0: i32, %arg1: i32, %arg2: memref<2560x128xi32, #tpu.memory_space<hbm>>, %arg3: memref<2x10240x128xf32, #tpu.memory_space<hbm>>, %arg4: memref<80x128xi32, #tpu.memory_space<vmem>>, %arg5: memref<10240xf32, #tpu.memory_space<vmem>>, %arg6: memref<16x640xf32, #tpu.memory_space<vmem>>, %arg7: memref<640xf32, #tpu.memory_space<vmem>>, %arg8: memref<128x128xf32, #tpu.memory_space<vmem>>, %arg9: memref<16x10240xf32, #tpu.memory_space<vmem_shared>>) attributes {dimension_semantics = [#tpu.dimension_semantics<core_parallel>, #tpu.dimension_semantics<subcore_parallel>], iteration_bounds = array<i64: 2, 16>, scalar_prefetch = 0 : i64, scratch_operands = 6 : i64, tpu.core_type = #tpu.core_type<sc_vector_subcore>, window_params = [{transform_indices = #map}, {transform_indices = #map1}]} {
    %mul3A = arith.constant 16 : i32
    %mul3A_0 = arith.muli %arg0, %mul3A : i32
    %add3A = arith.addi %mul3A_0, %arg1 : i32
    %scan3A = arith.constant 0 : i32
    %scan3A_1 = arith.constant 0 : i32
    %scan3A_2 = arith.constant 640 : i32
    %scan3A_3 = arith.addi %scan3A_1, %scan3A_2 : i32
    %scan3A_4 = arith.constant 1 : i32
    scf.for %scan3A_100 = %scan3A_1 to %scan3A_3 step %scan3A_4  : i32 {
      %broadcast_in_dim3A_101 = arith.constant 0.000000e+00 : f32
      %broadcast_in_dim3A_102 = vector.broadcast %broadcast_in_dim3A_101 : f32 to vector<16xf32>
      %mul3A_103 = arith.constant 16 : i32
      %mul3A_104 = arith.muli %scan3A_100, %mul3A_103 : i32
      %swap3A = arith.index_cast %mul3A_104 : i32 to index
      %swap3A_105 = tpu.vector_load %arg5[%swap3A] {strides = array<i32>} : memref<10240xf32, #tpu.memory_space<vmem>>, vector<16xf32>,
      tpu.vector_store %arg5[%swap3A], %broadcast_in_dim3A_102 {strides = array<i32>} : memref<10240xf32, #tpu.memory_space<vmem>>, vector<16xf32>,
    }
    %scan3A_5 = arith.constant 640 : i32
    %mul3A_6 = arith.constant 80 : i32
    %mul3A_7 = arith.muli %add3A, %mul3A_6 : i32
    "tpu.region"() ({
      %run_scoped3A = tpu.sem_alloc : memref<!tpu.dma_semaphore, #tpu.memory_space<semaphore_mem>>
      %dma_start3A = arith.constant 0 : i32
      %dma_start3A_100 = tpu.memref_slice %arg2[%mul3A_7, %dma_start3A] : memref<2560x128xi32, #tpu.memory_space<hbm>> -> memref<80x128xi32, #tpu.memory_space<hbm>>
      %dma_start3A_101 = arith.constant 0 : i32
      %dma_start3A_102 = tpu.memref_slice %arg2[%mul3A_7, %dma_start3A_101] : memref<2560x128xi32, #tpu.memory_space<hbm>> -> memref<80x128xi32, #tpu.memory_space<hbm>>
      tpu.enqueue_dma source(%dma_start3A_102 : memref<80x128xi32, #tpu.memory_space<hbm>>) target(%arg4 : memref<80x128xi32, #tpu.memory_space<vmem>>) target_semaphore(%run_scoped3A : memref<!tpu.dma_semaphore, #tpu.memory_space<semaphore_mem>>)
      %dma_wait3A = arith.constant 0 : i32
      %dma_wait3A_103 = tpu.memref_slice %arg2[%mul3A_7, %dma_wait3A] : memref<2560x128xi32, #tpu.memory_space<hbm>> -> memref<80x128xi32, #tpu.memory_space<hbm>>
      %dma_wait3A_104 = arith.constant 0 : i32
      %dma_wait3A_105 = tpu.memref_slice %arg2[%mul3A_7, %dma_wait3A_104] : memref<2560x128xi32, #tpu.memory_space<hbm>> -> memref<80x128xi32, #tpu.memory_space<hbm>>
      tpu.wait_dma2 semaphore(%run_scoped3A : memref<!tpu.dma_semaphore, #tpu.memory_space<semaphore_mem>>) src(%dma_wait3A_105 : memref<80x128xi32, #tpu.memory_space<hbm>>) dst(%arg4 : memref<80x128xi32, #tpu.memory_space<vmem>>)
      tpu.yield
    }) : () -> ()
    %broadcast_in_dim3A = arith.constant 1.000000e+00 : f32
    %broadcast_in_dim3A_8 = vector.broadcast %broadcast_in_dim3A : f32 to vector<16xf32>
    %scan3A_9 = arith.constant 0 : i32
    %scan3A_10 = arith.constant 0 : i32
    %scan3A_11 = arith.constant 80 : i32
    %scan3A_12 = arith.addi %scan3A_10, %scan3A_11 : i32
    %scan3A_13 = arith.constant 1 : i32
    scf.for %scan3A_100 = %scan3A_10 to %scan3A_12 step %scan3A_13  : i32 {
      %get3A = arith.index_cast %scan3A_100 : i32 to index
      %get3A_101 = arith.constant 0 : index
      %get3A_102 = tpu.vector_load %arg4[%get3A, %get3A_101] {strides = array<i32>} : memref<80x128xi32, #tpu.memory_space<vmem>>, vector<16xi32>,
      tpu.vector_store_idx %arg5[%get3A_102], %broadcast_in_dim3A_8 {add = true} : memref<10240xf32, #tpu.memory_space<vmem>>[vector<16xi32>], vector<16xf32>,
      %get3A_103 = arith.index_cast %scan3A_100 : i32 to index
      %get3A_104 = arith.constant 16 : index
      %get3A_105 = tpu.vector_load %arg4[%get3A_103, %get3A_104] {strides = array<i32>} : memref<80x128xi32, #tpu.memory_space<vmem>>, vector<16xi32>,
      tpu.vector_store_idx %arg5[%get3A_105], %broadcast_in_dim3A_8 {add = true} : memref<10240xf32, #tpu.memory_space<vmem>>[vector<16xi32>], vector<16xf32>,
      %get3A_106 = arith.index_cast %scan3A_100 : i32 to index
      %get3A_107 = arith.constant 32 : index
      %get3A_108 = tpu.vector_load %arg4[%get3A_106, %get3A_107] {strides = array<i32>} : memref<80x128xi32, #tpu.memory_space<vmem>>, vector<16xi32>,
      tpu.vector_store_idx %arg5[%get3A_108], %broadcast_in_dim3A_8 {add = true} : memref<10240xf32, #tpu.memory_space<vmem>>[vector<16xi32>], vector<16xf32>,
      %get3A_109 = arith.index_cast %scan3A_100 : i32 to index
      %get3A_110 = arith.constant 48 : index
      %get3A_111 = tpu.vector_load %arg4[%get3A_109, %get3A_110] {strides = array<i32>} : memref<80x128xi32, #tpu.memory_space<vmem>>, vector<16xi32>,
      tpu.vector_store_idx %arg5[%get3A_111], %broadcast_in_dim3A_8 {add = true} : memref<10240xf32, #tpu.memory_space<vmem>>[vector<16xi32>], vector<16xf32>,
      %get3A_112 = arith.index_cast %scan3A_100 : i32 to index
      %get3A_113 = arith.constant 64 : index
      %get3A_114 = tpu.vector_load %arg4[%get3A_112, %get3A_113] {strides = array<i32>} : memref<80x128xi32, #tpu.memory_space<vmem>>, vector<16xi32>,
      tpu.vector_store_idx %arg5[%get3A_114], %broadcast_in_dim3A_8 {add = true} : memref<10240xf32, #tpu.memory_space<vmem>>[vector<16xi32>], vector<16xf32>,
      %get3A_115 = arith.index_cast %scan3A_100 : i32 to index
      %get3A_116 = arith.constant 80 : index
      %get3A_117 = tpu.vector_load %arg4[%get3A_115, %get3A_116] {strides = array<i32>} : memref<80x128xi32, #tpu.memory_space<vmem>>, vector<16xi32>,
      tpu.vector_store_idx %arg5[%get3A_117], %broadcast_in_dim3A_8 {add = true} : memref<10240xf32, #tpu.memory_space<vmem>>[vector<16xi32>], vector<16xf32>,
      %get3A_118 = arith.index_cast %scan3A_100 : i32 to index
      %get3A_119 = arith.constant 96 : index
      %get3A_120 = tpu.vector_load %arg4[%get3A_118, %get3A_119] {strides = array<i32>} : memref<80x128xi32, #tpu.memory_space<vmem>>, vector<16xi32>,
      tpu.vector_store_idx %arg5[%get3A_120], %broadcast_in_dim3A_8 {add = true} : memref<10240xf32, #tpu.memory_space<vmem>>[vector<16xi32>], vector<16xf32>,
      %get3A_121 = arith.index_cast %scan3A_100 : i32 to index
      %get3A_122 = arith.constant 112 : index
      %get3A_123 = tpu.vector_load %arg4[%get3A_121, %get3A_122] {strides = array<i32>} : memref<80x128xi32, #tpu.memory_space<vmem>>, vector<16xi32>,
      tpu.vector_store_idx %arg5[%get3A_123], %broadcast_in_dim3A_8 {add = true} : memref<10240xf32, #tpu.memory_space<vmem>>[vector<16xi32>], vector<16xf32>,
    }
    %scan3A_14 = arith.constant 80 : i32
    "tpu.region"() ({
      %run_scoped3A = tpu.sem_alloc : memref<!tpu.dma_semaphore, #tpu.memory_space<semaphore_mem>>
      %dma_start3A = arith.constant 0 : i32
      %dma_start3A_100 = tpu.memref_slice %arg9[%arg1, %dma_start3A] : memref<16x10240xf32, #tpu.memory_space<vmem_shared>> -> memref<1x10240xf32, #tpu.memory_space<vmem_shared>>
      %dma_start3A_101 = tpu.memref_squeeze %dma_start3A_100 : memref<1x10240xf32, #tpu.memory_space<vmem_shared>> -> memref<10240xf32, #tpu.memory_space<vmem_shared>>
      %dma_start3A_102 = arith.constant 0 : i32
      %dma_start3A_103 = tpu.memref_slice %arg9[%arg1, %dma_start3A_102] : memref<16x10240xf32, #tpu.memory_space<vmem_shared>> -> memref<1x10240xf32, #tpu.memory_space<vmem_shared>>
      %dma_start3A_104 = tpu.memref_squeeze %dma_start3A_103 : memref<1x10240xf32, #tpu.memory_space<vmem_shared>> -> memref<10240xf32, #tpu.memory_space<vmem_shared>>
      tpu.enqueue_dma source(%arg5 : memref<10240xf32, #tpu.memory_space<vmem>>) target(%dma_start3A_104 : memref<10240xf32, #tpu.memory_space<vmem_shared>>) target_semaphore(%run_scoped3A : memref<!tpu.dma_semaphore, #tpu.memory_space<semaphore_mem>>)
      %dma_wait3A = arith.constant 0 : i32
      %dma_wait3A_105 = tpu.memref_slice %arg9[%arg1, %dma_wait3A] : memref<16x10240xf32, #tpu.memory_space<vmem_shared>> -> memref<1x10240xf32, #tpu.memory_space<vmem_shared>>
      %dma_wait3A_106 = tpu.memref_squeeze %dma_wait3A_105 : memref<1x10240xf32, #tpu.memory_space<vmem_shared>> -> memref<10240xf32, #tpu.memory_space<vmem_shared>>
      %dma_wait3A_107 = arith.constant 0 : i32
      %dma_wait3A_108 = tpu.memref_slice %arg9[%arg1, %dma_wait3A_107] : memref<16x10240xf32, #tpu.memory_space<vmem_shared>> -> memref<1x10240xf32, #tpu.memory_space<vmem_shared>>
      %dma_wait3A_109 = tpu.memref_squeeze %dma_wait3A_108 : memref<1x10240xf32, #tpu.memory_space<vmem_shared>> -> memref<10240xf32, #tpu.memory_space<vmem_shared>>
      tpu.wait_dma2 semaphore(%run_scoped3A : memref<!tpu.dma_semaphore, #tpu.memory_space<semaphore_mem>>) src(%arg5 : memref<10240xf32, #tpu.memory_space<vmem>>) dst(%dma_wait3A_109 : memref<10240xf32, #tpu.memory_space<vmem_shared>>)
      tpu.yield
    }) : () -> ()
    %barrier3A = arith.constant 0 : index
    tpu.barrier barrier_id(%barrier3A)
    %mul3A_15 = arith.constant 640 : i32
    %mul3A_16 = arith.muli %arg1, %mul3A_15 : i32
    "tpu.region"() ({
      %run_scoped3A = tpu.sem_alloc : memref<!tpu.dma_semaphore, #tpu.memory_space<semaphore_mem>>
      %dma_start3A = arith.constant 0 : i32
      %dma_start3A_100 = tpu.memref_slice %arg9[%dma_start3A, %mul3A_16] : memref<16x10240xf32, #tpu.memory_space<vmem_shared>> -> memref<16x640xf32, #tpu.memory_space<vmem_shared>>
      %dma_start3A_101 = arith.constant 0 : i32
      %dma_start3A_102 = tpu.memref_slice %arg9[%dma_start3A_101, %mul3A_16] : memref<16x10240xf32, #tpu.memory_space<vmem_shared>> -> memref<16x640xf32, #tpu.memory_space<vmem_shared>>
      tpu.enqueue_dma source(%dma_start3A_102 : memref<16x640xf32, #tpu.memory_space<vmem_shared>>) target(%arg6 : memref<16x640xf32, #tpu.memory_space<vmem>>) target_semaphore(%run_scoped3A : memref<!tpu.dma_semaphore, #tpu.memory_space<semaphore_mem>>)
      %dma_wait3A = arith.constant 0 : i32
      %dma_wait3A_103 = tpu.memref_slice %arg9[%dma_wait3A, %mul3A_16] : memref<16x10240xf32, #tpu.memory_space<vmem_shared>> -> memref<16x640xf32, #tpu.memory_space<vmem_shared>>
      %dma_wait3A_104 = arith.constant 0 : i32
      %dma_wait3A_105 = tpu.memref_slice %arg9[%dma_wait3A_104, %mul3A_16] : memref<16x10240xf32, #tpu.memory_space<vmem_shared>> -> memref<16x640xf32, #tpu.memory_space<vmem_shared>>
      tpu.wait_dma2 semaphore(%run_scoped3A : memref<!tpu.dma_semaphore, #tpu.memory_space<semaphore_mem>>) src(%dma_wait3A_105 : memref<16x640xf32, #tpu.memory_space<vmem_shared>>) dst(%arg6 : memref<16x640xf32, #tpu.memory_space<vmem>>)
      tpu.yield
    }) : () -> ()
    %scan3A_17 = arith.constant 0 : i32
    %scan3A_18 = arith.constant 0 : i32
    %scan3A_19 = arith.constant 40 : i32
    %scan3A_20 = arith.addi %scan3A_18, %scan3A_19 : i32
    %scan3A_21 = arith.constant 1 : i32
    scf.for %scan3A_100 = %scan3A_18 to %scan3A_20 step %scan3A_21  : i32 {
      %mul3A_101 = arith.constant 16 : i32
      %mul3A_102 = arith.muli %scan3A_100, %mul3A_101 : i32
      %get3A = arith.constant 0 : i32
      %get3A_103 = arith.index_cast %get3A : i32 to index
      %get3A_104 = arith.index_cast %mul3A_102 : i32 to index
      %get3A_105 = tpu.vector_load %arg6[%get3A_103, %get3A_104] {strides = array<i32>} : memref<16x640xf32, #tpu.memory_space<vmem>>, vector<16xf32>,
      %mul3A_106 = arith.constant 16 : i32
      %mul3A_107 = arith.muli %scan3A_100, %mul3A_106 : i32
      %get3A_108 = arith.constant 1 : i32
      %get3A_109 = arith.index_cast %get3A_108 : i32 to index
      %get3A_110 = arith.index_cast %mul3A_107 : i32 to index
      %get3A_111 = tpu.vector_load %arg6[%get3A_109, %get3A_110] {strides = array<i32>} : memref<16x640xf32, #tpu.memory_space<vmem>>, vector<16xf32>,
      %add3A_112 = arith.addf %get3A_105, %get3A_111 : vector<16xf32>
      %mul3A_113 = arith.constant 16 : i32
      %mul3A_114 = arith.muli %scan3A_100, %mul3A_113 : i32
      %get3A_115 = arith.constant 2 : i32
      %get3A_116 = arith.index_cast %get3A_115 : i32 to index
      %get3A_117 = arith.index_cast %mul3A_114 : i32 to index
      %get3A_118 = tpu.vector_load %arg6[%get3A_116, %get3A_117] {strides = array<i32>} : memref<16x640xf32, #tpu.memory_space<vmem>>, vector<16xf32>,
      %add3A_119 = arith.addf %add3A_112, %get3A_118 : vector<16xf32>
      %mul3A_120 = arith.constant 16 : i32
      %mul3A_121 = arith.muli %scan3A_100, %mul3A_120 : i32
      %get3A_122 = arith.constant 3 : i32
      %get3A_123 = arith.index_cast %get3A_122 : i32 to index
      %get3A_124 = arith.index_cast %mul3A_121 : i32 to index
      %get3A_125 = tpu.vector_load %arg6[%get3A_123, %get3A_124] {strides = array<i32>} : memref<16x640xf32, #tpu.memory_space<vmem>>, vector<16xf32>,
      %add3A_126 = arith.addf %add3A_119, %get3A_125 : vector<16xf32>
      %mul3A_127 = arith.constant 16 : i32
      %mul3A_128 = arith.muli %scan3A_100, %mul3A_127 : i32
      %get3A_129 = arith.constant 4 : i32
      %get3A_130 = arith.index_cast %get3A_129 : i32 to index
      %get3A_131 = arith.index_cast %mul3A_128 : i32 to index
      %get3A_132 = tpu.vector_load %arg6[%get3A_130, %get3A_131] {strides = array<i32>} : memref<16x640xf32, #tpu.memory_space<vmem>>, vector<16xf32>,
      %add3A_133 = arith.addf %add3A_126, %get3A_132 : vector<16xf32>
      %mul3A_134 = arith.constant 16 : i32
      %mul3A_135 = arith.muli %scan3A_100, %mul3A_134 : i32
      %get3A_136 = arith.constant 5 : i32
      %get3A_137 = arith.index_cast %get3A_136 : i32 to index
      %get3A_138 = arith.index_cast %mul3A_135 : i32 to index
      %get3A_139 = tpu.vector_load %arg6[%get3A_137, %get3A_138] {strides = array<i32>} : memref<16x640xf32, #tpu.memory_space<vmem>>, vector<16xf32>,
      %add3A_140 = arith.addf %add3A_133, %get3A_139 : vector<16xf32>
      %mul3A_141 = arith.constant 16 : i32
      %mul3A_142 = arith.muli %scan3A_100, %mul3A_141 : i32
      %get3A_143 = arith.constant 6 : i32
      %get3A_144 = arith.index_cast %get3A_143 : i32 to index
      %get3A_145 = arith.index_cast %mul3A_142 : i32 to index
      %get3A_146 = tpu.vector_load %arg6[%get3A_144, %get3A_145] {strides = array<i32>} : memref<16x640xf32, #tpu.memory_space<vmem>>, vector<16xf32>,
      %add3A_147 = arith.addf %add3A_140, %get3A_146 : vector<16xf32>
      %mul3A_148 = arith.constant 16 : i32
      %mul3A_149 = arith.muli %scan3A_100, %mul3A_148 : i32
      %get3A_150 = arith.constant 7 : i32
      %get3A_151 = arith.index_cast %get3A_150 : i32 to index
      %get3A_152 = arith.index_cast %mul3A_149 : i32 to index
      %get3A_153 = tpu.vector_load %arg6[%get3A_151, %get3A_152] {strides = array<i32>} : memref<16x640xf32, #tpu.memory_space<vmem>>, vector<16xf32>,
      %add3A_154 = arith.addf %add3A_147, %get3A_153 : vector<16xf32>
      %mul3A_155 = arith.constant 16 : i32
      %mul3A_156 = arith.muli %scan3A_100, %mul3A_155 : i32
      %get3A_157 = arith.constant 8 : i32
      %get3A_158 = arith.index_cast %get3A_157 : i32 to index
      %get3A_159 = arith.index_cast %mul3A_156 : i32 to index
      %get3A_160 = tpu.vector_load %arg6[%get3A_158, %get3A_159] {strides = array<i32>} : memref<16x640xf32, #tpu.memory_space<vmem>>, vector<16xf32>,
      %add3A_161 = arith.addf %add3A_154, %get3A_160 : vector<16xf32>
      %mul3A_162 = arith.constant 16 : i32
      %mul3A_163 = arith.muli %scan3A_100, %mul3A_162 : i32
      %get3A_164 = arith.constant 9 : i32
      %get3A_165 = arith.index_cast %get3A_164 : i32 to index
      %get3A_166 = arith.index_cast %mul3A_163 : i32 to index
      %get3A_167 = tpu.vector_load %arg6[%get3A_165, %get3A_166] {strides = array<i32>} : memref<16x640xf32, #tpu.memory_space<vmem>>, vector<16xf32>,
      %add3A_168 = arith.addf %add3A_161, %get3A_167 : vector<16xf32>
      %mul3A_169 = arith.constant 16 : i32
      %mul3A_170 = arith.muli %scan3A_100, %mul3A_169 : i32
      %get3A_171 = arith.constant 10 : i32
      %get3A_172 = arith.index_cast %get3A_171 : i32 to index
      %get3A_173 = arith.index_cast %mul3A_170 : i32 to index
      %get3A_174 = tpu.vector_load %arg6[%get3A_172, %get3A_173] {strides = array<i32>} : memref<16x640xf32, #tpu.memory_space<vmem>>, vector<16xf32>,
      %add3A_175 = arith.addf %add3A_168, %get3A_174 : vector<16xf32>
      %mul3A_176 = arith.constant 16 : i32
      %mul3A_177 = arith.muli %scan3A_100, %mul3A_176 : i32
      %get3A_178 = arith.constant 11 : i32
      %get3A_179 = arith.index_cast %get3A_178 : i32 to index
      %get3A_180 = arith.index_cast %mul3A_177 : i32 to index
      %get3A_181 = tpu.vector_load %arg6[%get3A_179, %get3A_180] {strides = array<i32>} : memref<16x640xf32, #tpu.memory_space<vmem>>, vector<16xf32>,
      %add3A_182 = arith.addf %add3A_175, %get3A_181 : vector<16xf32>
      %mul3A_183 = arith.constant 16 : i32
      %mul3A_184 = arith.muli %scan3A_100, %mul3A_183 : i32
      %get3A_185 = arith.constant 12 : i32
      %get3A_186 = arith.index_cast %get3A_185 : i32 to index
      %get3A_187 = arith.index_cast %mul3A_184 : i32 to index
      %get3A_188 = tpu.vector_load %arg6[%get3A_186, %get3A_187] {strides = array<i32>} : memref<16x640xf32, #tpu.memory_space<vmem>>, vector<16xf32>,
      %add3A_189 = arith.addf %add3A_182, %get3A_188 : vector<16xf32>
      %mul3A_190 = arith.constant 16 : i32
      %mul3A_191 = arith.muli %scan3A_100, %mul3A_190 : i32
      %get3A_192 = arith.constant 13 : i32
      %get3A_193 = arith.index_cast %get3A_192 : i32 to index
      %get3A_194 = arith.index_cast %mul3A_191 : i32 to index
      %get3A_195 = tpu.vector_load %arg6[%get3A_193, %get3A_194] {strides = array<i32>} : memref<16x640xf32, #tpu.memory_space<vmem>>, vector<16xf32>,
      %add3A_196 = arith.addf %add3A_189, %get3A_195 : vector<16xf32>
      %mul3A_197 = arith.constant 16 : i32
      %mul3A_198 = arith.muli %scan3A_100, %mul3A_197 : i32
      %get3A_199 = arith.constant 14 : i32
      %get3A_200 = arith.index_cast %get3A_199 : i32 to index
      %get3A_201 = arith.index_cast %mul3A_198 : i32 to index
      %get3A_202 = tpu.vector_load %arg6[%get3A_200, %get3A_201] {strides = array<i32>} : memref<16x640xf32, #tpu.memory_space<vmem>>, vector<16xf32>,
      %add3A_203 = arith.addf %add3A_196, %get3A_202 : vector<16xf32>
      %mul3A_204 = arith.constant 16 : i32
      %mul3A_205 = arith.muli %scan3A_100, %mul3A_204 : i32
      %get3A_206 = arith.constant 15 : i32
      %get3A_207 = arith.index_cast %get3A_206 : i32 to index
      %get3A_208 = arith.index_cast %mul3A_205 : i32 to index
      %get3A_209 = tpu.vector_load %arg6[%get3A_207, %get3A_208] {strides = array<i32>} : memref<16x640xf32, #tpu.memory_space<vmem>>, vector<16xf32>,
      %add3A_210 = arith.addf %add3A_203, %get3A_209 : vector<16xf32>
      %mul3A_211 = arith.constant 16 : i32
      %mul3A_212 = arith.muli %scan3A_100, %mul3A_211 : i32
      %swap3A = arith.index_cast %mul3A_212 : i32 to index
      %swap3A_213 = tpu.vector_load %arg7[%swap3A] {strides = array<i32>} : memref<640xf32, #tpu.memory_space<vmem>>, vector<16xf32>,
      tpu.vector_store %arg7[%swap3A], %add3A_210 {strides = array<i32>} : memref<640xf32, #tpu.memory_space<vmem>>, vector<16xf32>,
    }
    %scan3A_22 = arith.constant 40 : i32
    %scan3A_23 = arith.constant 0 : i32
    %scan3A_24 = arith.constant 0 : i32
    %scan3A_25 = arith.constant 128 : i32
    %scan3A_26 = arith.addi %scan3A_24, %scan3A_25 : i32
    %scan3A_27 = arith.constant 1 : i32
    scf.for %scan3A_100 = %scan3A_24 to %scan3A_26 step %scan3A_27  : i32 {
      %broadcast_in_dim3A_101 = arith.constant 0 : i32
      %broadcast_in_dim3A_102 = vector.broadcast %broadcast_in_dim3A_101 : i32 to vector<16xi32>
      %add3A_103 = arith.constant 0 : i32
      %add3A_104 = arith.addi %add3A_103, %scan3A_100 : i32
      %add3A_105 = vector.broadcast %add3A_104 : i32 to vector<16xi32>
      %add3A_106 = arith.addi %broadcast_in_dim3A_102, %add3A_105 : vector<16xi32>
      %gather3A = tpu.vector_load_idx %arg7[%add3A_106] : memref<640xf32, #tpu.memory_space<vmem>>[vector<16xi32>], vector<16xf32>,
      %swap3A = arith.index_cast %scan3A_100 : i32 to index
      %swap3A_107 = arith.constant 0 : index
      %swap3A_108 = tpu.vector_load %arg8[%swap3A, %swap3A_107] {strides = array<i32>} : memref<128x128xf32, #tpu.memory_space<vmem>>, vector<16xf32>,
      tpu.vector_store %arg8[%swap3A, %swap3A_107], %gather3A {strides = array<i32>} : memref<128x128xf32, #tpu.memory_space<vmem>>, vector<16xf32>,
      %swap3A_109 = arith.index_cast %scan3A_100 : i32 to index
      %swap3A_110 = arith.constant 16 : index
      %swap3A_111 = tpu.vector_load %arg8[%swap3A_109, %swap3A_110] {strides = array<i32>} : memref<128x128xf32, #tpu.memory_space<vmem>>, vector<16xf32>,
      tpu.vector_store %arg8[%swap3A_109, %swap3A_110], %gather3A {strides = array<i32>} : memref<128x128xf32, #tpu.memory_space<vmem>>, vector<16xf32>,
      %swap3A_112 = arith.index_cast %scan3A_100 : i32 to index
      %swap3A_113 = arith.constant 32 : index
      %swap3A_114 = tpu.vector_load %arg8[%swap3A_112, %swap3A_113] {strides = array<i32>} : memref<128x128xf32, #tpu.memory_space<vmem>>, vector<16xf32>,
      tpu.vector_store %arg8[%swap3A_112, %swap3A_113], %gather3A {strides = array<i32>} : memref<128x128xf32, #tpu.memory_space<vmem>>, vector<16xf32>,
      %swap3A_115 = arith.index_cast %scan3A_100 : i32 to index
      %swap3A_116 = arith.constant 48 : index
      %swap3A_117 = tpu.vector_load %arg8[%swap3A_115, %swap3A_116] {strides = array<i32>} : memref<128x128xf32, #tpu.memory_space<vmem>>, vector<16xf32>,
      tpu.vector_store %arg8[%swap3A_115, %swap3A_116], %gather3A {strides = array<i32>} : memref<128x128xf32, #tpu.memory_space<vmem>>, vector<16xf32>,
      %swap3A_118 = arith.index_cast %scan3A_100 : i32 to index
      %swap3A_119 = arith.constant 64 : index
      %swap3A_120 = tpu.vector_load %arg8[%swap3A_118, %swap3A_119] {strides = array<i32>} : memref<128x128xf32, #tpu.memory_space<vmem>>, vector<16xf32>,
      tpu.vector_store %arg8[%swap3A_118, %swap3A_119], %gather3A {strides = array<i32>} : memref<128x128xf32, #tpu.memory_space<vmem>>, vector<16xf32>,
      %swap3A_121 = arith.index_cast %scan3A_100 : i32 to index
      %swap3A_122 = arith.constant 80 : index
      %swap3A_123 = tpu.vector_load %arg8[%swap3A_121, %swap3A_122] {strides = array<i32>} : memref<128x128xf32, #tpu.memory_space<vmem>>, vector<16xf32>,
      tpu.vector_store %arg8[%swap3A_121, %swap3A_122], %gather3A {strides = array<i32>} : memref<128x128xf32, #tpu.memory_space<vmem>>, vector<16xf32>,
      %swap3A_124 = arith.index_cast %scan3A_100 : i32 to index
      %swap3A_125 = arith.constant 96 : index
      %swap3A_126 = tpu.vector_load %arg8[%swap3A_124, %swap3A_125] {strides = array<i32>} : memref<128x128xf32, #tpu.memory_space<vmem>>, vector<16xf32>,
      tpu.vector_store %arg8[%swap3A_124, %swap3A_125], %gather3A {strides = array<i32>} : memref<128x128xf32, #tpu.memory_space<vmem>>, vector<16xf32>,
      %swap3A_127 = arith.index_cast %scan3A_100 : i32 to index
      %swap3A_128 = arith.constant 112 : index
      %swap3A_129 = tpu.vector_load %arg8[%swap3A_127, %swap3A_128] {strides = array<i32>} : memref<128x128xf32, #tpu.memory_space<vmem>>, vector<16xf32>,
      tpu.vector_store %arg8[%swap3A_127, %swap3A_128], %gather3A {strides = array<i32>} : memref<128x128xf32, #tpu.memory_space<vmem>>, vector<16xf32>,
    }
    %scan3A_28 = arith.constant 128 : i32
    %eq3A = arith.constant 0 : i32
    %eq3A_29 = arith.cmpi eq, %arg0, %eq3A : i32
    %convert_element_type3A = arith.extui %eq3A_29 : i1 to i32
    %cond3A = arith.constant 0 : i32
    %cond3A_30 = arith.cmpi ne, %convert_element_type3A, %cond3A : i32
    scf.if %cond3A_30 {
      %mul3A_100 = arith.constant 640 : i32
      %mul3A_101 = arith.muli %arg1, %mul3A_100 : i32
      %add3A_102 = arith.constant 0 : i32
      %add3A_103 = arith.addi %mul3A_101, %add3A_102 : i32
      %run_scoped3A = arith.constant 0 : i32
      "tpu.region"() ({
        %run_scoped3A_104 = tpu.sem_alloc : memref<!tpu.dma_semaphore, #tpu.memory_space<semaphore_mem>>
        %dma_start3A = arith.constant 0 : i32
        %dma_start3A_105 = tpu.memref_slice %arg3[%run_scoped3A, %add3A_103, %dma_start3A] : memref<2x10240x128xf32, #tpu.memory_space<hbm>> -> memref<1x128x128xf32, #tpu.memory_space<hbm>>
        %dma_start3A_106 = tpu.memref_squeeze %dma_start3A_105 : memref<1x128x128xf32, #tpu.memory_space<hbm>> -> memref<128x128xf32, #tpu.memory_space<hbm>>
        %dma_start3A_107 = arith.constant 0 : i32
        %dma_start3A_108 = tpu.memref_slice %arg3[%run_scoped3A, %add3A_103, %dma_start3A_107] : memref<2x10240x128xf32, #tpu.memory_space<hbm>> -> memref<1x128x128xf32, #tpu.memory_space<hbm>>
        %dma_start3A_109 = tpu.memref_squeeze %dma_start3A_108 : memref<1x128x128xf32, #tpu.memory_space<hbm>> -> memref<128x128xf32, #tpu.memory_space<hbm>>
        tpu.enqueue_dma source(%arg8 : memref<128x128xf32, #tpu.memory_space<vmem>>) target(%dma_start3A_109 : memref<128x128xf32, #tpu.memory_space<hbm>>) target_semaphore(%run_scoped3A_104 : memref<!tpu.dma_semaphore, #tpu.memory_space<semaphore_mem>>)
        %dma_wait3A = arith.constant 0 : i32
        %dma_wait3A_110 = tpu.memref_slice %arg3[%run_scoped3A, %add3A_103, %dma_wait3A] : memref<2x10240x128xf32, #tpu.memory_space<hbm>> -> memref<1x128x128xf32, #tpu.memory_space<hbm>>
        %dma_wait3A_111 = tpu.memref_squeeze %dma_wait3A_110 : memref<1x128x128xf32, #tpu.memory_space<hbm>> -> memref<128x128xf32, #tpu.memory_space<hbm>>
        %dma_wait3A_112 = arith.constant 0 : i32
        %dma_wait3A_113 = tpu.memref_slice %arg3[%run_scoped3A, %add3A_103, %dma_wait3A_112] : memref<2x10240x128xf32, #tpu.memory_space<hbm>> -> memref<1x128x128xf32, #tpu.memory_space<hbm>>
        %dma_wait3A_114 = tpu.memref_squeeze %dma_wait3A_113 : memref<1x128x128xf32, #tpu.memory_space<hbm>> -> memref<128x128xf32, #tpu.memory_space<hbm>>
        tpu.wait_dma2 semaphore(%run_scoped3A_104 : memref<!tpu.dma_semaphore, #tpu.memory_space<semaphore_mem>>) src(%arg8 : memref<128x128xf32, #tpu.memory_space<vmem>>) dst(%dma_wait3A_114 : memref<128x128xf32, #tpu.memory_space<hbm>>)
        tpu.yield
      }) : () -> ()
    } else {
    }
    %eq3A_31 = arith.constant 1 : i32
    %eq3A_32 = arith.cmpi eq, %arg0, %eq3A_31 : i32
    %convert_element_type3A_33 = arith.extui %eq3A_32 : i1 to i32
    %cond3A_34 = arith.constant 0 : i32
    %cond3A_35 = arith.cmpi ne, %convert_element_type3A_33, %cond3A_34 : i32
    scf.if %cond3A_35 {
      %mul3A_100 = arith.constant 640 : i32
      %mul3A_101 = arith.muli %arg1, %mul3A_100 : i32
      %add3A_102 = arith.constant 0 : i32
      %add3A_103 = arith.addi %mul3A_101, %add3A_102 : i32
      %run_scoped3A = arith.constant 1 : i32
      "tpu.region"() ({
        %run_scoped3A_104 = tpu.sem_alloc : memref<!tpu.dma_semaphore, #tpu.memory_space<semaphore_mem>>
        %dma_start3A = arith.constant 0 : i32
        %dma_start3A_105 = tpu.memref_slice %arg3[%run_scoped3A, %add3A_103, %dma_start3A] : memref<2x10240x128xf32, #tpu.memory_space<hbm>> -> memref<1x128x128xf32, #tpu.memory_space<hbm>>
        %dma_start3A_106 = tpu.memref_squeeze %dma_start3A_105 : memref<1x128x128xf32, #tpu.memory_space<hbm>> -> memref<128x128xf32, #tpu.memory_space<hbm>>
        %dma_start3A_107 = arith.constant 0 : i32
        %dma_start3A_108 = tpu.memref_slice %arg3[%run_scoped3A, %add3A_103, %dma_start3A_107] : memref<2x10240x128xf32, #tpu.memory_space<hbm>> -> memref<1x128x128xf32, #tpu.memory_space<hbm>>
        %dma_start3A_109 = tpu.memref_squeeze %dma_start3A_108 : memref<1x128x128xf32, #tpu.memory_space<hbm>> -> memref<128x128xf32, #tpu.memory_space<hbm>>
        tpu.enqueue_dma source(%arg8 : memref<128x128xf32, #tpu.memory_space<vmem>>) target(%dma_start3A_109 : memref<128x128xf32, #tpu.memory_space<hbm>>) target_semaphore(%run_scoped3A_104 : memref<!tpu.dma_semaphore, #tpu.memory_space<semaphore_mem>>)
        %dma_wait3A = arith.constant 0 : i32
        %dma_wait3A_110 = tpu.memref_slice %arg3[%run_scoped3A, %add3A_103, %dma_wait3A] : memref<2x10240x128xf32, #tpu.memory_space<hbm>> -> memref<1x128x128xf32, #tpu.memory_space<hbm>>
        %dma_wait3A_111 = tpu.memref_squeeze %dma_wait3A_110 : memref<1x128x128xf32, #tpu.memory_space<hbm>> -> memref<128x128xf32, #tpu.memory_space<hbm>>
        %dma_wait3A_112 = arith.constant 0 : i32
        %dma_wait3A_113 = tpu.memref_slice %arg3[%run_scoped3A, %add3A_103, %dma_wait3A_112] : memref<2x10240x128xf32, #tpu.memory_space<hbm>> -> memref<1x128x128xf32, #tpu.memory_space<hbm>>
        %dma_wait3A_114 = tpu.memref_squeeze %dma_wait3A_113 : memref<1x128x128xf32, #tpu.memory_space<hbm>> -> memref<128x128xf32, #tpu.memory_space<hbm>>
        tpu.wait_dma2 semaphore(%run_scoped3A_104 : memref<!tpu.dma_semaphore, #tpu.memory_space<semaphore_mem>>) src(%arg8 : memref<128x128xf32, #tpu.memory_space<vmem>>) dst(%dma_wait3A_114 : memref<128x128xf32, #tpu.memory_space<hbm>>)
        tpu.yield
      }) : () -> ()
    } else {
    }
    %scan3A_36 = arith.constant 0 : i32
    %scan3A_37 = arith.constant 0 : i32
    %scan3A_38 = arith.constant 128 : i32
    %scan3A_39 = arith.addi %scan3A_37, %scan3A_38 : i32
    %scan3A_40 = arith.constant 1 : i32
    scf.for %scan3A_100 = %scan3A_37 to %scan3A_39 step %scan3A_40  : i32 {
      %broadcast_in_dim3A_101 = arith.constant 0 : i32
      %broadcast_in_dim3A_102 = vector.broadcast %broadcast_in_dim3A_101 : i32 to vector<16xi32>
      %add3A_103 = arith.constant 128 : i32
      %add3A_104 = arith.addi %add3A_103, %scan3A_100 : i32
      %add3A_105 = vector.broadcast %add3A_104 : i32 to vector<16xi32>
      %add3A_106 = arith.addi %broadcast_in_dim3A_102, %add3A_105 : vector<16xi32>
      %gather3A = tpu.vector_load_idx %arg7[%add3A_106] : memref<640xf32, #tpu.memory_space<vmem>>[vector<16xi32>], vector<16xf32>,
      %swap3A = arith.index_cast %scan3A_100 : i32 to index
      %swap3A_107 = arith.constant 0 : index
      %swap3A_108 = tpu.vector_load %arg8[%swap3A, %swap3A_107] {strides = array<i32>} : memref<128x128xf32, #tpu.memory_space<vmem>>, vector<16xf32>,
      tpu.vector_store %arg8[%swap3A, %swap3A_107], %gather3A {strides = array<i32>} : memref<128x128xf32, #tpu.memory_space<vmem>>, vector<16xf32>,
      %swap3A_109 = arith.index_cast %scan3A_100 : i32 to index
      %swap3A_110 = arith.constant 16 : index
      %swap3A_111 = tpu.vector_load %arg8[%swap3A_109, %swap3A_110] {strides = array<i32>} : memref<128x128xf32, #tpu.memory_space<vmem>>, vector<16xf32>,
      tpu.vector_store %arg8[%swap3A_109, %swap3A_110], %gather3A {strides = array<i32>} : memref<128x128xf32, #tpu.memory_space<vmem>>, vector<16xf32>,
      %swap3A_112 = arith.index_cast %scan3A_100 : i32 to index
      %swap3A_113 = arith.constant 32 : index
      %swap3A_114 = tpu.vector_load %arg8[%swap3A_112, %swap3A_113] {strides = array<i32>} : memref<128x128xf32, #tpu.memory_space<vmem>>, vector<16xf32>,
      tpu.vector_store %arg8[%swap3A_112, %swap3A_113], %gather3A {strides = array<i32>} : memref<128x128xf32, #tpu.memory_space<vmem>>, vector<16xf32>,
      %swap3A_115 = arith.index_cast %scan3A_100 : i32 to index
      %swap3A_116 = arith.constant 48 : index
      %swap3A_117 = tpu.vector_load %arg8[%swap3A_115, %swap3A_116] {strides = array<i32>} : memref<128x128xf32, #tpu.memory_space<vmem>>, vector<16xf32>,
      tpu.vector_store %arg8[%swap3A_115, %swap3A_116], %gather3A {strides = array<i32>} : memref<128x128xf32, #tpu.memory_space<vmem>>, vector<16xf32>,
      %swap3A_118 = arith.index_cast %scan3A_100 : i32 to index
      %swap3A_119 = arith.constant 64 : index
      %swap3A_120 = tpu.vector_load %arg8[%swap3A_118, %swap3A_119] {strides = array<i32>} : memref<128x128xf32, #tpu.memory_space<vmem>>, vector<16xf32>,
      tpu.vector_store %arg8[%swap3A_118, %swap3A_119], %gather3A {strides = array<i32>} : memref<128x128xf32, #tpu.memory_space<vmem>>, vector<16xf32>,
      %swap3A_121 = arith.index_cast %scan3A_100 : i32 to index
      %swap3A_122 = arith.constant 80 : index
      %swap3A_123 = tpu.vector_load %arg8[%swap3A_121, %swap3A_122] {strides = array<i32>} : memref<128x128xf32, #tpu.memory_space<vmem>>, vector<16xf32>,
      tpu.vector_store %arg8[%swap3A_121, %swap3A_122], %gather3A {strides = array<i32>} : memref<128x128xf32, #tpu.memory_space<vmem>>, vector<16xf32>,
      %swap3A_124 = arith.index_cast %scan3A_100 : i32 to index
      %swap3A_125 = arith.constant 96 : index
      %swap3A_126 = tpu.vector_load %arg8[%swap3A_124, %swap3A_125] {strides = array<i32>} : memref<128x128xf32, #tpu.memory_space<vmem>>, vector<16xf32>,
      tpu.vector_store %arg8[%swap3A_124, %swap3A_125], %gather3A {strides = array<i32>} : memref<128x128xf32, #tpu.memory_space<vmem>>, vector<16xf32>,
      %swap3A_127 = arith.index_cast %scan3A_100 : i32 to index
      %swap3A_128 = arith.constant 112 : index
      %swap3A_129 = tpu.vector_load %arg8[%swap3A_127, %swap3A_128] {strides = array<i32>} : memref<128x128xf32, #tpu.memory_space<vmem>>, vector<16xf32>,
      tpu.vector_store %arg8[%swap3A_127, %swap3A_128], %gather3A {strides = array<i32>} : memref<128x128xf32, #tpu.memory_space<vmem>>, vector<16xf32>,
    }
    %scan3A_41 = arith.constant 128 : i32
    %eq3A_42 = arith.constant 0 : i32
    %eq3A_43 = arith.cmpi eq, %arg0, %eq3A_42 : i32
    %convert_element_type3A_44 = arith.extui %eq3A_43 : i1 to i32
    %cond3A_45 = arith.constant 0 : i32
    %cond3A_46 = arith.cmpi ne, %convert_element_type3A_44, %cond3A_45 : i32
    scf.if %cond3A_46 {
      %mul3A_100 = arith.constant 640 : i32
      %mul3A_101 = arith.muli %arg1, %mul3A_100 : i32
      %add3A_102 = arith.constant 128 : i32
      %add3A_103 = arith.addi %mul3A_101, %add3A_102 : i32
      %run_scoped3A = arith.constant 0 : i32
      "tpu.region"() ({
        %run_scoped3A_104 = tpu.sem_alloc : memref<!tpu.dma_semaphore, #tpu.memory_space<semaphore_mem>>
        %dma_start3A = arith.constant 0 : i32
        %dma_start3A_105 = tpu.memref_slice %arg3[%run_scoped3A, %add3A_103, %dma_start3A] : memref<2x10240x128xf32, #tpu.memory_space<hbm>> -> memref<1x128x128xf32, #tpu.memory_space<hbm>>
        %dma_start3A_106 = tpu.memref_squeeze %dma_start3A_105 : memref<1x128x128xf32, #tpu.memory_space<hbm>> -> memref<128x128xf32, #tpu.memory_space<hbm>>
        %dma_start3A_107 = arith.constant 0 : i32
        %dma_start3A_108 = tpu.memref_slice %arg3[%run_scoped3A, %add3A_103, %dma_start3A_107] : memref<2x10240x128xf32, #tpu.memory_space<hbm>> -> memref<1x128x128xf32, #tpu.memory_space<hbm>>
        %dma_start3A_109 = tpu.memref_squeeze %dma_start3A_108 : memref<1x128x128xf32, #tpu.memory_space<hbm>> -> memref<128x128xf32, #tpu.memory_space<hbm>>
        tpu.enqueue_dma source(%arg8 : memref<128x128xf32, #tpu.memory_space<vmem>>) target(%dma_start3A_109 : memref<128x128xf32, #tpu.memory_space<hbm>>) target_semaphore(%run_scoped3A_104 : memref<!tpu.dma_semaphore, #tpu.memory_space<semaphore_mem>>)
        %dma_wait3A = arith.constant 0 : i32
        %dma_wait3A_110 = tpu.memref_slice %arg3[%run_scoped3A, %add3A_103, %dma_wait3A] : memref<2x10240x128xf32, #tpu.memory_space<hbm>> -> memref<1x128x128xf32, #tpu.memory_space<hbm>>
        %dma_wait3A_111 = tpu.memref_squeeze %dma_wait3A_110 : memref<1x128x128xf32, #tpu.memory_space<hbm>> -> memref<128x128xf32, #tpu.memory_space<hbm>>
        %dma_wait3A_112 = arith.constant 0 : i32
        %dma_wait3A_113 = tpu.memref_slice %arg3[%run_scoped3A, %add3A_103, %dma_wait3A_112] : memref<2x10240x128xf32, #tpu.memory_space<hbm>> -> memref<1x128x128xf32, #tpu.memory_space<hbm>>
        %dma_wait3A_114 = tpu.memref_squeeze %dma_wait3A_113 : memref<1x128x128xf32, #tpu.memory_space<hbm>> -> memref<128x128xf32, #tpu.memory_space<hbm>>
        tpu.wait_dma2 semaphore(%run_scoped3A_104 : memref<!tpu.dma_semaphore, #tpu.memory_space<semaphore_mem>>) src(%arg8 : memref<128x128xf32, #tpu.memory_space<vmem>>) dst(%dma_wait3A_114 : memref<128x128xf32, #tpu.memory_space<hbm>>)
        tpu.yield
      }) : () -> ()
    } else {
    }
    %eq3A_47 = arith.constant 1 : i32
    %eq3A_48 = arith.cmpi eq, %arg0, %eq3A_47 : i32
    %convert_element_type3A_49 = arith.extui %eq3A_48 : i1 to i32
    %cond3A_50 = arith.constant 0 : i32
    %cond3A_51 = arith.cmpi ne, %convert_element_type3A_49, %cond3A_50 : i32
    scf.if %cond3A_51 {
      %mul3A_100 = arith.constant 640 : i32
      %mul3A_101 = arith.muli %arg1, %mul3A_100 : i32
      %add3A_102 = arith.constant 128 : i32
      %add3A_103 = arith.addi %mul3A_101, %add3A_102 : i32
      %run_scoped3A = arith.constant 1 : i32
      "tpu.region"() ({
        %run_scoped3A_104 = tpu.sem_alloc : memref<!tpu.dma_semaphore, #tpu.memory_space<semaphore_mem>>
        %dma_start3A = arith.constant 0 : i32
        %dma_start3A_105 = tpu.memref_slice %arg3[%run_scoped3A, %add3A_103, %dma_start3A] : memref<2x10240x128xf32, #tpu.memory_space<hbm>> -> memref<1x128x128xf32, #tpu.memory_space<hbm>>
        %dma_start3A_106 = tpu.memref_squeeze %dma_start3A_105 : memref<1x128x128xf32, #tpu.memory_space<hbm>> -> memref<128x128xf32, #tpu.memory_space<hbm>>
        %dma_start3A_107 = arith.constant 0 : i32
        %dma_start3A_108 = tpu.memref_slice %arg3[%run_scoped3A, %add3A_103, %dma_start3A_107] : memref<2x10240x128xf32, #tpu.memory_space<hbm>> -> memref<1x128x128xf32, #tpu.memory_space<hbm>>
        %dma_start3A_109 = tpu.memref_squeeze %dma_start3A_108 : memref<1x128x128xf32, #tpu.memory_space<hbm>> -> memref<128x128xf32, #tpu.memory_space<hbm>>
        tpu.enqueue_dma source(%arg8 : memref<128x128xf32, #tpu.memory_space<vmem>>) target(%dma_start3A_109 : memref<128x128xf32, #tpu.memory_space<hbm>>) target_semaphore(%run_scoped3A_104 : memref<!tpu.dma_semaphore, #tpu.memory_space<semaphore_mem>>)
        %dma_wait3A = arith.constant 0 : i32
        %dma_wait3A_110 = tpu.memref_slice %arg3[%run_scoped3A, %add3A_103, %dma_wait3A] : memref<2x10240x128xf32, #tpu.memory_space<hbm>> -> memref<1x128x128xf32, #tpu.memory_space<hbm>>
        %dma_wait3A_111 = tpu.memref_squeeze %dma_wait3A_110 : memref<1x128x128xf32, #tpu.memory_space<hbm>> -> memref<128x128xf32, #tpu.memory_space<hbm>>
        %dma_wait3A_112 = arith.constant 0 : i32
        %dma_wait3A_113 = tpu.memref_slice %arg3[%run_scoped3A, %add3A_103, %dma_wait3A_112] : memref<2x10240x128xf32, #tpu.memory_space<hbm>> -> memref<1x128x128xf32, #tpu.memory_space<hbm>>
        %dma_wait3A_114 = tpu.memref_squeeze %dma_wait3A_113 : memref<1x128x128xf32, #tpu.memory_space<hbm>> -> memref<128x128xf32, #tpu.memory_space<hbm>>
        tpu.wait_dma2 semaphore(%run_scoped3A_104 : memref<!tpu.dma_semaphore, #tpu.memory_space<semaphore_mem>>) src(%arg8 : memref<128x128xf32, #tpu.memory_space<vmem>>) dst(%dma_wait3A_114 : memref<128x128xf32, #tpu.memory_space<hbm>>)
        tpu.yield
      }) : () -> ()
    } else {
    }
    %scan3A_52 = arith.constant 0 : i32
    %scan3A_53 = arith.constant 0 : i32
    %scan3A_54 = arith.constant 128 : i32
    %scan3A_55 = arith.addi %scan3A_53, %scan3A_54 : i32
    %scan3A_56 = arith.constant 1 : i32
    scf.for %scan3A_100 = %scan3A_53 to %scan3A_55 step %scan3A_56  : i32 {
      %broadcast_in_dim3A_101 = arith.constant 0 : i32
      %broadcast_in_dim3A_102 = vector.broadcast %broadcast_in_dim3A_101 : i32 to vector<16xi32>
      %add3A_103 = arith.constant 256 : i32
      %add3A_104 = arith.addi %add3A_103, %scan3A_100 : i32
      %add3A_105 = vector.broadcast %add3A_104 : i32 to vector<16xi32>
      %add3A_106 = arith.addi %broadcast_in_dim3A_102, %add3A_105 : vector<16xi32>
      %gather3A = tpu.vector_load_idx %arg7[%add3A_106] : memref<640xf32, #tpu.memory_space<vmem>>[vector<16xi32>], vector<16xf32>,
      %swap3A = arith.index_cast %scan3A_100 : i32 to index
      %swap3A_107 = arith.constant 0 : index
      %swap3A_108 = tpu.vector_load %arg8[%swap3A, %swap3A_107] {strides = array<i32>} : memref<128x128xf32, #tpu.memory_space<vmem>>, vector<16xf32>,
      tpu.vector_store %arg8[%swap3A, %swap3A_107], %gather3A {strides = array<i32>} : memref<128x128xf32, #tpu.memory_space<vmem>>, vector<16xf32>,
      %swap3A_109 = arith.index_cast %scan3A_100 : i32 to index
      %swap3A_110 = arith.constant 16 : index
      %swap3A_111 = tpu.vector_load %arg8[%swap3A_109, %swap3A_110] {strides = array<i32>} : memref<128x128xf32, #tpu.memory_space<vmem>>, vector<16xf32>,
      tpu.vector_store %arg8[%swap3A_109, %swap3A_110], %gather3A {strides = array<i32>} : memref<128x128xf32, #tpu.memory_space<vmem>>, vector<16xf32>,
      %swap3A_112 = arith.index_cast %scan3A_100 : i32 to index
      %swap3A_113 = arith.constant 32 : index
      %swap3A_114 = tpu.vector_load %arg8[%swap3A_112, %swap3A_113] {strides = array<i32>} : memref<128x128xf32, #tpu.memory_space<vmem>>, vector<16xf32>,
      tpu.vector_store %arg8[%swap3A_112, %swap3A_113], %gather3A {strides = array<i32>} : memref<128x128xf32, #tpu.memory_space<vmem>>, vector<16xf32>,
      %swap3A_115 = arith.index_cast %scan3A_100 : i32 to index
      %swap3A_116 = arith.constant 48 : index
      %swap3A_117 = tpu.vector_load %arg8[%swap3A_115, %swap3A_116] {strides = array<i32>} : memref<128x128xf32, #tpu.memory_space<vmem>>, vector<16xf32>,
      tpu.vector_store %arg8[%swap3A_115, %swap3A_116], %gather3A {strides = array<i32>} : memref<128x128xf32, #tpu.memory_space<vmem>>, vector<16xf32>,
      %swap3A_118 = arith.index_cast %scan3A_100 : i32 to index
      %swap3A_119 = arith.constant 64 : index
      %swap3A_120 = tpu.vector_load %arg8[%swap3A_118, %swap3A_119] {strides = array<i32>} : memref<128x128xf32, #tpu.memory_space<vmem>>, vector<16xf32>,
      tpu.vector_store %arg8[%swap3A_118, %swap3A_119], %gather3A {strides = array<i32>} : memref<128x128xf32, #tpu.memory_space<vmem>>, vector<16xf32>,
      %swap3A_121 = arith.index_cast %scan3A_100 : i32 to index
      %swap3A_122 = arith.constant 80 : index
      %swap3A_123 = tpu.vector_load %arg8[%swap3A_121, %swap3A_122] {strides = array<i32>} : memref<128x128xf32, #tpu.memory_space<vmem>>, vector<16xf32>,
      tpu.vector_store %arg8[%swap3A_121, %swap3A_122], %gather3A {strides = array<i32>} : memref<128x128xf32, #tpu.memory_space<vmem>>, vector<16xf32>,
      %swap3A_124 = arith.index_cast %scan3A_100 : i32 to index
      %swap3A_125 = arith.constant 96 : index
      %swap3A_126 = tpu.vector_load %arg8[%swap3A_124, %swap3A_125] {strides = array<i32>} : memref<128x128xf32, #tpu.memory_space<vmem>>, vector<16xf32>,
      tpu.vector_store %arg8[%swap3A_124, %swap3A_125], %gather3A {strides = array<i32>} : memref<128x128xf32, #tpu.memory_space<vmem>>, vector<16xf32>,
      %swap3A_127 = arith.index_cast %scan3A_100 : i32 to index
      %swap3A_128 = arith.constant 112 : index
      %swap3A_129 = tpu.vector_load %arg8[%swap3A_127, %swap3A_128] {strides = array<i32>} : memref<128x128xf32, #tpu.memory_space<vmem>>, vector<16xf32>,
      tpu.vector_store %arg8[%swap3A_127, %swap3A_128], %gather3A {strides = array<i32>} : memref<128x128xf32, #tpu.memory_space<vmem>>, vector<16xf32>,
    }
    %scan3A_57 = arith.constant 128 : i32
    %eq3A_58 = arith.constant 0 : i32
    %eq3A_59 = arith.cmpi eq, %arg0, %eq3A_58 : i32
    %convert_element_type3A_60 = arith.extui %eq3A_59 : i1 to i32
    %cond3A_61 = arith.constant 0 : i32
    %cond3A_62 = arith.cmpi ne, %convert_element_type3A_60, %cond3A_61 : i32
    scf.if %cond3A_62 {
      %mul3A_100 = arith.constant 640 : i32
      %mul3A_101 = arith.muli %arg1, %mul3A_100 : i32
      %add3A_102 = arith.constant 256 : i32
      %add3A_103 = arith.addi %mul3A_101, %add3A_102 : i32
      %run_scoped3A = arith.constant 0 : i32
      "tpu.region"() ({
        %run_scoped3A_104 = tpu.sem_alloc : memref<!tpu.dma_semaphore, #tpu.memory_space<semaphore_mem>>
        %dma_start3A = arith.constant 0 : i32
        %dma_start3A_105 = tpu.memref_slice %arg3[%run_scoped3A, %add3A_103, %dma_start3A] : memref<2x10240x128xf32, #tpu.memory_space<hbm>> -> memref<1x128x128xf32, #tpu.memory_space<hbm>>
        %dma_start3A_106 = tpu.memref_squeeze %dma_start3A_105 : memref<1x128x128xf32, #tpu.memory_space<hbm>> -> memref<128x128xf32, #tpu.memory_space<hbm>>
        %dma_start3A_107 = arith.constant 0 : i32
        %dma_start3A_108 = tpu.memref_slice %arg3[%run_scoped3A, %add3A_103, %dma_start3A_107] : memref<2x10240x128xf32, #tpu.memory_space<hbm>> -> memref<1x128x128xf32, #tpu.memory_space<hbm>>
        %dma_start3A_109 = tpu.memref_squeeze %dma_start3A_108 : memref<1x128x128xf32, #tpu.memory_space<hbm>> -> memref<128x128xf32, #tpu.memory_space<hbm>>
        tpu.enqueue_dma source(%arg8 : memref<128x128xf32, #tpu.memory_space<vmem>>) target(%dma_start3A_109 : memref<128x128xf32, #tpu.memory_space<hbm>>) target_semaphore(%run_scoped3A_104 : memref<!tpu.dma_semaphore, #tpu.memory_space<semaphore_mem>>)
        %dma_wait3A = arith.constant 0 : i32
        %dma_wait3A_110 = tpu.memref_slice %arg3[%run_scoped3A, %add3A_103, %dma_wait3A] : memref<2x10240x128xf32, #tpu.memory_space<hbm>> -> memref<1x128x128xf32, #tpu.memory_space<hbm>>
        %dma_wait3A_111 = tpu.memref_squeeze %dma_wait3A_110 : memref<1x128x128xf32, #tpu.memory_space<hbm>> -> memref<128x128xf32, #tpu.memory_space<hbm>>
        %dma_wait3A_112 = arith.constant 0 : i32
        %dma_wait3A_113 = tpu.memref_slice %arg3[%run_scoped3A, %add3A_103, %dma_wait3A_112] : memref<2x10240x128xf32, #tpu.memory_space<hbm>> -> memref<1x128x128xf32, #tpu.memory_space<hbm>>
        %dma_wait3A_114 = tpu.memref_squeeze %dma_wait3A_113 : memref<1x128x128xf32, #tpu.memory_space<hbm>> -> memref<128x128xf32, #tpu.memory_space<hbm>>
        tpu.wait_dma2 semaphore(%run_scoped3A_104 : memref<!tpu.dma_semaphore, #tpu.memory_space<semaphore_mem>>) src(%arg8 : memref<128x128xf32, #tpu.memory_space<vmem>>) dst(%dma_wait3A_114 : memref<128x128xf32, #tpu.memory_space<hbm>>)
        tpu.yield
      }) : () -> ()
    } else {
    }
    %eq3A_63 = arith.constant 1 : i32
    %eq3A_64 = arith.cmpi eq, %arg0, %eq3A_63 : i32
    %convert_element_type3A_65 = arith.extui %eq3A_64 : i1 to i32
    %cond3A_66 = arith.constant 0 : i32
    %cond3A_67 = arith.cmpi ne, %convert_element_type3A_65, %cond3A_66 : i32
    scf.if %cond3A_67 {
      %mul3A_100 = arith.constant 640 : i32
      %mul3A_101 = arith.muli %arg1, %mul3A_100 : i32
      %add3A_102 = arith.constant 256 : i32
      %add3A_103 = arith.addi %mul3A_101, %add3A_102 : i32
      %run_scoped3A = arith.constant 1 : i32
      "tpu.region"() ({
        %run_scoped3A_104 = tpu.sem_alloc : memref<!tpu.dma_semaphore, #tpu.memory_space<semaphore_mem>>
        %dma_start3A = arith.constant 0 : i32
        %dma_start3A_105 = tpu.memref_slice %arg3[%run_scoped3A, %add3A_103, %dma_start3A] : memref<2x10240x128xf32, #tpu.memory_space<hbm>> -> memref<1x128x128xf32, #tpu.memory_space<hbm>>
        %dma_start3A_106 = tpu.memref_squeeze %dma_start3A_105 : memref<1x128x128xf32, #tpu.memory_space<hbm>> -> memref<128x128xf32, #tpu.memory_space<hbm>>
        %dma_start3A_107 = arith.constant 0 : i32
        %dma_start3A_108 = tpu.memref_slice %arg3[%run_scoped3A, %add3A_103, %dma_start3A_107] : memref<2x10240x128xf32, #tpu.memory_space<hbm>> -> memref<1x128x128xf32, #tpu.memory_space<hbm>>
        %dma_start3A_109 = tpu.memref_squeeze %dma_start3A_108 : memref<1x128x128xf32, #tpu.memory_space<hbm>> -> memref<128x128xf32, #tpu.memory_space<hbm>>
        tpu.enqueue_dma source(%arg8 : memref<128x128xf32, #tpu.memory_space<vmem>>) target(%dma_start3A_109 : memref<128x128xf32, #tpu.memory_space<hbm>>) target_semaphore(%run_scoped3A_104 : memref<!tpu.dma_semaphore, #tpu.memory_space<semaphore_mem>>)
        %dma_wait3A = arith.constant 0 : i32
        %dma_wait3A_110 = tpu.memref_slice %arg3[%run_scoped3A, %add3A_103, %dma_wait3A] : memref<2x10240x128xf32, #tpu.memory_space<hbm>> -> memref<1x128x128xf32, #tpu.memory_space<hbm>>
        %dma_wait3A_111 = tpu.memref_squeeze %dma_wait3A_110 : memref<1x128x128xf32, #tpu.memory_space<hbm>> -> memref<128x128xf32, #tpu.memory_space<hbm>>
        %dma_wait3A_112 = arith.constant 0 : i32
        %dma_wait3A_113 = tpu.memref_slice %arg3[%run_scoped3A, %add3A_103, %dma_wait3A_112] : memref<2x10240x128xf32, #tpu.memory_space<hbm>> -> memref<1x128x128xf32, #tpu.memory_space<hbm>>
        %dma_wait3A_114 = tpu.memref_squeeze %dma_wait3A_113 : memref<1x128x128xf32, #tpu.memory_space<hbm>> -> memref<128x128xf32, #tpu.memory_space<hbm>>
        tpu.wait_dma2 semaphore(%run_scoped3A_104 : memref<!tpu.dma_semaphore, #tpu.memory_space<semaphore_mem>>) src(%arg8 : memref<128x128xf32, #tpu.memory_space<vmem>>) dst(%dma_wait3A_114 : memref<128x128xf32, #tpu.memory_space<hbm>>)
        tpu.yield
      }) : () -> ()
    } else {
    }
    %scan3A_68 = arith.constant 0 : i32
    %scan3A_69 = arith.constant 0 : i32
    %scan3A_70 = arith.constant 128 : i32
    %scan3A_71 = arith.addi %scan3A_69, %scan3A_70 : i32
    %scan3A_72 = arith.constant 1 : i32
    scf.for %scan3A_100 = %scan3A_69 to %scan3A_71 step %scan3A_72  : i32 {
      %broadcast_in_dim3A_101 = arith.constant 0 : i32
      %broadcast_in_dim3A_102 = vector.broadcast %broadcast_in_dim3A_101 : i32 to vector<16xi32>
      %add3A_103 = arith.constant 384 : i32
      %add3A_104 = arith.addi %add3A_103, %scan3A_100 : i32
      %add3A_105 = vector.broadcast %add3A_104 : i32 to vector<16xi32>
      %add3A_106 = arith.addi %broadcast_in_dim3A_102, %add3A_105 : vector<16xi32>
      %gather3A = tpu.vector_load_idx %arg7[%add3A_106] : memref<640xf32, #tpu.memory_space<vmem>>[vector<16xi32>], vector<16xf32>,
      %swap3A = arith.index_cast %scan3A_100 : i32 to index
      %swap3A_107 = arith.constant 0 : index
      %swap3A_108 = tpu.vector_load %arg8[%swap3A, %swap3A_107] {strides = array<i32>} : memref<128x128xf32, #tpu.memory_space<vmem>>, vector<16xf32>,
      tpu.vector_store %arg8[%swap3A, %swap3A_107], %gather3A {strides = array<i32>} : memref<128x128xf32, #tpu.memory_space<vmem>>, vector<16xf32>,
      %swap3A_109 = arith.index_cast %scan3A_100 : i32 to index
      %swap3A_110 = arith.constant 16 : index
      %swap3A_111 = tpu.vector_load %arg8[%swap3A_109, %swap3A_110] {strides = array<i32>} : memref<128x128xf32, #tpu.memory_space<vmem>>, vector<16xf32>,
      tpu.vector_store %arg8[%swap3A_109, %swap3A_110], %gather3A {strides = array<i32>} : memref<128x128xf32, #tpu.memory_space<vmem>>, vector<16xf32>,
      %swap3A_112 = arith.index_cast %scan3A_100 : i32 to index
      %swap3A_113 = arith.constant 32 : index
      %swap3A_114 = tpu.vector_load %arg8[%swap3A_112, %swap3A_113] {strides = array<i32>} : memref<128x128xf32, #tpu.memory_space<vmem>>, vector<16xf32>,
      tpu.vector_store %arg8[%swap3A_112, %swap3A_113], %gather3A {strides = array<i32>} : memref<128x128xf32, #tpu.memory_space<vmem>>, vector<16xf32>,
      %swap3A_115 = arith.index_cast %scan3A_100 : i32 to index
      %swap3A_116 = arith.constant 48 : index
      %swap3A_117 = tpu.vector_load %arg8[%swap3A_115, %swap3A_116] {strides = array<i32>} : memref<128x128xf32, #tpu.memory_space<vmem>>, vector<16xf32>,
      tpu.vector_store %arg8[%swap3A_115, %swap3A_116], %gather3A {strides = array<i32>} : memref<128x128xf32, #tpu.memory_space<vmem>>, vector<16xf32>,
      %swap3A_118 = arith.index_cast %scan3A_100 : i32 to index
      %swap3A_119 = arith.constant 64 : index
      %swap3A_120 = tpu.vector_load %arg8[%swap3A_118, %swap3A_119] {strides = array<i32>} : memref<128x128xf32, #tpu.memory_space<vmem>>, vector<16xf32>,
      tpu.vector_store %arg8[%swap3A_118, %swap3A_119], %gather3A {strides = array<i32>} : memref<128x128xf32, #tpu.memory_space<vmem>>, vector<16xf32>,
      %swap3A_121 = arith.index_cast %scan3A_100 : i32 to index
      %swap3A_122 = arith.constant 80 : index
      %swap3A_123 = tpu.vector_load %arg8[%swap3A_121, %swap3A_122] {strides = array<i32>} : memref<128x128xf32, #tpu.memory_space<vmem>>, vector<16xf32>,
      tpu.vector_store %arg8[%swap3A_121, %swap3A_122], %gather3A {strides = array<i32>} : memref<128x128xf32, #tpu.memory_space<vmem>>, vector<16xf32>,
      %swap3A_124 = arith.index_cast %scan3A_100 : i32 to index
      %swap3A_125 = arith.constant 96 : index
      %swap3A_126 = tpu.vector_load %arg8[%swap3A_124, %swap3A_125] {strides = array<i32>} : memref<128x128xf32, #tpu.memory_space<vmem>>, vector<16xf32>,
      tpu.vector_store %arg8[%swap3A_124, %swap3A_125], %gather3A {strides = array<i32>} : memref<128x128xf32, #tpu.memory_space<vmem>>, vector<16xf32>,
      %swap3A_127 = arith.index_cast %scan3A_100 : i32 to index
      %swap3A_128 = arith.constant 112 : index
      %swap3A_129 = tpu.vector_load %arg8[%swap3A_127, %swap3A_128] {strides = array<i32>} : memref<128x128xf32, #tpu.memory_space<vmem>>, vector<16xf32>,
      tpu.vector_store %arg8[%swap3A_127, %swap3A_128], %gather3A {strides = array<i32>} : memref<128x128xf32, #tpu.memory_space<vmem>>, vector<16xf32>,
    }
    %scan3A_73 = arith.constant 128 : i32
    %eq3A_74 = arith.constant 0 : i32
    %eq3A_75 = arith.cmpi eq, %arg0, %eq3A_74 : i32
    %convert_element_type3A_76 = arith.extui %eq3A_75 : i1 to i32
    %cond3A_77 = arith.constant 0 : i32
    %cond3A_78 = arith.cmpi ne, %convert_element_type3A_76, %cond3A_77 : i32
    scf.if %cond3A_78 {
      %mul3A_100 = arith.constant 640 : i32
      %mul3A_101 = arith.muli %arg1, %mul3A_100 : i32
      %add3A_102 = arith.constant 384 : i32
      %add3A_103 = arith.addi %mul3A_101, %add3A_102 : i32
      %run_scoped3A = arith.constant 0 : i32
      "tpu.region"() ({
        %run_scoped3A_104 = tpu.sem_alloc : memref<!tpu.dma_semaphore, #tpu.memory_space<semaphore_mem>>
        %dma_start3A = arith.constant 0 : i32
        %dma_start3A_105 = tpu.memref_slice %arg3[%run_scoped3A, %add3A_103, %dma_start3A] : memref<2x10240x128xf32, #tpu.memory_space<hbm>> -> memref<1x128x128xf32, #tpu.memory_space<hbm>>
        %dma_start3A_106 = tpu.memref_squeeze %dma_start3A_105 : memref<1x128x128xf32, #tpu.memory_space<hbm>> -> memref<128x128xf32, #tpu.memory_space<hbm>>
        %dma_start3A_107 = arith.constant 0 : i32
        %dma_start3A_108 = tpu.memref_slice %arg3[%run_scoped3A, %add3A_103, %dma_start3A_107] : memref<2x10240x128xf32, #tpu.memory_space<hbm>> -> memref<1x128x128xf32, #tpu.memory_space<hbm>>
        %dma_start3A_109 = tpu.memref_squeeze %dma_start3A_108 : memref<1x128x128xf32, #tpu.memory_space<hbm>> -> memref<128x128xf32, #tpu.memory_space<hbm>>
        tpu.enqueue_dma source(%arg8 : memref<128x128xf32, #tpu.memory_space<vmem>>) target(%dma_start3A_109 : memref<128x128xf32, #tpu.memory_space<hbm>>) target_semaphore(%run_scoped3A_104 : memref<!tpu.dma_semaphore, #tpu.memory_space<semaphore_mem>>)
        %dma_wait3A = arith.constant 0 : i32
        %dma_wait3A_110 = tpu.memref_slice %arg3[%run_scoped3A, %add3A_103, %dma_wait3A] : memref<2x10240x128xf32, #tpu.memory_space<hbm>> -> memref<1x128x128xf32, #tpu.memory_space<hbm>>
        %dma_wait3A_111 = tpu.memref_squeeze %dma_wait3A_110 : memref<1x128x128xf32, #tpu.memory_space<hbm>> -> memref<128x128xf32, #tpu.memory_space<hbm>>
        %dma_wait3A_112 = arith.constant 0 : i32
        %dma_wait3A_113 = tpu.memref_slice %arg3[%run_scoped3A, %add3A_103, %dma_wait3A_112] : memref<2x10240x128xf32, #tpu.memory_space<hbm>> -> memref<1x128x128xf32, #tpu.memory_space<hbm>>
        %dma_wait3A_114 = tpu.memref_squeeze %dma_wait3A_113 : memref<1x128x128xf32, #tpu.memory_space<hbm>> -> memref<128x128xf32, #tpu.memory_space<hbm>>
        tpu.wait_dma2 semaphore(%run_scoped3A_104 : memref<!tpu.dma_semaphore, #tpu.memory_space<semaphore_mem>>) src(%arg8 : memref<128x128xf32, #tpu.memory_space<vmem>>) dst(%dma_wait3A_114 : memref<128x128xf32, #tpu.memory_space<hbm>>)
        tpu.yield
      }) : () -> ()
    } else {
    }
    %eq3A_79 = arith.constant 1 : i32
    %eq3A_80 = arith.cmpi eq, %arg0, %eq3A_79 : i32
    %convert_element_type3A_81 = arith.extui %eq3A_80 : i1 to i32
    %cond3A_82 = arith.constant 0 : i32
    %cond3A_83 = arith.cmpi ne, %convert_element_type3A_81, %cond3A_82 : i32
    scf.if %cond3A_83 {
      %mul3A_100 = arith.constant 640 : i32
      %mul3A_101 = arith.muli %arg1, %mul3A_100 : i32
      %add3A_102 = arith.constant 384 : i32
      %add3A_103 = arith.addi %mul3A_101, %add3A_102 : i32
      %run_scoped3A = arith.constant 1 : i32
      "tpu.region"() ({
        %run_scoped3A_104 = tpu.sem_alloc : memref<!tpu.dma_semaphore, #tpu.memory_space<semaphore_mem>>
        %dma_start3A = arith.constant 0 : i32
        %dma_start3A_105 = tpu.memref_slice %arg3[%run_scoped3A, %add3A_103, %dma_start3A] : memref<2x10240x128xf32, #tpu.memory_space<hbm>> -> memref<1x128x128xf32, #tpu.memory_space<hbm>>
        %dma_start3A_106 = tpu.memref_squeeze %dma_start3A_105 : memref<1x128x128xf32, #tpu.memory_space<hbm>> -> memref<128x128xf32, #tpu.memory_space<hbm>>
        %dma_start3A_107 = arith.constant 0 : i32
        %dma_start3A_108 = tpu.memref_slice %arg3[%run_scoped3A, %add3A_103, %dma_start3A_107] : memref<2x10240x128xf32, #tpu.memory_space<hbm>> -> memref<1x128x128xf32, #tpu.memory_space<hbm>>
        %dma_start3A_109 = tpu.memref_squeeze %dma_start3A_108 : memref<1x128x128xf32, #tpu.memory_space<hbm>> -> memref<128x128xf32, #tpu.memory_space<hbm>>
        tpu.enqueue_dma source(%arg8 : memref<128x128xf32, #tpu.memory_space<vmem>>) target(%dma_start3A_109 : memref<128x128xf32, #tpu.memory_space<hbm>>) target_semaphore(%run_scoped3A_104 : memref<!tpu.dma_semaphore, #tpu.memory_space<semaphore_mem>>)
        %dma_wait3A = arith.constant 0 : i32
        %dma_wait3A_110 = tpu.memref_slice %arg3[%run_scoped3A, %add3A_103, %dma_wait3A] : memref<2x10240x128xf32, #tpu.memory_space<hbm>> -> memref<1x128x128xf32, #tpu.memory_space<hbm>>
        %dma_wait3A_111 = tpu.memref_squeeze %dma_wait3A_110 : memref<1x128x128xf32, #tpu.memory_space<hbm>> -> memref<128x128xf32, #tpu.memory_space<hbm>>
        %dma_wait3A_112 = arith.constant 0 : i32
        %dma_wait3A_113 = tpu.memref_slice %arg3[%run_scoped3A, %add3A_103, %dma_wait3A_112] : memref<2x10240x128xf32, #tpu.memory_space<hbm>> -> memref<1x128x128xf32, #tpu.memory_space<hbm>>
        %dma_wait3A_114 = tpu.memref_squeeze %dma_wait3A_113 : memref<1x128x128xf32, #tpu.memory_space<hbm>> -> memref<128x128xf32, #tpu.memory_space<hbm>>
        tpu.wait_dma2 semaphore(%run_scoped3A_104 : memref<!tpu.dma_semaphore, #tpu.memory_space<semaphore_mem>>) src(%arg8 : memref<128x128xf32, #tpu.memory_space<vmem>>) dst(%dma_wait3A_114 : memref<128x128xf32, #tpu.memory_space<hbm>>)
        tpu.yield
      }) : () -> ()
    } else {
    }
    %scan3A_84 = arith.constant 0 : i32
    %scan3A_85 = arith.constant 0 : i32
    %scan3A_86 = arith.constant 128 : i32
    %scan3A_87 = arith.addi %scan3A_85, %scan3A_86 : i32
    %scan3A_88 = arith.constant 1 : i32
    scf.for %scan3A_100 = %scan3A_85 to %scan3A_87 step %scan3A_88  : i32 {
      %broadcast_in_dim3A_101 = arith.constant 0 : i32
      %broadcast_in_dim3A_102 = vector.broadcast %broadcast_in_dim3A_101 : i32 to vector<16xi32>
      %add3A_103 = arith.constant 512 : i32
      %add3A_104 = arith.addi %add3A_103, %scan3A_100 : i32
      %add3A_105 = vector.broadcast %add3A_104 : i32 to vector<16xi32>
      %add3A_106 = arith.addi %broadcast_in_dim3A_102, %add3A_105 : vector<16xi32>
      %gather3A = tpu.vector_load_idx %arg7[%add3A_106] : memref<640xf32, #tpu.memory_space<vmem>>[vector<16xi32>], vector<16xf32>,
      %swap3A = arith.index_cast %scan3A_100 : i32 to index
      %swap3A_107 = arith.constant 0 : index
      %swap3A_108 = tpu.vector_load %arg8[%swap3A, %swap3A_107] {strides = array<i32>} : memref<128x128xf32, #tpu.memory_space<vmem>>, vector<16xf32>,
      tpu.vector_store %arg8[%swap3A, %swap3A_107], %gather3A {strides = array<i32>} : memref<128x128xf32, #tpu.memory_space<vmem>>, vector<16xf32>,
      %swap3A_109 = arith.index_cast %scan3A_100 : i32 to index
      %swap3A_110 = arith.constant 16 : index
      %swap3A_111 = tpu.vector_load %arg8[%swap3A_109, %swap3A_110] {strides = array<i32>} : memref<128x128xf32, #tpu.memory_space<vmem>>, vector<16xf32>,
      tpu.vector_store %arg8[%swap3A_109, %swap3A_110], %gather3A {strides = array<i32>} : memref<128x128xf32, #tpu.memory_space<vmem>>, vector<16xf32>,
      %swap3A_112 = arith.index_cast %scan3A_100 : i32 to index
      %swap3A_113 = arith.constant 32 : index
      %swap3A_114 = tpu.vector_load %arg8[%swap3A_112, %swap3A_113] {strides = array<i32>} : memref<128x128xf32, #tpu.memory_space<vmem>>, vector<16xf32>,
      tpu.vector_store %arg8[%swap3A_112, %swap3A_113], %gather3A {strides = array<i32>} : memref<128x128xf32, #tpu.memory_space<vmem>>, vector<16xf32>,
      %swap3A_115 = arith.index_cast %scan3A_100 : i32 to index
      %swap3A_116 = arith.constant 48 : index
      %swap3A_117 = tpu.vector_load %arg8[%swap3A_115, %swap3A_116] {strides = array<i32>} : memref<128x128xf32, #tpu.memory_space<vmem>>, vector<16xf32>,
      tpu.vector_store %arg8[%swap3A_115, %swap3A_116], %gather3A {strides = array<i32>} : memref<128x128xf32, #tpu.memory_space<vmem>>, vector<16xf32>,
      %swap3A_118 = arith.index_cast %scan3A_100 : i32 to index
      %swap3A_119 = arith.constant 64 : index
      %swap3A_120 = tpu.vector_load %arg8[%swap3A_118, %swap3A_119] {strides = array<i32>} : memref<128x128xf32, #tpu.memory_space<vmem>>, vector<16xf32>,
      tpu.vector_store %arg8[%swap3A_118, %swap3A_119], %gather3A {strides = array<i32>} : memref<128x128xf32, #tpu.memory_space<vmem>>, vector<16xf32>,
      %swap3A_121 = arith.index_cast %scan3A_100 : i32 to index
      %swap3A_122 = arith.constant 80 : index
      %swap3A_123 = tpu.vector_load %arg8[%swap3A_121, %swap3A_122] {strides = array<i32>} : memref<128x128xf32, #tpu.memory_space<vmem>>, vector<16xf32>,
      tpu.vector_store %arg8[%swap3A_121, %swap3A_122], %gather3A {strides = array<i32>} : memref<128x128xf32, #tpu.memory_space<vmem>>, vector<16xf32>,
      %swap3A_124 = arith.index_cast %scan3A_100 : i32 to index
      %swap3A_125 = arith.constant 96 : index
      %swap3A_126 = tpu.vector_load %arg8[%swap3A_124, %swap3A_125] {strides = array<i32>} : memref<128x128xf32, #tpu.memory_space<vmem>>, vector<16xf32>,
      tpu.vector_store %arg8[%swap3A_124, %swap3A_125], %gather3A {strides = array<i32>} : memref<128x128xf32, #tpu.memory_space<vmem>>, vector<16xf32>,
      %swap3A_127 = arith.index_cast %scan3A_100 : i32 to index
      %swap3A_128 = arith.constant 112 : index
      %swap3A_129 = tpu.vector_load %arg8[%swap3A_127, %swap3A_128] {strides = array<i32>} : memref<128x128xf32, #tpu.memory_space<vmem>>, vector<16xf32>,
      tpu.vector_store %arg8[%swap3A_127, %swap3A_128], %gather3A {strides = array<i32>} : memref<128x128xf32, #tpu.memory_space<vmem>>, vector<16xf32>,
    }
    %scan3A_89 = arith.constant 128 : i32
    %eq3A_90 = arith.constant 0 : i32
    %eq3A_91 = arith.cmpi eq, %arg0, %eq3A_90 : i32
    %convert_element_type3A_92 = arith.extui %eq3A_91 : i1 to i32
    %cond3A_93 = arith.constant 0 : i32
    %cond3A_94 = arith.cmpi ne, %convert_element_type3A_92, %cond3A_93 : i32
    scf.if %cond3A_94 {
      %mul3A_100 = arith.constant 640 : i32
      %mul3A_101 = arith.muli %arg1, %mul3A_100 : i32
      %add3A_102 = arith.constant 512 : i32
      %add3A_103 = arith.addi %mul3A_101, %add3A_102 : i32
      %run_scoped3A = arith.constant 0 : i32
      "tpu.region"() ({
        %run_scoped3A_104 = tpu.sem_alloc : memref<!tpu.dma_semaphore, #tpu.memory_space<semaphore_mem>>
        %dma_start3A = arith.constant 0 : i32
        %dma_start3A_105 = tpu.memref_slice %arg3[%run_scoped3A, %add3A_103, %dma_start3A] : memref<2x10240x128xf32, #tpu.memory_space<hbm>> -> memref<1x128x128xf32, #tpu.memory_space<hbm>>
        %dma_start3A_106 = tpu.memref_squeeze %dma_start3A_105 : memref<1x128x128xf32, #tpu.memory_space<hbm>> -> memref<128x128xf32, #tpu.memory_space<hbm>>
        %dma_start3A_107 = arith.constant 0 : i32
        %dma_start3A_108 = tpu.memref_slice %arg3[%run_scoped3A, %add3A_103, %dma_start3A_107] : memref<2x10240x128xf32, #tpu.memory_space<hbm>> -> memref<1x128x128xf32, #tpu.memory_space<hbm>>
        %dma_start3A_109 = tpu.memref_squeeze %dma_start3A_108 : memref<1x128x128xf32, #tpu.memory_space<hbm>> -> memref<128x128xf32, #tpu.memory_space<hbm>>
        tpu.enqueue_dma source(%arg8 : memref<128x128xf32, #tpu.memory_space<vmem>>) target(%dma_start3A_109 : memref<128x128xf32, #tpu.memory_space<hbm>>) target_semaphore(%run_scoped3A_104 : memref<!tpu.dma_semaphore, #tpu.memory_space<semaphore_mem>>)
        %dma_wait3A = arith.constant 0 : i32
        %dma_wait3A_110 = tpu.memref_slice %arg3[%run_scoped3A, %add3A_103, %dma_wait3A] : memref<2x10240x128xf32, #tpu.memory_space<hbm>> -> memref<1x128x128xf32, #tpu.memory_space<hbm>>
        %dma_wait3A_111 = tpu.memref_squeeze %dma_wait3A_110 : memref<1x128x128xf32, #tpu.memory_space<hbm>> -> memref<128x128xf32, #tpu.memory_space<hbm>>
        %dma_wait3A_112 = arith.constant 0 : i32
        %dma_wait3A_113 = tpu.memref_slice %arg3[%run_scoped3A, %add3A_103, %dma_wait3A_112] : memref<2x10240x128xf32, #tpu.memory_space<hbm>> -> memref<1x128x128xf32, #tpu.memory_space<hbm>>
        %dma_wait3A_114 = tpu.memref_squeeze %dma_wait3A_113 : memref<1x128x128xf32, #tpu.memory_space<hbm>> -> memref<128x128xf32, #tpu.memory_space<hbm>>
        tpu.wait_dma2 semaphore(%run_scoped3A_104 : memref<!tpu.dma_semaphore, #tpu.memory_space<semaphore_mem>>) src(%arg8 : memref<128x128xf32, #tpu.memory_space<vmem>>) dst(%dma_wait3A_114 : memref<128x128xf32, #tpu.memory_space<hbm>>)
        tpu.yield
      }) : () -> ()
    } else {
    }
    %eq3A_95 = arith.constant 1 : i32
    %eq3A_96 = arith.cmpi eq, %arg0, %eq3A_95 : i32
    %convert_element_type3A_97 = arith.extui %eq3A_96 : i1 to i32
    %cond3A_98 = arith.constant 0 : i32
    %cond3A_99 = arith.cmpi ne, %convert_element_type3A_97, %cond3A_98 : i32
    scf.if %cond3A_99 {
      %mul3A_100 = arith.constant 640 : i32
      %mul3A_101 = arith.muli %arg1, %mul3A_100 : i32
      %add3A_102 = arith.constant 512 : i32
      %add3A_103 = arith.addi %mul3A_101, %add3A_102 : i32
      %run_scoped3A = arith.constant 1 : i32
      "tpu.region"() ({
        %run_scoped3A_104 = tpu.sem_alloc : memref<!tpu.dma_semaphore, #tpu.memory_space<semaphore_mem>>
        %dma_start3A = arith.constant 0 : i32
        %dma_start3A_105 = tpu.memref_slice %arg3[%run_scoped3A, %add3A_103, %dma_start3A] : memref<2x10240x128xf32, #tpu.memory_space<hbm>> -> memref<1x128x128xf32, #tpu.memory_space<hbm>>
        %dma_start3A_106 = tpu.memref_squeeze %dma_start3A_105 : memref<1x128x128xf32, #tpu.memory_space<hbm>> -> memref<128x128xf32, #tpu.memory_space<hbm>>
        %dma_start3A_107 = arith.constant 0 : i32
        %dma_start3A_108 = tpu.memref_slice %arg3[%run_scoped3A, %add3A_103, %dma_start3A_107] : memref<2x10240x128xf32, #tpu.memory_space<hbm>> -> memref<1x128x128xf32, #tpu.memory_space<hbm>>
        %dma_start3A_109 = tpu.memref_squeeze %dma_start3A_108 : memref<1x128x128xf32, #tpu.memory_space<hbm>> -> memref<128x128xf32, #tpu.memory_space<hbm>>
        tpu.enqueue_dma source(%arg8 : memref<128x128xf32, #tpu.memory_space<vmem>>) target(%dma_start3A_109 : memref<128x128xf32, #tpu.memory_space<hbm>>) target_semaphore(%run_scoped3A_104 : memref<!tpu.dma_semaphore, #tpu.memory_space<semaphore_mem>>)
        %dma_wait3A = arith.constant 0 : i32
        %dma_wait3A_110 = tpu.memref_slice %arg3[%run_scoped3A, %add3A_103, %dma_wait3A] : memref<2x10240x128xf32, #tpu.memory_space<hbm>> -> memref<1x128x128xf32, #tpu.memory_space<hbm>>
        %dma_wait3A_111 = tpu.memref_squeeze %dma_wait3A_110 : memref<1x128x128xf32, #tpu.memory_space<hbm>> -> memref<128x128xf32, #tpu.memory_space<hbm>>
        %dma_wait3A_112 = arith.constant 0 : i32
        %dma_wait3A_113 = tpu.memref_slice %arg3[%run_scoped3A, %add3A_103, %dma_wait3A_112] : memref<2x10240x128xf32, #tpu.memory_space<hbm>> -> memref<1x128x128xf32, #tpu.memory_space<hbm>>
        %dma_wait3A_114 = tpu.memref_squeeze %dma_wait3A_113 : memref<1x128x128xf32, #tpu.memory_space<hbm>> -> memref<128x128xf32, #tpu.memory_space<hbm>>
        tpu.wait_dma2 semaphore(%run_scoped3A_104 : memref<!tpu.dma_semaphore, #tpu.memory_space<semaphore_mem>>) src(%arg8 : memref<128x128xf32, #tpu.memory_space<vmem>>) dst(%dma_wait3A_114 : memref<128x128xf32, #tpu.memory_space<hbm>>)
        tpu.yield
      }) : () -> ()
    } else {
    }
    return
  }
}

#map = affine_map<(d0, d1) -> (0, 0)>
#map1 = affine_map<(d0, d1) -> (0, 0, 0)>
module attributes {stable_mosaic.version = 14 : i64} {
  func.func @_prop_kernel(%arg0: i32, %arg1: i32, %arg2: memref<10240x128xf32, #tpu.memory_space<hbm>>, %arg3: memref<2560x128xi32, #tpu.memory_space<hbm>>, %arg4: memref<2560x128xi32, #tpu.memory_space<hbm>>, %arg5: memref<2x10240x128xf32, #tpu.memory_space<hbm>>, %arg6: memref<80x128xi32, #tpu.memory_space<vmem>>, %arg7: memref<2x8x128xi32, #tpu.memory_space<vmem>>, %arg8: memref<128x128xf32, #tpu.memory_space<vmem>>, %arg9: memref<128x128xf32, #tpu.memory_space<vmem>>, %arg10: memref<16x128xf32, #tpu.memory_space<vmem>>, %arg11: memref<10240x128xf32, #tpu.memory_space<vmem_shared>>, %arg12: memref<!tpu.dma_semaphore, #tpu.memory_space<semaphore_mem>>, %arg13: memref<!tpu.dma_semaphore, #tpu.memory_space<semaphore_mem>>, %arg14: memref<!tpu.dma_semaphore, #tpu.memory_space<semaphore_mem>>) attributes {dimension_semantics = [#tpu.dimension_semantics<core_parallel>, #tpu.dimension_semantics<subcore_parallel>], iteration_bounds = array<i64: 2, 16>, scalar_prefetch = 0 : i64, scratch_operands = 9 : i64, tpu.core_type = #tpu.core_type<sc_vector_subcore>, window_params = [{transform_indices = #map}, {transform_indices = #map}, {transform_indices = #map}, {transform_indices = #map1}]} {
    %mul3A = arith.constant 16 : i32
    %mul3A_0 = arith.muli %arg0, %mul3A : i32
    %add3A = arith.addi %mul3A_0, %arg1 : i32
    %scan3A = arith.constant 0 : i32
    %scan3A_1 = arith.constant 0 : i32
    %scan3A_2 = arith.constant 16 : i32
    %scan3A_3 = arith.addi %scan3A_1, %scan3A_2 : i32
    %scan3A_4 = arith.constant 1 : i32
    scf.for %scan3A_41 = %scan3A_1 to %scan3A_3 step %scan3A_4  : i32 {
      %broadcast_in_dim3A = arith.constant 0.000000e+00 : f32
      %broadcast_in_dim3A_42 = vector.broadcast %broadcast_in_dim3A : f32 to vector<16xf32>
      %swap3A = arith.index_cast %scan3A_41 : i32 to index
      %swap3A_43 = arith.constant 0 : index
      %swap3A_44 = tpu.vector_load %arg10[%swap3A, %swap3A_43] {strides = array<i32>} : memref<16x128xf32, #tpu.memory_space<vmem>>, vector<1x16xf32>,
      %swap3A_45 = vector.shape_cast %swap3A_44 : vector<1x16xf32> to vector<16xf32>
      %swap3A_46 = vector.shape_cast %broadcast_in_dim3A_42 : vector<16xf32> to vector<1x16xf32>
      tpu.vector_store %arg10[%swap3A, %swap3A_43], %swap3A_46 {strides = array<i32>} : memref<16x128xf32, #tpu.memory_space<vmem>>, vector<1x16xf32>,
      %broadcast_in_dim3A_47 = arith.constant 0.000000e+00 : f32
      %broadcast_in_dim3A_48 = vector.broadcast %broadcast_in_dim3A_47 : f32 to vector<16xf32>
      %swap3A_49 = arith.index_cast %scan3A_41 : i32 to index
      %swap3A_50 = arith.constant 16 : index
      %swap3A_51 = tpu.vector_load %arg10[%swap3A_49, %swap3A_50] {strides = array<i32>} : memref<16x128xf32, #tpu.memory_space<vmem>>, vector<1x16xf32>,
      %swap3A_52 = vector.shape_cast %swap3A_51 : vector<1x16xf32> to vector<16xf32>
      %swap3A_53 = vector.shape_cast %broadcast_in_dim3A_48 : vector<16xf32> to vector<1x16xf32>
      tpu.vector_store %arg10[%swap3A_49, %swap3A_50], %swap3A_53 {strides = array<i32>} : memref<16x128xf32, #tpu.memory_space<vmem>>, vector<1x16xf32>,
      %broadcast_in_dim3A_54 = arith.constant 0.000000e+00 : f32
      %broadcast_in_dim3A_55 = vector.broadcast %broadcast_in_dim3A_54 : f32 to vector<16xf32>
      %swap3A_56 = arith.index_cast %scan3A_41 : i32 to index
      %swap3A_57 = arith.constant 32 : index
      %swap3A_58 = tpu.vector_load %arg10[%swap3A_56, %swap3A_57] {strides = array<i32>} : memref<16x128xf32, #tpu.memory_space<vmem>>, vector<1x16xf32>,
      %swap3A_59 = vector.shape_cast %swap3A_58 : vector<1x16xf32> to vector<16xf32>
      %swap3A_60 = vector.shape_cast %broadcast_in_dim3A_55 : vector<16xf32> to vector<1x16xf32>
      tpu.vector_store %arg10[%swap3A_56, %swap3A_57], %swap3A_60 {strides = array<i32>} : memref<16x128xf32, #tpu.memory_space<vmem>>, vector<1x16xf32>,
      %broadcast_in_dim3A_61 = arith.constant 0.000000e+00 : f32
      %broadcast_in_dim3A_62 = vector.broadcast %broadcast_in_dim3A_61 : f32 to vector<16xf32>
      %swap3A_63 = arith.index_cast %scan3A_41 : i32 to index
      %swap3A_64 = arith.constant 48 : index
      %swap3A_65 = tpu.vector_load %arg10[%swap3A_63, %swap3A_64] {strides = array<i32>} : memref<16x128xf32, #tpu.memory_space<vmem>>, vector<1x16xf32>,
      %swap3A_66 = vector.shape_cast %swap3A_65 : vector<1x16xf32> to vector<16xf32>
      %swap3A_67 = vector.shape_cast %broadcast_in_dim3A_62 : vector<16xf32> to vector<1x16xf32>
      tpu.vector_store %arg10[%swap3A_63, %swap3A_64], %swap3A_67 {strides = array<i32>} : memref<16x128xf32, #tpu.memory_space<vmem>>, vector<1x16xf32>,
      %broadcast_in_dim3A_68 = arith.constant 0.000000e+00 : f32
      %broadcast_in_dim3A_69 = vector.broadcast %broadcast_in_dim3A_68 : f32 to vector<16xf32>
      %swap3A_70 = arith.index_cast %scan3A_41 : i32 to index
      %swap3A_71 = arith.constant 64 : index
      %swap3A_72 = tpu.vector_load %arg10[%swap3A_70, %swap3A_71] {strides = array<i32>} : memref<16x128xf32, #tpu.memory_space<vmem>>, vector<1x16xf32>,
      %swap3A_73 = vector.shape_cast %swap3A_72 : vector<1x16xf32> to vector<16xf32>
      %swap3A_74 = vector.shape_cast %broadcast_in_dim3A_69 : vector<16xf32> to vector<1x16xf32>
      tpu.vector_store %arg10[%swap3A_70, %swap3A_71], %swap3A_74 {strides = array<i32>} : memref<16x128xf32, #tpu.memory_space<vmem>>, vector<1x16xf32>,
      %broadcast_in_dim3A_75 = arith.constant 0.000000e+00 : f32
      %broadcast_in_dim3A_76 = vector.broadcast %broadcast_in_dim3A_75 : f32 to vector<16xf32>
      %swap3A_77 = arith.index_cast %scan3A_41 : i32 to index
      %swap3A_78 = arith.constant 80 : index
      %swap3A_79 = tpu.vector_load %arg10[%swap3A_77, %swap3A_78] {strides = array<i32>} : memref<16x128xf32, #tpu.memory_space<vmem>>, vector<1x16xf32>,
      %swap3A_80 = vector.shape_cast %swap3A_79 : vector<1x16xf32> to vector<16xf32>
      %swap3A_81 = vector.shape_cast %broadcast_in_dim3A_76 : vector<16xf32> to vector<1x16xf32>
      tpu.vector_store %arg10[%swap3A_77, %swap3A_78], %swap3A_81 {strides = array<i32>} : memref<16x128xf32, #tpu.memory_space<vmem>>, vector<1x16xf32>,
      %broadcast_in_dim3A_82 = arith.constant 0.000000e+00 : f32
      %broadcast_in_dim3A_83 = vector.broadcast %broadcast_in_dim3A_82 : f32 to vector<16xf32>
      %swap3A_84 = arith.index_cast %scan3A_41 : i32 to index
      %swap3A_85 = arith.constant 96 : index
      %swap3A_86 = tpu.vector_load %arg10[%swap3A_84, %swap3A_85] {strides = array<i32>} : memref<16x128xf32, #tpu.memory_space<vmem>>, vector<1x16xf32>,
      %swap3A_87 = vector.shape_cast %swap3A_86 : vector<1x16xf32> to vector<16xf32>
      %swap3A_88 = vector.shape_cast %broadcast_in_dim3A_83 : vector<16xf32> to vector<1x16xf32>
      tpu.vector_store %arg10[%swap3A_84, %swap3A_85], %swap3A_88 {strides = array<i32>} : memref<16x128xf32, #tpu.memory_space<vmem>>, vector<1x16xf32>,
      %broadcast_in_dim3A_89 = arith.constant 0.000000e+00 : f32
      %broadcast_in_dim3A_90 = vector.broadcast %broadcast_in_dim3A_89 : f32 to vector<16xf32>
      %swap3A_91 = arith.index_cast %scan3A_41 : i32 to index
      %swap3A_92 = arith.constant 112 : index
      %swap3A_93 = tpu.vector_load %arg10[%swap3A_91, %swap3A_92] {strides = array<i32>} : memref<16x128xf32, #tpu.memory_space<vmem>>, vector<1x16xf32>,
      %swap3A_94 = vector.shape_cast %swap3A_93 : vector<1x16xf32> to vector<16xf32>
      %swap3A_95 = vector.shape_cast %broadcast_in_dim3A_90 : vector<16xf32> to vector<1x16xf32>
      tpu.vector_store %arg10[%swap3A_91, %swap3A_92], %swap3A_95 {strides = array<i32>} : memref<16x128xf32, #tpu.memory_space<vmem>>, vector<1x16xf32>,
    }
    %scan3A_5 = arith.constant 16 : i32
    %scan3A_6 = arith.constant 0 : i32
    %scan3A_7 = arith.constant 0 : i32
    %scan3A_8 = arith.constant 5 : i32
    %scan3A_9 = arith.addi %scan3A_7, %scan3A_8 : i32
    %scan3A_10 = arith.constant 1 : i32
    scf.for %scan3A_41 = %scan3A_7 to %scan3A_9 step %scan3A_10  : i32 {
      %mul3A_42 = arith.constant 640 : i32
      %mul3A_43 = arith.muli %arg1, %mul3A_42 : i32
      %mul3A_44 = arith.constant 8 : i32
      %mul3A_45 = arith.muli %scan3A_41, %mul3A_44 : i32
      %add3A_46 = arith.constant 0 : i32
      %add3A_47 = arith.addi %mul3A_45, %add3A_46 : i32
      %mul3A_48 = arith.constant 16 : i32
      %mul3A_49 = arith.muli %add3A_47, %mul3A_48 : i32
      %add3A_50 = arith.addi %mul3A_43, %mul3A_49 : i32
      %dma_start3A_51 = arith.constant 0 : i32
      %dma_start3A_52 = tpu.memref_slice %arg11[%add3A_50, %dma_start3A_51] : memref<10240x128xf32, #tpu.memory_space<vmem_shared>> -> memref<16x128xf32, #tpu.memory_space<vmem_shared>>
      %dma_start3A_53 = arith.constant 0 : i32
      %dma_start3A_54 = tpu.memref_slice %arg11[%add3A_50, %dma_start3A_53] : memref<10240x128xf32, #tpu.memory_space<vmem_shared>> -> memref<16x128xf32, #tpu.memory_space<vmem_shared>>
      tpu.enqueue_dma source(%arg10 : memref<16x128xf32, #tpu.memory_space<vmem>>) target(%dma_start3A_54 : memref<16x128xf32, #tpu.memory_space<vmem_shared>>) target_semaphore(%arg12 : memref<!tpu.dma_semaphore, #tpu.memory_space<semaphore_mem>>)
      %mul3A_55 = arith.constant 640 : i32
      %mul3A_56 = arith.muli %arg1, %mul3A_55 : i32
      %mul3A_57 = arith.constant 8 : i32
      %mul3A_58 = arith.muli %scan3A_41, %mul3A_57 : i32
      %add3A_59 = arith.constant 1 : i32
      %add3A_60 = arith.addi %mul3A_58, %add3A_59 : i32
      %mul3A_61 = arith.constant 16 : i32
      %mul3A_62 = arith.muli %add3A_60, %mul3A_61 : i32
      %add3A_63 = arith.addi %mul3A_56, %mul3A_62 : i32
      %dma_start3A_64 = arith.constant 0 : i32
      %dma_start3A_65 = tpu.memref_slice %arg11[%add3A_63, %dma_start3A_64] : memref<10240x128xf32, #tpu.memory_space<vmem_shared>> -> memref<16x128xf32, #tpu.memory_space<vmem_shared>>
      %dma_start3A_66 = arith.constant 0 : i32
      %dma_start3A_67 = tpu.memref_slice %arg11[%add3A_63, %dma_start3A_66] : memref<10240x128xf32, #tpu.memory_space<vmem_shared>> -> memref<16x128xf32, #tpu.memory_space<vmem_shared>>
      tpu.enqueue_dma source(%arg10 : memref<16x128xf32, #tpu.memory_space<vmem>>) target(%dma_start3A_67 : memref<16x128xf32, #tpu.memory_space<vmem_shared>>) target_semaphore(%arg12 : memref<!tpu.dma_semaphore, #tpu.memory_space<semaphore_mem>>)
      %mul3A_68 = arith.constant 640 : i32
      %mul3A_69 = arith.muli %arg1, %mul3A_68 : i32
      %mul3A_70 = arith.constant 8 : i32
      %mul3A_71 = arith.muli %scan3A_41, %mul3A_70 : i32
      %add3A_72 = arith.constant 2 : i32
      %add3A_73 = arith.addi %mul3A_71, %add3A_72 : i32
      %mul3A_74 = arith.constant 16 : i32
      %mul3A_75 = arith.muli %add3A_73, %mul3A_74 : i32
      %add3A_76 = arith.addi %mul3A_69, %mul3A_75 : i32
      %dma_start3A_77 = arith.constant 0 : i32
      %dma_start3A_78 = tpu.memref_slice %arg11[%add3A_76, %dma_start3A_77] : memref<10240x128xf32, #tpu.memory_space<vmem_shared>> -> memref<16x128xf32, #tpu.memory_space<vmem_shared>>
      %dma_start3A_79 = arith.constant 0 : i32
      %dma_start3A_80 = tpu.memref_slice %arg11[%add3A_76, %dma_start3A_79] : memref<10240x128xf32, #tpu.memory_space<vmem_shared>> -> memref<16x128xf32, #tpu.memory_space<vmem_shared>>
      tpu.enqueue_dma source(%arg10 : memref<16x128xf32, #tpu.memory_space<vmem>>) target(%dma_start3A_80 : memref<16x128xf32, #tpu.memory_space<vmem_shared>>) target_semaphore(%arg12 : memref<!tpu.dma_semaphore, #tpu.memory_space<semaphore_mem>>)
      %mul3A_81 = arith.constant 640 : i32
      %mul3A_82 = arith.muli %arg1, %mul3A_81 : i32
      %mul3A_83 = arith.constant 8 : i32
      %mul3A_84 = arith.muli %scan3A_41, %mul3A_83 : i32
      %add3A_85 = arith.constant 3 : i32
      %add3A_86 = arith.addi %mul3A_84, %add3A_85 : i32
      %mul3A_87 = arith.constant 16 : i32
      %mul3A_88 = arith.muli %add3A_86, %mul3A_87 : i32
      %add3A_89 = arith.addi %mul3A_82, %mul3A_88 : i32
      %dma_start3A_90 = arith.constant 0 : i32
      %dma_start3A_91 = tpu.memref_slice %arg11[%add3A_89, %dma_start3A_90] : memref<10240x128xf32, #tpu.memory_space<vmem_shared>> -> memref<16x128xf32, #tpu.memory_space<vmem_shared>>
      %dma_start3A_92 = arith.constant 0 : i32
      %dma_start3A_93 = tpu.memref_slice %arg11[%add3A_89, %dma_start3A_92] : memref<10240x128xf32, #tpu.memory_space<vmem_shared>> -> memref<16x128xf32, #tpu.memory_space<vmem_shared>>
      tpu.enqueue_dma source(%arg10 : memref<16x128xf32, #tpu.memory_space<vmem>>) target(%dma_start3A_93 : memref<16x128xf32, #tpu.memory_space<vmem_shared>>) target_semaphore(%arg12 : memref<!tpu.dma_semaphore, #tpu.memory_space<semaphore_mem>>)
      %mul3A_94 = arith.constant 640 : i32
      %mul3A_95 = arith.muli %arg1, %mul3A_94 : i32
      %mul3A_96 = arith.constant 8 : i32
      %mul3A_97 = arith.muli %scan3A_41, %mul3A_96 : i32
      %add3A_98 = arith.constant 4 : i32
      %add3A_99 = arith.addi %mul3A_97, %add3A_98 : i32
      %mul3A_100 = arith.constant 16 : i32
      %mul3A_101 = arith.muli %add3A_99, %mul3A_100 : i32
      %add3A_102 = arith.addi %mul3A_95, %mul3A_101 : i32
      %dma_start3A_103 = arith.constant 0 : i32
      %dma_start3A_104 = tpu.memref_slice %arg11[%add3A_102, %dma_start3A_103] : memref<10240x128xf32, #tpu.memory_space<vmem_shared>> -> memref<16x128xf32, #tpu.memory_space<vmem_shared>>
      %dma_start3A_105 = arith.constant 0 : i32
      %dma_start3A_106 = tpu.memref_slice %arg11[%add3A_102, %dma_start3A_105] : memref<10240x128xf32, #tpu.memory_space<vmem_shared>> -> memref<16x128xf32, #tpu.memory_space<vmem_shared>>
      tpu.enqueue_dma source(%arg10 : memref<16x128xf32, #tpu.memory_space<vmem>>) target(%dma_start3A_106 : memref<16x128xf32, #tpu.memory_space<vmem_shared>>) target_semaphore(%arg12 : memref<!tpu.dma_semaphore, #tpu.memory_space<semaphore_mem>>)
      %mul3A_107 = arith.constant 640 : i32
      %mul3A_108 = arith.muli %arg1, %mul3A_107 : i32
      %mul3A_109 = arith.constant 8 : i32
      %mul3A_110 = arith.muli %scan3A_41, %mul3A_109 : i32
      %add3A_111 = arith.constant 5 : i32
      %add3A_112 = arith.addi %mul3A_110, %add3A_111 : i32
      %mul3A_113 = arith.constant 16 : i32
      %mul3A_114 = arith.muli %add3A_112, %mul3A_113 : i32
      %add3A_115 = arith.addi %mul3A_108, %mul3A_114 : i32
      %dma_start3A_116 = arith.constant 0 : i32
      %dma_start3A_117 = tpu.memref_slice %arg11[%add3A_115, %dma_start3A_116] : memref<10240x128xf32, #tpu.memory_space<vmem_shared>> -> memref<16x128xf32, #tpu.memory_space<vmem_shared>>
      %dma_start3A_118 = arith.constant 0 : i32
      %dma_start3A_119 = tpu.memref_slice %arg11[%add3A_115, %dma_start3A_118] : memref<10240x128xf32, #tpu.memory_space<vmem_shared>> -> memref<16x128xf32, #tpu.memory_space<vmem_shared>>
      tpu.enqueue_dma source(%arg10 : memref<16x128xf32, #tpu.memory_space<vmem>>) target(%dma_start3A_119 : memref<16x128xf32, #tpu.memory_space<vmem_shared>>) target_semaphore(%arg12 : memref<!tpu.dma_semaphore, #tpu.memory_space<semaphore_mem>>)
      %mul3A_120 = arith.constant 640 : i32
      %mul3A_121 = arith.muli %arg1, %mul3A_120 : i32
      %mul3A_122 = arith.constant 8 : i32
      %mul3A_123 = arith.muli %scan3A_41, %mul3A_122 : i32
      %add3A_124 = arith.constant 6 : i32
      %add3A_125 = arith.addi %mul3A_123, %add3A_124 : i32
      %mul3A_126 = arith.constant 16 : i32
      %mul3A_127 = arith.muli %add3A_125, %mul3A_126 : i32
      %add3A_128 = arith.addi %mul3A_121, %mul3A_127 : i32
      %dma_start3A_129 = arith.constant 0 : i32
      %dma_start3A_130 = tpu.memref_slice %arg11[%add3A_128, %dma_start3A_129] : memref<10240x128xf32, #tpu.memory_space<vmem_shared>> -> memref<16x128xf32, #tpu.memory_space<vmem_shared>>
      %dma_start3A_131 = arith.constant 0 : i32
      %dma_start3A_132 = tpu.memref_slice %arg11[%add3A_128, %dma_start3A_131] : memref<10240x128xf32, #tpu.memory_space<vmem_shared>> -> memref<16x128xf32, #tpu.memory_space<vmem_shared>>
      tpu.enqueue_dma source(%arg10 : memref<16x128xf32, #tpu.memory_space<vmem>>) target(%dma_start3A_132 : memref<16x128xf32, #tpu.memory_space<vmem_shared>>) target_semaphore(%arg12 : memref<!tpu.dma_semaphore, #tpu.memory_space<semaphore_mem>>)
      %mul3A_133 = arith.constant 640 : i32
      %mul3A_134 = arith.muli %arg1, %mul3A_133 : i32
      %mul3A_135 = arith.constant 8 : i32
      %mul3A_136 = arith.muli %scan3A_41, %mul3A_135 : i32
      %add3A_137 = arith.constant 7 : i32
      %add3A_138 = arith.addi %mul3A_136, %add3A_137 : i32
      %mul3A_139 = arith.constant 16 : i32
      %mul3A_140 = arith.muli %add3A_138, %mul3A_139 : i32
      %add3A_141 = arith.addi %mul3A_134, %mul3A_140 : i32
      %dma_start3A_142 = arith.constant 0 : i32
      %dma_start3A_143 = tpu.memref_slice %arg11[%add3A_141, %dma_start3A_142] : memref<10240x128xf32, #tpu.memory_space<vmem_shared>> -> memref<16x128xf32, #tpu.memory_space<vmem_shared>>
      %dma_start3A_144 = arith.constant 0 : i32
      %dma_start3A_145 = tpu.memref_slice %arg11[%add3A_141, %dma_start3A_144] : memref<10240x128xf32, #tpu.memory_space<vmem_shared>> -> memref<16x128xf32, #tpu.memory_space<vmem_shared>>
      tpu.enqueue_dma source(%arg10 : memref<16x128xf32, #tpu.memory_space<vmem>>) target(%dma_start3A_145 : memref<16x128xf32, #tpu.memory_space<vmem_shared>>) target_semaphore(%arg12 : memref<!tpu.dma_semaphore, #tpu.memory_space<semaphore_mem>>)
      %mul3A_146 = arith.constant 640 : i32
      %mul3A_147 = arith.muli %arg1, %mul3A_146 : i32
      %dma_wait3A_148 = arith.constant 0 : i32
      %dma_wait3A_149 = tpu.memref_slice %arg11[%mul3A_147, %dma_wait3A_148] : memref<10240x128xf32, #tpu.memory_space<vmem_shared>> -> memref<16x128xf32, #tpu.memory_space<vmem_shared>>
      %dma_wait3A_150 = arith.constant 0 : i32
      %dma_wait3A_151 = tpu.memref_slice %arg11[%mul3A_147, %dma_wait3A_150] : memref<10240x128xf32, #tpu.memory_space<vmem_shared>> -> memref<16x128xf32, #tpu.memory_space<vmem_shared>>
      tpu.wait_dma2 semaphore(%arg12 : memref<!tpu.dma_semaphore, #tpu.memory_space<semaphore_mem>>) src(%arg10 : memref<16x128xf32, #tpu.memory_space<vmem>>) dst(%dma_wait3A_151 : memref<16x128xf32, #tpu.memory_space<vmem_shared>>)
      %mul3A_152 = arith.constant 640 : i32
      %mul3A_153 = arith.muli %arg1, %mul3A_152 : i32
      %dma_wait3A_154 = arith.constant 0 : i32
      %dma_wait3A_155 = tpu.memref_slice %arg11[%mul3A_153, %dma_wait3A_154] : memref<10240x128xf32, #tpu.memory_space<vmem_shared>> -> memref<16x128xf32, #tpu.memory_space<vmem_shared>>
      %dma_wait3A_156 = arith.constant 0 : i32
      %dma_wait3A_157 = tpu.memref_slice %arg11[%mul3A_153, %dma_wait3A_156] : memref<10240x128xf32, #tpu.memory_space<vmem_shared>> -> memref<16x128xf32, #tpu.memory_space<vmem_shared>>
      tpu.wait_dma2 semaphore(%arg12 : memref<!tpu.dma_semaphore, #tpu.memory_space<semaphore_mem>>) src(%arg10 : memref<16x128xf32, #tpu.memory_space<vmem>>) dst(%dma_wait3A_157 : memref<16x128xf32, #tpu.memory_space<vmem_shared>>)
      %mul3A_158 = arith.constant 640 : i32
      %mul3A_159 = arith.muli %arg1, %mul3A_158 : i32
      %dma_wait3A_160 = arith.constant 0 : i32
      %dma_wait3A_161 = tpu.memref_slice %arg11[%mul3A_159, %dma_wait3A_160] : memref<10240x128xf32, #tpu.memory_space<vmem_shared>> -> memref<16x128xf32, #tpu.memory_space<vmem_shared>>
      %dma_wait3A_162 = arith.constant 0 : i32
      %dma_wait3A_163 = tpu.memref_slice %arg11[%mul3A_159, %dma_wait3A_162] : memref<10240x128xf32, #tpu.memory_space<vmem_shared>> -> memref<16x128xf32, #tpu.memory_space<vmem_shared>>
      tpu.wait_dma2 semaphore(%arg12 : memref<!tpu.dma_semaphore, #tpu.memory_space<semaphore_mem>>) src(%arg10 : memref<16x128xf32, #tpu.memory_space<vmem>>) dst(%dma_wait3A_163 : memref<16x128xf32, #tpu.memory_space<vmem_shared>>)
      %mul3A_164 = arith.constant 640 : i32
      %mul3A_165 = arith.muli %arg1, %mul3A_164 : i32
      %dma_wait3A_166 = arith.constant 0 : i32
      %dma_wait3A_167 = tpu.memref_slice %arg11[%mul3A_165, %dma_wait3A_166] : memref<10240x128xf32, #tpu.memory_space<vmem_shared>> -> memref<16x128xf32, #tpu.memory_space<vmem_shared>>
      %dma_wait3A_168 = arith.constant 0 : i32
      %dma_wait3A_169 = tpu.memref_slice %arg11[%mul3A_165, %dma_wait3A_168] : memref<10240x128xf32, #tpu.memory_space<vmem_shared>> -> memref<16x128xf32, #tpu.memory_space<vmem_shared>>
      tpu.wait_dma2 semaphore(%arg12 : memref<!tpu.dma_semaphore, #tpu.memory_space<semaphore_mem>>) src(%arg10 : memref<16x128xf32, #tpu.memory_space<vmem>>) dst(%dma_wait3A_169 : memref<16x128xf32, #tpu.memory_space<vmem_shared>>)
      %mul3A_170 = arith.constant 640 : i32
      %mul3A_171 = arith.muli %arg1, %mul3A_170 : i32
      %dma_wait3A_172 = arith.constant 0 : i32
      %dma_wait3A_173 = tpu.memref_slice %arg11[%mul3A_171, %dma_wait3A_172] : memref<10240x128xf32, #tpu.memory_space<vmem_shared>> -> memref<16x128xf32, #tpu.memory_space<vmem_shared>>
      %dma_wait3A_174 = arith.constant 0 : i32
      %dma_wait3A_175 = tpu.memref_slice %arg11[%mul3A_171, %dma_wait3A_174] : memref<10240x128xf32, #tpu.memory_space<vmem_shared>> -> memref<16x128xf32, #tpu.memory_space<vmem_shared>>
      tpu.wait_dma2 semaphore(%arg12 : memref<!tpu.dma_semaphore, #tpu.memory_space<semaphore_mem>>) src(%arg10 : memref<16x128xf32, #tpu.memory_space<vmem>>) dst(%dma_wait3A_175 : memref<16x128xf32, #tpu.memory_space<vmem_shared>>)
      %mul3A_176 = arith.constant 640 : i32
      %mul3A_177 = arith.muli %arg1, %mul3A_176 : i32
      %dma_wait3A_178 = arith.constant 0 : i32
      %dma_wait3A_179 = tpu.memref_slice %arg11[%mul3A_177, %dma_wait3A_178] : memref<10240x128xf32, #tpu.memory_space<vmem_shared>> -> memref<16x128xf32, #tpu.memory_space<vmem_shared>>
      %dma_wait3A_180 = arith.constant 0 : i32
      %dma_wait3A_181 = tpu.memref_slice %arg11[%mul3A_177, %dma_wait3A_180] : memref<10240x128xf32, #tpu.memory_space<vmem_shared>> -> memref<16x128xf32, #tpu.memory_space<vmem_shared>>
      tpu.wait_dma2 semaphore(%arg12 : memref<!tpu.dma_semaphore, #tpu.memory_space<semaphore_mem>>) src(%arg10 : memref<16x128xf32, #tpu.memory_space<vmem>>) dst(%dma_wait3A_181 : memref<16x128xf32, #tpu.memory_space<vmem_shared>>)
      %mul3A_182 = arith.constant 640 : i32
      %mul3A_183 = arith.muli %arg1, %mul3A_182 : i32
      %dma_wait3A_184 = arith.constant 0 : i32
      %dma_wait3A_185 = tpu.memref_slice %arg11[%mul3A_183, %dma_wait3A_184] : memref<10240x128xf32, #tpu.memory_space<vmem_shared>> -> memref<16x128xf32, #tpu.memory_space<vmem_shared>>
      %dma_wait3A_186 = arith.constant 0 : i32
      %dma_wait3A_187 = tpu.memref_slice %arg11[%mul3A_183, %dma_wait3A_186] : memref<10240x128xf32, #tpu.memory_space<vmem_shared>> -> memref<16x128xf32, #tpu.memory_space<vmem_shared>>
      tpu.wait_dma2 semaphore(%arg12 : memref<!tpu.dma_semaphore, #tpu.memory_space<semaphore_mem>>) src(%arg10 : memref<16x128xf32, #tpu.memory_space<vmem>>) dst(%dma_wait3A_187 : memref<16x128xf32, #tpu.memory_space<vmem_shared>>)
      %mul3A_188 = arith.constant 640 : i32
      %mul3A_189 = arith.muli %arg1, %mul3A_188 : i32
      %dma_wait3A_190 = arith.constant 0 : i32
      %dma_wait3A_191 = tpu.memref_slice %arg11[%mul3A_189, %dma_wait3A_190] : memref<10240x128xf32, #tpu.memory_space<vmem_shared>> -> memref<16x128xf32, #tpu.memory_space<vmem_shared>>
      %dma_wait3A_192 = arith.constant 0 : i32
      %dma_wait3A_193 = tpu.memref_slice %arg11[%mul3A_189, %dma_wait3A_192] : memref<10240x128xf32, #tpu.memory_space<vmem_shared>> -> memref<16x128xf32, #tpu.memory_space<vmem_shared>>
      tpu.wait_dma2 semaphore(%arg12 : memref<!tpu.dma_semaphore, #tpu.memory_space<semaphore_mem>>) src(%arg10 : memref<16x128xf32, #tpu.memory_space<vmem>>) dst(%dma_wait3A_193 : memref<16x128xf32, #tpu.memory_space<vmem_shared>>)
    }
    %scan3A_11 = arith.constant 5 : i32
    %mul3A_12 = arith.constant 80 : i32
    %mul3A_13 = arith.muli %add3A, %mul3A_12 : i32
    "tpu.region"() ({
      %run_scoped3A_41 = tpu.sem_alloc : memref<!tpu.dma_semaphore, #tpu.memory_space<semaphore_mem>>
      %dma_start3A_42 = arith.constant 0 : i32
      %dma_start3A_43 = tpu.memref_slice %arg3[%mul3A_13, %dma_start3A_42] : memref<2560x128xi32, #tpu.memory_space<hbm>> -> memref<80x128xi32, #tpu.memory_space<hbm>>
      %dma_start3A_44 = arith.constant 0 : i32
      %dma_start3A_45 = tpu.memref_slice %arg3[%mul3A_13, %dma_start3A_44] : memref<2560x128xi32, #tpu.memory_space<hbm>> -> memref<80x128xi32, #tpu.memory_space<hbm>>
      tpu.enqueue_dma source(%dma_start3A_45 : memref<80x128xi32, #tpu.memory_space<hbm>>) target(%arg6 : memref<80x128xi32, #tpu.memory_space<vmem>>) target_semaphore(%run_scoped3A_41 : memref<!tpu.dma_semaphore, #tpu.memory_space<semaphore_mem>>)
      %dma_wait3A_46 = arith.constant 0 : i32
      %dma_wait3A_47 = tpu.memref_slice %arg3[%mul3A_13, %dma_wait3A_46] : memref<2560x128xi32, #tpu.memory_space<hbm>> -> memref<80x128xi32, #tpu.memory_space<hbm>>
      %dma_wait3A_48 = arith.constant 0 : i32
      %dma_wait3A_49 = tpu.memref_slice %arg3[%mul3A_13, %dma_wait3A_48] : memref<2560x128xi32, #tpu.memory_space<hbm>> -> memref<80x128xi32, #tpu.memory_space<hbm>>
      tpu.wait_dma2 semaphore(%run_scoped3A_41 : memref<!tpu.dma_semaphore, #tpu.memory_space<semaphore_mem>>) src(%dma_wait3A_49 : memref<80x128xi32, #tpu.memory_space<hbm>>) dst(%arg6 : memref<80x128xi32, #tpu.memory_space<vmem>>)
      tpu.yield
    }) : () -> ()
    %mul3A_14 = arith.constant 80 : i32
    %mul3A_15 = arith.muli %add3A, %mul3A_14 : i32
    %run_scoped3A = arith.constant 0 : i32
    "tpu.region"() ({
      %run_scoped3A_41 = tpu.sem_alloc : memref<!tpu.dma_semaphore, #tpu.memory_space<semaphore_mem>>
      %dma_start3A_42 = arith.constant 0 : i32
      %dma_start3A_43 = arith.constant 0 : i32
      %dma_start3A_44 = tpu.memref_slice %arg7[%run_scoped3A, %dma_start3A_42, %dma_start3A_43] : memref<2x8x128xi32, #tpu.memory_space<vmem>> -> memref<1x8x128xi32, #tpu.memory_space<vmem>>
      %dma_start3A_45 = tpu.memref_squeeze %dma_start3A_44 : memref<1x8x128xi32, #tpu.memory_space<vmem>> -> memref<8x128xi32, #tpu.memory_space<vmem>>
      %dma_start3A_46 = arith.constant 0 : i32
      %dma_start3A_47 = tpu.memref_slice %arg4[%mul3A_15, %dma_start3A_46] : memref<2560x128xi32, #tpu.memory_space<hbm>> -> memref<8x128xi32, #tpu.memory_space<hbm>>
      %dma_start3A_48 = arith.constant 0 : i32
      %dma_start3A_49 = arith.constant 0 : i32
      %dma_start3A_50 = tpu.memref_slice %arg7[%run_scoped3A, %dma_start3A_48, %dma_start3A_49] : memref<2x8x128xi32, #tpu.memory_space<vmem>> -> memref<1x8x128xi32, #tpu.memory_space<vmem>>
      %dma_start3A_51 = tpu.memref_squeeze %dma_start3A_50 : memref<1x8x128xi32, #tpu.memory_space<vmem>> -> memref<8x128xi32, #tpu.memory_space<vmem>>
      %dma_start3A_52 = arith.constant 0 : i32
      %dma_start3A_53 = tpu.memref_slice %arg4[%mul3A_15, %dma_start3A_52] : memref<2560x128xi32, #tpu.memory_space<hbm>> -> memref<8x128xi32, #tpu.memory_space<hbm>>
      tpu.enqueue_dma source(%dma_start3A_53 : memref<8x128xi32, #tpu.memory_space<hbm>>) target(%dma_start3A_51 : memref<8x128xi32, #tpu.memory_space<vmem>>) target_semaphore(%run_scoped3A_41 : memref<!tpu.dma_semaphore, #tpu.memory_space<semaphore_mem>>)
      %dma_wait3A_54 = arith.constant 0 : i32
      %dma_wait3A_55 = arith.constant 0 : i32
      %dma_wait3A_56 = tpu.memref_slice %arg7[%run_scoped3A, %dma_wait3A_54, %dma_wait3A_55] : memref<2x8x128xi32, #tpu.memory_space<vmem>> -> memref<1x8x128xi32, #tpu.memory_space<vmem>>
      %dma_wait3A_57 = tpu.memref_squeeze %dma_wait3A_56 : memref<1x8x128xi32, #tpu.memory_space<vmem>> -> memref<8x128xi32, #tpu.memory_space<vmem>>
      %dma_wait3A_58 = arith.constant 0 : i32
      %dma_wait3A_59 = tpu.memref_slice %arg4[%mul3A_15, %dma_wait3A_58] : memref<2560x128xi32, #tpu.memory_space<hbm>> -> memref<8x128xi32, #tpu.memory_space<hbm>>
      %dma_wait3A_60 = arith.constant 0 : i32
      %dma_wait3A_61 = arith.constant 0 : i32
      %dma_wait3A_62 = tpu.memref_slice %arg7[%run_scoped3A, %dma_wait3A_60, %dma_wait3A_61] : memref<2x8x128xi32, #tpu.memory_space<vmem>> -> memref<1x8x128xi32, #tpu.memory_space<vmem>>
      %dma_wait3A_63 = tpu.memref_squeeze %dma_wait3A_62 : memref<1x8x128xi32, #tpu.memory_space<vmem>> -> memref<8x128xi32, #tpu.memory_space<vmem>>
      %dma_wait3A_64 = arith.constant 0 : i32
      %dma_wait3A_65 = tpu.memref_slice %arg4[%mul3A_15, %dma_wait3A_64] : memref<2560x128xi32, #tpu.memory_space<hbm>> -> memref<8x128xi32, #tpu.memory_space<hbm>>
      tpu.wait_dma2 semaphore(%run_scoped3A_41 : memref<!tpu.dma_semaphore, #tpu.memory_space<semaphore_mem>>) src(%dma_wait3A_65 : memref<8x128xi32, #tpu.memory_space<hbm>>) dst(%dma_wait3A_63 : memref<8x128xi32, #tpu.memory_space<vmem>>)
      tpu.yield
    }) : () -> ()
    %dma_start3A = arith.constant 0 : i32
    %dma_start3A_16 = arith.constant 0 : i32
    %dma_start3A_17 = tpu.memref_slice %arg6[%dma_start3A, %dma_start3A_16] : memref<80x128xi32, #tpu.memory_space<vmem>> -> memref<1x128xi32, #tpu.memory_space<vmem>>
    %dma_start3A_18 = tpu.memref_squeeze %dma_start3A_17 : memref<1x128xi32, #tpu.memory_space<vmem>> -> memref<128xi32, #tpu.memory_space<vmem>>
    %dma_start3A_19 = arith.constant 0 : i32
    %dma_start3A_20 = arith.constant 0 : i32
    %dma_start3A_21 = tpu.memref_slice %arg2[%dma_start3A_19, %dma_start3A_20] : memref<10240x128xf32, #tpu.memory_space<hbm>> -> memref<10240x128xf32, #tpu.memory_space<hbm>>
    tpu.enqueue_indirect_dma source(%dma_start3A_21 : memref<10240x128xf32, #tpu.memory_space<hbm>>) target(%arg8 : memref<128x128xf32, #tpu.memory_space<vmem>>) offsets(%dma_start3A_18 : memref<128xi32, #tpu.memory_space<vmem>>) semaphore(%arg12 : memref<!tpu.dma_semaphore, #tpu.memory_space<semaphore_mem>>)
    %barrier3A = arith.constant 0 : index
    tpu.barrier barrier_id(%barrier3A)
    %scan3A_22 = arith.constant 0 : i32
    %scan3A_23 = arith.constant 0 : i32
    %scan3A_24 = arith.constant 10 : i32
    %scan3A_25 = arith.addi %scan3A_23, %scan3A_24 : i32
    %scan3A_26 = arith.constant 1 : i32
    scf.for %scan3A_41 = %scan3A_23 to %scan3A_25 step %scan3A_26  : i32 {
      %rem3A = arith.constant 2 : i32
      %rem3A_42 = arith.remsi %scan3A_41, %rem3A : i32
      %add3A_43 = arith.constant 1 : i32
      %add3A_44 = arith.addi %scan3A_41, %add3A_43 : i32
      %rem3A_45 = arith.constant 2 : i32
      %rem3A_46 = arith.remsi %add3A_44, %rem3A_45 : i32
      %add3A_47 = arith.constant 1 : i32
      %add3A_48 = arith.addi %scan3A_41, %add3A_47 : i32
      %min3A = arith.constant 9 : i32
      %min3A_49 = arith.minsi %add3A_48, %min3A : i32
      %mul3A_50 = arith.constant 80 : i32
      %mul3A_51 = arith.muli %add3A, %mul3A_50 : i32
      %mul3A_52 = arith.constant 8 : i32
      %mul3A_53 = arith.muli %min3A_49, %mul3A_52 : i32
      %add3A_54 = arith.addi %mul3A_51, %mul3A_53 : i32
      %dma_start3A_55 = arith.constant 0 : i32
      %dma_start3A_56 = arith.constant 0 : i32
      %dma_start3A_57 = tpu.memref_slice %arg7[%rem3A_46, %dma_start3A_55, %dma_start3A_56] : memref<2x8x128xi32, #tpu.memory_space<vmem>> -> memref<1x8x128xi32, #tpu.memory_space<vmem>>
      %dma_start3A_58 = tpu.memref_squeeze %dma_start3A_57 : memref<1x8x128xi32, #tpu.memory_space<vmem>> -> memref<8x128xi32, #tpu.memory_space<vmem>>
      %dma_start3A_59 = arith.constant 0 : i32
      %dma_start3A_60 = tpu.memref_slice %arg4[%add3A_54, %dma_start3A_59] : memref<2560x128xi32, #tpu.memory_space<hbm>> -> memref<8x128xi32, #tpu.memory_space<hbm>>
      %dma_start3A_61 = arith.constant 0 : i32
      %dma_start3A_62 = arith.constant 0 : i32
      %dma_start3A_63 = tpu.memref_slice %arg7[%rem3A_46, %dma_start3A_61, %dma_start3A_62] : memref<2x8x128xi32, #tpu.memory_space<vmem>> -> memref<1x8x128xi32, #tpu.memory_space<vmem>>
      %dma_start3A_64 = tpu.memref_squeeze %dma_start3A_63 : memref<1x8x128xi32, #tpu.memory_space<vmem>> -> memref<8x128xi32, #tpu.memory_space<vmem>>
      %dma_start3A_65 = arith.constant 0 : i32
      %dma_start3A_66 = tpu.memref_slice %arg4[%add3A_54, %dma_start3A_65] : memref<2560x128xi32, #tpu.memory_space<hbm>> -> memref<8x128xi32, #tpu.memory_space<hbm>>
      tpu.enqueue_dma source(%dma_start3A_66 : memref<8x128xi32, #tpu.memory_space<hbm>>) target(%dma_start3A_64 : memref<8x128xi32, #tpu.memory_space<vmem>>) target_semaphore(%arg14 : memref<!tpu.dma_semaphore, #tpu.memory_space<semaphore_mem>>)
      %mul3A_67 = arith.constant 8 : i32
      %mul3A_68 = arith.muli %scan3A_41, %mul3A_67 : i32
      %add3A_69 = arith.constant 0 : i32
      %add3A_70 = arith.addi %mul3A_68, %add3A_69 : i32
      %add3A_71 = arith.constant 1 : i32
      %add3A_72 = arith.addi %add3A_70, %add3A_71 : i32
      %dma_start3A_73 = arith.constant 0 : i32
      %dma_start3A_74 = tpu.memref_slice %arg6[%add3A_72, %dma_start3A_73] : memref<80x128xi32, #tpu.memory_space<vmem>> -> memref<1x128xi32, #tpu.memory_space<vmem>>
      %dma_start3A_75 = tpu.memref_squeeze %dma_start3A_74 : memref<1x128xi32, #tpu.memory_space<vmem>> -> memref<128xi32, #tpu.memory_space<vmem>>
      %dma_start3A_76 = arith.constant 0 : i32
      %dma_start3A_77 = arith.constant 0 : i32
      %dma_start3A_78 = tpu.memref_slice %arg2[%dma_start3A_76, %dma_start3A_77] : memref<10240x128xf32, #tpu.memory_space<hbm>> -> memref<10240x128xf32, #tpu.memory_space<hbm>>
      tpu.enqueue_indirect_dma source(%dma_start3A_78 : memref<10240x128xf32, #tpu.memory_space<hbm>>) target(%arg9 : memref<128x128xf32, #tpu.memory_space<vmem>>) offsets(%dma_start3A_75 : memref<128xi32, #tpu.memory_space<vmem>>) semaphore(%arg13 : memref<!tpu.dma_semaphore, #tpu.memory_space<semaphore_mem>>)
      %dma_wait3A_79 = arith.constant 0 : i32
      %dma_wait3A_80 = arith.constant 0 : i32
      %dma_wait3A_81 = tpu.memref_slice %arg2[%dma_wait3A_79, %dma_wait3A_80] : memref<10240x128xf32, #tpu.memory_space<hbm>> -> memref<128x128xf32, #tpu.memory_space<hbm>>
      %dma_wait3A_82 = arith.constant 0 : i32
      %dma_wait3A_83 = arith.constant 0 : i32
      %dma_wait3A_84 = tpu.memref_slice %arg2[%dma_wait3A_82, %dma_wait3A_83] : memref<10240x128xf32, #tpu.memory_space<hbm>> -> memref<128x128xf32, #tpu.memory_space<hbm>>
      tpu.wait_dma2 semaphore(%arg12 : memref<!tpu.dma_semaphore, #tpu.memory_space<semaphore_mem>>) src(%dma_wait3A_84 : memref<128x128xf32, #tpu.memory_space<hbm>>) dst(%arg8 : memref<128x128xf32, #tpu.memory_space<vmem>>)
      %run_scoped3A_85 = arith.constant 0 : i32
      "tpu.region"() ({
        %run_scoped3A_225 = tpu.sem_alloc : memref<!tpu.dma_semaphore, #tpu.memory_space<semaphore_mem>>
        %dma_start3A_226 = arith.constant 0 : i32
        %dma_start3A_227 = tpu.memref_slice %arg7[%rem3A_42, %run_scoped3A_85, %dma_start3A_226] : memref<2x8x128xi32, #tpu.memory_space<vmem>> -> memref<1x1x128xi32, #tpu.memory_space<vmem>>
        %dma_start3A_228 = tpu.memref_squeeze %dma_start3A_227 : memref<1x1x128xi32, #tpu.memory_space<vmem>> -> memref<128xi32, #tpu.memory_space<vmem>>
        %dma_start3A_229 = arith.constant 0 : i32
        %dma_start3A_230 = arith.constant 0 : i32
        %dma_start3A_231 = tpu.memref_slice %arg11[%dma_start3A_229, %dma_start3A_230] : memref<10240x128xf32, #tpu.memory_space<vmem_shared>> -> memref<10240x128xf32, #tpu.memory_space<vmem_shared>>
        tpu.enqueue_indirect_dma source(%arg8 : memref<128x128xf32, #tpu.memory_space<vmem>>) target(%dma_start3A_231 : memref<10240x128xf32, #tpu.memory_space<vmem_shared>>) offsets(%dma_start3A_228 : memref<128xi32, #tpu.memory_space<vmem>>) semaphore(%run_scoped3A_225 : memref<!tpu.dma_semaphore, #tpu.memory_space<semaphore_mem>>) {add = true}
        %dma_wait3A_232 = arith.constant 0 : i32
        %dma_wait3A_233 = tpu.memref_slice %arg7[%rem3A_42, %run_scoped3A_85, %dma_wait3A_232] : memref<2x8x128xi32, #tpu.memory_space<vmem>> -> memref<1x1x128xi32, #tpu.memory_space<vmem>>
        %dma_wait3A_234 = tpu.memref_squeeze %dma_wait3A_233 : memref<1x1x128xi32, #tpu.memory_space<vmem>> -> memref<128xi32, #tpu.memory_space<vmem>>
        %dma_wait3A_235 = arith.constant 0 : i32
        %dma_wait3A_236 = arith.constant 0 : i32
        %dma_wait3A_237 = tpu.memref_slice %arg11[%dma_wait3A_235, %dma_wait3A_236] : memref<10240x128xf32, #tpu.memory_space<vmem_shared>> -> memref<10240x128xf32, #tpu.memory_space<vmem_shared>>
        tpu.wait_indirect_dma semaphore(%run_scoped3A_225 : memref<!tpu.dma_semaphore, #tpu.memory_space<semaphore_mem>>) src(%arg8 : memref<128x128xf32, #tpu.memory_space<vmem>>) dst(%dma_wait3A_237 : memref<10240x128xf32, #tpu.memory_space<vmem_shared>>)
        tpu.yield
      }) : () -> ()
      %add3A_86 = arith.constant 2 : i32
      %add3A_87 = arith.addi %add3A_70, %add3A_86 : i32
      %min3A_88 = arith.constant 79 : i32
      %min3A_89 = arith.minsi %add3A_87, %min3A_88 : i32
      %dma_start3A_90 = arith.constant 0 : i32
      %dma_start3A_91 = tpu.memref_slice %arg6[%min3A_89, %dma_start3A_90] : memref<80x128xi32, #tpu.memory_space<vmem>> -> memref<1x128xi32, #tpu.memory_space<vmem>>
      %dma_start3A_92 = tpu.memref_squeeze %dma_start3A_91 : memref<1x128xi32, #tpu.memory_space<vmem>> -> memref<128xi32, #tpu.memory_space<vmem>>
      %dma_start3A_93 = arith.constant 0 : i32
      %dma_start3A_94 = arith.constant 0 : i32
      %dma_start3A_95 = tpu.memref_slice %arg2[%dma_start3A_93, %dma_start3A_94] : memref<10240x128xf32, #tpu.memory_space<hbm>> -> memref<10240x128xf32, #tpu.memory_space<hbm>>
      tpu.enqueue_indirect_dma source(%dma_start3A_95 : memref<10240x128xf32, #tpu.memory_space<hbm>>) target(%arg8 : memref<128x128xf32, #tpu.memory_space<vmem>>) offsets(%dma_start3A_92 : memref<128xi32, #tpu.memory_space<vmem>>) semaphore(%arg12 : memref<!tpu.dma_semaphore, #tpu.memory_space<semaphore_mem>>)
      %dma_wait3A_96 = arith.constant 0 : i32
      %dma_wait3A_97 = arith.constant 0 : i32
      %dma_wait3A_98 = tpu.memref_slice %arg2[%dma_wait3A_96, %dma_wait3A_97] : memref<10240x128xf32, #tpu.memory_space<hbm>> -> memref<128x128xf32, #tpu.memory_space<hbm>>
      %dma_wait3A_99 = arith.constant 0 : i32
      %dma_wait3A_100 = arith.constant 0 : i32
      %dma_wait3A_101 = tpu.memref_slice %arg2[%dma_wait3A_99, %dma_wait3A_100] : memref<10240x128xf32, #tpu.memory_space<hbm>> -> memref<128x128xf32, #tpu.memory_space<hbm>>
      tpu.wait_dma2 semaphore(%arg13 : memref<!tpu.dma_semaphore, #tpu.memory_space<semaphore_mem>>) src(%dma_wait3A_101 : memref<128x128xf32, #tpu.memory_space<hbm>>) dst(%arg9 : memref<128x128xf32, #tpu.memory_space<vmem>>)
      %run_scoped3A_102 = arith.constant 1 : i32
      "tpu.region"() ({
        %run_scoped3A_225 = tpu.sem_alloc : memref<!tpu.dma_semaphore, #tpu.memory_space<semaphore_mem>>
        %dma_start3A_226 = arith.constant 0 : i32
        %dma_start3A_227 = tpu.memref_slice %arg7[%rem3A_42, %run_scoped3A_102, %dma_start3A_226] : memref<2x8x128xi32, #tpu.memory_space<vmem>> -> memref<1x1x128xi32, #tpu.memory_space<vmem>>
        %dma_start3A_228 = tpu.memref_squeeze %dma_start3A_227 : memref<1x1x128xi32, #tpu.memory_space<vmem>> -> memref<128xi32, #tpu.memory_space<vmem>>
        %dma_start3A_229 = arith.constant 0 : i32
        %dma_start3A_230 = arith.constant 0 : i32
        %dma_start3A_231 = tpu.memref_slice %arg11[%dma_start3A_229, %dma_start3A_230] : memref<10240x128xf32, #tpu.memory_space<vmem_shared>> -> memref<10240x128xf32, #tpu.memory_space<vmem_shared>>
        tpu.enqueue_indirect_dma source(%arg9 : memref<128x128xf32, #tpu.memory_space<vmem>>) target(%dma_start3A_231 : memref<10240x128xf32, #tpu.memory_space<vmem_shared>>) offsets(%dma_start3A_228 : memref<128xi32, #tpu.memory_space<vmem>>) semaphore(%run_scoped3A_225 : memref<!tpu.dma_semaphore, #tpu.memory_space<semaphore_mem>>) {add = true}
        %dma_wait3A_232 = arith.constant 0 : i32
        %dma_wait3A_233 = tpu.memref_slice %arg7[%rem3A_42, %run_scoped3A_102, %dma_wait3A_232] : memref<2x8x128xi32, #tpu.memory_space<vmem>> -> memref<1x1x128xi32, #tpu.memory_space<vmem>>
        %dma_wait3A_234 = tpu.memref_squeeze %dma_wait3A_233 : memref<1x1x128xi32, #tpu.memory_space<vmem>> -> memref<128xi32, #tpu.memory_space<vmem>>
        %dma_wait3A_235 = arith.constant 0 : i32
        %dma_wait3A_236 = arith.constant 0 : i32
        %dma_wait3A_237 = tpu.memref_slice %arg11[%dma_wait3A_235, %dma_wait3A_236] : memref<10240x128xf32, #tpu.memory_space<vmem_shared>> -> memref<10240x128xf32, #tpu.memory_space<vmem_shared>>
        tpu.wait_indirect_dma semaphore(%run_scoped3A_225 : memref<!tpu.dma_semaphore, #tpu.memory_space<semaphore_mem>>) src(%arg9 : memref<128x128xf32, #tpu.memory_space<vmem>>) dst(%dma_wait3A_237 : memref<10240x128xf32, #tpu.memory_space<vmem_shared>>)
        tpu.yield
      }) : () -> ()
      %mul3A_103 = arith.constant 8 : i32
      %mul3A_104 = arith.muli %scan3A_41, %mul3A_103 : i32
      %add3A_105 = arith.constant 2 : i32
      %add3A_106 = arith.addi %mul3A_104, %add3A_105 : i32
      %add3A_107 = arith.constant 1 : i32
      %add3A_108 = arith.addi %add3A_106, %add3A_107 : i32
      %dma_start3A_109 = arith.constant 0 : i32
      %dma_start3A_110 = tpu.memref_slice %arg6[%add3A_108, %dma_start3A_109] : memref<80x128xi32, #tpu.memory_space<vmem>> -> memref<1x128xi32, #tpu.memory_space<vmem>>
      %dma_start3A_111 = tpu.memref_squeeze %dma_start3A_110 : memref<1x128xi32, #tpu.memory_space<vmem>> -> memref<128xi32, #tpu.memory_space<vmem>>
      %dma_start3A_112 = arith.constant 0 : i32
      %dma_start3A_113 = arith.constant 0 : i32
      %dma_start3A_114 = tpu.memref_slice %arg2[%dma_start3A_112, %dma_start3A_113] : memref<10240x128xf32, #tpu.memory_space<hbm>> -> memref<10240x128xf32, #tpu.memory_space<hbm>>
      tpu.enqueue_indirect_dma source(%dma_start3A_114 : memref<10240x128xf32, #tpu.memory_space<hbm>>) target(%arg9 : memref<128x128xf32, #tpu.memory_space<vmem>>) offsets(%dma_start3A_111 : memref<128xi32, #tpu.memory_space<vmem>>) semaphore(%arg13 : memref<!tpu.dma_semaphore, #tpu.memory_space<semaphore_mem>>)
      %dma_wait3A_115 = arith.constant 0 : i32
      %dma_wait3A_116 = arith.constant 0 : i32
      %dma_wait3A_117 = tpu.memref_slice %arg2[%dma_wait3A_115, %dma_wait3A_116] : memref<10240x128xf32, #tpu.memory_space<hbm>> -> memref<128x128xf32, #tpu.memory_space<hbm>>
      %dma_wait3A_118 = arith.constant 0 : i32
      %dma_wait3A_119 = arith.constant 0 : i32
      %dma_wait3A_120 = tpu.memref_slice %arg2[%dma_wait3A_118, %dma_wait3A_119] : memref<10240x128xf32, #tpu.memory_space<hbm>> -> memref<128x128xf32, #tpu.memory_space<hbm>>
      tpu.wait_dma2 semaphore(%arg12 : memref<!tpu.dma_semaphore, #tpu.memory_space<semaphore_mem>>) src(%dma_wait3A_120 : memref<128x128xf32, #tpu.memory_space<hbm>>) dst(%arg8 : memref<128x128xf32, #tpu.memory_space<vmem>>)
      %run_scoped3A_121 = arith.constant 2 : i32
      "tpu.region"() ({
        %run_scoped3A_225 = tpu.sem_alloc : memref<!tpu.dma_semaphore, #tpu.memory_space<semaphore_mem>>
        %dma_start3A_226 = arith.constant 0 : i32
        %dma_start3A_227 = tpu.memref_slice %arg7[%rem3A_42, %run_scoped3A_121, %dma_start3A_226] : memref<2x8x128xi32, #tpu.memory_space<vmem>> -> memref<1x1x128xi32, #tpu.memory_space<vmem>>
        %dma_start3A_228 = tpu.memref_squeeze %dma_start3A_227 : memref<1x1x128xi32, #tpu.memory_space<vmem>> -> memref<128xi32, #tpu.memory_space<vmem>>
        %dma_start3A_229 = arith.constant 0 : i32
        %dma_start3A_230 = arith.constant 0 : i32
        %dma_start3A_231 = tpu.memref_slice %arg11[%dma_start3A_229, %dma_start3A_230] : memref<10240x128xf32, #tpu.memory_space<vmem_shared>> -> memref<10240x128xf32, #tpu.memory_space<vmem_shared>>
        tpu.enqueue_indirect_dma source(%arg8 : memref<128x128xf32, #tpu.memory_space<vmem>>) target(%dma_start3A_231 : memref<10240x128xf32, #tpu.memory_space<vmem_shared>>) offsets(%dma_start3A_228 : memref<128xi32, #tpu.memory_space<vmem>>) semaphore(%run_scoped3A_225 : memref<!tpu.dma_semaphore, #tpu.memory_space<semaphore_mem>>) {add = true}
        %dma_wait3A_232 = arith.constant 0 : i32
        %dma_wait3A_233 = tpu.memref_slice %arg7[%rem3A_42, %run_scoped3A_121, %dma_wait3A_232] : memref<2x8x128xi32, #tpu.memory_space<vmem>> -> memref<1x1x128xi32, #tpu.memory_space<vmem>>
        %dma_wait3A_234 = tpu.memref_squeeze %dma_wait3A_233 : memref<1x1x128xi32, #tpu.memory_space<vmem>> -> memref<128xi32, #tpu.memory_space<vmem>>
        %dma_wait3A_235 = arith.constant 0 : i32
        %dma_wait3A_236 = arith.constant 0 : i32
        %dma_wait3A_237 = tpu.memref_slice %arg11[%dma_wait3A_235, %dma_wait3A_236] : memref<10240x128xf32, #tpu.memory_space<vmem_shared>> -> memref<10240x128xf32, #tpu.memory_space<vmem_shared>>
        tpu.wait_indirect_dma semaphore(%run_scoped3A_225 : memref<!tpu.dma_semaphore, #tpu.memory_space<semaphore_mem>>) src(%arg8 : memref<128x128xf32, #tpu.memory_space<vmem>>) dst(%dma_wait3A_237 : memref<10240x128xf32, #tpu.memory_space<vmem_shared>>)
        tpu.yield
      }) : () -> ()
      %add3A_122 = arith.constant 2 : i32
      %add3A_123 = arith.addi %add3A_106, %add3A_122 : i32
      %min3A_124 = arith.constant 79 : i32
      %min3A_125 = arith.minsi %add3A_123, %min3A_124 : i32
      %dma_start3A_126 = arith.constant 0 : i32
      %dma_start3A_127 = tpu.memref_slice %arg6[%min3A_125, %dma_start3A_126] : memref<80x128xi32, #tpu.memory_space<vmem>> -> memref<1x128xi32, #tpu.memory_space<vmem>>
      %dma_start3A_128 = tpu.memref_squeeze %dma_start3A_127 : memref<1x128xi32, #tpu.memory_space<vmem>> -> memref<128xi32, #tpu.memory_space<vmem>>
      %dma_start3A_129 = arith.constant 0 : i32
      %dma_start3A_130 = arith.constant 0 : i32
      %dma_start3A_131 = tpu.memref_slice %arg2[%dma_start3A_129, %dma_start3A_130] : memref<10240x128xf32, #tpu.memory_space<hbm>> -> memref<10240x128xf32, #tpu.memory_space<hbm>>
      tpu.enqueue_indirect_dma source(%dma_start3A_131 : memref<10240x128xf32, #tpu.memory_space<hbm>>) target(%arg8 : memref<128x128xf32, #tpu.memory_space<vmem>>) offsets(%dma_start3A_128 : memref<128xi32, #tpu.memory_space<vmem>>) semaphore(%arg12 : memref<!tpu.dma_semaphore, #tpu.memory_space<semaphore_mem>>)
      %dma_wait3A_132 = arith.constant 0 : i32
      %dma_wait3A_133 = arith.constant 0 : i32
      %dma_wait3A_134 = tpu.memref_slice %arg2[%dma_wait3A_132, %dma_wait3A_133] : memref<10240x128xf32, #tpu.memory_space<hbm>> -> memref<128x128xf32, #tpu.memory_space<hbm>>
      %dma_wait3A_135 = arith.constant 0 : i32
      %dma_wait3A_136 = arith.constant 0 : i32
      %dma_wait3A_137 = tpu.memref_slice %arg2[%dma_wait3A_135, %dma_wait3A_136] : memref<10240x128xf32, #tpu.memory_space<hbm>> -> memref<128x128xf32, #tpu.memory_space<hbm>>
      tpu.wait_dma2 semaphore(%arg13 : memref<!tpu.dma_semaphore, #tpu.memory_space<semaphore_mem>>) src(%dma_wait3A_137 : memref<128x128xf32, #tpu.memory_space<hbm>>) dst(%arg9 : memref<128x128xf32, #tpu.memory_space<vmem>>)
      %run_scoped3A_138 = arith.constant 3 : i32
      "tpu.region"() ({
        %run_scoped3A_225 = tpu.sem_alloc : memref<!tpu.dma_semaphore, #tpu.memory_space<semaphore_mem>>
        %dma_start3A_226 = arith.constant 0 : i32
        %dma_start3A_227 = tpu.memref_slice %arg7[%rem3A_42, %run_scoped3A_138, %dma_start3A_226] : memref<2x8x128xi32, #tpu.memory_space<vmem>> -> memref<1x1x128xi32, #tpu.memory_space<vmem>>
        %dma_start3A_228 = tpu.memref_squeeze %dma_start3A_227 : memref<1x1x128xi32, #tpu.memory_space<vmem>> -> memref<128xi32, #tpu.memory_space<vmem>>
        %dma_start3A_229 = arith.constant 0 : i32
        %dma_start3A_230 = arith.constant 0 : i32
        %dma_start3A_231 = tpu.memref_slice %arg11[%dma_start3A_229, %dma_start3A_230] : memref<10240x128xf32, #tpu.memory_space<vmem_shared>> -> memref<10240x128xf32, #tpu.memory_space<vmem_shared>>
        tpu.enqueue_indirect_dma source(%arg9 : memref<128x128xf32, #tpu.memory_space<vmem>>) target(%dma_start3A_231 : memref<10240x128xf32, #tpu.memory_space<vmem_shared>>) offsets(%dma_start3A_228 : memref<128xi32, #tpu.memory_space<vmem>>) semaphore(%run_scoped3A_225 : memref<!tpu.dma_semaphore, #tpu.memory_space<semaphore_mem>>) {add = true}
        %dma_wait3A_232 = arith.constant 0 : i32
        %dma_wait3A_233 = tpu.memref_slice %arg7[%rem3A_42, %run_scoped3A_138, %dma_wait3A_232] : memref<2x8x128xi32, #tpu.memory_space<vmem>> -> memref<1x1x128xi32, #tpu.memory_space<vmem>>
        %dma_wait3A_234 = tpu.memref_squeeze %dma_wait3A_233 : memref<1x1x128xi32, #tpu.memory_space<vmem>> -> memref<128xi32, #tpu.memory_space<vmem>>
        %dma_wait3A_235 = arith.constant 0 : i32
        %dma_wait3A_236 = arith.constant 0 : i32
        %dma_wait3A_237 = tpu.memref_slice %arg11[%dma_wait3A_235, %dma_wait3A_236] : memref<10240x128xf32, #tpu.memory_space<vmem_shared>> -> memref<10240x128xf32, #tpu.memory_space<vmem_shared>>
        tpu.wait_indirect_dma semaphore(%run_scoped3A_225 : memref<!tpu.dma_semaphore, #tpu.memory_space<semaphore_mem>>) src(%arg9 : memref<128x128xf32, #tpu.memory_space<vmem>>) dst(%dma_wait3A_237 : memref<10240x128xf32, #tpu.memory_space<vmem_shared>>)
        tpu.yield
      }) : () -> ()
      %mul3A_139 = arith.constant 8 : i32
      %mul3A_140 = arith.muli %scan3A_41, %mul3A_139 : i32
      %add3A_141 = arith.constant 4 : i32
      %add3A_142 = arith.addi %mul3A_140, %add3A_141 : i32
      %add3A_143 = arith.constant 1 : i32
      %add3A_144 = arith.addi %add3A_142, %add3A_143 : i32
      %dma_start3A_145 = arith.constant 0 : i32
      %dma_start3A_146 = tpu.memref_slice %arg6[%add3A_144, %dma_start3A_145] : memref<80x128xi32, #tpu.memory_space<vmem>> -> memref<1x128xi32, #tpu.memory_space<vmem>>
      %dma_start3A_147 = tpu.memref_squeeze %dma_start3A_146 : memref<1x128xi32, #tpu.memory_space<vmem>> -> memref<128xi32, #tpu.memory_space<vmem>>
      %dma_start3A_148 = arith.constant 0 : i32
      %dma_start3A_149 = arith.constant 0 : i32
      %dma_start3A_150 = tpu.memref_slice %arg2[%dma_start3A_148, %dma_start3A_149] : memref<10240x128xf32, #tpu.memory_space<hbm>> -> memref<10240x128xf32, #tpu.memory_space<hbm>>
      tpu.enqueue_indirect_dma source(%dma_start3A_150 : memref<10240x128xf32, #tpu.memory_space<hbm>>) target(%arg9 : memref<128x128xf32, #tpu.memory_space<vmem>>) offsets(%dma_start3A_147 : memref<128xi32, #tpu.memory_space<vmem>>) semaphore(%arg13 : memref<!tpu.dma_semaphore, #tpu.memory_space<semaphore_mem>>)
      %dma_wait3A_151 = arith.constant 0 : i32
      %dma_wait3A_152 = arith.constant 0 : i32
      %dma_wait3A_153 = tpu.memref_slice %arg2[%dma_wait3A_151, %dma_wait3A_152] : memref<10240x128xf32, #tpu.memory_space<hbm>> -> memref<128x128xf32, #tpu.memory_space<hbm>>
      %dma_wait3A_154 = arith.constant 0 : i32
      %dma_wait3A_155 = arith.constant 0 : i32
      %dma_wait3A_156 = tpu.memref_slice %arg2[%dma_wait3A_154, %dma_wait3A_155] : memref<10240x128xf32, #tpu.memory_space<hbm>> -> memref<128x128xf32, #tpu.memory_space<hbm>>
      tpu.wait_dma2 semaphore(%arg12 : memref<!tpu.dma_semaphore, #tpu.memory_space<semaphore_mem>>) src(%dma_wait3A_156 : memref<128x128xf32, #tpu.memory_space<hbm>>) dst(%arg8 : memref<128x128xf32, #tpu.memory_space<vmem>>)
      %run_scoped3A_157 = arith.constant 4 : i32
      "tpu.region"() ({
        %run_scoped3A_225 = tpu.sem_alloc : memref<!tpu.dma_semaphore, #tpu.memory_space<semaphore_mem>>
        %dma_start3A_226 = arith.constant 0 : i32
        %dma_start3A_227 = tpu.memref_slice %arg7[%rem3A_42, %run_scoped3A_157, %dma_start3A_226] : memref<2x8x128xi32, #tpu.memory_space<vmem>> -> memref<1x1x128xi32, #tpu.memory_space<vmem>>
        %dma_start3A_228 = tpu.memref_squeeze %dma_start3A_227 : memref<1x1x128xi32, #tpu.memory_space<vmem>> -> memref<128xi32, #tpu.memory_space<vmem>>
        %dma_start3A_229 = arith.constant 0 : i32
        %dma_start3A_230 = arith.constant 0 : i32
        %dma_start3A_231 = tpu.memref_slice %arg11[%dma_start3A_229, %dma_start3A_230] : memref<10240x128xf32, #tpu.memory_space<vmem_shared>> -> memref<10240x128xf32, #tpu.memory_space<vmem_shared>>
        tpu.enqueue_indirect_dma source(%arg8 : memref<128x128xf32, #tpu.memory_space<vmem>>) target(%dma_start3A_231 : memref<10240x128xf32, #tpu.memory_space<vmem_shared>>) offsets(%dma_start3A_228 : memref<128xi32, #tpu.memory_space<vmem>>) semaphore(%run_scoped3A_225 : memref<!tpu.dma_semaphore, #tpu.memory_space<semaphore_mem>>) {add = true}
        %dma_wait3A_232 = arith.constant 0 : i32
        %dma_wait3A_233 = tpu.memref_slice %arg7[%rem3A_42, %run_scoped3A_157, %dma_wait3A_232] : memref<2x8x128xi32, #tpu.memory_space<vmem>> -> memref<1x1x128xi32, #tpu.memory_space<vmem>>
        %dma_wait3A_234 = tpu.memref_squeeze %dma_wait3A_233 : memref<1x1x128xi32, #tpu.memory_space<vmem>> -> memref<128xi32, #tpu.memory_space<vmem>>
        %dma_wait3A_235 = arith.constant 0 : i32
        %dma_wait3A_236 = arith.constant 0 : i32
        %dma_wait3A_237 = tpu.memref_slice %arg11[%dma_wait3A_235, %dma_wait3A_236] : memref<10240x128xf32, #tpu.memory_space<vmem_shared>> -> memref<10240x128xf32, #tpu.memory_space<vmem_shared>>
        tpu.wait_indirect_dma semaphore(%run_scoped3A_225 : memref<!tpu.dma_semaphore, #tpu.memory_space<semaphore_mem>>) src(%arg8 : memref<128x128xf32, #tpu.memory_space<vmem>>) dst(%dma_wait3A_237 : memref<10240x128xf32, #tpu.memory_space<vmem_shared>>)
        tpu.yield
      }) : () -> ()
      %add3A_158 = arith.constant 2 : i32
      %add3A_159 = arith.addi %add3A_142, %add3A_158 : i32
      %min3A_160 = arith.constant 79 : i32
      %min3A_161 = arith.minsi %add3A_159, %min3A_160 : i32
      %dma_start3A_162 = arith.constant 0 : i32
      %dma_start3A_163 = tpu.memref_slice %arg6[%min3A_161, %dma_start3A_162] : memref<80x128xi32, #tpu.memory_space<vmem>> -> memref<1x128xi32, #tpu.memory_space<vmem>>
      %dma_start3A_164 = tpu.memref_squeeze %dma_start3A_163 : memref<1x128xi32, #tpu.memory_space<vmem>> -> memref<128xi32, #tpu.memory_space<vmem>>
      %dma_start3A_165 = arith.constant 0 : i32
      %dma_start3A_166 = arith.constant 0 : i32
      %dma_start3A_167 = tpu.memref_slice %arg2[%dma_start3A_165, %dma_start3A_166] : memref<10240x128xf32, #tpu.memory_space<hbm>> -> memref<10240x128xf32, #tpu.memory_space<hbm>>
      tpu.enqueue_indirect_dma source(%dma_start3A_167 : memref<10240x128xf32, #tpu.memory_space<hbm>>) target(%arg8 : memref<128x128xf32, #tpu.memory_space<vmem>>) offsets(%dma_start3A_164 : memref<128xi32, #tpu.memory_space<vmem>>) semaphore(%arg12 : memref<!tpu.dma_semaphore, #tpu.memory_space<semaphore_mem>>)
      %dma_wait3A_168 = arith.constant 0 : i32
      %dma_wait3A_169 = arith.constant 0 : i32
      %dma_wait3A_170 = tpu.memref_slice %arg2[%dma_wait3A_168, %dma_wait3A_169] : memref<10240x128xf32, #tpu.memory_space<hbm>> -> memref<128x128xf32, #tpu.memory_space<hbm>>
      %dma_wait3A_171 = arith.constant 0 : i32
      %dma_wait3A_172 = arith.constant 0 : i32
      %dma_wait3A_173 = tpu.memref_slice %arg2[%dma_wait3A_171, %dma_wait3A_172] : memref<10240x128xf32, #tpu.memory_space<hbm>> -> memref<128x128xf32, #tpu.memory_space<hbm>>
      tpu.wait_dma2 semaphore(%arg13 : memref<!tpu.dma_semaphore, #tpu.memory_space<semaphore_mem>>) src(%dma_wait3A_173 : memref<128x128xf32, #tpu.memory_space<hbm>>) dst(%arg9 : memref<128x128xf32, #tpu.memory_space<vmem>>)
      %run_scoped3A_174 = arith.constant 5 : i32
      "tpu.region"() ({
        %run_scoped3A_225 = tpu.sem_alloc : memref<!tpu.dma_semaphore, #tpu.memory_space<semaphore_mem>>
        %dma_start3A_226 = arith.constant 0 : i32
        %dma_start3A_227 = tpu.memref_slice %arg7[%rem3A_42, %run_scoped3A_174, %dma_start3A_226] : memref<2x8x128xi32, #tpu.memory_space<vmem>> -> memref<1x1x128xi32, #tpu.memory_space<vmem>>
        %dma_start3A_228 = tpu.memref_squeeze %dma_start3A_227 : memref<1x1x128xi32, #tpu.memory_space<vmem>> -> memref<128xi32, #tpu.memory_space<vmem>>
        %dma_start3A_229 = arith.constant 0 : i32
        %dma_start3A_230 = arith.constant 0 : i32
        %dma_start3A_231 = tpu.memref_slice %arg11[%dma_start3A_229, %dma_start3A_230] : memref<10240x128xf32, #tpu.memory_space<vmem_shared>> -> memref<10240x128xf32, #tpu.memory_space<vmem_shared>>
        tpu.enqueue_indirect_dma source(%arg9 : memref<128x128xf32, #tpu.memory_space<vmem>>) target(%dma_start3A_231 : memref<10240x128xf32, #tpu.memory_space<vmem_shared>>) offsets(%dma_start3A_228 : memref<128xi32, #tpu.memory_space<vmem>>) semaphore(%run_scoped3A_225 : memref<!tpu.dma_semaphore, #tpu.memory_space<semaphore_mem>>) {add = true}
        %dma_wait3A_232 = arith.constant 0 : i32
        %dma_wait3A_233 = tpu.memref_slice %arg7[%rem3A_42, %run_scoped3A_174, %dma_wait3A_232] : memref<2x8x128xi32, #tpu.memory_space<vmem>> -> memref<1x1x128xi32, #tpu.memory_space<vmem>>
        %dma_wait3A_234 = tpu.memref_squeeze %dma_wait3A_233 : memref<1x1x128xi32, #tpu.memory_space<vmem>> -> memref<128xi32, #tpu.memory_space<vmem>>
        %dma_wait3A_235 = arith.constant 0 : i32
        %dma_wait3A_236 = arith.constant 0 : i32
        %dma_wait3A_237 = tpu.memref_slice %arg11[%dma_wait3A_235, %dma_wait3A_236] : memref<10240x128xf32, #tpu.memory_space<vmem_shared>> -> memref<10240x128xf32, #tpu.memory_space<vmem_shared>>
        tpu.wait_indirect_dma semaphore(%run_scoped3A_225 : memref<!tpu.dma_semaphore, #tpu.memory_space<semaphore_mem>>) src(%arg9 : memref<128x128xf32, #tpu.memory_space<vmem>>) dst(%dma_wait3A_237 : memref<10240x128xf32, #tpu.memory_space<vmem_shared>>)
        tpu.yield
      }) : () -> ()
      %mul3A_175 = arith.constant 8 : i32
      %mul3A_176 = arith.muli %scan3A_41, %mul3A_175 : i32
      %add3A_177 = arith.constant 6 : i32
      %add3A_178 = arith.addi %mul3A_176, %add3A_177 : i32
      %add3A_179 = arith.constant 1 : i32
      %add3A_180 = arith.addi %add3A_178, %add3A_179 : i32
      %dma_start3A_181 = arith.constant 0 : i32
      %dma_start3A_182 = tpu.memref_slice %arg6[%add3A_180, %dma_start3A_181] : memref<80x128xi32, #tpu.memory_space<vmem>> -> memref<1x128xi32, #tpu.memory_space<vmem>>
      %dma_start3A_183 = tpu.memref_squeeze %dma_start3A_182 : memref<1x128xi32, #tpu.memory_space<vmem>> -> memref<128xi32, #tpu.memory_space<vmem>>
      %dma_start3A_184 = arith.constant 0 : i32
      %dma_start3A_185 = arith.constant 0 : i32
      %dma_start3A_186 = tpu.memref_slice %arg2[%dma_start3A_184, %dma_start3A_185] : memref<10240x128xf32, #tpu.memory_space<hbm>> -> memref<10240x128xf32, #tpu.memory_space<hbm>>
      tpu.enqueue_indirect_dma source(%dma_start3A_186 : memref<10240x128xf32, #tpu.memory_space<hbm>>) target(%arg9 : memref<128x128xf32, #tpu.memory_space<vmem>>) offsets(%dma_start3A_183 : memref<128xi32, #tpu.memory_space<vmem>>) semaphore(%arg13 : memref<!tpu.dma_semaphore, #tpu.memory_space<semaphore_mem>>)
      %dma_wait3A_187 = arith.constant 0 : i32
      %dma_wait3A_188 = arith.constant 0 : i32
      %dma_wait3A_189 = tpu.memref_slice %arg2[%dma_wait3A_187, %dma_wait3A_188] : memref<10240x128xf32, #tpu.memory_space<hbm>> -> memref<128x128xf32, #tpu.memory_space<hbm>>
      %dma_wait3A_190 = arith.constant 0 : i32
      %dma_wait3A_191 = arith.constant 0 : i32
      %dma_wait3A_192 = tpu.memref_slice %arg2[%dma_wait3A_190, %dma_wait3A_191] : memref<10240x128xf32, #tpu.memory_space<hbm>> -> memref<128x128xf32, #tpu.memory_space<hbm>>
      tpu.wait_dma2 semaphore(%arg12 : memref<!tpu.dma_semaphore, #tpu.memory_space<semaphore_mem>>) src(%dma_wait3A_192 : memref<128x128xf32, #tpu.memory_space<hbm>>) dst(%arg8 : memref<128x128xf32, #tpu.memory_space<vmem>>)
      %run_scoped3A_193 = arith.constant 6 : i32
      "tpu.region"() ({
        %run_scoped3A_225 = tpu.sem_alloc : memref<!tpu.dma_semaphore, #tpu.memory_space<semaphore_mem>>
        %dma_start3A_226 = arith.constant 0 : i32
        %dma_start3A_227 = tpu.memref_slice %arg7[%rem3A_42, %run_scoped3A_193, %dma_start3A_226] : memref<2x8x128xi32, #tpu.memory_space<vmem>> -> memref<1x1x128xi32, #tpu.memory_space<vmem>>
        %dma_start3A_228 = tpu.memref_squeeze %dma_start3A_227 : memref<1x1x128xi32, #tpu.memory_space<vmem>> -> memref<128xi32, #tpu.memory_space<vmem>>
        %dma_start3A_229 = arith.constant 0 : i32
        %dma_start3A_230 = arith.constant 0 : i32
        %dma_start3A_231 = tpu.memref_slice %arg11[%dma_start3A_229, %dma_start3A_230] : memref<10240x128xf32, #tpu.memory_space<vmem_shared>> -> memref<10240x128xf32, #tpu.memory_space<vmem_shared>>
        tpu.enqueue_indirect_dma source(%arg8 : memref<128x128xf32, #tpu.memory_space<vmem>>) target(%dma_start3A_231 : memref<10240x128xf32, #tpu.memory_space<vmem_shared>>) offsets(%dma_start3A_228 : memref<128xi32, #tpu.memory_space<vmem>>) semaphore(%run_scoped3A_225 : memref<!tpu.dma_semaphore, #tpu.memory_space<semaphore_mem>>) {add = true}
        %dma_wait3A_232 = arith.constant 0 : i32
        %dma_wait3A_233 = tpu.memref_slice %arg7[%rem3A_42, %run_scoped3A_193, %dma_wait3A_232] : memref<2x8x128xi32, #tpu.memory_space<vmem>> -> memref<1x1x128xi32, #tpu.memory_space<vmem>>
        %dma_wait3A_234 = tpu.memref_squeeze %dma_wait3A_233 : memref<1x1x128xi32, #tpu.memory_space<vmem>> -> memref<128xi32, #tpu.memory_space<vmem>>
        %dma_wait3A_235 = arith.constant 0 : i32
        %dma_wait3A_236 = arith.constant 0 : i32
        %dma_wait3A_237 = tpu.memref_slice %arg11[%dma_wait3A_235, %dma_wait3A_236] : memref<10240x128xf32, #tpu.memory_space<vmem_shared>> -> memref<10240x128xf32, #tpu.memory_space<vmem_shared>>
        tpu.wait_indirect_dma semaphore(%run_scoped3A_225 : memref<!tpu.dma_semaphore, #tpu.memory_space<semaphore_mem>>) src(%arg8 : memref<128x128xf32, #tpu.memory_space<vmem>>) dst(%dma_wait3A_237 : memref<10240x128xf32, #tpu.memory_space<vmem_shared>>)
        tpu.yield
      }) : () -> ()
      %add3A_194 = arith.constant 2 : i32
      %add3A_195 = arith.addi %add3A_178, %add3A_194 : i32
      %min3A_196 = arith.constant 79 : i32
      %min3A_197 = arith.minsi %add3A_195, %min3A_196 : i32
      %dma_start3A_198 = arith.constant 0 : i32
      %dma_start3A_199 = tpu.memref_slice %arg6[%min3A_197, %dma_start3A_198] : memref<80x128xi32, #tpu.memory_space<vmem>> -> memref<1x128xi32, #tpu.memory_space<vmem>>
      %dma_start3A_200 = tpu.memref_squeeze %dma_start3A_199 : memref<1x128xi32, #tpu.memory_space<vmem>> -> memref<128xi32, #tpu.memory_space<vmem>>
      %dma_start3A_201 = arith.constant 0 : i32
      %dma_start3A_202 = arith.constant 0 : i32
      %dma_start3A_203 = tpu.memref_slice %arg2[%dma_start3A_201, %dma_start3A_202] : memref<10240x128xf32, #tpu.memory_space<hbm>> -> memref<10240x128xf32, #tpu.memory_space<hbm>>
      tpu.enqueue_indirect_dma source(%dma_start3A_203 : memref<10240x128xf32, #tpu.memory_space<hbm>>) target(%arg8 : memref<128x128xf32, #tpu.memory_space<vmem>>) offsets(%dma_start3A_200 : memref<128xi32, #tpu.memory_space<vmem>>) semaphore(%arg12 : memref<!tpu.dma_semaphore, #tpu.memory_space<semaphore_mem>>)
      %dma_wait3A_204 = arith.constant 0 : i32
      %dma_wait3A_205 = arith.constant 0 : i32
      %dma_wait3A_206 = tpu.memref_slice %arg2[%dma_wait3A_204, %dma_wait3A_205] : memref<10240x128xf32, #tpu.memory_space<hbm>> -> memref<128x128xf32, #tpu.memory_space<hbm>>
      %dma_wait3A_207 = arith.constant 0 : i32
      %dma_wait3A_208 = arith.constant 0 : i32
      %dma_wait3A_209 = tpu.memref_slice %arg2[%dma_wait3A_207, %dma_wait3A_208] : memref<10240x128xf32, #tpu.memory_space<hbm>> -> memref<128x128xf32, #tpu.memory_space<hbm>>
      tpu.wait_dma2 semaphore(%arg13 : memref<!tpu.dma_semaphore, #tpu.memory_space<semaphore_mem>>) src(%dma_wait3A_209 : memref<128x128xf32, #tpu.memory_space<hbm>>) dst(%arg9 : memref<128x128xf32, #tpu.memory_space<vmem>>)
      %run_scoped3A_210 = arith.constant 7 : i32
      "tpu.region"() ({
        %run_scoped3A_225 = tpu.sem_alloc : memref<!tpu.dma_semaphore, #tpu.memory_space<semaphore_mem>>
        %dma_start3A_226 = arith.constant 0 : i32
        %dma_start3A_227 = tpu.memref_slice %arg7[%rem3A_42, %run_scoped3A_210, %dma_start3A_226] : memref<2x8x128xi32, #tpu.memory_space<vmem>> -> memref<1x1x128xi32, #tpu.memory_space<vmem>>
        %dma_start3A_228 = tpu.memref_squeeze %dma_start3A_227 : memref<1x1x128xi32, #tpu.memory_space<vmem>> -> memref<128xi32, #tpu.memory_space<vmem>>
        %dma_start3A_229 = arith.constant 0 : i32
        %dma_start3A_230 = arith.constant 0 : i32
        %dma_start3A_231 = tpu.memref_slice %arg11[%dma_start3A_229, %dma_start3A_230] : memref<10240x128xf32, #tpu.memory_space<vmem_shared>> -> memref<10240x128xf32, #tpu.memory_space<vmem_shared>>
        tpu.enqueue_indirect_dma source(%arg9 : memref<128x128xf32, #tpu.memory_space<vmem>>) target(%dma_start3A_231 : memref<10240x128xf32, #tpu.memory_space<vmem_shared>>) offsets(%dma_start3A_228 : memref<128xi32, #tpu.memory_space<vmem>>) semaphore(%run_scoped3A_225 : memref<!tpu.dma_semaphore, #tpu.memory_space<semaphore_mem>>) {add = true}
        %dma_wait3A_232 = arith.constant 0 : i32
        %dma_wait3A_233 = tpu.memref_slice %arg7[%rem3A_42, %run_scoped3A_210, %dma_wait3A_232] : memref<2x8x128xi32, #tpu.memory_space<vmem>> -> memref<1x1x128xi32, #tpu.memory_space<vmem>>
        %dma_wait3A_234 = tpu.memref_squeeze %dma_wait3A_233 : memref<1x1x128xi32, #tpu.memory_space<vmem>> -> memref<128xi32, #tpu.memory_space<vmem>>
        %dma_wait3A_235 = arith.constant 0 : i32
        %dma_wait3A_236 = arith.constant 0 : i32
        %dma_wait3A_237 = tpu.memref_slice %arg11[%dma_wait3A_235, %dma_wait3A_236] : memref<10240x128xf32, #tpu.memory_space<vmem_shared>> -> memref<10240x128xf32, #tpu.memory_space<vmem_shared>>
        tpu.wait_indirect_dma semaphore(%run_scoped3A_225 : memref<!tpu.dma_semaphore, #tpu.memory_space<semaphore_mem>>) src(%arg9 : memref<128x128xf32, #tpu.memory_space<vmem>>) dst(%dma_wait3A_237 : memref<10240x128xf32, #tpu.memory_space<vmem_shared>>)
        tpu.yield
      }) : () -> ()
      %dma_wait3A_211 = arith.constant 0 : i32
      %dma_wait3A_212 = arith.constant 0 : i32
      %dma_wait3A_213 = tpu.memref_slice %arg7[%rem3A_46, %dma_wait3A_211, %dma_wait3A_212] : memref<2x8x128xi32, #tpu.memory_space<vmem>> -> memref<1x8x128xi32, #tpu.memory_space<vmem>>
      %dma_wait3A_214 = tpu.memref_squeeze %dma_wait3A_213 : memref<1x8x128xi32, #tpu.memory_space<vmem>> -> memref<8x128xi32, #tpu.memory_space<vmem>>
      %dma_wait3A_215 = arith.constant 0 : i32
      %dma_wait3A_216 = arith.constant 0 : i32
      %dma_wait3A_217 = tpu.memref_slice %arg4[%dma_wait3A_215, %dma_wait3A_216] : memref<2560x128xi32, #tpu.memory_space<hbm>> -> memref<8x128xi32, #tpu.memory_space<hbm>>
      %dma_wait3A_218 = arith.constant 0 : i32
      %dma_wait3A_219 = arith.constant 0 : i32
      %dma_wait3A_220 = tpu.memref_slice %arg7[%rem3A_46, %dma_wait3A_218, %dma_wait3A_219] : memref<2x8x128xi32, #tpu.memory_space<vmem>> -> memref<1x8x128xi32, #tpu.memory_space<vmem>>
      %dma_wait3A_221 = tpu.memref_squeeze %dma_wait3A_220 : memref<1x8x128xi32, #tpu.memory_space<vmem>> -> memref<8x128xi32, #tpu.memory_space<vmem>>
      %dma_wait3A_222 = arith.constant 0 : i32
      %dma_wait3A_223 = arith.constant 0 : i32
      %dma_wait3A_224 = tpu.memref_slice %arg4[%dma_wait3A_222, %dma_wait3A_223] : memref<2560x128xi32, #tpu.memory_space<hbm>> -> memref<8x128xi32, #tpu.memory_space<hbm>>
      tpu.wait_dma2 semaphore(%arg14 : memref<!tpu.dma_semaphore, #tpu.memory_space<semaphore_mem>>) src(%dma_wait3A_224 : memref<8x128xi32, #tpu.memory_space<hbm>>) dst(%dma_wait3A_221 : memref<8x128xi32, #tpu.memory_space<vmem>>)
    }
    %scan3A_27 = arith.constant 10 : i32
    %dma_wait3A = arith.constant 0 : i32
    %dma_wait3A_28 = arith.constant 0 : i32
    %dma_wait3A_29 = tpu.memref_slice %arg2[%dma_wait3A, %dma_wait3A_28] : memref<10240x128xf32, #tpu.memory_space<hbm>> -> memref<128x128xf32, #tpu.memory_space<hbm>>
    %dma_wait3A_30 = arith.constant 0 : i32
    %dma_wait3A_31 = arith.constant 0 : i32
    %dma_wait3A_32 = tpu.memref_slice %arg2[%dma_wait3A_30, %dma_wait3A_31] : memref<10240x128xf32, #tpu.memory_space<hbm>> -> memref<128x128xf32, #tpu.memory_space<hbm>>
    tpu.wait_dma2 semaphore(%arg12 : memref<!tpu.dma_semaphore, #tpu.memory_space<semaphore_mem>>) src(%dma_wait3A_32 : memref<128x128xf32, #tpu.memory_space<hbm>>) dst(%arg8 : memref<128x128xf32, #tpu.memory_space<vmem>>)
    %barrier3A_33 = arith.constant 0 : index
    tpu.barrier barrier_id(%barrier3A_33)
    %eq3A = arith.constant 0 : i32
    %eq3A_34 = arith.cmpi eq, %arg0, %eq3A : i32
    %convert_element_type3A = arith.extui %eq3A_34 : i1 to i32
    %cond3A = arith.constant 0 : i32
    %cond3A_35 = arith.cmpi ne, %convert_element_type3A, %cond3A : i32
    scf.if %cond3A_35 {
      %mul3A_41 = arith.constant 640 : i32
      %mul3A_42 = arith.muli %arg1, %mul3A_41 : i32
      %mul3A_43 = arith.constant 640 : i32
      %mul3A_44 = arith.muli %arg1, %mul3A_43 : i32
      %run_scoped3A_45 = arith.constant 0 : i32
      "tpu.region"() ({
        %run_scoped3A_46 = tpu.sem_alloc : memref<!tpu.dma_semaphore, #tpu.memory_space<semaphore_mem>>
        %dma_start3A_47 = arith.constant 0 : i32
        %dma_start3A_48 = tpu.memref_slice %arg5[%run_scoped3A_45, %mul3A_44, %dma_start3A_47] : memref<2x10240x128xf32, #tpu.memory_space<hbm>> -> memref<1x640x128xf32, #tpu.memory_space<hbm>>
        %dma_start3A_49 = tpu.memref_squeeze %dma_start3A_48 : memref<1x640x128xf32, #tpu.memory_space<hbm>> -> memref<640x128xf32, #tpu.memory_space<hbm>>
        %dma_start3A_50 = arith.constant 0 : i32
        %dma_start3A_51 = tpu.memref_slice %arg11[%mul3A_42, %dma_start3A_50] : memref<10240x128xf32, #tpu.memory_space<vmem_shared>> -> memref<640x128xf32, #tpu.memory_space<vmem_shared>>
        tpu.enqueue_dma source(%dma_start3A_51 : memref<640x128xf32, #tpu.memory_space<vmem_shared>>) target(%dma_start3A_49 : memref<640x128xf32, #tpu.memory_space<hbm>>) target_semaphore(%run_scoped3A_46 : memref<!tpu.dma_semaphore, #tpu.memory_space<semaphore_mem>>)
        %dma_wait3A_52 = arith.constant 0 : i32
        %dma_wait3A_53 = tpu.memref_slice %arg5[%run_scoped3A_45, %mul3A_44, %dma_wait3A_52] : memref<2x10240x128xf32, #tpu.memory_space<hbm>> -> memref<1x640x128xf32, #tpu.memory_space<hbm>>
        %dma_wait3A_54 = tpu.memref_squeeze %dma_wait3A_53 : memref<1x640x128xf32, #tpu.memory_space<hbm>> -> memref<640x128xf32, #tpu.memory_space<hbm>>
        %dma_wait3A_55 = arith.constant 0 : i32
        %dma_wait3A_56 = tpu.memref_slice %arg11[%mul3A_42, %dma_wait3A_55] : memref<10240x128xf32, #tpu.memory_space<vmem_shared>> -> memref<640x128xf32, #tpu.memory_space<vmem_shared>>
        tpu.wait_dma2 semaphore(%run_scoped3A_46 : memref<!tpu.dma_semaphore, #tpu.memory_space<semaphore_mem>>) src(%dma_wait3A_56 : memref<640x128xf32, #tpu.memory_space<vmem_shared>>) dst(%dma_wait3A_54 : memref<640x128xf32, #tpu.memory_space<hbm>>)
        tpu.yield
      }) : () -> ()
    } else {
    }
    %eq3A_36 = arith.constant 1 : i32
    %eq3A_37 = arith.cmpi eq, %arg0, %eq3A_36 : i32
    %convert_element_type3A_38 = arith.extui %eq3A_37 : i1 to i32
    %cond3A_39 = arith.constant 0 : i32
    %cond3A_40 = arith.cmpi ne, %convert_element_type3A_38, %cond3A_39 : i32
    scf.if %cond3A_40 {
      %mul3A_41 = arith.constant 640 : i32
      %mul3A_42 = arith.muli %arg1, %mul3A_41 : i32
      %mul3A_43 = arith.constant 640 : i32
      %mul3A_44 = arith.muli %arg1, %mul3A_43 : i32
      %run_scoped3A_45 = arith.constant 1 : i32
      "tpu.region"() ({
        %run_scoped3A_46 = tpu.sem_alloc : memref<!tpu.dma_semaphore, #tpu.memory_space<semaphore_mem>>
        %dma_start3A_47 = arith.constant 0 : i32
        %dma_start3A_48 = tpu.memref_slice %arg5[%run_scoped3A_45, %mul3A_44, %dma_start3A_47] : memref<2x10240x128xf32, #tpu.memory_space<hbm>> -> memref<1x640x128xf32, #tpu.memory_space<hbm>>
        %dma_start3A_49 = tpu.memref_squeeze %dma_start3A_48 : memref<1x640x128xf32, #tpu.memory_space<hbm>> -> memref<640x128xf32, #tpu.memory_space<hbm>>
        %dma_start3A_50 = arith.constant 0 : i32
        %dma_start3A_51 = tpu.memref_slice %arg11[%mul3A_42, %dma_start3A_50] : memref<10240x128xf32, #tpu.memory_space<vmem_shared>> -> memref<640x128xf32, #tpu.memory_space<vmem_shared>>
        tpu.enqueue_dma source(%dma_start3A_51 : memref<640x128xf32, #tpu.memory_space<vmem_shared>>) target(%dma_start3A_49 : memref<640x128xf32, #tpu.memory_space<hbm>>) target_semaphore(%run_scoped3A_46 : memref<!tpu.dma_semaphore, #tpu.memory_space<semaphore_mem>>)
        %dma_wait3A_52 = arith.constant 0 : i32
        %dma_wait3A_53 = tpu.memref_slice %arg5[%run_scoped3A_45, %mul3A_44, %dma_wait3A_52] : memref<2x10240x128xf32, #tpu.memory_space<hbm>> -> memref<1x640x128xf32, #tpu.memory_space<hbm>>
        %dma_wait3A_54 = tpu.memref_squeeze %dma_wait3A_53 : memref<1x640x128xf32, #tpu.memory_space<hbm>> -> memref<640x128xf32, #tpu.memory_space<hbm>>
        %dma_wait3A_55 = arith.constant 0 : i32
        %dma_wait3A_56 = tpu.memref_slice %arg11[%mul3A_42, %dma_wait3A_55] : memref<10240x128xf32, #tpu.memory_space<vmem_shared>> -> memref<640x128xf32, #tpu.memory_space<vmem_shared>>
        tpu.wait_dma2 semaphore(%run_scoped3A_46 : memref<!tpu.dma_semaphore, #tpu.memory_space<semaphore_mem>>) src(%dma_wait3A_56 : memref<640x128xf32, #tpu.memory_space<vmem_shared>>) dst(%dma_wait3A_54 : memref<640x128xf32, #tpu.memory_space<hbm>>)
        tpu.yield
      }) : () -> ()
    } else {
    }
    return
  }
}

#map = affine_map<(d0, d1) -> (0, 0)>
#map1 = affine_map<(d0, d1) -> (0, 0, 0)>
module attributes {stable_mosaic.version = 14 : i64} {
  func.func @_prop_kernel(%arg0: i32, %arg1: i32, %arg2: memref<10240x128xf32, #tpu.memory_space<hbm>>, %arg3: memref<2560x128xi32, #tpu.memory_space<hbm>>, %arg4: memref<2560x128xi32, #tpu.memory_space<hbm>>, %arg5: memref<2x10240x128xf32, #tpu.memory_space<hbm>>, %arg6: memref<80x128xi32, #tpu.memory_space<vmem>>, %arg7: memref<2x8x128xi32, #tpu.memory_space<vmem>>, %arg8: memref<128x128xf32, #tpu.memory_space<vmem>>, %arg9: memref<128x128xf32, #tpu.memory_space<vmem>>, %arg10: memref<16x128xf32, #tpu.memory_space<vmem>>, %arg11: memref<10240x128xf32, #tpu.memory_space<vmem_shared>>, %arg12: memref<!tpu.dma_semaphore, #tpu.memory_space<semaphore_mem>>, %arg13: memref<!tpu.dma_semaphore, #tpu.memory_space<semaphore_mem>>, %arg14: memref<!tpu.dma_semaphore, #tpu.memory_space<semaphore_mem>>) attributes {dimension_semantics = [#tpu.dimension_semantics<core_parallel>, #tpu.dimension_semantics<subcore_parallel>], iteration_bounds = array<i64: 2, 16>, scalar_prefetch = 0 : i64, scratch_operands = 9 : i64, tpu.core_type = #tpu.core_type<sc_vector_subcore>, window_params = [{transform_indices = #map}, {transform_indices = #map}, {transform_indices = #map}, {transform_indices = #map1}]} {
    %mul3A = arith.constant 16 : i32
    %mul3A_0 = arith.muli %arg0, %mul3A : i32
    %add3A = arith.addi %mul3A_0, %arg1 : i32
    %scan3A = arith.constant 0 : i32
    %scan3A_1 = arith.constant 0 : i32
    %scan3A_2 = arith.constant 16 : i32
    %scan3A_3 = arith.addi %scan3A_1, %scan3A_2 : i32
    %scan3A_4 = arith.constant 1 : i32
    scf.for %scan3A_41 = %scan3A_1 to %scan3A_3 step %scan3A_4  : i32 {
      %broadcast_in_dim3A = arith.constant 0.000000e+00 : f32
      %broadcast_in_dim3A_42 = vector.broadcast %broadcast_in_dim3A : f32 to vector<16xf32>
      %swap3A = arith.index_cast %scan3A_41 : i32 to index
      %swap3A_43 = arith.constant 0 : index
      %swap3A_44 = tpu.vector_load %arg10[%swap3A, %swap3A_43] {strides = array<i32>} : memref<16x128xf32, #tpu.memory_space<vmem>>, vector<1x16xf32>,
      %swap3A_45 = vector.shape_cast %swap3A_44 : vector<1x16xf32> to vector<16xf32>
      %swap3A_46 = vector.shape_cast %broadcast_in_dim3A_42 : vector<16xf32> to vector<1x16xf32>
      tpu.vector_store %arg10[%swap3A, %swap3A_43], %swap3A_46 {strides = array<i32>} : memref<16x128xf32, #tpu.memory_space<vmem>>, vector<1x16xf32>,
      %broadcast_in_dim3A_47 = arith.constant 0.000000e+00 : f32
      %broadcast_in_dim3A_48 = vector.broadcast %broadcast_in_dim3A_47 : f32 to vector<16xf32>
      %swap3A_49 = arith.index_cast %scan3A_41 : i32 to index
      %swap3A_50 = arith.constant 16 : index
      %swap3A_51 = tpu.vector_load %arg10[%swap3A_49, %swap3A_50] {strides = array<i32>} : memref<16x128xf32, #tpu.memory_space<vmem>>, vector<1x16xf32>,
      %swap3A_52 = vector.shape_cast %swap3A_51 : vector<1x16xf32> to vector<16xf32>
      %swap3A_53 = vector.shape_cast %broadcast_in_dim3A_48 : vector<16xf32> to vector<1x16xf32>
      tpu.vector_store %arg10[%swap3A_49, %swap3A_50], %swap3A_53 {strides = array<i32>} : memref<16x128xf32, #tpu.memory_space<vmem>>, vector<1x16xf32>,
      %broadcast_in_dim3A_54 = arith.constant 0.000000e+00 : f32
      %broadcast_in_dim3A_55 = vector.broadcast %broadcast_in_dim3A_54 : f32 to vector<16xf32>
      %swap3A_56 = arith.index_cast %scan3A_41 : i32 to index
      %swap3A_57 = arith.constant 32 : index
      %swap3A_58 = tpu.vector_load %arg10[%swap3A_56, %swap3A_57] {strides = array<i32>} : memref<16x128xf32, #tpu.memory_space<vmem>>, vector<1x16xf32>,
      %swap3A_59 = vector.shape_cast %swap3A_58 : vector<1x16xf32> to vector<16xf32>
      %swap3A_60 = vector.shape_cast %broadcast_in_dim3A_55 : vector<16xf32> to vector<1x16xf32>
      tpu.vector_store %arg10[%swap3A_56, %swap3A_57], %swap3A_60 {strides = array<i32>} : memref<16x128xf32, #tpu.memory_space<vmem>>, vector<1x16xf32>,
      %broadcast_in_dim3A_61 = arith.constant 0.000000e+00 : f32
      %broadcast_in_dim3A_62 = vector.broadcast %broadcast_in_dim3A_61 : f32 to vector<16xf32>
      %swap3A_63 = arith.index_cast %scan3A_41 : i32 to index
      %swap3A_64 = arith.constant 48 : index
      %swap3A_65 = tpu.vector_load %arg10[%swap3A_63, %swap3A_64] {strides = array<i32>} : memref<16x128xf32, #tpu.memory_space<vmem>>, vector<1x16xf32>,
      %swap3A_66 = vector.shape_cast %swap3A_65 : vector<1x16xf32> to vector<16xf32>
      %swap3A_67 = vector.shape_cast %broadcast_in_dim3A_62 : vector<16xf32> to vector<1x16xf32>
      tpu.vector_store %arg10[%swap3A_63, %swap3A_64], %swap3A_67 {strides = array<i32>} : memref<16x128xf32, #tpu.memory_space<vmem>>, vector<1x16xf32>,
      %broadcast_in_dim3A_68 = arith.constant 0.000000e+00 : f32
      %broadcast_in_dim3A_69 = vector.broadcast %broadcast_in_dim3A_68 : f32 to vector<16xf32>
      %swap3A_70 = arith.index_cast %scan3A_41 : i32 to index
      %swap3A_71 = arith.constant 64 : index
      %swap3A_72 = tpu.vector_load %arg10[%swap3A_70, %swap3A_71] {strides = array<i32>} : memref<16x128xf32, #tpu.memory_space<vmem>>, vector<1x16xf32>,
      %swap3A_73 = vector.shape_cast %swap3A_72 : vector<1x16xf32> to vector<16xf32>
      %swap3A_74 = vector.shape_cast %broadcast_in_dim3A_69 : vector<16xf32> to vector<1x16xf32>
      tpu.vector_store %arg10[%swap3A_70, %swap3A_71], %swap3A_74 {strides = array<i32>} : memref<16x128xf32, #tpu.memory_space<vmem>>, vector<1x16xf32>,
      %broadcast_in_dim3A_75 = arith.constant 0.000000e+00 : f32
      %broadcast_in_dim3A_76 = vector.broadcast %broadcast_in_dim3A_75 : f32 to vector<16xf32>
      %swap3A_77 = arith.index_cast %scan3A_41 : i32 to index
      %swap3A_78 = arith.constant 80 : index
      %swap3A_79 = tpu.vector_load %arg10[%swap3A_77, %swap3A_78] {strides = array<i32>} : memref<16x128xf32, #tpu.memory_space<vmem>>, vector<1x16xf32>,
      %swap3A_80 = vector.shape_cast %swap3A_79 : vector<1x16xf32> to vector<16xf32>
      %swap3A_81 = vector.shape_cast %broadcast_in_dim3A_76 : vector<16xf32> to vector<1x16xf32>
      tpu.vector_store %arg10[%swap3A_77, %swap3A_78], %swap3A_81 {strides = array<i32>} : memref<16x128xf32, #tpu.memory_space<vmem>>, vector<1x16xf32>,
      %broadcast_in_dim3A_82 = arith.constant 0.000000e+00 : f32
      %broadcast_in_dim3A_83 = vector.broadcast %broadcast_in_dim3A_82 : f32 to vector<16xf32>
      %swap3A_84 = arith.index_cast %scan3A_41 : i32 to index
      %swap3A_85 = arith.constant 96 : index
      %swap3A_86 = tpu.vector_load %arg10[%swap3A_84, %swap3A_85] {strides = array<i32>} : memref<16x128xf32, #tpu.memory_space<vmem>>, vector<1x16xf32>,
      %swap3A_87 = vector.shape_cast %swap3A_86 : vector<1x16xf32> to vector<16xf32>
      %swap3A_88 = vector.shape_cast %broadcast_in_dim3A_83 : vector<16xf32> to vector<1x16xf32>
      tpu.vector_store %arg10[%swap3A_84, %swap3A_85], %swap3A_88 {strides = array<i32>} : memref<16x128xf32, #tpu.memory_space<vmem>>, vector<1x16xf32>,
      %broadcast_in_dim3A_89 = arith.constant 0.000000e+00 : f32
      %broadcast_in_dim3A_90 = vector.broadcast %broadcast_in_dim3A_89 : f32 to vector<16xf32>
      %swap3A_91 = arith.index_cast %scan3A_41 : i32 to index
      %swap3A_92 = arith.constant 112 : index
      %swap3A_93 = tpu.vector_load %arg10[%swap3A_91, %swap3A_92] {strides = array<i32>} : memref<16x128xf32, #tpu.memory_space<vmem>>, vector<1x16xf32>,
      %swap3A_94 = vector.shape_cast %swap3A_93 : vector<1x16xf32> to vector<16xf32>
      %swap3A_95 = vector.shape_cast %broadcast_in_dim3A_90 : vector<16xf32> to vector<1x16xf32>
      tpu.vector_store %arg10[%swap3A_91, %swap3A_92], %swap3A_95 {strides = array<i32>} : memref<16x128xf32, #tpu.memory_space<vmem>>, vector<1x16xf32>,
    }
    %scan3A_5 = arith.constant 16 : i32
    %scan3A_6 = arith.constant 0 : i32
    %scan3A_7 = arith.constant 0 : i32
    %scan3A_8 = arith.constant 5 : i32
    %scan3A_9 = arith.addi %scan3A_7, %scan3A_8 : i32
    %scan3A_10 = arith.constant 1 : i32
    scf.for %scan3A_41 = %scan3A_7 to %scan3A_9 step %scan3A_10  : i32 {
      %mul3A_42 = arith.constant 640 : i32
      %mul3A_43 = arith.muli %arg1, %mul3A_42 : i32
      %mul3A_44 = arith.constant 8 : i32
      %mul3A_45 = arith.muli %scan3A_41, %mul3A_44 : i32
      %add3A_46 = arith.constant 0 : i32
      %add3A_47 = arith.addi %mul3A_45, %add3A_46 : i32
      %mul3A_48 = arith.constant 16 : i32
      %mul3A_49 = arith.muli %add3A_47, %mul3A_48 : i32
      %add3A_50 = arith.addi %mul3A_43, %mul3A_49 : i32
      %dma_start3A_51 = arith.constant 0 : i32
      %dma_start3A_52 = tpu.memref_slice %arg11[%add3A_50, %dma_start3A_51] : memref<10240x128xf32, #tpu.memory_space<vmem_shared>> -> memref<16x128xf32, #tpu.memory_space<vmem_shared>>
      %dma_start3A_53 = arith.constant 0 : i32
      %dma_start3A_54 = tpu.memref_slice %arg11[%add3A_50, %dma_start3A_53] : memref<10240x128xf32, #tpu.memory_space<vmem_shared>> -> memref<16x128xf32, #tpu.memory_space<vmem_shared>>
      tpu.enqueue_dma source(%arg10 : memref<16x128xf32, #tpu.memory_space<vmem>>) target(%dma_start3A_54 : memref<16x128xf32, #tpu.memory_space<vmem_shared>>) target_semaphore(%arg12 : memref<!tpu.dma_semaphore, #tpu.memory_space<semaphore_mem>>)
      %mul3A_55 = arith.constant 640 : i32
      %mul3A_56 = arith.muli %arg1, %mul3A_55 : i32
      %mul3A_57 = arith.constant 8 : i32
      %mul3A_58 = arith.muli %scan3A_41, %mul3A_57 : i32
      %add3A_59 = arith.constant 1 : i32
      %add3A_60 = arith.addi %mul3A_58, %add3A_59 : i32
      %mul3A_61 = arith.constant 16 : i32
      %mul3A_62 = arith.muli %add3A_60, %mul3A_61 : i32
      %add3A_63 = arith.addi %mul3A_56, %mul3A_62 : i32
      %dma_start3A_64 = arith.constant 0 : i32
      %dma_start3A_65 = tpu.memref_slice %arg11[%add3A_63, %dma_start3A_64] : memref<10240x128xf32, #tpu.memory_space<vmem_shared>> -> memref<16x128xf32, #tpu.memory_space<vmem_shared>>
      %dma_start3A_66 = arith.constant 0 : i32
      %dma_start3A_67 = tpu.memref_slice %arg11[%add3A_63, %dma_start3A_66] : memref<10240x128xf32, #tpu.memory_space<vmem_shared>> -> memref<16x128xf32, #tpu.memory_space<vmem_shared>>
      tpu.enqueue_dma source(%arg10 : memref<16x128xf32, #tpu.memory_space<vmem>>) target(%dma_start3A_67 : memref<16x128xf32, #tpu.memory_space<vmem_shared>>) target_semaphore(%arg12 : memref<!tpu.dma_semaphore, #tpu.memory_space<semaphore_mem>>)
      %mul3A_68 = arith.constant 640 : i32
      %mul3A_69 = arith.muli %arg1, %mul3A_68 : i32
      %mul3A_70 = arith.constant 8 : i32
      %mul3A_71 = arith.muli %scan3A_41, %mul3A_70 : i32
      %add3A_72 = arith.constant 2 : i32
      %add3A_73 = arith.addi %mul3A_71, %add3A_72 : i32
      %mul3A_74 = arith.constant 16 : i32
      %mul3A_75 = arith.muli %add3A_73, %mul3A_74 : i32
      %add3A_76 = arith.addi %mul3A_69, %mul3A_75 : i32
      %dma_start3A_77 = arith.constant 0 : i32
      %dma_start3A_78 = tpu.memref_slice %arg11[%add3A_76, %dma_start3A_77] : memref<10240x128xf32, #tpu.memory_space<vmem_shared>> -> memref<16x128xf32, #tpu.memory_space<vmem_shared>>
      %dma_start3A_79 = arith.constant 0 : i32
      %dma_start3A_80 = tpu.memref_slice %arg11[%add3A_76, %dma_start3A_79] : memref<10240x128xf32, #tpu.memory_space<vmem_shared>> -> memref<16x128xf32, #tpu.memory_space<vmem_shared>>
      tpu.enqueue_dma source(%arg10 : memref<16x128xf32, #tpu.memory_space<vmem>>) target(%dma_start3A_80 : memref<16x128xf32, #tpu.memory_space<vmem_shared>>) target_semaphore(%arg12 : memref<!tpu.dma_semaphore, #tpu.memory_space<semaphore_mem>>)
      %mul3A_81 = arith.constant 640 : i32
      %mul3A_82 = arith.muli %arg1, %mul3A_81 : i32
      %mul3A_83 = arith.constant 8 : i32
      %mul3A_84 = arith.muli %scan3A_41, %mul3A_83 : i32
      %add3A_85 = arith.constant 3 : i32
      %add3A_86 = arith.addi %mul3A_84, %add3A_85 : i32
      %mul3A_87 = arith.constant 16 : i32
      %mul3A_88 = arith.muli %add3A_86, %mul3A_87 : i32
      %add3A_89 = arith.addi %mul3A_82, %mul3A_88 : i32
      %dma_start3A_90 = arith.constant 0 : i32
      %dma_start3A_91 = tpu.memref_slice %arg11[%add3A_89, %dma_start3A_90] : memref<10240x128xf32, #tpu.memory_space<vmem_shared>> -> memref<16x128xf32, #tpu.memory_space<vmem_shared>>
      %dma_start3A_92 = arith.constant 0 : i32
      %dma_start3A_93 = tpu.memref_slice %arg11[%add3A_89, %dma_start3A_92] : memref<10240x128xf32, #tpu.memory_space<vmem_shared>> -> memref<16x128xf32, #tpu.memory_space<vmem_shared>>
      tpu.enqueue_dma source(%arg10 : memref<16x128xf32, #tpu.memory_space<vmem>>) target(%dma_start3A_93 : memref<16x128xf32, #tpu.memory_space<vmem_shared>>) target_semaphore(%arg12 : memref<!tpu.dma_semaphore, #tpu.memory_space<semaphore_mem>>)
      %mul3A_94 = arith.constant 640 : i32
      %mul3A_95 = arith.muli %arg1, %mul3A_94 : i32
      %mul3A_96 = arith.constant 8 : i32
      %mul3A_97 = arith.muli %scan3A_41, %mul3A_96 : i32
      %add3A_98 = arith.constant 4 : i32
      %add3A_99 = arith.addi %mul3A_97, %add3A_98 : i32
      %mul3A_100 = arith.constant 16 : i32
      %mul3A_101 = arith.muli %add3A_99, %mul3A_100 : i32
      %add3A_102 = arith.addi %mul3A_95, %mul3A_101 : i32
      %dma_start3A_103 = arith.constant 0 : i32
      %dma_start3A_104 = tpu.memref_slice %arg11[%add3A_102, %dma_start3A_103] : memref<10240x128xf32, #tpu.memory_space<vmem_shared>> -> memref<16x128xf32, #tpu.memory_space<vmem_shared>>
      %dma_start3A_105 = arith.constant 0 : i32
      %dma_start3A_106 = tpu.memref_slice %arg11[%add3A_102, %dma_start3A_105] : memref<10240x128xf32, #tpu.memory_space<vmem_shared>> -> memref<16x128xf32, #tpu.memory_space<vmem_shared>>
      tpu.enqueue_dma source(%arg10 : memref<16x128xf32, #tpu.memory_space<vmem>>) target(%dma_start3A_106 : memref<16x128xf32, #tpu.memory_space<vmem_shared>>) target_semaphore(%arg12 : memref<!tpu.dma_semaphore, #tpu.memory_space<semaphore_mem>>)
      %mul3A_107 = arith.constant 640 : i32
      %mul3A_108 = arith.muli %arg1, %mul3A_107 : i32
      %mul3A_109 = arith.constant 8 : i32
      %mul3A_110 = arith.muli %scan3A_41, %mul3A_109 : i32
      %add3A_111 = arith.constant 5 : i32
      %add3A_112 = arith.addi %mul3A_110, %add3A_111 : i32
      %mul3A_113 = arith.constant 16 : i32
      %mul3A_114 = arith.muli %add3A_112, %mul3A_113 : i32
      %add3A_115 = arith.addi %mul3A_108, %mul3A_114 : i32
      %dma_start3A_116 = arith.constant 0 : i32
      %dma_start3A_117 = tpu.memref_slice %arg11[%add3A_115, %dma_start3A_116] : memref<10240x128xf32, #tpu.memory_space<vmem_shared>> -> memref<16x128xf32, #tpu.memory_space<vmem_shared>>
      %dma_start3A_118 = arith.constant 0 : i32
      %dma_start3A_119 = tpu.memref_slice %arg11[%add3A_115, %dma_start3A_118] : memref<10240x128xf32, #tpu.memory_space<vmem_shared>> -> memref<16x128xf32, #tpu.memory_space<vmem_shared>>
      tpu.enqueue_dma source(%arg10 : memref<16x128xf32, #tpu.memory_space<vmem>>) target(%dma_start3A_119 : memref<16x128xf32, #tpu.memory_space<vmem_shared>>) target_semaphore(%arg12 : memref<!tpu.dma_semaphore, #tpu.memory_space<semaphore_mem>>)
      %mul3A_120 = arith.constant 640 : i32
      %mul3A_121 = arith.muli %arg1, %mul3A_120 : i32
      %mul3A_122 = arith.constant 8 : i32
      %mul3A_123 = arith.muli %scan3A_41, %mul3A_122 : i32
      %add3A_124 = arith.constant 6 : i32
      %add3A_125 = arith.addi %mul3A_123, %add3A_124 : i32
      %mul3A_126 = arith.constant 16 : i32
      %mul3A_127 = arith.muli %add3A_125, %mul3A_126 : i32
      %add3A_128 = arith.addi %mul3A_121, %mul3A_127 : i32
      %dma_start3A_129 = arith.constant 0 : i32
      %dma_start3A_130 = tpu.memref_slice %arg11[%add3A_128, %dma_start3A_129] : memref<10240x128xf32, #tpu.memory_space<vmem_shared>> -> memref<16x128xf32, #tpu.memory_space<vmem_shared>>
      %dma_start3A_131 = arith.constant 0 : i32
      %dma_start3A_132 = tpu.memref_slice %arg11[%add3A_128, %dma_start3A_131] : memref<10240x128xf32, #tpu.memory_space<vmem_shared>> -> memref<16x128xf32, #tpu.memory_space<vmem_shared>>
      tpu.enqueue_dma source(%arg10 : memref<16x128xf32, #tpu.memory_space<vmem>>) target(%dma_start3A_132 : memref<16x128xf32, #tpu.memory_space<vmem_shared>>) target_semaphore(%arg12 : memref<!tpu.dma_semaphore, #tpu.memory_space<semaphore_mem>>)
      %mul3A_133 = arith.constant 640 : i32
      %mul3A_134 = arith.muli %arg1, %mul3A_133 : i32
      %mul3A_135 = arith.constant 8 : i32
      %mul3A_136 = arith.muli %scan3A_41, %mul3A_135 : i32
      %add3A_137 = arith.constant 7 : i32
      %add3A_138 = arith.addi %mul3A_136, %add3A_137 : i32
      %mul3A_139 = arith.constant 16 : i32
      %mul3A_140 = arith.muli %add3A_138, %mul3A_139 : i32
      %add3A_141 = arith.addi %mul3A_134, %mul3A_140 : i32
      %dma_start3A_142 = arith.constant 0 : i32
      %dma_start3A_143 = tpu.memref_slice %arg11[%add3A_141, %dma_start3A_142] : memref<10240x128xf32, #tpu.memory_space<vmem_shared>> -> memref<16x128xf32, #tpu.memory_space<vmem_shared>>
      %dma_start3A_144 = arith.constant 0 : i32
      %dma_start3A_145 = tpu.memref_slice %arg11[%add3A_141, %dma_start3A_144] : memref<10240x128xf32, #tpu.memory_space<vmem_shared>> -> memref<16x128xf32, #tpu.memory_space<vmem_shared>>
      tpu.enqueue_dma source(%arg10 : memref<16x128xf32, #tpu.memory_space<vmem>>) target(%dma_start3A_145 : memref<16x128xf32, #tpu.memory_space<vmem_shared>>) target_semaphore(%arg12 : memref<!tpu.dma_semaphore, #tpu.memory_space<semaphore_mem>>)
      %mul3A_146 = arith.constant 640 : i32
      %mul3A_147 = arith.muli %arg1, %mul3A_146 : i32
      %dma_wait3A_148 = arith.constant 0 : i32
      %dma_wait3A_149 = tpu.memref_slice %arg11[%mul3A_147, %dma_wait3A_148] : memref<10240x128xf32, #tpu.memory_space<vmem_shared>> -> memref<16x128xf32, #tpu.memory_space<vmem_shared>>
      %dma_wait3A_150 = arith.constant 0 : i32
      %dma_wait3A_151 = tpu.memref_slice %arg11[%mul3A_147, %dma_wait3A_150] : memref<10240x128xf32, #tpu.memory_space<vmem_shared>> -> memref<16x128xf32, #tpu.memory_space<vmem_shared>>
      tpu.wait_dma2 semaphore(%arg12 : memref<!tpu.dma_semaphore, #tpu.memory_space<semaphore_mem>>) src(%arg10 : memref<16x128xf32, #tpu.memory_space<vmem>>) dst(%dma_wait3A_151 : memref<16x128xf32, #tpu.memory_space<vmem_shared>>)
      %mul3A_152 = arith.constant 640 : i32
      %mul3A_153 = arith.muli %arg1, %mul3A_152 : i32
      %dma_wait3A_154 = arith.constant 0 : i32
      %dma_wait3A_155 = tpu.memref_slice %arg11[%mul3A_153, %dma_wait3A_154] : memref<10240x128xf32, #tpu.memory_space<vmem_shared>> -> memref<16x128xf32, #tpu.memory_space<vmem_shared>>
      %dma_wait3A_156 = arith.constant 0 : i32
      %dma_wait3A_157 = tpu.memref_slice %arg11[%mul3A_153, %dma_wait3A_156] : memref<10240x128xf32, #tpu.memory_space<vmem_shared>> -> memref<16x128xf32, #tpu.memory_space<vmem_shared>>
      tpu.wait_dma2 semaphore(%arg12 : memref<!tpu.dma_semaphore, #tpu.memory_space<semaphore_mem>>) src(%arg10 : memref<16x128xf32, #tpu.memory_space<vmem>>) dst(%dma_wait3A_157 : memref<16x128xf32, #tpu.memory_space<vmem_shared>>)
      %mul3A_158 = arith.constant 640 : i32
      %mul3A_159 = arith.muli %arg1, %mul3A_158 : i32
      %dma_wait3A_160 = arith.constant 0 : i32
      %dma_wait3A_161 = tpu.memref_slice %arg11[%mul3A_159, %dma_wait3A_160] : memref<10240x128xf32, #tpu.memory_space<vmem_shared>> -> memref<16x128xf32, #tpu.memory_space<vmem_shared>>
      %dma_wait3A_162 = arith.constant 0 : i32
      %dma_wait3A_163 = tpu.memref_slice %arg11[%mul3A_159, %dma_wait3A_162] : memref<10240x128xf32, #tpu.memory_space<vmem_shared>> -> memref<16x128xf32, #tpu.memory_space<vmem_shared>>
      tpu.wait_dma2 semaphore(%arg12 : memref<!tpu.dma_semaphore, #tpu.memory_space<semaphore_mem>>) src(%arg10 : memref<16x128xf32, #tpu.memory_space<vmem>>) dst(%dma_wait3A_163 : memref<16x128xf32, #tpu.memory_space<vmem_shared>>)
      %mul3A_164 = arith.constant 640 : i32
      %mul3A_165 = arith.muli %arg1, %mul3A_164 : i32
      %dma_wait3A_166 = arith.constant 0 : i32
      %dma_wait3A_167 = tpu.memref_slice %arg11[%mul3A_165, %dma_wait3A_166] : memref<10240x128xf32, #tpu.memory_space<vmem_shared>> -> memref<16x128xf32, #tpu.memory_space<vmem_shared>>
      %dma_wait3A_168 = arith.constant 0 : i32
      %dma_wait3A_169 = tpu.memref_slice %arg11[%mul3A_165, %dma_wait3A_168] : memref<10240x128xf32, #tpu.memory_space<vmem_shared>> -> memref<16x128xf32, #tpu.memory_space<vmem_shared>>
      tpu.wait_dma2 semaphore(%arg12 : memref<!tpu.dma_semaphore, #tpu.memory_space<semaphore_mem>>) src(%arg10 : memref<16x128xf32, #tpu.memory_space<vmem>>) dst(%dma_wait3A_169 : memref<16x128xf32, #tpu.memory_space<vmem_shared>>)
      %mul3A_170 = arith.constant 640 : i32
      %mul3A_171 = arith.muli %arg1, %mul3A_170 : i32
      %dma_wait3A_172 = arith.constant 0 : i32
      %dma_wait3A_173 = tpu.memref_slice %arg11[%mul3A_171, %dma_wait3A_172] : memref<10240x128xf32, #tpu.memory_space<vmem_shared>> -> memref<16x128xf32, #tpu.memory_space<vmem_shared>>
      %dma_wait3A_174 = arith.constant 0 : i32
      %dma_wait3A_175 = tpu.memref_slice %arg11[%mul3A_171, %dma_wait3A_174] : memref<10240x128xf32, #tpu.memory_space<vmem_shared>> -> memref<16x128xf32, #tpu.memory_space<vmem_shared>>
      tpu.wait_dma2 semaphore(%arg12 : memref<!tpu.dma_semaphore, #tpu.memory_space<semaphore_mem>>) src(%arg10 : memref<16x128xf32, #tpu.memory_space<vmem>>) dst(%dma_wait3A_175 : memref<16x128xf32, #tpu.memory_space<vmem_shared>>)
      %mul3A_176 = arith.constant 640 : i32
      %mul3A_177 = arith.muli %arg1, %mul3A_176 : i32
      %dma_wait3A_178 = arith.constant 0 : i32
      %dma_wait3A_179 = tpu.memref_slice %arg11[%mul3A_177, %dma_wait3A_178] : memref<10240x128xf32, #tpu.memory_space<vmem_shared>> -> memref<16x128xf32, #tpu.memory_space<vmem_shared>>
      %dma_wait3A_180 = arith.constant 0 : i32
      %dma_wait3A_181 = tpu.memref_slice %arg11[%mul3A_177, %dma_wait3A_180] : memref<10240x128xf32, #tpu.memory_space<vmem_shared>> -> memref<16x128xf32, #tpu.memory_space<vmem_shared>>
      tpu.wait_dma2 semaphore(%arg12 : memref<!tpu.dma_semaphore, #tpu.memory_space<semaphore_mem>>) src(%arg10 : memref<16x128xf32, #tpu.memory_space<vmem>>) dst(%dma_wait3A_181 : memref<16x128xf32, #tpu.memory_space<vmem_shared>>)
      %mul3A_182 = arith.constant 640 : i32
      %mul3A_183 = arith.muli %arg1, %mul3A_182 : i32
      %dma_wait3A_184 = arith.constant 0 : i32
      %dma_wait3A_185 = tpu.memref_slice %arg11[%mul3A_183, %dma_wait3A_184] : memref<10240x128xf32, #tpu.memory_space<vmem_shared>> -> memref<16x128xf32, #tpu.memory_space<vmem_shared>>
      %dma_wait3A_186 = arith.constant 0 : i32
      %dma_wait3A_187 = tpu.memref_slice %arg11[%mul3A_183, %dma_wait3A_186] : memref<10240x128xf32, #tpu.memory_space<vmem_shared>> -> memref<16x128xf32, #tpu.memory_space<vmem_shared>>
      tpu.wait_dma2 semaphore(%arg12 : memref<!tpu.dma_semaphore, #tpu.memory_space<semaphore_mem>>) src(%arg10 : memref<16x128xf32, #tpu.memory_space<vmem>>) dst(%dma_wait3A_187 : memref<16x128xf32, #tpu.memory_space<vmem_shared>>)
      %mul3A_188 = arith.constant 640 : i32
      %mul3A_189 = arith.muli %arg1, %mul3A_188 : i32
      %dma_wait3A_190 = arith.constant 0 : i32
      %dma_wait3A_191 = tpu.memref_slice %arg11[%mul3A_189, %dma_wait3A_190] : memref<10240x128xf32, #tpu.memory_space<vmem_shared>> -> memref<16x128xf32, #tpu.memory_space<vmem_shared>>
      %dma_wait3A_192 = arith.constant 0 : i32
      %dma_wait3A_193 = tpu.memref_slice %arg11[%mul3A_189, %dma_wait3A_192] : memref<10240x128xf32, #tpu.memory_space<vmem_shared>> -> memref<16x128xf32, #tpu.memory_space<vmem_shared>>
      tpu.wait_dma2 semaphore(%arg12 : memref<!tpu.dma_semaphore, #tpu.memory_space<semaphore_mem>>) src(%arg10 : memref<16x128xf32, #tpu.memory_space<vmem>>) dst(%dma_wait3A_193 : memref<16x128xf32, #tpu.memory_space<vmem_shared>>)
    }
    %scan3A_11 = arith.constant 5 : i32
    %mul3A_12 = arith.constant 80 : i32
    %mul3A_13 = arith.muli %add3A, %mul3A_12 : i32
    "tpu.region"() ({
      %run_scoped3A_41 = tpu.sem_alloc : memref<!tpu.dma_semaphore, #tpu.memory_space<semaphore_mem>>
      %dma_start3A_42 = arith.constant 0 : i32
      %dma_start3A_43 = tpu.memref_slice %arg3[%mul3A_13, %dma_start3A_42] : memref<2560x128xi32, #tpu.memory_space<hbm>> -> memref<80x128xi32, #tpu.memory_space<hbm>>
      %dma_start3A_44 = arith.constant 0 : i32
      %dma_start3A_45 = tpu.memref_slice %arg3[%mul3A_13, %dma_start3A_44] : memref<2560x128xi32, #tpu.memory_space<hbm>> -> memref<80x128xi32, #tpu.memory_space<hbm>>
      tpu.enqueue_dma source(%dma_start3A_45 : memref<80x128xi32, #tpu.memory_space<hbm>>) target(%arg6 : memref<80x128xi32, #tpu.memory_space<vmem>>) target_semaphore(%run_scoped3A_41 : memref<!tpu.dma_semaphore, #tpu.memory_space<semaphore_mem>>)
      %dma_wait3A_46 = arith.constant 0 : i32
      %dma_wait3A_47 = tpu.memref_slice %arg3[%mul3A_13, %dma_wait3A_46] : memref<2560x128xi32, #tpu.memory_space<hbm>> -> memref<80x128xi32, #tpu.memory_space<hbm>>
      %dma_wait3A_48 = arith.constant 0 : i32
      %dma_wait3A_49 = tpu.memref_slice %arg3[%mul3A_13, %dma_wait3A_48] : memref<2560x128xi32, #tpu.memory_space<hbm>> -> memref<80x128xi32, #tpu.memory_space<hbm>>
      tpu.wait_dma2 semaphore(%run_scoped3A_41 : memref<!tpu.dma_semaphore, #tpu.memory_space<semaphore_mem>>) src(%dma_wait3A_49 : memref<80x128xi32, #tpu.memory_space<hbm>>) dst(%arg6 : memref<80x128xi32, #tpu.memory_space<vmem>>)
      tpu.yield
    }) : () -> ()
    %mul3A_14 = arith.constant 80 : i32
    %mul3A_15 = arith.muli %add3A, %mul3A_14 : i32
    %run_scoped3A = arith.constant 0 : i32
    "tpu.region"() ({
      %run_scoped3A_41 = tpu.sem_alloc : memref<!tpu.dma_semaphore, #tpu.memory_space<semaphore_mem>>
      %dma_start3A_42 = arith.constant 0 : i32
      %dma_start3A_43 = arith.constant 0 : i32
      %dma_start3A_44 = tpu.memref_slice %arg7[%run_scoped3A, %dma_start3A_42, %dma_start3A_43] : memref<2x8x128xi32, #tpu.memory_space<vmem>> -> memref<1x8x128xi32, #tpu.memory_space<vmem>>
      %dma_start3A_45 = tpu.memref_squeeze %dma_start3A_44 : memref<1x8x128xi32, #tpu.memory_space<vmem>> -> memref<8x128xi32, #tpu.memory_space<vmem>>
      %dma_start3A_46 = arith.constant 0 : i32
      %dma_start3A_47 = tpu.memref_slice %arg4[%mul3A_15, %dma_start3A_46] : memref<2560x128xi32, #tpu.memory_space<hbm>> -> memref<8x128xi32, #tpu.memory_space<hbm>>
      %dma_start3A_48 = arith.constant 0 : i32
      %dma_start3A_49 = arith.constant 0 : i32
      %dma_start3A_50 = tpu.memref_slice %arg7[%run_scoped3A, %dma_start3A_48, %dma_start3A_49] : memref<2x8x128xi32, #tpu.memory_space<vmem>> -> memref<1x8x128xi32, #tpu.memory_space<vmem>>
      %dma_start3A_51 = tpu.memref_squeeze %dma_start3A_50 : memref<1x8x128xi32, #tpu.memory_space<vmem>> -> memref<8x128xi32, #tpu.memory_space<vmem>>
      %dma_start3A_52 = arith.constant 0 : i32
      %dma_start3A_53 = tpu.memref_slice %arg4[%mul3A_15, %dma_start3A_52] : memref<2560x128xi32, #tpu.memory_space<hbm>> -> memref<8x128xi32, #tpu.memory_space<hbm>>
      tpu.enqueue_dma source(%dma_start3A_53 : memref<8x128xi32, #tpu.memory_space<hbm>>) target(%dma_start3A_51 : memref<8x128xi32, #tpu.memory_space<vmem>>) target_semaphore(%run_scoped3A_41 : memref<!tpu.dma_semaphore, #tpu.memory_space<semaphore_mem>>)
      %dma_wait3A_54 = arith.constant 0 : i32
      %dma_wait3A_55 = arith.constant 0 : i32
      %dma_wait3A_56 = tpu.memref_slice %arg7[%run_scoped3A, %dma_wait3A_54, %dma_wait3A_55] : memref<2x8x128xi32, #tpu.memory_space<vmem>> -> memref<1x8x128xi32, #tpu.memory_space<vmem>>
      %dma_wait3A_57 = tpu.memref_squeeze %dma_wait3A_56 : memref<1x8x128xi32, #tpu.memory_space<vmem>> -> memref<8x128xi32, #tpu.memory_space<vmem>>
      %dma_wait3A_58 = arith.constant 0 : i32
      %dma_wait3A_59 = tpu.memref_slice %arg4[%mul3A_15, %dma_wait3A_58] : memref<2560x128xi32, #tpu.memory_space<hbm>> -> memref<8x128xi32, #tpu.memory_space<hbm>>
      %dma_wait3A_60 = arith.constant 0 : i32
      %dma_wait3A_61 = arith.constant 0 : i32
      %dma_wait3A_62 = tpu.memref_slice %arg7[%run_scoped3A, %dma_wait3A_60, %dma_wait3A_61] : memref<2x8x128xi32, #tpu.memory_space<vmem>> -> memref<1x8x128xi32, #tpu.memory_space<vmem>>
      %dma_wait3A_63 = tpu.memref_squeeze %dma_wait3A_62 : memref<1x8x128xi32, #tpu.memory_space<vmem>> -> memref<8x128xi32, #tpu.memory_space<vmem>>
      %dma_wait3A_64 = arith.constant 0 : i32
      %dma_wait3A_65 = tpu.memref_slice %arg4[%mul3A_15, %dma_wait3A_64] : memref<2560x128xi32, #tpu.memory_space<hbm>> -> memref<8x128xi32, #tpu.memory_space<hbm>>
      tpu.wait_dma2 semaphore(%run_scoped3A_41 : memref<!tpu.dma_semaphore, #tpu.memory_space<semaphore_mem>>) src(%dma_wait3A_65 : memref<8x128xi32, #tpu.memory_space<hbm>>) dst(%dma_wait3A_63 : memref<8x128xi32, #tpu.memory_space<vmem>>)
      tpu.yield
    }) : () -> ()
    %dma_start3A = arith.constant 0 : i32
    %dma_start3A_16 = arith.constant 0 : i32
    %dma_start3A_17 = tpu.memref_slice %arg6[%dma_start3A, %dma_start3A_16] : memref<80x128xi32, #tpu.memory_space<vmem>> -> memref<1x128xi32, #tpu.memory_space<vmem>>
    %dma_start3A_18 = tpu.memref_squeeze %dma_start3A_17 : memref<1x128xi32, #tpu.memory_space<vmem>> -> memref<128xi32, #tpu.memory_space<vmem>>
    %dma_start3A_19 = arith.constant 0 : i32
    %dma_start3A_20 = arith.constant 0 : i32
    %dma_start3A_21 = tpu.memref_slice %arg2[%dma_start3A_19, %dma_start3A_20] : memref<10240x128xf32, #tpu.memory_space<hbm>> -> memref<10240x128xf32, #tpu.memory_space<hbm>>
    tpu.enqueue_indirect_dma source(%dma_start3A_21 : memref<10240x128xf32, #tpu.memory_space<hbm>>) target(%arg8 : memref<128x128xf32, #tpu.memory_space<vmem>>) offsets(%dma_start3A_18 : memref<128xi32, #tpu.memory_space<vmem>>) semaphore(%arg12 : memref<!tpu.dma_semaphore, #tpu.memory_space<semaphore_mem>>)
    %barrier3A = arith.constant 0 : index
    tpu.barrier barrier_id(%barrier3A)
    %scan3A_22 = arith.constant 0 : i32
    %scan3A_23 = arith.constant 0 : i32
    %scan3A_24 = arith.constant 10 : i32
    %scan3A_25 = arith.addi %scan3A_23, %scan3A_24 : i32
    %scan3A_26 = arith.constant 1 : i32
    scf.for %scan3A_41 = %scan3A_23 to %scan3A_25 step %scan3A_26  : i32 {
      %rem3A = arith.constant 2 : i32
      %rem3A_42 = arith.remsi %scan3A_41, %rem3A : i32
      %add3A_43 = arith.constant 1 : i32
      %add3A_44 = arith.addi %scan3A_41, %add3A_43 : i32
      %rem3A_45 = arith.constant 2 : i32
      %rem3A_46 = arith.remsi %add3A_44, %rem3A_45 : i32
      %add3A_47 = arith.constant 1 : i32
      %add3A_48 = arith.addi %scan3A_41, %add3A_47 : i32
      %min3A = arith.constant 9 : i32
      %min3A_49 = arith.minsi %add3A_48, %min3A : i32
      %mul3A_50 = arith.constant 80 : i32
      %mul3A_51 = arith.muli %add3A, %mul3A_50 : i32
      %mul3A_52 = arith.constant 8 : i32
      %mul3A_53 = arith.muli %min3A_49, %mul3A_52 : i32
      %add3A_54 = arith.addi %mul3A_51, %mul3A_53 : i32
      %dma_start3A_55 = arith.constant 0 : i32
      %dma_start3A_56 = arith.constant 0 : i32
      %dma_start3A_57 = tpu.memref_slice %arg7[%rem3A_46, %dma_start3A_55, %dma_start3A_56] : memref<2x8x128xi32, #tpu.memory_space<vmem>> -> memref<1x8x128xi32, #tpu.memory_space<vmem>>
      %dma_start3A_58 = tpu.memref_squeeze %dma_start3A_57 : memref<1x8x128xi32, #tpu.memory_space<vmem>> -> memref<8x128xi32, #tpu.memory_space<vmem>>
      %dma_start3A_59 = arith.constant 0 : i32
      %dma_start3A_60 = tpu.memref_slice %arg4[%add3A_54, %dma_start3A_59] : memref<2560x128xi32, #tpu.memory_space<hbm>> -> memref<8x128xi32, #tpu.memory_space<hbm>>
      %dma_start3A_61 = arith.constant 0 : i32
      %dma_start3A_62 = arith.constant 0 : i32
      %dma_start3A_63 = tpu.memref_slice %arg7[%rem3A_46, %dma_start3A_61, %dma_start3A_62] : memref<2x8x128xi32, #tpu.memory_space<vmem>> -> memref<1x8x128xi32, #tpu.memory_space<vmem>>
      %dma_start3A_64 = tpu.memref_squeeze %dma_start3A_63 : memref<1x8x128xi32, #tpu.memory_space<vmem>> -> memref<8x128xi32, #tpu.memory_space<vmem>>
      %dma_start3A_65 = arith.constant 0 : i32
      %dma_start3A_66 = tpu.memref_slice %arg4[%add3A_54, %dma_start3A_65] : memref<2560x128xi32, #tpu.memory_space<hbm>> -> memref<8x128xi32, #tpu.memory_space<hbm>>
      tpu.enqueue_dma source(%dma_start3A_66 : memref<8x128xi32, #tpu.memory_space<hbm>>) target(%dma_start3A_64 : memref<8x128xi32, #tpu.memory_space<vmem>>) target_semaphore(%arg14 : memref<!tpu.dma_semaphore, #tpu.memory_space<semaphore_mem>>)
      %mul3A_67 = arith.constant 8 : i32
      %mul3A_68 = arith.muli %scan3A_41, %mul3A_67 : i32
      %add3A_69 = arith.constant 0 : i32
      %add3A_70 = arith.addi %mul3A_68, %add3A_69 : i32
      %add3A_71 = arith.constant 1 : i32
      %add3A_72 = arith.addi %add3A_70, %add3A_71 : i32
      %dma_start3A_73 = arith.constant 0 : i32
      %dma_start3A_74 = tpu.memref_slice %arg6[%add3A_72, %dma_start3A_73] : memref<80x128xi32, #tpu.memory_space<vmem>> -> memref<1x128xi32, #tpu.memory_space<vmem>>
      %dma_start3A_75 = tpu.memref_squeeze %dma_start3A_74 : memref<1x128xi32, #tpu.memory_space<vmem>> -> memref<128xi32, #tpu.memory_space<vmem>>
      %dma_start3A_76 = arith.constant 0 : i32
      %dma_start3A_77 = arith.constant 0 : i32
      %dma_start3A_78 = tpu.memref_slice %arg2[%dma_start3A_76, %dma_start3A_77] : memref<10240x128xf32, #tpu.memory_space<hbm>> -> memref<10240x128xf32, #tpu.memory_space<hbm>>
      tpu.enqueue_indirect_dma source(%dma_start3A_78 : memref<10240x128xf32, #tpu.memory_space<hbm>>) target(%arg9 : memref<128x128xf32, #tpu.memory_space<vmem>>) offsets(%dma_start3A_75 : memref<128xi32, #tpu.memory_space<vmem>>) semaphore(%arg13 : memref<!tpu.dma_semaphore, #tpu.memory_space<semaphore_mem>>)
      %dma_wait3A_79 = arith.constant 0 : i32
      %dma_wait3A_80 = arith.constant 0 : i32
      %dma_wait3A_81 = tpu.memref_slice %arg2[%dma_wait3A_79, %dma_wait3A_80] : memref<10240x128xf32, #tpu.memory_space<hbm>> -> memref<128x128xf32, #tpu.memory_space<hbm>>
      %dma_wait3A_82 = arith.constant 0 : i32
      %dma_wait3A_83 = arith.constant 0 : i32
      %dma_wait3A_84 = tpu.memref_slice %arg2[%dma_wait3A_82, %dma_wait3A_83] : memref<10240x128xf32, #tpu.memory_space<hbm>> -> memref<128x128xf32, #tpu.memory_space<hbm>>
      tpu.wait_dma2 semaphore(%arg12 : memref<!tpu.dma_semaphore, #tpu.memory_space<semaphore_mem>>) src(%dma_wait3A_84 : memref<128x128xf32, #tpu.memory_space<hbm>>) dst(%arg8 : memref<128x128xf32, #tpu.memory_space<vmem>>)
      %run_scoped3A_85 = arith.constant 0 : i32
      "tpu.region"() ({
        %run_scoped3A_225 = tpu.sem_alloc : memref<!tpu.dma_semaphore, #tpu.memory_space<semaphore_mem>>
        %dma_start3A_226 = arith.constant 0 : i32
        %dma_start3A_227 = tpu.memref_slice %arg7[%rem3A_42, %run_scoped3A_85, %dma_start3A_226] : memref<2x8x128xi32, #tpu.memory_space<vmem>> -> memref<1x1x128xi32, #tpu.memory_space<vmem>>
        %dma_start3A_228 = tpu.memref_squeeze %dma_start3A_227 : memref<1x1x128xi32, #tpu.memory_space<vmem>> -> memref<128xi32, #tpu.memory_space<vmem>>
        %dma_start3A_229 = arith.constant 0 : i32
        %dma_start3A_230 = arith.constant 0 : i32
        %dma_start3A_231 = tpu.memref_slice %arg11[%dma_start3A_229, %dma_start3A_230] : memref<10240x128xf32, #tpu.memory_space<vmem_shared>> -> memref<10240x128xf32, #tpu.memory_space<vmem_shared>>
        tpu.enqueue_indirect_dma source(%arg8 : memref<128x128xf32, #tpu.memory_space<vmem>>) target(%dma_start3A_231 : memref<10240x128xf32, #tpu.memory_space<vmem_shared>>) offsets(%dma_start3A_228 : memref<128xi32, #tpu.memory_space<vmem>>) semaphore(%run_scoped3A_225 : memref<!tpu.dma_semaphore, #tpu.memory_space<semaphore_mem>>) {add = true}
        %dma_wait3A_232 = arith.constant 0 : i32
        %dma_wait3A_233 = tpu.memref_slice %arg7[%rem3A_42, %run_scoped3A_85, %dma_wait3A_232] : memref<2x8x128xi32, #tpu.memory_space<vmem>> -> memref<1x1x128xi32, #tpu.memory_space<vmem>>
        %dma_wait3A_234 = tpu.memref_squeeze %dma_wait3A_233 : memref<1x1x128xi32, #tpu.memory_space<vmem>> -> memref<128xi32, #tpu.memory_space<vmem>>
        %dma_wait3A_235 = arith.constant 0 : i32
        %dma_wait3A_236 = arith.constant 0 : i32
        %dma_wait3A_237 = tpu.memref_slice %arg11[%dma_wait3A_235, %dma_wait3A_236] : memref<10240x128xf32, #tpu.memory_space<vmem_shared>> -> memref<10240x128xf32, #tpu.memory_space<vmem_shared>>
        tpu.wait_indirect_dma semaphore(%run_scoped3A_225 : memref<!tpu.dma_semaphore, #tpu.memory_space<semaphore_mem>>) src(%arg8 : memref<128x128xf32, #tpu.memory_space<vmem>>) dst(%dma_wait3A_237 : memref<10240x128xf32, #tpu.memory_space<vmem_shared>>)
        tpu.yield
      }) : () -> ()
      %add3A_86 = arith.constant 2 : i32
      %add3A_87 = arith.addi %add3A_70, %add3A_86 : i32
      %min3A_88 = arith.constant 79 : i32
      %min3A_89 = arith.minsi %add3A_87, %min3A_88 : i32
      %dma_start3A_90 = arith.constant 0 : i32
      %dma_start3A_91 = tpu.memref_slice %arg6[%min3A_89, %dma_start3A_90] : memref<80x128xi32, #tpu.memory_space<vmem>> -> memref<1x128xi32, #tpu.memory_space<vmem>>
      %dma_start3A_92 = tpu.memref_squeeze %dma_start3A_91 : memref<1x128xi32, #tpu.memory_space<vmem>> -> memref<128xi32, #tpu.memory_space<vmem>>
      %dma_start3A_93 = arith.constant 0 : i32
      %dma_start3A_94 = arith.constant 0 : i32
      %dma_start3A_95 = tpu.memref_slice %arg2[%dma_start3A_93, %dma_start3A_94] : memref<10240x128xf32, #tpu.memory_space<hbm>> -> memref<10240x128xf32, #tpu.memory_space<hbm>>
      tpu.enqueue_indirect_dma source(%dma_start3A_95 : memref<10240x128xf32, #tpu.memory_space<hbm>>) target(%arg8 : memref<128x128xf32, #tpu.memory_space<vmem>>) offsets(%dma_start3A_92 : memref<128xi32, #tpu.memory_space<vmem>>) semaphore(%arg12 : memref<!tpu.dma_semaphore, #tpu.memory_space<semaphore_mem>>)
      %dma_wait3A_96 = arith.constant 0 : i32
      %dma_wait3A_97 = arith.constant 0 : i32
      %dma_wait3A_98 = tpu.memref_slice %arg2[%dma_wait3A_96, %dma_wait3A_97] : memref<10240x128xf32, #tpu.memory_space<hbm>> -> memref<128x128xf32, #tpu.memory_space<hbm>>
      %dma_wait3A_99 = arith.constant 0 : i32
      %dma_wait3A_100 = arith.constant 0 : i32
      %dma_wait3A_101 = tpu.memref_slice %arg2[%dma_wait3A_99, %dma_wait3A_100] : memref<10240x128xf32, #tpu.memory_space<hbm>> -> memref<128x128xf32, #tpu.memory_space<hbm>>
      tpu.wait_dma2 semaphore(%arg13 : memref<!tpu.dma_semaphore, #tpu.memory_space<semaphore_mem>>) src(%dma_wait3A_101 : memref<128x128xf32, #tpu.memory_space<hbm>>) dst(%arg9 : memref<128x128xf32, #tpu.memory_space<vmem>>)
      %run_scoped3A_102 = arith.constant 1 : i32
      "tpu.region"() ({
        %run_scoped3A_225 = tpu.sem_alloc : memref<!tpu.dma_semaphore, #tpu.memory_space<semaphore_mem>>
        %dma_start3A_226 = arith.constant 0 : i32
        %dma_start3A_227 = tpu.memref_slice %arg7[%rem3A_42, %run_scoped3A_102, %dma_start3A_226] : memref<2x8x128xi32, #tpu.memory_space<vmem>> -> memref<1x1x128xi32, #tpu.memory_space<vmem>>
        %dma_start3A_228 = tpu.memref_squeeze %dma_start3A_227 : memref<1x1x128xi32, #tpu.memory_space<vmem>> -> memref<128xi32, #tpu.memory_space<vmem>>
        %dma_start3A_229 = arith.constant 0 : i32
        %dma_start3A_230 = arith.constant 0 : i32
        %dma_start3A_231 = tpu.memref_slice %arg11[%dma_start3A_229, %dma_start3A_230] : memref<10240x128xf32, #tpu.memory_space<vmem_shared>> -> memref<10240x128xf32, #tpu.memory_space<vmem_shared>>
        tpu.enqueue_indirect_dma source(%arg9 : memref<128x128xf32, #tpu.memory_space<vmem>>) target(%dma_start3A_231 : memref<10240x128xf32, #tpu.memory_space<vmem_shared>>) offsets(%dma_start3A_228 : memref<128xi32, #tpu.memory_space<vmem>>) semaphore(%run_scoped3A_225 : memref<!tpu.dma_semaphore, #tpu.memory_space<semaphore_mem>>) {add = true}
        %dma_wait3A_232 = arith.constant 0 : i32
        %dma_wait3A_233 = tpu.memref_slice %arg7[%rem3A_42, %run_scoped3A_102, %dma_wait3A_232] : memref<2x8x128xi32, #tpu.memory_space<vmem>> -> memref<1x1x128xi32, #tpu.memory_space<vmem>>
        %dma_wait3A_234 = tpu.memref_squeeze %dma_wait3A_233 : memref<1x1x128xi32, #tpu.memory_space<vmem>> -> memref<128xi32, #tpu.memory_space<vmem>>
        %dma_wait3A_235 = arith.constant 0 : i32
        %dma_wait3A_236 = arith.constant 0 : i32
        %dma_wait3A_237 = tpu.memref_slice %arg11[%dma_wait3A_235, %dma_wait3A_236] : memref<10240x128xf32, #tpu.memory_space<vmem_shared>> -> memref<10240x128xf32, #tpu.memory_space<vmem_shared>>
        tpu.wait_indirect_dma semaphore(%run_scoped3A_225 : memref<!tpu.dma_semaphore, #tpu.memory_space<semaphore_mem>>) src(%arg9 : memref<128x128xf32, #tpu.memory_space<vmem>>) dst(%dma_wait3A_237 : memref<10240x128xf32, #tpu.memory_space<vmem_shared>>)
        tpu.yield
      }) : () -> ()
      %mul3A_103 = arith.constant 8 : i32
      %mul3A_104 = arith.muli %scan3A_41, %mul3A_103 : i32
      %add3A_105 = arith.constant 2 : i32
      %add3A_106 = arith.addi %mul3A_104, %add3A_105 : i32
      %add3A_107 = arith.constant 1 : i32
      %add3A_108 = arith.addi %add3A_106, %add3A_107 : i32
      %dma_start3A_109 = arith.constant 0 : i32
      %dma_start3A_110 = tpu.memref_slice %arg6[%add3A_108, %dma_start3A_109] : memref<80x128xi32, #tpu.memory_space<vmem>> -> memref<1x128xi32, #tpu.memory_space<vmem>>
      %dma_start3A_111 = tpu.memref_squeeze %dma_start3A_110 : memref<1x128xi32, #tpu.memory_space<vmem>> -> memref<128xi32, #tpu.memory_space<vmem>>
      %dma_start3A_112 = arith.constant 0 : i32
      %dma_start3A_113 = arith.constant 0 : i32
      %dma_start3A_114 = tpu.memref_slice %arg2[%dma_start3A_112, %dma_start3A_113] : memref<10240x128xf32, #tpu.memory_space<hbm>> -> memref<10240x128xf32, #tpu.memory_space<hbm>>
      tpu.enqueue_indirect_dma source(%dma_start3A_114 : memref<10240x128xf32, #tpu.memory_space<hbm>>) target(%arg9 : memref<128x128xf32, #tpu.memory_space<vmem>>) offsets(%dma_start3A_111 : memref<128xi32, #tpu.memory_space<vmem>>) semaphore(%arg13 : memref<!tpu.dma_semaphore, #tpu.memory_space<semaphore_mem>>)
      %dma_wait3A_115 = arith.constant 0 : i32
      %dma_wait3A_116 = arith.constant 0 : i32
      %dma_wait3A_117 = tpu.memref_slice %arg2[%dma_wait3A_115, %dma_wait3A_116] : memref<10240x128xf32, #tpu.memory_space<hbm>> -> memref<128x128xf32, #tpu.memory_space<hbm>>
      %dma_wait3A_118 = arith.constant 0 : i32
      %dma_wait3A_119 = arith.constant 0 : i32
      %dma_wait3A_120 = tpu.memref_slice %arg2[%dma_wait3A_118, %dma_wait3A_119] : memref<10240x128xf32, #tpu.memory_space<hbm>> -> memref<128x128xf32, #tpu.memory_space<hbm>>
      tpu.wait_dma2 semaphore(%arg12 : memref<!tpu.dma_semaphore, #tpu.memory_space<semaphore_mem>>) src(%dma_wait3A_120 : memref<128x128xf32, #tpu.memory_space<hbm>>) dst(%arg8 : memref<128x128xf32, #tpu.memory_space<vmem>>)
      %run_scoped3A_121 = arith.constant 2 : i32
      "tpu.region"() ({
        %run_scoped3A_225 = tpu.sem_alloc : memref<!tpu.dma_semaphore, #tpu.memory_space<semaphore_mem>>
        %dma_start3A_226 = arith.constant 0 : i32
        %dma_start3A_227 = tpu.memref_slice %arg7[%rem3A_42, %run_scoped3A_121, %dma_start3A_226] : memref<2x8x128xi32, #tpu.memory_space<vmem>> -> memref<1x1x128xi32, #tpu.memory_space<vmem>>
        %dma_start3A_228 = tpu.memref_squeeze %dma_start3A_227 : memref<1x1x128xi32, #tpu.memory_space<vmem>> -> memref<128xi32, #tpu.memory_space<vmem>>
        %dma_start3A_229 = arith.constant 0 : i32
        %dma_start3A_230 = arith.constant 0 : i32
        %dma_start3A_231 = tpu.memref_slice %arg11[%dma_start3A_229, %dma_start3A_230] : memref<10240x128xf32, #tpu.memory_space<vmem_shared>> -> memref<10240x128xf32, #tpu.memory_space<vmem_shared>>
        tpu.enqueue_indirect_dma source(%arg8 : memref<128x128xf32, #tpu.memory_space<vmem>>) target(%dma_start3A_231 : memref<10240x128xf32, #tpu.memory_space<vmem_shared>>) offsets(%dma_start3A_228 : memref<128xi32, #tpu.memory_space<vmem>>) semaphore(%run_scoped3A_225 : memref<!tpu.dma_semaphore, #tpu.memory_space<semaphore_mem>>) {add = true}
        %dma_wait3A_232 = arith.constant 0 : i32
        %dma_wait3A_233 = tpu.memref_slice %arg7[%rem3A_42, %run_scoped3A_121, %dma_wait3A_232] : memref<2x8x128xi32, #tpu.memory_space<vmem>> -> memref<1x1x128xi32, #tpu.memory_space<vmem>>
        %dma_wait3A_234 = tpu.memref_squeeze %dma_wait3A_233 : memref<1x1x128xi32, #tpu.memory_space<vmem>> -> memref<128xi32, #tpu.memory_space<vmem>>
        %dma_wait3A_235 = arith.constant 0 : i32
        %dma_wait3A_236 = arith.constant 0 : i32
        %dma_wait3A_237 = tpu.memref_slice %arg11[%dma_wait3A_235, %dma_wait3A_236] : memref<10240x128xf32, #tpu.memory_space<vmem_shared>> -> memref<10240x128xf32, #tpu.memory_space<vmem_shared>>
        tpu.wait_indirect_dma semaphore(%run_scoped3A_225 : memref<!tpu.dma_semaphore, #tpu.memory_space<semaphore_mem>>) src(%arg8 : memref<128x128xf32, #tpu.memory_space<vmem>>) dst(%dma_wait3A_237 : memref<10240x128xf32, #tpu.memory_space<vmem_shared>>)
        tpu.yield
      }) : () -> ()
      %add3A_122 = arith.constant 2 : i32
      %add3A_123 = arith.addi %add3A_106, %add3A_122 : i32
      %min3A_124 = arith.constant 79 : i32
      %min3A_125 = arith.minsi %add3A_123, %min3A_124 : i32
      %dma_start3A_126 = arith.constant 0 : i32
      %dma_start3A_127 = tpu.memref_slice %arg6[%min3A_125, %dma_start3A_126] : memref<80x128xi32, #tpu.memory_space<vmem>> -> memref<1x128xi32, #tpu.memory_space<vmem>>
      %dma_start3A_128 = tpu.memref_squeeze %dma_start3A_127 : memref<1x128xi32, #tpu.memory_space<vmem>> -> memref<128xi32, #tpu.memory_space<vmem>>
      %dma_start3A_129 = arith.constant 0 : i32
      %dma_start3A_130 = arith.constant 0 : i32
      %dma_start3A_131 = tpu.memref_slice %arg2[%dma_start3A_129, %dma_start3A_130] : memref<10240x128xf32, #tpu.memory_space<hbm>> -> memref<10240x128xf32, #tpu.memory_space<hbm>>
      tpu.enqueue_indirect_dma source(%dma_start3A_131 : memref<10240x128xf32, #tpu.memory_space<hbm>>) target(%arg8 : memref<128x128xf32, #tpu.memory_space<vmem>>) offsets(%dma_start3A_128 : memref<128xi32, #tpu.memory_space<vmem>>) semaphore(%arg12 : memref<!tpu.dma_semaphore, #tpu.memory_space<semaphore_mem>>)
      %dma_wait3A_132 = arith.constant 0 : i32
      %dma_wait3A_133 = arith.constant 0 : i32
      %dma_wait3A_134 = tpu.memref_slice %arg2[%dma_wait3A_132, %dma_wait3A_133] : memref<10240x128xf32, #tpu.memory_space<hbm>> -> memref<128x128xf32, #tpu.memory_space<hbm>>
      %dma_wait3A_135 = arith.constant 0 : i32
      %dma_wait3A_136 = arith.constant 0 : i32
      %dma_wait3A_137 = tpu.memref_slice %arg2[%dma_wait3A_135, %dma_wait3A_136] : memref<10240x128xf32, #tpu.memory_space<hbm>> -> memref<128x128xf32, #tpu.memory_space<hbm>>
      tpu.wait_dma2 semaphore(%arg13 : memref<!tpu.dma_semaphore, #tpu.memory_space<semaphore_mem>>) src(%dma_wait3A_137 : memref<128x128xf32, #tpu.memory_space<hbm>>) dst(%arg9 : memref<128x128xf32, #tpu.memory_space<vmem>>)
      %run_scoped3A_138 = arith.constant 3 : i32
      "tpu.region"() ({
        %run_scoped3A_225 = tpu.sem_alloc : memref<!tpu.dma_semaphore, #tpu.memory_space<semaphore_mem>>
        %dma_start3A_226 = arith.constant 0 : i32
        %dma_start3A_227 = tpu.memref_slice %arg7[%rem3A_42, %run_scoped3A_138, %dma_start3A_226] : memref<2x8x128xi32, #tpu.memory_space<vmem>> -> memref<1x1x128xi32, #tpu.memory_space<vmem>>
        %dma_start3A_228 = tpu.memref_squeeze %dma_start3A_227 : memref<1x1x128xi32, #tpu.memory_space<vmem>> -> memref<128xi32, #tpu.memory_space<vmem>>
        %dma_start3A_229 = arith.constant 0 : i32
        %dma_start3A_230 = arith.constant 0 : i32
        %dma_start3A_231 = tpu.memref_slice %arg11[%dma_start3A_229, %dma_start3A_230] : memref<10240x128xf32, #tpu.memory_space<vmem_shared>> -> memref<10240x128xf32, #tpu.memory_space<vmem_shared>>
        tpu.enqueue_indirect_dma source(%arg9 : memref<128x128xf32, #tpu.memory_space<vmem>>) target(%dma_start3A_231 : memref<10240x128xf32, #tpu.memory_space<vmem_shared>>) offsets(%dma_start3A_228 : memref<128xi32, #tpu.memory_space<vmem>>) semaphore(%run_scoped3A_225 : memref<!tpu.dma_semaphore, #tpu.memory_space<semaphore_mem>>) {add = true}
        %dma_wait3A_232 = arith.constant 0 : i32
        %dma_wait3A_233 = tpu.memref_slice %arg7[%rem3A_42, %run_scoped3A_138, %dma_wait3A_232] : memref<2x8x128xi32, #tpu.memory_space<vmem>> -> memref<1x1x128xi32, #tpu.memory_space<vmem>>
        %dma_wait3A_234 = tpu.memref_squeeze %dma_wait3A_233 : memref<1x1x128xi32, #tpu.memory_space<vmem>> -> memref<128xi32, #tpu.memory_space<vmem>>
        %dma_wait3A_235 = arith.constant 0 : i32
        %dma_wait3A_236 = arith.constant 0 : i32
        %dma_wait3A_237 = tpu.memref_slice %arg11[%dma_wait3A_235, %dma_wait3A_236] : memref<10240x128xf32, #tpu.memory_space<vmem_shared>> -> memref<10240x128xf32, #tpu.memory_space<vmem_shared>>
        tpu.wait_indirect_dma semaphore(%run_scoped3A_225 : memref<!tpu.dma_semaphore, #tpu.memory_space<semaphore_mem>>) src(%arg9 : memref<128x128xf32, #tpu.memory_space<vmem>>) dst(%dma_wait3A_237 : memref<10240x128xf32, #tpu.memory_space<vmem_shared>>)
        tpu.yield
      }) : () -> ()
      %mul3A_139 = arith.constant 8 : i32
      %mul3A_140 = arith.muli %scan3A_41, %mul3A_139 : i32
      %add3A_141 = arith.constant 4 : i32
      %add3A_142 = arith.addi %mul3A_140, %add3A_141 : i32
      %add3A_143 = arith.constant 1 : i32
      %add3A_144 = arith.addi %add3A_142, %add3A_143 : i32
      %dma_start3A_145 = arith.constant 0 : i32
      %dma_start3A_146 = tpu.memref_slice %arg6[%add3A_144, %dma_start3A_145] : memref<80x128xi32, #tpu.memory_space<vmem>> -> memref<1x128xi32, #tpu.memory_space<vmem>>
      %dma_start3A_147 = tpu.memref_squeeze %dma_start3A_146 : memref<1x128xi32, #tpu.memory_space<vmem>> -> memref<128xi32, #tpu.memory_space<vmem>>
      %dma_start3A_148 = arith.constant 0 : i32
      %dma_start3A_149 = arith.constant 0 : i32
      %dma_start3A_150 = tpu.memref_slice %arg2[%dma_start3A_148, %dma_start3A_149] : memref<10240x128xf32, #tpu.memory_space<hbm>> -> memref<10240x128xf32, #tpu.memory_space<hbm>>
      tpu.enqueue_indirect_dma source(%dma_start3A_150 : memref<10240x128xf32, #tpu.memory_space<hbm>>) target(%arg9 : memref<128x128xf32, #tpu.memory_space<vmem>>) offsets(%dma_start3A_147 : memref<128xi32, #tpu.memory_space<vmem>>) semaphore(%arg13 : memref<!tpu.dma_semaphore, #tpu.memory_space<semaphore_mem>>)
      %dma_wait3A_151 = arith.constant 0 : i32
      %dma_wait3A_152 = arith.constant 0 : i32
      %dma_wait3A_153 = tpu.memref_slice %arg2[%dma_wait3A_151, %dma_wait3A_152] : memref<10240x128xf32, #tpu.memory_space<hbm>> -> memref<128x128xf32, #tpu.memory_space<hbm>>
      %dma_wait3A_154 = arith.constant 0 : i32
      %dma_wait3A_155 = arith.constant 0 : i32
      %dma_wait3A_156 = tpu.memref_slice %arg2[%dma_wait3A_154, %dma_wait3A_155] : memref<10240x128xf32, #tpu.memory_space<hbm>> -> memref<128x128xf32, #tpu.memory_space<hbm>>
      tpu.wait_dma2 semaphore(%arg12 : memref<!tpu.dma_semaphore, #tpu.memory_space<semaphore_mem>>) src(%dma_wait3A_156 : memref<128x128xf32, #tpu.memory_space<hbm>>) dst(%arg8 : memref<128x128xf32, #tpu.memory_space<vmem>>)
      %run_scoped3A_157 = arith.constant 4 : i32
      "tpu.region"() ({
        %run_scoped3A_225 = tpu.sem_alloc : memref<!tpu.dma_semaphore, #tpu.memory_space<semaphore_mem>>
        %dma_start3A_226 = arith.constant 0 : i32
        %dma_start3A_227 = tpu.memref_slice %arg7[%rem3A_42, %run_scoped3A_157, %dma_start3A_226] : memref<2x8x128xi32, #tpu.memory_space<vmem>> -> memref<1x1x128xi32, #tpu.memory_space<vmem>>
        %dma_start3A_228 = tpu.memref_squeeze %dma_start3A_227 : memref<1x1x128xi32, #tpu.memory_space<vmem>> -> memref<128xi32, #tpu.memory_space<vmem>>
        %dma_start3A_229 = arith.constant 0 : i32
        %dma_start3A_230 = arith.constant 0 : i32
        %dma_start3A_231 = tpu.memref_slice %arg11[%dma_start3A_229, %dma_start3A_230] : memref<10240x128xf32, #tpu.memory_space<vmem_shared>> -> memref<10240x128xf32, #tpu.memory_space<vmem_shared>>
        tpu.enqueue_indirect_dma source(%arg8 : memref<128x128xf32, #tpu.memory_space<vmem>>) target(%dma_start3A_231 : memref<10240x128xf32, #tpu.memory_space<vmem_shared>>) offsets(%dma_start3A_228 : memref<128xi32, #tpu.memory_space<vmem>>) semaphore(%run_scoped3A_225 : memref<!tpu.dma_semaphore, #tpu.memory_space<semaphore_mem>>) {add = true}
        %dma_wait3A_232 = arith.constant 0 : i32
        %dma_wait3A_233 = tpu.memref_slice %arg7[%rem3A_42, %run_scoped3A_157, %dma_wait3A_232] : memref<2x8x128xi32, #tpu.memory_space<vmem>> -> memref<1x1x128xi32, #tpu.memory_space<vmem>>
        %dma_wait3A_234 = tpu.memref_squeeze %dma_wait3A_233 : memref<1x1x128xi32, #tpu.memory_space<vmem>> -> memref<128xi32, #tpu.memory_space<vmem>>
        %dma_wait3A_235 = arith.constant 0 : i32
        %dma_wait3A_236 = arith.constant 0 : i32
        %dma_wait3A_237 = tpu.memref_slice %arg11[%dma_wait3A_235, %dma_wait3A_236] : memref<10240x128xf32, #tpu.memory_space<vmem_shared>> -> memref<10240x128xf32, #tpu.memory_space<vmem_shared>>
        tpu.wait_indirect_dma semaphore(%run_scoped3A_225 : memref<!tpu.dma_semaphore, #tpu.memory_space<semaphore_mem>>) src(%arg8 : memref<128x128xf32, #tpu.memory_space<vmem>>) dst(%dma_wait3A_237 : memref<10240x128xf32, #tpu.memory_space<vmem_shared>>)
        tpu.yield
      }) : () -> ()
      %add3A_158 = arith.constant 2 : i32
      %add3A_159 = arith.addi %add3A_142, %add3A_158 : i32
      %min3A_160 = arith.constant 79 : i32
      %min3A_161 = arith.minsi %add3A_159, %min3A_160 : i32
      %dma_start3A_162 = arith.constant 0 : i32
      %dma_start3A_163 = tpu.memref_slice %arg6[%min3A_161, %dma_start3A_162] : memref<80x128xi32, #tpu.memory_space<vmem>> -> memref<1x128xi32, #tpu.memory_space<vmem>>
      %dma_start3A_164 = tpu.memref_squeeze %dma_start3A_163 : memref<1x128xi32, #tpu.memory_space<vmem>> -> memref<128xi32, #tpu.memory_space<vmem>>
      %dma_start3A_165 = arith.constant 0 : i32
      %dma_start3A_166 = arith.constant 0 : i32
      %dma_start3A_167 = tpu.memref_slice %arg2[%dma_start3A_165, %dma_start3A_166] : memref<10240x128xf32, #tpu.memory_space<hbm>> -> memref<10240x128xf32, #tpu.memory_space<hbm>>
      tpu.enqueue_indirect_dma source(%dma_start3A_167 : memref<10240x128xf32, #tpu.memory_space<hbm>>) target(%arg8 : memref<128x128xf32, #tpu.memory_space<vmem>>) offsets(%dma_start3A_164 : memref<128xi32, #tpu.memory_space<vmem>>) semaphore(%arg12 : memref<!tpu.dma_semaphore, #tpu.memory_space<semaphore_mem>>)
      %dma_wait3A_168 = arith.constant 0 : i32
      %dma_wait3A_169 = arith.constant 0 : i32
      %dma_wait3A_170 = tpu.memref_slice %arg2[%dma_wait3A_168, %dma_wait3A_169] : memref<10240x128xf32, #tpu.memory_space<hbm>> -> memref<128x128xf32, #tpu.memory_space<hbm>>
      %dma_wait3A_171 = arith.constant 0 : i32
      %dma_wait3A_172 = arith.constant 0 : i32
      %dma_wait3A_173 = tpu.memref_slice %arg2[%dma_wait3A_171, %dma_wait3A_172] : memref<10240x128xf32, #tpu.memory_space<hbm>> -> memref<128x128xf32, #tpu.memory_space<hbm>>
      tpu.wait_dma2 semaphore(%arg13 : memref<!tpu.dma_semaphore, #tpu.memory_space<semaphore_mem>>) src(%dma_wait3A_173 : memref<128x128xf32, #tpu.memory_space<hbm>>) dst(%arg9 : memref<128x128xf32, #tpu.memory_space<vmem>>)
      %run_scoped3A_174 = arith.constant 5 : i32
      "tpu.region"() ({
        %run_scoped3A_225 = tpu.sem_alloc : memref<!tpu.dma_semaphore, #tpu.memory_space<semaphore_mem>>
        %dma_start3A_226 = arith.constant 0 : i32
        %dma_start3A_227 = tpu.memref_slice %arg7[%rem3A_42, %run_scoped3A_174, %dma_start3A_226] : memref<2x8x128xi32, #tpu.memory_space<vmem>> -> memref<1x1x128xi32, #tpu.memory_space<vmem>>
        %dma_start3A_228 = tpu.memref_squeeze %dma_start3A_227 : memref<1x1x128xi32, #tpu.memory_space<vmem>> -> memref<128xi32, #tpu.memory_space<vmem>>
        %dma_start3A_229 = arith.constant 0 : i32
        %dma_start3A_230 = arith.constant 0 : i32
        %dma_start3A_231 = tpu.memref_slice %arg11[%dma_start3A_229, %dma_start3A_230] : memref<10240x128xf32, #tpu.memory_space<vmem_shared>> -> memref<10240x128xf32, #tpu.memory_space<vmem_shared>>
        tpu.enqueue_indirect_dma source(%arg9 : memref<128x128xf32, #tpu.memory_space<vmem>>) target(%dma_start3A_231 : memref<10240x128xf32, #tpu.memory_space<vmem_shared>>) offsets(%dma_start3A_228 : memref<128xi32, #tpu.memory_space<vmem>>) semaphore(%run_scoped3A_225 : memref<!tpu.dma_semaphore, #tpu.memory_space<semaphore_mem>>) {add = true}
        %dma_wait3A_232 = arith.constant 0 : i32
        %dma_wait3A_233 = tpu.memref_slice %arg7[%rem3A_42, %run_scoped3A_174, %dma_wait3A_232] : memref<2x8x128xi32, #tpu.memory_space<vmem>> -> memref<1x1x128xi32, #tpu.memory_space<vmem>>
        %dma_wait3A_234 = tpu.memref_squeeze %dma_wait3A_233 : memref<1x1x128xi32, #tpu.memory_space<vmem>> -> memref<128xi32, #tpu.memory_space<vmem>>
        %dma_wait3A_235 = arith.constant 0 : i32
        %dma_wait3A_236 = arith.constant 0 : i32
        %dma_wait3A_237 = tpu.memref_slice %arg11[%dma_wait3A_235, %dma_wait3A_236] : memref<10240x128xf32, #tpu.memory_space<vmem_shared>> -> memref<10240x128xf32, #tpu.memory_space<vmem_shared>>
        tpu.wait_indirect_dma semaphore(%run_scoped3A_225 : memref<!tpu.dma_semaphore, #tpu.memory_space<semaphore_mem>>) src(%arg9 : memref<128x128xf32, #tpu.memory_space<vmem>>) dst(%dma_wait3A_237 : memref<10240x128xf32, #tpu.memory_space<vmem_shared>>)
        tpu.yield
      }) : () -> ()
      %mul3A_175 = arith.constant 8 : i32
      %mul3A_176 = arith.muli %scan3A_41, %mul3A_175 : i32
      %add3A_177 = arith.constant 6 : i32
      %add3A_178 = arith.addi %mul3A_176, %add3A_177 : i32
      %add3A_179 = arith.constant 1 : i32
      %add3A_180 = arith.addi %add3A_178, %add3A_179 : i32
      %dma_start3A_181 = arith.constant 0 : i32
      %dma_start3A_182 = tpu.memref_slice %arg6[%add3A_180, %dma_start3A_181] : memref<80x128xi32, #tpu.memory_space<vmem>> -> memref<1x128xi32, #tpu.memory_space<vmem>>
      %dma_start3A_183 = tpu.memref_squeeze %dma_start3A_182 : memref<1x128xi32, #tpu.memory_space<vmem>> -> memref<128xi32, #tpu.memory_space<vmem>>
      %dma_start3A_184 = arith.constant 0 : i32
      %dma_start3A_185 = arith.constant 0 : i32
      %dma_start3A_186 = tpu.memref_slice %arg2[%dma_start3A_184, %dma_start3A_185] : memref<10240x128xf32, #tpu.memory_space<hbm>> -> memref<10240x128xf32, #tpu.memory_space<hbm>>
      tpu.enqueue_indirect_dma source(%dma_start3A_186 : memref<10240x128xf32, #tpu.memory_space<hbm>>) target(%arg9 : memref<128x128xf32, #tpu.memory_space<vmem>>) offsets(%dma_start3A_183 : memref<128xi32, #tpu.memory_space<vmem>>) semaphore(%arg13 : memref<!tpu.dma_semaphore, #tpu.memory_space<semaphore_mem>>)
      %dma_wait3A_187 = arith.constant 0 : i32
      %dma_wait3A_188 = arith.constant 0 : i32
      %dma_wait3A_189 = tpu.memref_slice %arg2[%dma_wait3A_187, %dma_wait3A_188] : memref<10240x128xf32, #tpu.memory_space<hbm>> -> memref<128x128xf32, #tpu.memory_space<hbm>>
      %dma_wait3A_190 = arith.constant 0 : i32
      %dma_wait3A_191 = arith.constant 0 : i32
      %dma_wait3A_192 = tpu.memref_slice %arg2[%dma_wait3A_190, %dma_wait3A_191] : memref<10240x128xf32, #tpu.memory_space<hbm>> -> memref<128x128xf32, #tpu.memory_space<hbm>>
      tpu.wait_dma2 semaphore(%arg12 : memref<!tpu.dma_semaphore, #tpu.memory_space<semaphore_mem>>) src(%dma_wait3A_192 : memref<128x128xf32, #tpu.memory_space<hbm>>) dst(%arg8 : memref<128x128xf32, #tpu.memory_space<vmem>>)
      %run_scoped3A_193 = arith.constant 6 : i32
      "tpu.region"() ({
        %run_scoped3A_225 = tpu.sem_alloc : memref<!tpu.dma_semaphore, #tpu.memory_space<semaphore_mem>>
        %dma_start3A_226 = arith.constant 0 : i32
        %dma_start3A_227 = tpu.memref_slice %arg7[%rem3A_42, %run_scoped3A_193, %dma_start3A_226] : memref<2x8x128xi32, #tpu.memory_space<vmem>> -> memref<1x1x128xi32, #tpu.memory_space<vmem>>
        %dma_start3A_228 = tpu.memref_squeeze %dma_start3A_227 : memref<1x1x128xi32, #tpu.memory_space<vmem>> -> memref<128xi32, #tpu.memory_space<vmem>>
        %dma_start3A_229 = arith.constant 0 : i32
        %dma_start3A_230 = arith.constant 0 : i32
        %dma_start3A_231 = tpu.memref_slice %arg11[%dma_start3A_229, %dma_start3A_230] : memref<10240x128xf32, #tpu.memory_space<vmem_shared>> -> memref<10240x128xf32, #tpu.memory_space<vmem_shared>>
        tpu.enqueue_indirect_dma source(%arg8 : memref<128x128xf32, #tpu.memory_space<vmem>>) target(%dma_start3A_231 : memref<10240x128xf32, #tpu.memory_space<vmem_shared>>) offsets(%dma_start3A_228 : memref<128xi32, #tpu.memory_space<vmem>>) semaphore(%run_scoped3A_225 : memref<!tpu.dma_semaphore, #tpu.memory_space<semaphore_mem>>) {add = true}
        %dma_wait3A_232 = arith.constant 0 : i32
        %dma_wait3A_233 = tpu.memref_slice %arg7[%rem3A_42, %run_scoped3A_193, %dma_wait3A_232] : memref<2x8x128xi32, #tpu.memory_space<vmem>> -> memref<1x1x128xi32, #tpu.memory_space<vmem>>
        %dma_wait3A_234 = tpu.memref_squeeze %dma_wait3A_233 : memref<1x1x128xi32, #tpu.memory_space<vmem>> -> memref<128xi32, #tpu.memory_space<vmem>>
        %dma_wait3A_235 = arith.constant 0 : i32
        %dma_wait3A_236 = arith.constant 0 : i32
        %dma_wait3A_237 = tpu.memref_slice %arg11[%dma_wait3A_235, %dma_wait3A_236] : memref<10240x128xf32, #tpu.memory_space<vmem_shared>> -> memref<10240x128xf32, #tpu.memory_space<vmem_shared>>
        tpu.wait_indirect_dma semaphore(%run_scoped3A_225 : memref<!tpu.dma_semaphore, #tpu.memory_space<semaphore_mem>>) src(%arg8 : memref<128x128xf32, #tpu.memory_space<vmem>>) dst(%dma_wait3A_237 : memref<10240x128xf32, #tpu.memory_space<vmem_shared>>)
        tpu.yield
      }) : () -> ()
      %add3A_194 = arith.constant 2 : i32
      %add3A_195 = arith.addi %add3A_178, %add3A_194 : i32
      %min3A_196 = arith.constant 79 : i32
      %min3A_197 = arith.minsi %add3A_195, %min3A_196 : i32
      %dma_start3A_198 = arith.constant 0 : i32
      %dma_start3A_199 = tpu.memref_slice %arg6[%min3A_197, %dma_start3A_198] : memref<80x128xi32, #tpu.memory_space<vmem>> -> memref<1x128xi32, #tpu.memory_space<vmem>>
      %dma_start3A_200 = tpu.memref_squeeze %dma_start3A_199 : memref<1x128xi32, #tpu.memory_space<vmem>> -> memref<128xi32, #tpu.memory_space<vmem>>
      %dma_start3A_201 = arith.constant 0 : i32
      %dma_start3A_202 = arith.constant 0 : i32
      %dma_start3A_203 = tpu.memref_slice %arg2[%dma_start3A_201, %dma_start3A_202] : memref<10240x128xf32, #tpu.memory_space<hbm>> -> memref<10240x128xf32, #tpu.memory_space<hbm>>
      tpu.enqueue_indirect_dma source(%dma_start3A_203 : memref<10240x128xf32, #tpu.memory_space<hbm>>) target(%arg8 : memref<128x128xf32, #tpu.memory_space<vmem>>) offsets(%dma_start3A_200 : memref<128xi32, #tpu.memory_space<vmem>>) semaphore(%arg12 : memref<!tpu.dma_semaphore, #tpu.memory_space<semaphore_mem>>)
      %dma_wait3A_204 = arith.constant 0 : i32
      %dma_wait3A_205 = arith.constant 0 : i32
      %dma_wait3A_206 = tpu.memref_slice %arg2[%dma_wait3A_204, %dma_wait3A_205] : memref<10240x128xf32, #tpu.memory_space<hbm>> -> memref<128x128xf32, #tpu.memory_space<hbm>>
      %dma_wait3A_207 = arith.constant 0 : i32
      %dma_wait3A_208 = arith.constant 0 : i32
      %dma_wait3A_209 = tpu.memref_slice %arg2[%dma_wait3A_207, %dma_wait3A_208] : memref<10240x128xf32, #tpu.memory_space<hbm>> -> memref<128x128xf32, #tpu.memory_space<hbm>>
      tpu.wait_dma2 semaphore(%arg13 : memref<!tpu.dma_semaphore, #tpu.memory_space<semaphore_mem>>) src(%dma_wait3A_209 : memref<128x128xf32, #tpu.memory_space<hbm>>) dst(%arg9 : memref<128x128xf32, #tpu.memory_space<vmem>>)
      %run_scoped3A_210 = arith.constant 7 : i32
      "tpu.region"() ({
        %run_scoped3A_225 = tpu.sem_alloc : memref<!tpu.dma_semaphore, #tpu.memory_space<semaphore_mem>>
        %dma_start3A_226 = arith.constant 0 : i32
        %dma_start3A_227 = tpu.memref_slice %arg7[%rem3A_42, %run_scoped3A_210, %dma_start3A_226] : memref<2x8x128xi32, #tpu.memory_space<vmem>> -> memref<1x1x128xi32, #tpu.memory_space<vmem>>
        %dma_start3A_228 = tpu.memref_squeeze %dma_start3A_227 : memref<1x1x128xi32, #tpu.memory_space<vmem>> -> memref<128xi32, #tpu.memory_space<vmem>>
        %dma_start3A_229 = arith.constant 0 : i32
        %dma_start3A_230 = arith.constant 0 : i32
        %dma_start3A_231 = tpu.memref_slice %arg11[%dma_start3A_229, %dma_start3A_230] : memref<10240x128xf32, #tpu.memory_space<vmem_shared>> -> memref<10240x128xf32, #tpu.memory_space<vmem_shared>>
        tpu.enqueue_indirect_dma source(%arg9 : memref<128x128xf32, #tpu.memory_space<vmem>>) target(%dma_start3A_231 : memref<10240x128xf32, #tpu.memory_space<vmem_shared>>) offsets(%dma_start3A_228 : memref<128xi32, #tpu.memory_space<vmem>>) semaphore(%run_scoped3A_225 : memref<!tpu.dma_semaphore, #tpu.memory_space<semaphore_mem>>) {add = true}
        %dma_wait3A_232 = arith.constant 0 : i32
        %dma_wait3A_233 = tpu.memref_slice %arg7[%rem3A_42, %run_scoped3A_210, %dma_wait3A_232] : memref<2x8x128xi32, #tpu.memory_space<vmem>> -> memref<1x1x128xi32, #tpu.memory_space<vmem>>
        %dma_wait3A_234 = tpu.memref_squeeze %dma_wait3A_233 : memref<1x1x128xi32, #tpu.memory_space<vmem>> -> memref<128xi32, #tpu.memory_space<vmem>>
        %dma_wait3A_235 = arith.constant 0 : i32
        %dma_wait3A_236 = arith.constant 0 : i32
        %dma_wait3A_237 = tpu.memref_slice %arg11[%dma_wait3A_235, %dma_wait3A_236] : memref<10240x128xf32, #tpu.memory_space<vmem_shared>> -> memref<10240x128xf32, #tpu.memory_space<vmem_shared>>
        tpu.wait_indirect_dma semaphore(%run_scoped3A_225 : memref<!tpu.dma_semaphore, #tpu.memory_space<semaphore_mem>>) src(%arg9 : memref<128x128xf32, #tpu.memory_space<vmem>>) dst(%dma_wait3A_237 : memref<10240x128xf32, #tpu.memory_space<vmem_shared>>)
        tpu.yield
      }) : () -> ()
      %dma_wait3A_211 = arith.constant 0 : i32
      %dma_wait3A_212 = arith.constant 0 : i32
      %dma_wait3A_213 = tpu.memref_slice %arg7[%rem3A_46, %dma_wait3A_211, %dma_wait3A_212] : memref<2x8x128xi32, #tpu.memory_space<vmem>> -> memref<1x8x128xi32, #tpu.memory_space<vmem>>
      %dma_wait3A_214 = tpu.memref_squeeze %dma_wait3A_213 : memref<1x8x128xi32, #tpu.memory_space<vmem>> -> memref<8x128xi32, #tpu.memory_space<vmem>>
      %dma_wait3A_215 = arith.constant 0 : i32
      %dma_wait3A_216 = arith.constant 0 : i32
      %dma_wait3A_217 = tpu.memref_slice %arg4[%dma_wait3A_215, %dma_wait3A_216] : memref<2560x128xi32, #tpu.memory_space<hbm>> -> memref<8x128xi32, #tpu.memory_space<hbm>>
      %dma_wait3A_218 = arith.constant 0 : i32
      %dma_wait3A_219 = arith.constant 0 : i32
      %dma_wait3A_220 = tpu.memref_slice %arg7[%rem3A_46, %dma_wait3A_218, %dma_wait3A_219] : memref<2x8x128xi32, #tpu.memory_space<vmem>> -> memref<1x8x128xi32, #tpu.memory_space<vmem>>
      %dma_wait3A_221 = tpu.memref_squeeze %dma_wait3A_220 : memref<1x8x128xi32, #tpu.memory_space<vmem>> -> memref<8x128xi32, #tpu.memory_space<vmem>>
      %dma_wait3A_222 = arith.constant 0 : i32
      %dma_wait3A_223 = arith.constant 0 : i32
      %dma_wait3A_224 = tpu.memref_slice %arg4[%dma_wait3A_222, %dma_wait3A_223] : memref<2560x128xi32, #tpu.memory_space<hbm>> -> memref<8x128xi32, #tpu.memory_space<hbm>>
      tpu.wait_dma2 semaphore(%arg14 : memref<!tpu.dma_semaphore, #tpu.memory_space<semaphore_mem>>) src(%dma_wait3A_224 : memref<8x128xi32, #tpu.memory_space<hbm>>) dst(%dma_wait3A_221 : memref<8x128xi32, #tpu.memory_space<vmem>>)
    }
    %scan3A_27 = arith.constant 10 : i32
    %dma_wait3A = arith.constant 0 : i32
    %dma_wait3A_28 = arith.constant 0 : i32
    %dma_wait3A_29 = tpu.memref_slice %arg2[%dma_wait3A, %dma_wait3A_28] : memref<10240x128xf32, #tpu.memory_space<hbm>> -> memref<128x128xf32, #tpu.memory_space<hbm>>
    %dma_wait3A_30 = arith.constant 0 : i32
    %dma_wait3A_31 = arith.constant 0 : i32
    %dma_wait3A_32 = tpu.memref_slice %arg2[%dma_wait3A_30, %dma_wait3A_31] : memref<10240x128xf32, #tpu.memory_space<hbm>> -> memref<128x128xf32, #tpu.memory_space<hbm>>
    tpu.wait_dma2 semaphore(%arg12 : memref<!tpu.dma_semaphore, #tpu.memory_space<semaphore_mem>>) src(%dma_wait3A_32 : memref<128x128xf32, #tpu.memory_space<hbm>>) dst(%arg8 : memref<128x128xf32, #tpu.memory_space<vmem>>)
    %barrier3A_33 = arith.constant 0 : index
    tpu.barrier barrier_id(%barrier3A_33)
    %eq3A = arith.constant 0 : i32
    %eq3A_34 = arith.cmpi eq, %arg0, %eq3A : i32
    %convert_element_type3A = arith.extui %eq3A_34 : i1 to i32
    %cond3A = arith.constant 0 : i32
    %cond3A_35 = arith.cmpi ne, %convert_element_type3A, %cond3A : i32
    scf.if %cond3A_35 {
      %mul3A_41 = arith.constant 640 : i32
      %mul3A_42 = arith.muli %arg1, %mul3A_41 : i32
      %mul3A_43 = arith.constant 640 : i32
      %mul3A_44 = arith.muli %arg1, %mul3A_43 : i32
      %run_scoped3A_45 = arith.constant 0 : i32
      "tpu.region"() ({
        %run_scoped3A_46 = tpu.sem_alloc : memref<!tpu.dma_semaphore, #tpu.memory_space<semaphore_mem>>
        %dma_start3A_47 = arith.constant 0 : i32
        %dma_start3A_48 = tpu.memref_slice %arg5[%run_scoped3A_45, %mul3A_44, %dma_start3A_47] : memref<2x10240x128xf32, #tpu.memory_space<hbm>> -> memref<1x640x128xf32, #tpu.memory_space<hbm>>
        %dma_start3A_49 = tpu.memref_squeeze %dma_start3A_48 : memref<1x640x128xf32, #tpu.memory_space<hbm>> -> memref<640x128xf32, #tpu.memory_space<hbm>>
        %dma_start3A_50 = arith.constant 0 : i32
        %dma_start3A_51 = tpu.memref_slice %arg11[%mul3A_42, %dma_start3A_50] : memref<10240x128xf32, #tpu.memory_space<vmem_shared>> -> memref<640x128xf32, #tpu.memory_space<vmem_shared>>
        tpu.enqueue_dma source(%dma_start3A_51 : memref<640x128xf32, #tpu.memory_space<vmem_shared>>) target(%dma_start3A_49 : memref<640x128xf32, #tpu.memory_space<hbm>>) target_semaphore(%run_scoped3A_46 : memref<!tpu.dma_semaphore, #tpu.memory_space<semaphore_mem>>)
        %dma_wait3A_52 = arith.constant 0 : i32
        %dma_wait3A_53 = tpu.memref_slice %arg5[%run_scoped3A_45, %mul3A_44, %dma_wait3A_52] : memref<2x10240x128xf32, #tpu.memory_space<hbm>> -> memref<1x640x128xf32, #tpu.memory_space<hbm>>
        %dma_wait3A_54 = tpu.memref_squeeze %dma_wait3A_53 : memref<1x640x128xf32, #tpu.memory_space<hbm>> -> memref<640x128xf32, #tpu.memory_space<hbm>>
        %dma_wait3A_55 = arith.constant 0 : i32
        %dma_wait3A_56 = tpu.memref_slice %arg11[%mul3A_42, %dma_wait3A_55] : memref<10240x128xf32, #tpu.memory_space<vmem_shared>> -> memref<640x128xf32, #tpu.memory_space<vmem_shared>>
        tpu.wait_dma2 semaphore(%run_scoped3A_46 : memref<!tpu.dma_semaphore, #tpu.memory_space<semaphore_mem>>) src(%dma_wait3A_56 : memref<640x128xf32, #tpu.memory_space<vmem_shared>>) dst(%dma_wait3A_54 : memref<640x128xf32, #tpu.memory_space<hbm>>)
        tpu.yield
      }) : () -> ()
    } else {
    }
    %eq3A_36 = arith.constant 1 : i32
    %eq3A_37 = arith.cmpi eq, %arg0, %eq3A_36 : i32
    %convert_element_type3A_38 = arith.extui %eq3A_37 : i1 to i32
    %cond3A_39 = arith.constant 0 : i32
    %cond3A_40 = arith.cmpi ne, %convert_element_type3A_38, %cond3A_39 : i32
    scf.if %cond3A_40 {
      %mul3A_41 = arith.constant 640 : i32
      %mul3A_42 = arith.muli %arg1, %mul3A_41 : i32
      %mul3A_43 = arith.constant 640 : i32
      %mul3A_44 = arith.muli %arg1, %mul3A_43 : i32
      %run_scoped3A_45 = arith.constant 1 : i32
      "tpu.region"() ({
        %run_scoped3A_46 = tpu.sem_alloc : memref<!tpu.dma_semaphore, #tpu.memory_space<semaphore_mem>>
        %dma_start3A_47 = arith.constant 0 : i32
        %dma_start3A_48 = tpu.memref_slice %arg5[%run_scoped3A_45, %mul3A_44, %dma_start3A_47] : memref<2x10240x128xf32, #tpu.memory_space<hbm>> -> memref<1x640x128xf32, #tpu.memory_space<hbm>>
        %dma_start3A_49 = tpu.memref_squeeze %dma_start3A_48 : memref<1x640x128xf32, #tpu.memory_space<hbm>> -> memref<640x128xf32, #tpu.memory_space<hbm>>
        %dma_start3A_50 = arith.constant 0 : i32
        %dma_start3A_51 = tpu.memref_slice %arg11[%mul3A_42, %dma_start3A_50] : memref<10240x128xf32, #tpu.memory_space<vmem_shared>> -> memref<640x128xf32, #tpu.memory_space<vmem_shared>>
        tpu.enqueue_dma source(%dma_start3A_51 : memref<640x128xf32, #tpu.memory_space<vmem_shared>>) target(%dma_start3A_49 : memref<640x128xf32, #tpu.memory_space<hbm>>) target_semaphore(%run_scoped3A_46 : memref<!tpu.dma_semaphore, #tpu.memory_space<semaphore_mem>>)
        %dma_wait3A_52 = arith.constant 0 : i32
        %dma_wait3A_53 = tpu.memref_slice %arg5[%run_scoped3A_45, %mul3A_44, %dma_wait3A_52] : memref<2x10240x128xf32, #tpu.memory_space<hbm>> -> memref<1x640x128xf32, #tpu.memory_space<hbm>>
        %dma_wait3A_54 = tpu.memref_squeeze %dma_wait3A_53 : memref<1x640x128xf32, #tpu.memory_space<hbm>> -> memref<640x128xf32, #tpu.memory_space<hbm>>
        %dma_wait3A_55 = arith.constant 0 : i32
        %dma_wait3A_56 = tpu.memref_slice %arg11[%mul3A_42, %dma_wait3A_55] : memref<10240x128xf32, #tpu.memory_space<vmem_shared>> -> memref<640x128xf32, #tpu.memory_space<vmem_shared>>
        tpu.wait_dma2 semaphore(%run_scoped3A_46 : memref<!tpu.dma_semaphore, #tpu.memory_space<semaphore_mem>>) src(%dma_wait3A_56 : memref<640x128xf32, #tpu.memory_space<vmem_shared>>) dst(%dma_wait3A_54 : memref<640x128xf32, #tpu.memory_space<hbm>>)
        tpu.yield
      }) : () -> ()
    } else {
    }
    return
  }
}

#map = affine_map<(d0, d1) -> (0, 0)>
#map1 = affine_map<(d0, d1) -> (0, 0, 0)>
module attributes {stable_mosaic.version = 14 : i64} {
  func.func @_prop_kernel(%arg0: i32, %arg1: i32, %arg2: memref<10240x128xf32, #tpu.memory_space<hbm>>, %arg3: memref<2560x128xi32, #tpu.memory_space<hbm>>, %arg4: memref<2560x128xi32, #tpu.memory_space<hbm>>, %arg5: memref<2x10240x128xf32, #tpu.memory_space<hbm>>, %arg6: memref<80x128xi32, #tpu.memory_space<vmem>>, %arg7: memref<2x8x128xi32, #tpu.memory_space<vmem>>, %arg8: memref<128x128xf32, #tpu.memory_space<vmem>>, %arg9: memref<128x128xf32, #tpu.memory_space<vmem>>, %arg10: memref<16x128xf32, #tpu.memory_space<vmem>>, %arg11: memref<10240x128xf32, #tpu.memory_space<vmem_shared>>, %arg12: memref<!tpu.dma_semaphore, #tpu.memory_space<semaphore_mem>>, %arg13: memref<!tpu.dma_semaphore, #tpu.memory_space<semaphore_mem>>, %arg14: memref<!tpu.dma_semaphore, #tpu.memory_space<semaphore_mem>>) attributes {dimension_semantics = [#tpu.dimension_semantics<core_parallel>, #tpu.dimension_semantics<subcore_parallel>], iteration_bounds = array<i64: 2, 16>, scalar_prefetch = 0 : i64, scratch_operands = 9 : i64, tpu.core_type = #tpu.core_type<sc_vector_subcore>, window_params = [{transform_indices = #map}, {transform_indices = #map}, {transform_indices = #map}, {transform_indices = #map1}]} {
    %mul3A = arith.constant 16 : i32
    %mul3A_0 = arith.muli %arg0, %mul3A : i32
    %add3A = arith.addi %mul3A_0, %arg1 : i32
    %scan3A = arith.constant 0 : i32
    %scan3A_1 = arith.constant 0 : i32
    %scan3A_2 = arith.constant 16 : i32
    %scan3A_3 = arith.addi %scan3A_1, %scan3A_2 : i32
    %scan3A_4 = arith.constant 1 : i32
    scf.for %scan3A_41 = %scan3A_1 to %scan3A_3 step %scan3A_4  : i32 {
      %broadcast_in_dim3A = arith.constant 0.000000e+00 : f32
      %broadcast_in_dim3A_42 = vector.broadcast %broadcast_in_dim3A : f32 to vector<16xf32>
      %swap3A = arith.index_cast %scan3A_41 : i32 to index
      %swap3A_43 = arith.constant 0 : index
      %swap3A_44 = tpu.vector_load %arg10[%swap3A, %swap3A_43] {strides = array<i32>} : memref<16x128xf32, #tpu.memory_space<vmem>>, vector<1x16xf32>,
      %swap3A_45 = vector.shape_cast %swap3A_44 : vector<1x16xf32> to vector<16xf32>
      %swap3A_46 = vector.shape_cast %broadcast_in_dim3A_42 : vector<16xf32> to vector<1x16xf32>
      tpu.vector_store %arg10[%swap3A, %swap3A_43], %swap3A_46 {strides = array<i32>} : memref<16x128xf32, #tpu.memory_space<vmem>>, vector<1x16xf32>,
      %broadcast_in_dim3A_47 = arith.constant 0.000000e+00 : f32
      %broadcast_in_dim3A_48 = vector.broadcast %broadcast_in_dim3A_47 : f32 to vector<16xf32>
      %swap3A_49 = arith.index_cast %scan3A_41 : i32 to index
      %swap3A_50 = arith.constant 16 : index
      %swap3A_51 = tpu.vector_load %arg10[%swap3A_49, %swap3A_50] {strides = array<i32>} : memref<16x128xf32, #tpu.memory_space<vmem>>, vector<1x16xf32>,
      %swap3A_52 = vector.shape_cast %swap3A_51 : vector<1x16xf32> to vector<16xf32>
      %swap3A_53 = vector.shape_cast %broadcast_in_dim3A_48 : vector<16xf32> to vector<1x16xf32>
      tpu.vector_store %arg10[%swap3A_49, %swap3A_50], %swap3A_53 {strides = array<i32>} : memref<16x128xf32, #tpu.memory_space<vmem>>, vector<1x16xf32>,
      %broadcast_in_dim3A_54 = arith.constant 0.000000e+00 : f32
      %broadcast_in_dim3A_55 = vector.broadcast %broadcast_in_dim3A_54 : f32 to vector<16xf32>
      %swap3A_56 = arith.index_cast %scan3A_41 : i32 to index
      %swap3A_57 = arith.constant 32 : index
      %swap3A_58 = tpu.vector_load %arg10[%swap3A_56, %swap3A_57] {strides = array<i32>} : memref<16x128xf32, #tpu.memory_space<vmem>>, vector<1x16xf32>,
      %swap3A_59 = vector.shape_cast %swap3A_58 : vector<1x16xf32> to vector<16xf32>
      %swap3A_60 = vector.shape_cast %broadcast_in_dim3A_55 : vector<16xf32> to vector<1x16xf32>
      tpu.vector_store %arg10[%swap3A_56, %swap3A_57], %swap3A_60 {strides = array<i32>} : memref<16x128xf32, #tpu.memory_space<vmem>>, vector<1x16xf32>,
      %broadcast_in_dim3A_61 = arith.constant 0.000000e+00 : f32
      %broadcast_in_dim3A_62 = vector.broadcast %broadcast_in_dim3A_61 : f32 to vector<16xf32>
      %swap3A_63 = arith.index_cast %scan3A_41 : i32 to index
      %swap3A_64 = arith.constant 48 : index
      %swap3A_65 = tpu.vector_load %arg10[%swap3A_63, %swap3A_64] {strides = array<i32>} : memref<16x128xf32, #tpu.memory_space<vmem>>, vector<1x16xf32>,
      %swap3A_66 = vector.shape_cast %swap3A_65 : vector<1x16xf32> to vector<16xf32>
      %swap3A_67 = vector.shape_cast %broadcast_in_dim3A_62 : vector<16xf32> to vector<1x16xf32>
      tpu.vector_store %arg10[%swap3A_63, %swap3A_64], %swap3A_67 {strides = array<i32>} : memref<16x128xf32, #tpu.memory_space<vmem>>, vector<1x16xf32>,
      %broadcast_in_dim3A_68 = arith.constant 0.000000e+00 : f32
      %broadcast_in_dim3A_69 = vector.broadcast %broadcast_in_dim3A_68 : f32 to vector<16xf32>
      %swap3A_70 = arith.index_cast %scan3A_41 : i32 to index
      %swap3A_71 = arith.constant 64 : index
      %swap3A_72 = tpu.vector_load %arg10[%swap3A_70, %swap3A_71] {strides = array<i32>} : memref<16x128xf32, #tpu.memory_space<vmem>>, vector<1x16xf32>,
      %swap3A_73 = vector.shape_cast %swap3A_72 : vector<1x16xf32> to vector<16xf32>
      %swap3A_74 = vector.shape_cast %broadcast_in_dim3A_69 : vector<16xf32> to vector<1x16xf32>
      tpu.vector_store %arg10[%swap3A_70, %swap3A_71], %swap3A_74 {strides = array<i32>} : memref<16x128xf32, #tpu.memory_space<vmem>>, vector<1x16xf32>,
      %broadcast_in_dim3A_75 = arith.constant 0.000000e+00 : f32
      %broadcast_in_dim3A_76 = vector.broadcast %broadcast_in_dim3A_75 : f32 to vector<16xf32>
      %swap3A_77 = arith.index_cast %scan3A_41 : i32 to index
      %swap3A_78 = arith.constant 80 : index
      %swap3A_79 = tpu.vector_load %arg10[%swap3A_77, %swap3A_78] {strides = array<i32>} : memref<16x128xf32, #tpu.memory_space<vmem>>, vector<1x16xf32>,
      %swap3A_80 = vector.shape_cast %swap3A_79 : vector<1x16xf32> to vector<16xf32>
      %swap3A_81 = vector.shape_cast %broadcast_in_dim3A_76 : vector<16xf32> to vector<1x16xf32>
      tpu.vector_store %arg10[%swap3A_77, %swap3A_78], %swap3A_81 {strides = array<i32>} : memref<16x128xf32, #tpu.memory_space<vmem>>, vector<1x16xf32>,
      %broadcast_in_dim3A_82 = arith.constant 0.000000e+00 : f32
      %broadcast_in_dim3A_83 = vector.broadcast %broadcast_in_dim3A_82 : f32 to vector<16xf32>
      %swap3A_84 = arith.index_cast %scan3A_41 : i32 to index
      %swap3A_85 = arith.constant 96 : index
      %swap3A_86 = tpu.vector_load %arg10[%swap3A_84, %swap3A_85] {strides = array<i32>} : memref<16x128xf32, #tpu.memory_space<vmem>>, vector<1x16xf32>,
      %swap3A_87 = vector.shape_cast %swap3A_86 : vector<1x16xf32> to vector<16xf32>
      %swap3A_88 = vector.shape_cast %broadcast_in_dim3A_83 : vector<16xf32> to vector<1x16xf32>
      tpu.vector_store %arg10[%swap3A_84, %swap3A_85], %swap3A_88 {strides = array<i32>} : memref<16x128xf32, #tpu.memory_space<vmem>>, vector<1x16xf32>,
      %broadcast_in_dim3A_89 = arith.constant 0.000000e+00 : f32
      %broadcast_in_dim3A_90 = vector.broadcast %broadcast_in_dim3A_89 : f32 to vector<16xf32>
      %swap3A_91 = arith.index_cast %scan3A_41 : i32 to index
      %swap3A_92 = arith.constant 112 : index
      %swap3A_93 = tpu.vector_load %arg10[%swap3A_91, %swap3A_92] {strides = array<i32>} : memref<16x128xf32, #tpu.memory_space<vmem>>, vector<1x16xf32>,
      %swap3A_94 = vector.shape_cast %swap3A_93 : vector<1x16xf32> to vector<16xf32>
      %swap3A_95 = vector.shape_cast %broadcast_in_dim3A_90 : vector<16xf32> to vector<1x16xf32>
      tpu.vector_store %arg10[%swap3A_91, %swap3A_92], %swap3A_95 {strides = array<i32>} : memref<16x128xf32, #tpu.memory_space<vmem>>, vector<1x16xf32>,
    }
    %scan3A_5 = arith.constant 16 : i32
    %scan3A_6 = arith.constant 0 : i32
    %scan3A_7 = arith.constant 0 : i32
    %scan3A_8 = arith.constant 5 : i32
    %scan3A_9 = arith.addi %scan3A_7, %scan3A_8 : i32
    %scan3A_10 = arith.constant 1 : i32
    scf.for %scan3A_41 = %scan3A_7 to %scan3A_9 step %scan3A_10  : i32 {
      %mul3A_42 = arith.constant 640 : i32
      %mul3A_43 = arith.muli %arg1, %mul3A_42 : i32
      %mul3A_44 = arith.constant 8 : i32
      %mul3A_45 = arith.muli %scan3A_41, %mul3A_44 : i32
      %add3A_46 = arith.constant 0 : i32
      %add3A_47 = arith.addi %mul3A_45, %add3A_46 : i32
      %mul3A_48 = arith.constant 16 : i32
      %mul3A_49 = arith.muli %add3A_47, %mul3A_48 : i32
      %add3A_50 = arith.addi %mul3A_43, %mul3A_49 : i32
      %dma_start3A_51 = arith.constant 0 : i32
      %dma_start3A_52 = tpu.memref_slice %arg11[%add3A_50, %dma_start3A_51] : memref<10240x128xf32, #tpu.memory_space<vmem_shared>> -> memref<16x128xf32, #tpu.memory_space<vmem_shared>>
      %dma_start3A_53 = arith.constant 0 : i32
      %dma_start3A_54 = tpu.memref_slice %arg11[%add3A_50, %dma_start3A_53] : memref<10240x128xf32, #tpu.memory_space<vmem_shared>> -> memref<16x128xf32, #tpu.memory_space<vmem_shared>>
      tpu.enqueue_dma source(%arg10 : memref<16x128xf32, #tpu.memory_space<vmem>>) target(%dma_start3A_54 : memref<16x128xf32, #tpu.memory_space<vmem_shared>>) target_semaphore(%arg12 : memref<!tpu.dma_semaphore, #tpu.memory_space<semaphore_mem>>)
      %mul3A_55 = arith.constant 640 : i32
      %mul3A_56 = arith.muli %arg1, %mul3A_55 : i32
      %mul3A_57 = arith.constant 8 : i32
      %mul3A_58 = arith.muli %scan3A_41, %mul3A_57 : i32
      %add3A_59 = arith.constant 1 : i32
      %add3A_60 = arith.addi %mul3A_58, %add3A_59 : i32
      %mul3A_61 = arith.constant 16 : i32
      %mul3A_62 = arith.muli %add3A_60, %mul3A_61 : i32
      %add3A_63 = arith.addi %mul3A_56, %mul3A_62 : i32
      %dma_start3A_64 = arith.constant 0 : i32
      %dma_start3A_65 = tpu.memref_slice %arg11[%add3A_63, %dma_start3A_64] : memref<10240x128xf32, #tpu.memory_space<vmem_shared>> -> memref<16x128xf32, #tpu.memory_space<vmem_shared>>
      %dma_start3A_66 = arith.constant 0 : i32
      %dma_start3A_67 = tpu.memref_slice %arg11[%add3A_63, %dma_start3A_66] : memref<10240x128xf32, #tpu.memory_space<vmem_shared>> -> memref<16x128xf32, #tpu.memory_space<vmem_shared>>
      tpu.enqueue_dma source(%arg10 : memref<16x128xf32, #tpu.memory_space<vmem>>) target(%dma_start3A_67 : memref<16x128xf32, #tpu.memory_space<vmem_shared>>) target_semaphore(%arg12 : memref<!tpu.dma_semaphore, #tpu.memory_space<semaphore_mem>>)
      %mul3A_68 = arith.constant 640 : i32
      %mul3A_69 = arith.muli %arg1, %mul3A_68 : i32
      %mul3A_70 = arith.constant 8 : i32
      %mul3A_71 = arith.muli %scan3A_41, %mul3A_70 : i32
      %add3A_72 = arith.constant 2 : i32
      %add3A_73 = arith.addi %mul3A_71, %add3A_72 : i32
      %mul3A_74 = arith.constant 16 : i32
      %mul3A_75 = arith.muli %add3A_73, %mul3A_74 : i32
      %add3A_76 = arith.addi %mul3A_69, %mul3A_75 : i32
      %dma_start3A_77 = arith.constant 0 : i32
      %dma_start3A_78 = tpu.memref_slice %arg11[%add3A_76, %dma_start3A_77] : memref<10240x128xf32, #tpu.memory_space<vmem_shared>> -> memref<16x128xf32, #tpu.memory_space<vmem_shared>>
      %dma_start3A_79 = arith.constant 0 : i32
      %dma_start3A_80 = tpu.memref_slice %arg11[%add3A_76, %dma_start3A_79] : memref<10240x128xf32, #tpu.memory_space<vmem_shared>> -> memref<16x128xf32, #tpu.memory_space<vmem_shared>>
      tpu.enqueue_dma source(%arg10 : memref<16x128xf32, #tpu.memory_space<vmem>>) target(%dma_start3A_80 : memref<16x128xf32, #tpu.memory_space<vmem_shared>>) target_semaphore(%arg12 : memref<!tpu.dma_semaphore, #tpu.memory_space<semaphore_mem>>)
      %mul3A_81 = arith.constant 640 : i32
      %mul3A_82 = arith.muli %arg1, %mul3A_81 : i32
      %mul3A_83 = arith.constant 8 : i32
      %mul3A_84 = arith.muli %scan3A_41, %mul3A_83 : i32
      %add3A_85 = arith.constant 3 : i32
      %add3A_86 = arith.addi %mul3A_84, %add3A_85 : i32
      %mul3A_87 = arith.constant 16 : i32
      %mul3A_88 = arith.muli %add3A_86, %mul3A_87 : i32
      %add3A_89 = arith.addi %mul3A_82, %mul3A_88 : i32
      %dma_start3A_90 = arith.constant 0 : i32
      %dma_start3A_91 = tpu.memref_slice %arg11[%add3A_89, %dma_start3A_90] : memref<10240x128xf32, #tpu.memory_space<vmem_shared>> -> memref<16x128xf32, #tpu.memory_space<vmem_shared>>
      %dma_start3A_92 = arith.constant 0 : i32
      %dma_start3A_93 = tpu.memref_slice %arg11[%add3A_89, %dma_start3A_92] : memref<10240x128xf32, #tpu.memory_space<vmem_shared>> -> memref<16x128xf32, #tpu.memory_space<vmem_shared>>
      tpu.enqueue_dma source(%arg10 : memref<16x128xf32, #tpu.memory_space<vmem>>) target(%dma_start3A_93 : memref<16x128xf32, #tpu.memory_space<vmem_shared>>) target_semaphore(%arg12 : memref<!tpu.dma_semaphore, #tpu.memory_space<semaphore_mem>>)
      %mul3A_94 = arith.constant 640 : i32
      %mul3A_95 = arith.muli %arg1, %mul3A_94 : i32
      %mul3A_96 = arith.constant 8 : i32
      %mul3A_97 = arith.muli %scan3A_41, %mul3A_96 : i32
      %add3A_98 = arith.constant 4 : i32
      %add3A_99 = arith.addi %mul3A_97, %add3A_98 : i32
      %mul3A_100 = arith.constant 16 : i32
      %mul3A_101 = arith.muli %add3A_99, %mul3A_100 : i32
      %add3A_102 = arith.addi %mul3A_95, %mul3A_101 : i32
      %dma_start3A_103 = arith.constant 0 : i32
      %dma_start3A_104 = tpu.memref_slice %arg11[%add3A_102, %dma_start3A_103] : memref<10240x128xf32, #tpu.memory_space<vmem_shared>> -> memref<16x128xf32, #tpu.memory_space<vmem_shared>>
      %dma_start3A_105 = arith.constant 0 : i32
      %dma_start3A_106 = tpu.memref_slice %arg11[%add3A_102, %dma_start3A_105] : memref<10240x128xf32, #tpu.memory_space<vmem_shared>> -> memref<16x128xf32, #tpu.memory_space<vmem_shared>>
      tpu.enqueue_dma source(%arg10 : memref<16x128xf32, #tpu.memory_space<vmem>>) target(%dma_start3A_106 : memref<16x128xf32, #tpu.memory_space<vmem_shared>>) target_semaphore(%arg12 : memref<!tpu.dma_semaphore, #tpu.memory_space<semaphore_mem>>)
      %mul3A_107 = arith.constant 640 : i32
      %mul3A_108 = arith.muli %arg1, %mul3A_107 : i32
      %mul3A_109 = arith.constant 8 : i32
      %mul3A_110 = arith.muli %scan3A_41, %mul3A_109 : i32
      %add3A_111 = arith.constant 5 : i32
      %add3A_112 = arith.addi %mul3A_110, %add3A_111 : i32
      %mul3A_113 = arith.constant 16 : i32
      %mul3A_114 = arith.muli %add3A_112, %mul3A_113 : i32
      %add3A_115 = arith.addi %mul3A_108, %mul3A_114 : i32
      %dma_start3A_116 = arith.constant 0 : i32
      %dma_start3A_117 = tpu.memref_slice %arg11[%add3A_115, %dma_start3A_116] : memref<10240x128xf32, #tpu.memory_space<vmem_shared>> -> memref<16x128xf32, #tpu.memory_space<vmem_shared>>
      %dma_start3A_118 = arith.constant 0 : i32
      %dma_start3A_119 = tpu.memref_slice %arg11[%add3A_115, %dma_start3A_118] : memref<10240x128xf32, #tpu.memory_space<vmem_shared>> -> memref<16x128xf32, #tpu.memory_space<vmem_shared>>
      tpu.enqueue_dma source(%arg10 : memref<16x128xf32, #tpu.memory_space<vmem>>) target(%dma_start3A_119 : memref<16x128xf32, #tpu.memory_space<vmem_shared>>) target_semaphore(%arg12 : memref<!tpu.dma_semaphore, #tpu.memory_space<semaphore_mem>>)
      %mul3A_120 = arith.constant 640 : i32
      %mul3A_121 = arith.muli %arg1, %mul3A_120 : i32
      %mul3A_122 = arith.constant 8 : i32
      %mul3A_123 = arith.muli %scan3A_41, %mul3A_122 : i32
      %add3A_124 = arith.constant 6 : i32
      %add3A_125 = arith.addi %mul3A_123, %add3A_124 : i32
      %mul3A_126 = arith.constant 16 : i32
      %mul3A_127 = arith.muli %add3A_125, %mul3A_126 : i32
      %add3A_128 = arith.addi %mul3A_121, %mul3A_127 : i32
      %dma_start3A_129 = arith.constant 0 : i32
      %dma_start3A_130 = tpu.memref_slice %arg11[%add3A_128, %dma_start3A_129] : memref<10240x128xf32, #tpu.memory_space<vmem_shared>> -> memref<16x128xf32, #tpu.memory_space<vmem_shared>>
      %dma_start3A_131 = arith.constant 0 : i32
      %dma_start3A_132 = tpu.memref_slice %arg11[%add3A_128, %dma_start3A_131] : memref<10240x128xf32, #tpu.memory_space<vmem_shared>> -> memref<16x128xf32, #tpu.memory_space<vmem_shared>>
      tpu.enqueue_dma source(%arg10 : memref<16x128xf32, #tpu.memory_space<vmem>>) target(%dma_start3A_132 : memref<16x128xf32, #tpu.memory_space<vmem_shared>>) target_semaphore(%arg12 : memref<!tpu.dma_semaphore, #tpu.memory_space<semaphore_mem>>)
      %mul3A_133 = arith.constant 640 : i32
      %mul3A_134 = arith.muli %arg1, %mul3A_133 : i32
      %mul3A_135 = arith.constant 8 : i32
      %mul3A_136 = arith.muli %scan3A_41, %mul3A_135 : i32
      %add3A_137 = arith.constant 7 : i32
      %add3A_138 = arith.addi %mul3A_136, %add3A_137 : i32
      %mul3A_139 = arith.constant 16 : i32
      %mul3A_140 = arith.muli %add3A_138, %mul3A_139 : i32
      %add3A_141 = arith.addi %mul3A_134, %mul3A_140 : i32
      %dma_start3A_142 = arith.constant 0 : i32
      %dma_start3A_143 = tpu.memref_slice %arg11[%add3A_141, %dma_start3A_142] : memref<10240x128xf32, #tpu.memory_space<vmem_shared>> -> memref<16x128xf32, #tpu.memory_space<vmem_shared>>
      %dma_start3A_144 = arith.constant 0 : i32
      %dma_start3A_145 = tpu.memref_slice %arg11[%add3A_141, %dma_start3A_144] : memref<10240x128xf32, #tpu.memory_space<vmem_shared>> -> memref<16x128xf32, #tpu.memory_space<vmem_shared>>
      tpu.enqueue_dma source(%arg10 : memref<16x128xf32, #tpu.memory_space<vmem>>) target(%dma_start3A_145 : memref<16x128xf32, #tpu.memory_space<vmem_shared>>) target_semaphore(%arg12 : memref<!tpu.dma_semaphore, #tpu.memory_space<semaphore_mem>>)
      %mul3A_146 = arith.constant 640 : i32
      %mul3A_147 = arith.muli %arg1, %mul3A_146 : i32
      %dma_wait3A_148 = arith.constant 0 : i32
      %dma_wait3A_149 = tpu.memref_slice %arg11[%mul3A_147, %dma_wait3A_148] : memref<10240x128xf32, #tpu.memory_space<vmem_shared>> -> memref<16x128xf32, #tpu.memory_space<vmem_shared>>
      %dma_wait3A_150 = arith.constant 0 : i32
      %dma_wait3A_151 = tpu.memref_slice %arg11[%mul3A_147, %dma_wait3A_150] : memref<10240x128xf32, #tpu.memory_space<vmem_shared>> -> memref<16x128xf32, #tpu.memory_space<vmem_shared>>
      tpu.wait_dma2 semaphore(%arg12 : memref<!tpu.dma_semaphore, #tpu.memory_space<semaphore_mem>>) src(%arg10 : memref<16x128xf32, #tpu.memory_space<vmem>>) dst(%dma_wait3A_151 : memref<16x128xf32, #tpu.memory_space<vmem_shared>>)
      %mul3A_152 = arith.constant 640 : i32
      %mul3A_153 = arith.muli %arg1, %mul3A_152 : i32
      %dma_wait3A_154 = arith.constant 0 : i32
      %dma_wait3A_155 = tpu.memref_slice %arg11[%mul3A_153, %dma_wait3A_154] : memref<10240x128xf32, #tpu.memory_space<vmem_shared>> -> memref<16x128xf32, #tpu.memory_space<vmem_shared>>
      %dma_wait3A_156 = arith.constant 0 : i32
      %dma_wait3A_157 = tpu.memref_slice %arg11[%mul3A_153, %dma_wait3A_156] : memref<10240x128xf32, #tpu.memory_space<vmem_shared>> -> memref<16x128xf32, #tpu.memory_space<vmem_shared>>
      tpu.wait_dma2 semaphore(%arg12 : memref<!tpu.dma_semaphore, #tpu.memory_space<semaphore_mem>>) src(%arg10 : memref<16x128xf32, #tpu.memory_space<vmem>>) dst(%dma_wait3A_157 : memref<16x128xf32, #tpu.memory_space<vmem_shared>>)
      %mul3A_158 = arith.constant 640 : i32
      %mul3A_159 = arith.muli %arg1, %mul3A_158 : i32
      %dma_wait3A_160 = arith.constant 0 : i32
      %dma_wait3A_161 = tpu.memref_slice %arg11[%mul3A_159, %dma_wait3A_160] : memref<10240x128xf32, #tpu.memory_space<vmem_shared>> -> memref<16x128xf32, #tpu.memory_space<vmem_shared>>
      %dma_wait3A_162 = arith.constant 0 : i32
      %dma_wait3A_163 = tpu.memref_slice %arg11[%mul3A_159, %dma_wait3A_162] : memref<10240x128xf32, #tpu.memory_space<vmem_shared>> -> memref<16x128xf32, #tpu.memory_space<vmem_shared>>
      tpu.wait_dma2 semaphore(%arg12 : memref<!tpu.dma_semaphore, #tpu.memory_space<semaphore_mem>>) src(%arg10 : memref<16x128xf32, #tpu.memory_space<vmem>>) dst(%dma_wait3A_163 : memref<16x128xf32, #tpu.memory_space<vmem_shared>>)
      %mul3A_164 = arith.constant 640 : i32
      %mul3A_165 = arith.muli %arg1, %mul3A_164 : i32
      %dma_wait3A_166 = arith.constant 0 : i32
      %dma_wait3A_167 = tpu.memref_slice %arg11[%mul3A_165, %dma_wait3A_166] : memref<10240x128xf32, #tpu.memory_space<vmem_shared>> -> memref<16x128xf32, #tpu.memory_space<vmem_shared>>
      %dma_wait3A_168 = arith.constant 0 : i32
      %dma_wait3A_169 = tpu.memref_slice %arg11[%mul3A_165, %dma_wait3A_168] : memref<10240x128xf32, #tpu.memory_space<vmem_shared>> -> memref<16x128xf32, #tpu.memory_space<vmem_shared>>
      tpu.wait_dma2 semaphore(%arg12 : memref<!tpu.dma_semaphore, #tpu.memory_space<semaphore_mem>>) src(%arg10 : memref<16x128xf32, #tpu.memory_space<vmem>>) dst(%dma_wait3A_169 : memref<16x128xf32, #tpu.memory_space<vmem_shared>>)
      %mul3A_170 = arith.constant 640 : i32
      %mul3A_171 = arith.muli %arg1, %mul3A_170 : i32
      %dma_wait3A_172 = arith.constant 0 : i32
      %dma_wait3A_173 = tpu.memref_slice %arg11[%mul3A_171, %dma_wait3A_172] : memref<10240x128xf32, #tpu.memory_space<vmem_shared>> -> memref<16x128xf32, #tpu.memory_space<vmem_shared>>
      %dma_wait3A_174 = arith.constant 0 : i32
      %dma_wait3A_175 = tpu.memref_slice %arg11[%mul3A_171, %dma_wait3A_174] : memref<10240x128xf32, #tpu.memory_space<vmem_shared>> -> memref<16x128xf32, #tpu.memory_space<vmem_shared>>
      tpu.wait_dma2 semaphore(%arg12 : memref<!tpu.dma_semaphore, #tpu.memory_space<semaphore_mem>>) src(%arg10 : memref<16x128xf32, #tpu.memory_space<vmem>>) dst(%dma_wait3A_175 : memref<16x128xf32, #tpu.memory_space<vmem_shared>>)
      %mul3A_176 = arith.constant 640 : i32
      %mul3A_177 = arith.muli %arg1, %mul3A_176 : i32
      %dma_wait3A_178 = arith.constant 0 : i32
      %dma_wait3A_179 = tpu.memref_slice %arg11[%mul3A_177, %dma_wait3A_178] : memref<10240x128xf32, #tpu.memory_space<vmem_shared>> -> memref<16x128xf32, #tpu.memory_space<vmem_shared>>
      %dma_wait3A_180 = arith.constant 0 : i32
      %dma_wait3A_181 = tpu.memref_slice %arg11[%mul3A_177, %dma_wait3A_180] : memref<10240x128xf32, #tpu.memory_space<vmem_shared>> -> memref<16x128xf32, #tpu.memory_space<vmem_shared>>
      tpu.wait_dma2 semaphore(%arg12 : memref<!tpu.dma_semaphore, #tpu.memory_space<semaphore_mem>>) src(%arg10 : memref<16x128xf32, #tpu.memory_space<vmem>>) dst(%dma_wait3A_181 : memref<16x128xf32, #tpu.memory_space<vmem_shared>>)
      %mul3A_182 = arith.constant 640 : i32
      %mul3A_183 = arith.muli %arg1, %mul3A_182 : i32
      %dma_wait3A_184 = arith.constant 0 : i32
      %dma_wait3A_185 = tpu.memref_slice %arg11[%mul3A_183, %dma_wait3A_184] : memref<10240x128xf32, #tpu.memory_space<vmem_shared>> -> memref<16x128xf32, #tpu.memory_space<vmem_shared>>
      %dma_wait3A_186 = arith.constant 0 : i32
      %dma_wait3A_187 = tpu.memref_slice %arg11[%mul3A_183, %dma_wait3A_186] : memref<10240x128xf32, #tpu.memory_space<vmem_shared>> -> memref<16x128xf32, #tpu.memory_space<vmem_shared>>
      tpu.wait_dma2 semaphore(%arg12 : memref<!tpu.dma_semaphore, #tpu.memory_space<semaphore_mem>>) src(%arg10 : memref<16x128xf32, #tpu.memory_space<vmem>>) dst(%dma_wait3A_187 : memref<16x128xf32, #tpu.memory_space<vmem_shared>>)
      %mul3A_188 = arith.constant 640 : i32
      %mul3A_189 = arith.muli %arg1, %mul3A_188 : i32
      %dma_wait3A_190 = arith.constant 0 : i32
      %dma_wait3A_191 = tpu.memref_slice %arg11[%mul3A_189, %dma_wait3A_190] : memref<10240x128xf32, #tpu.memory_space<vmem_shared>> -> memref<16x128xf32, #tpu.memory_space<vmem_shared>>
      %dma_wait3A_192 = arith.constant 0 : i32
      %dma_wait3A_193 = tpu.memref_slice %arg11[%mul3A_189, %dma_wait3A_192] : memref<10240x128xf32, #tpu.memory_space<vmem_shared>> -> memref<16x128xf32, #tpu.memory_space<vmem_shared>>
      tpu.wait_dma2 semaphore(%arg12 : memref<!tpu.dma_semaphore, #tpu.memory_space<semaphore_mem>>) src(%arg10 : memref<16x128xf32, #tpu.memory_space<vmem>>) dst(%dma_wait3A_193 : memref<16x128xf32, #tpu.memory_space<vmem_shared>>)
    }
    %scan3A_11 = arith.constant 5 : i32
    %mul3A_12 = arith.constant 80 : i32
    %mul3A_13 = arith.muli %add3A, %mul3A_12 : i32
    "tpu.region"() ({
      %run_scoped3A_41 = tpu.sem_alloc : memref<!tpu.dma_semaphore, #tpu.memory_space<semaphore_mem>>
      %dma_start3A_42 = arith.constant 0 : i32
      %dma_start3A_43 = tpu.memref_slice %arg3[%mul3A_13, %dma_start3A_42] : memref<2560x128xi32, #tpu.memory_space<hbm>> -> memref<80x128xi32, #tpu.memory_space<hbm>>
      %dma_start3A_44 = arith.constant 0 : i32
      %dma_start3A_45 = tpu.memref_slice %arg3[%mul3A_13, %dma_start3A_44] : memref<2560x128xi32, #tpu.memory_space<hbm>> -> memref<80x128xi32, #tpu.memory_space<hbm>>
      tpu.enqueue_dma source(%dma_start3A_45 : memref<80x128xi32, #tpu.memory_space<hbm>>) target(%arg6 : memref<80x128xi32, #tpu.memory_space<vmem>>) target_semaphore(%run_scoped3A_41 : memref<!tpu.dma_semaphore, #tpu.memory_space<semaphore_mem>>)
      %dma_wait3A_46 = arith.constant 0 : i32
      %dma_wait3A_47 = tpu.memref_slice %arg3[%mul3A_13, %dma_wait3A_46] : memref<2560x128xi32, #tpu.memory_space<hbm>> -> memref<80x128xi32, #tpu.memory_space<hbm>>
      %dma_wait3A_48 = arith.constant 0 : i32
      %dma_wait3A_49 = tpu.memref_slice %arg3[%mul3A_13, %dma_wait3A_48] : memref<2560x128xi32, #tpu.memory_space<hbm>> -> memref<80x128xi32, #tpu.memory_space<hbm>>
      tpu.wait_dma2 semaphore(%run_scoped3A_41 : memref<!tpu.dma_semaphore, #tpu.memory_space<semaphore_mem>>) src(%dma_wait3A_49 : memref<80x128xi32, #tpu.memory_space<hbm>>) dst(%arg6 : memref<80x128xi32, #tpu.memory_space<vmem>>)
      tpu.yield
    }) : () -> ()
    %mul3A_14 = arith.constant 80 : i32
    %mul3A_15 = arith.muli %add3A, %mul3A_14 : i32
    %run_scoped3A = arith.constant 0 : i32
    "tpu.region"() ({
      %run_scoped3A_41 = tpu.sem_alloc : memref<!tpu.dma_semaphore, #tpu.memory_space<semaphore_mem>>
      %dma_start3A_42 = arith.constant 0 : i32
      %dma_start3A_43 = arith.constant 0 : i32
      %dma_start3A_44 = tpu.memref_slice %arg7[%run_scoped3A, %dma_start3A_42, %dma_start3A_43] : memref<2x8x128xi32, #tpu.memory_space<vmem>> -> memref<1x8x128xi32, #tpu.memory_space<vmem>>
      %dma_start3A_45 = tpu.memref_squeeze %dma_start3A_44 : memref<1x8x128xi32, #tpu.memory_space<vmem>> -> memref<8x128xi32, #tpu.memory_space<vmem>>
      %dma_start3A_46 = arith.constant 0 : i32
      %dma_start3A_47 = tpu.memref_slice %arg4[%mul3A_15, %dma_start3A_46] : memref<2560x128xi32, #tpu.memory_space<hbm>> -> memref<8x128xi32, #tpu.memory_space<hbm>>
      %dma_start3A_48 = arith.constant 0 : i32
      %dma_start3A_49 = arith.constant 0 : i32
      %dma_start3A_50 = tpu.memref_slice %arg7[%run_scoped3A, %dma_start3A_48, %dma_start3A_49] : memref<2x8x128xi32, #tpu.memory_space<vmem>> -> memref<1x8x128xi32, #tpu.memory_space<vmem>>
      %dma_start3A_51 = tpu.memref_squeeze %dma_start3A_50 : memref<1x8x128xi32, #tpu.memory_space<vmem>> -> memref<8x128xi32, #tpu.memory_space<vmem>>
      %dma_start3A_52 = arith.constant 0 : i32
      %dma_start3A_53 = tpu.memref_slice %arg4[%mul3A_15, %dma_start3A_52] : memref<2560x128xi32, #tpu.memory_space<hbm>> -> memref<8x128xi32, #tpu.memory_space<hbm>>
      tpu.enqueue_dma source(%dma_start3A_53 : memref<8x128xi32, #tpu.memory_space<hbm>>) target(%dma_start3A_51 : memref<8x128xi32, #tpu.memory_space<vmem>>) target_semaphore(%run_scoped3A_41 : memref<!tpu.dma_semaphore, #tpu.memory_space<semaphore_mem>>)
      %dma_wait3A_54 = arith.constant 0 : i32
      %dma_wait3A_55 = arith.constant 0 : i32
      %dma_wait3A_56 = tpu.memref_slice %arg7[%run_scoped3A, %dma_wait3A_54, %dma_wait3A_55] : memref<2x8x128xi32, #tpu.memory_space<vmem>> -> memref<1x8x128xi32, #tpu.memory_space<vmem>>
      %dma_wait3A_57 = tpu.memref_squeeze %dma_wait3A_56 : memref<1x8x128xi32, #tpu.memory_space<vmem>> -> memref<8x128xi32, #tpu.memory_space<vmem>>
      %dma_wait3A_58 = arith.constant 0 : i32
      %dma_wait3A_59 = tpu.memref_slice %arg4[%mul3A_15, %dma_wait3A_58] : memref<2560x128xi32, #tpu.memory_space<hbm>> -> memref<8x128xi32, #tpu.memory_space<hbm>>
      %dma_wait3A_60 = arith.constant 0 : i32
      %dma_wait3A_61 = arith.constant 0 : i32
      %dma_wait3A_62 = tpu.memref_slice %arg7[%run_scoped3A, %dma_wait3A_60, %dma_wait3A_61] : memref<2x8x128xi32, #tpu.memory_space<vmem>> -> memref<1x8x128xi32, #tpu.memory_space<vmem>>
      %dma_wait3A_63 = tpu.memref_squeeze %dma_wait3A_62 : memref<1x8x128xi32, #tpu.memory_space<vmem>> -> memref<8x128xi32, #tpu.memory_space<vmem>>
      %dma_wait3A_64 = arith.constant 0 : i32
      %dma_wait3A_65 = tpu.memref_slice %arg4[%mul3A_15, %dma_wait3A_64] : memref<2560x128xi32, #tpu.memory_space<hbm>> -> memref<8x128xi32, #tpu.memory_space<hbm>>
      tpu.wait_dma2 semaphore(%run_scoped3A_41 : memref<!tpu.dma_semaphore, #tpu.memory_space<semaphore_mem>>) src(%dma_wait3A_65 : memref<8x128xi32, #tpu.memory_space<hbm>>) dst(%dma_wait3A_63 : memref<8x128xi32, #tpu.memory_space<vmem>>)
      tpu.yield
    }) : () -> ()
    %dma_start3A = arith.constant 0 : i32
    %dma_start3A_16 = arith.constant 0 : i32
    %dma_start3A_17 = tpu.memref_slice %arg6[%dma_start3A, %dma_start3A_16] : memref<80x128xi32, #tpu.memory_space<vmem>> -> memref<1x128xi32, #tpu.memory_space<vmem>>
    %dma_start3A_18 = tpu.memref_squeeze %dma_start3A_17 : memref<1x128xi32, #tpu.memory_space<vmem>> -> memref<128xi32, #tpu.memory_space<vmem>>
    %dma_start3A_19 = arith.constant 0 : i32
    %dma_start3A_20 = arith.constant 0 : i32
    %dma_start3A_21 = tpu.memref_slice %arg2[%dma_start3A_19, %dma_start3A_20] : memref<10240x128xf32, #tpu.memory_space<hbm>> -> memref<10240x128xf32, #tpu.memory_space<hbm>>
    tpu.enqueue_indirect_dma source(%dma_start3A_21 : memref<10240x128xf32, #tpu.memory_space<hbm>>) target(%arg8 : memref<128x128xf32, #tpu.memory_space<vmem>>) offsets(%dma_start3A_18 : memref<128xi32, #tpu.memory_space<vmem>>) semaphore(%arg12 : memref<!tpu.dma_semaphore, #tpu.memory_space<semaphore_mem>>)
    %barrier3A = arith.constant 0 : index
    tpu.barrier barrier_id(%barrier3A)
    %scan3A_22 = arith.constant 0 : i32
    %scan3A_23 = arith.constant 0 : i32
    %scan3A_24 = arith.constant 10 : i32
    %scan3A_25 = arith.addi %scan3A_23, %scan3A_24 : i32
    %scan3A_26 = arith.constant 1 : i32
    scf.for %scan3A_41 = %scan3A_23 to %scan3A_25 step %scan3A_26  : i32 {
      %rem3A = arith.constant 2 : i32
      %rem3A_42 = arith.remsi %scan3A_41, %rem3A : i32
      %add3A_43 = arith.constant 1 : i32
      %add3A_44 = arith.addi %scan3A_41, %add3A_43 : i32
      %rem3A_45 = arith.constant 2 : i32
      %rem3A_46 = arith.remsi %add3A_44, %rem3A_45 : i32
      %add3A_47 = arith.constant 1 : i32
      %add3A_48 = arith.addi %scan3A_41, %add3A_47 : i32
      %min3A = arith.constant 9 : i32
      %min3A_49 = arith.minsi %add3A_48, %min3A : i32
      %mul3A_50 = arith.constant 80 : i32
      %mul3A_51 = arith.muli %add3A, %mul3A_50 : i32
      %mul3A_52 = arith.constant 8 : i32
      %mul3A_53 = arith.muli %min3A_49, %mul3A_52 : i32
      %add3A_54 = arith.addi %mul3A_51, %mul3A_53 : i32
      %dma_start3A_55 = arith.constant 0 : i32
      %dma_start3A_56 = arith.constant 0 : i32
      %dma_start3A_57 = tpu.memref_slice %arg7[%rem3A_46, %dma_start3A_55, %dma_start3A_56] : memref<2x8x128xi32, #tpu.memory_space<vmem>> -> memref<1x8x128xi32, #tpu.memory_space<vmem>>
      %dma_start3A_58 = tpu.memref_squeeze %dma_start3A_57 : memref<1x8x128xi32, #tpu.memory_space<vmem>> -> memref<8x128xi32, #tpu.memory_space<vmem>>
      %dma_start3A_59 = arith.constant 0 : i32
      %dma_start3A_60 = tpu.memref_slice %arg4[%add3A_54, %dma_start3A_59] : memref<2560x128xi32, #tpu.memory_space<hbm>> -> memref<8x128xi32, #tpu.memory_space<hbm>>
      %dma_start3A_61 = arith.constant 0 : i32
      %dma_start3A_62 = arith.constant 0 : i32
      %dma_start3A_63 = tpu.memref_slice %arg7[%rem3A_46, %dma_start3A_61, %dma_start3A_62] : memref<2x8x128xi32, #tpu.memory_space<vmem>> -> memref<1x8x128xi32, #tpu.memory_space<vmem>>
      %dma_start3A_64 = tpu.memref_squeeze %dma_start3A_63 : memref<1x8x128xi32, #tpu.memory_space<vmem>> -> memref<8x128xi32, #tpu.memory_space<vmem>>
      %dma_start3A_65 = arith.constant 0 : i32
      %dma_start3A_66 = tpu.memref_slice %arg4[%add3A_54, %dma_start3A_65] : memref<2560x128xi32, #tpu.memory_space<hbm>> -> memref<8x128xi32, #tpu.memory_space<hbm>>
      tpu.enqueue_dma source(%dma_start3A_66 : memref<8x128xi32, #tpu.memory_space<hbm>>) target(%dma_start3A_64 : memref<8x128xi32, #tpu.memory_space<vmem>>) target_semaphore(%arg14 : memref<!tpu.dma_semaphore, #tpu.memory_space<semaphore_mem>>)
      %mul3A_67 = arith.constant 8 : i32
      %mul3A_68 = arith.muli %scan3A_41, %mul3A_67 : i32
      %add3A_69 = arith.constant 0 : i32
      %add3A_70 = arith.addi %mul3A_68, %add3A_69 : i32
      %add3A_71 = arith.constant 1 : i32
      %add3A_72 = arith.addi %add3A_70, %add3A_71 : i32
      %dma_start3A_73 = arith.constant 0 : i32
      %dma_start3A_74 = tpu.memref_slice %arg6[%add3A_72, %dma_start3A_73] : memref<80x128xi32, #tpu.memory_space<vmem>> -> memref<1x128xi32, #tpu.memory_space<vmem>>
      %dma_start3A_75 = tpu.memref_squeeze %dma_start3A_74 : memref<1x128xi32, #tpu.memory_space<vmem>> -> memref<128xi32, #tpu.memory_space<vmem>>
      %dma_start3A_76 = arith.constant 0 : i32
      %dma_start3A_77 = arith.constant 0 : i32
      %dma_start3A_78 = tpu.memref_slice %arg2[%dma_start3A_76, %dma_start3A_77] : memref<10240x128xf32, #tpu.memory_space<hbm>> -> memref<10240x128xf32, #tpu.memory_space<hbm>>
      tpu.enqueue_indirect_dma source(%dma_start3A_78 : memref<10240x128xf32, #tpu.memory_space<hbm>>) target(%arg9 : memref<128x128xf32, #tpu.memory_space<vmem>>) offsets(%dma_start3A_75 : memref<128xi32, #tpu.memory_space<vmem>>) semaphore(%arg13 : memref<!tpu.dma_semaphore, #tpu.memory_space<semaphore_mem>>)
      %dma_wait3A_79 = arith.constant 0 : i32
      %dma_wait3A_80 = arith.constant 0 : i32
      %dma_wait3A_81 = tpu.memref_slice %arg2[%dma_wait3A_79, %dma_wait3A_80] : memref<10240x128xf32, #tpu.memory_space<hbm>> -> memref<128x128xf32, #tpu.memory_space<hbm>>
      %dma_wait3A_82 = arith.constant 0 : i32
      %dma_wait3A_83 = arith.constant 0 : i32
      %dma_wait3A_84 = tpu.memref_slice %arg2[%dma_wait3A_82, %dma_wait3A_83] : memref<10240x128xf32, #tpu.memory_space<hbm>> -> memref<128x128xf32, #tpu.memory_space<hbm>>
      tpu.wait_dma2 semaphore(%arg12 : memref<!tpu.dma_semaphore, #tpu.memory_space<semaphore_mem>>) src(%dma_wait3A_84 : memref<128x128xf32, #tpu.memory_space<hbm>>) dst(%arg8 : memref<128x128xf32, #tpu.memory_space<vmem>>)
      %run_scoped3A_85 = arith.constant 0 : i32
      "tpu.region"() ({
        %run_scoped3A_225 = tpu.sem_alloc : memref<!tpu.dma_semaphore, #tpu.memory_space<semaphore_mem>>
        %dma_start3A_226 = arith.constant 0 : i32
        %dma_start3A_227 = tpu.memref_slice %arg7[%rem3A_42, %run_scoped3A_85, %dma_start3A_226] : memref<2x8x128xi32, #tpu.memory_space<vmem>> -> memref<1x1x128xi32, #tpu.memory_space<vmem>>
        %dma_start3A_228 = tpu.memref_squeeze %dma_start3A_227 : memref<1x1x128xi32, #tpu.memory_space<vmem>> -> memref<128xi32, #tpu.memory_space<vmem>>
        %dma_start3A_229 = arith.constant 0 : i32
        %dma_start3A_230 = arith.constant 0 : i32
        %dma_start3A_231 = tpu.memref_slice %arg11[%dma_start3A_229, %dma_start3A_230] : memref<10240x128xf32, #tpu.memory_space<vmem_shared>> -> memref<10240x128xf32, #tpu.memory_space<vmem_shared>>
        tpu.enqueue_indirect_dma source(%arg8 : memref<128x128xf32, #tpu.memory_space<vmem>>) target(%dma_start3A_231 : memref<10240x128xf32, #tpu.memory_space<vmem_shared>>) offsets(%dma_start3A_228 : memref<128xi32, #tpu.memory_space<vmem>>) semaphore(%run_scoped3A_225 : memref<!tpu.dma_semaphore, #tpu.memory_space<semaphore_mem>>) {add = true}
        %dma_wait3A_232 = arith.constant 0 : i32
        %dma_wait3A_233 = tpu.memref_slice %arg7[%rem3A_42, %run_scoped3A_85, %dma_wait3A_232] : memref<2x8x128xi32, #tpu.memory_space<vmem>> -> memref<1x1x128xi32, #tpu.memory_space<vmem>>
        %dma_wait3A_234 = tpu.memref_squeeze %dma_wait3A_233 : memref<1x1x128xi32, #tpu.memory_space<vmem>> -> memref<128xi32, #tpu.memory_space<vmem>>
        %dma_wait3A_235 = arith.constant 0 : i32
        %dma_wait3A_236 = arith.constant 0 : i32
        %dma_wait3A_237 = tpu.memref_slice %arg11[%dma_wait3A_235, %dma_wait3A_236] : memref<10240x128xf32, #tpu.memory_space<vmem_shared>> -> memref<10240x128xf32, #tpu.memory_space<vmem_shared>>
        tpu.wait_indirect_dma semaphore(%run_scoped3A_225 : memref<!tpu.dma_semaphore, #tpu.memory_space<semaphore_mem>>) src(%arg8 : memref<128x128xf32, #tpu.memory_space<vmem>>) dst(%dma_wait3A_237 : memref<10240x128xf32, #tpu.memory_space<vmem_shared>>)
        tpu.yield
      }) : () -> ()
      %add3A_86 = arith.constant 2 : i32
      %add3A_87 = arith.addi %add3A_70, %add3A_86 : i32
      %min3A_88 = arith.constant 79 : i32
      %min3A_89 = arith.minsi %add3A_87, %min3A_88 : i32
      %dma_start3A_90 = arith.constant 0 : i32
      %dma_start3A_91 = tpu.memref_slice %arg6[%min3A_89, %dma_start3A_90] : memref<80x128xi32, #tpu.memory_space<vmem>> -> memref<1x128xi32, #tpu.memory_space<vmem>>
      %dma_start3A_92 = tpu.memref_squeeze %dma_start3A_91 : memref<1x128xi32, #tpu.memory_space<vmem>> -> memref<128xi32, #tpu.memory_space<vmem>>
      %dma_start3A_93 = arith.constant 0 : i32
      %dma_start3A_94 = arith.constant 0 : i32
      %dma_start3A_95 = tpu.memref_slice %arg2[%dma_start3A_93, %dma_start3A_94] : memref<10240x128xf32, #tpu.memory_space<hbm>> -> memref<10240x128xf32, #tpu.memory_space<hbm>>
      tpu.enqueue_indirect_dma source(%dma_start3A_95 : memref<10240x128xf32, #tpu.memory_space<hbm>>) target(%arg8 : memref<128x128xf32, #tpu.memory_space<vmem>>) offsets(%dma_start3A_92 : memref<128xi32, #tpu.memory_space<vmem>>) semaphore(%arg12 : memref<!tpu.dma_semaphore, #tpu.memory_space<semaphore_mem>>)
      %dma_wait3A_96 = arith.constant 0 : i32
      %dma_wait3A_97 = arith.constant 0 : i32
      %dma_wait3A_98 = tpu.memref_slice %arg2[%dma_wait3A_96, %dma_wait3A_97] : memref<10240x128xf32, #tpu.memory_space<hbm>> -> memref<128x128xf32, #tpu.memory_space<hbm>>
      %dma_wait3A_99 = arith.constant 0 : i32
      %dma_wait3A_100 = arith.constant 0 : i32
      %dma_wait3A_101 = tpu.memref_slice %arg2[%dma_wait3A_99, %dma_wait3A_100] : memref<10240x128xf32, #tpu.memory_space<hbm>> -> memref<128x128xf32, #tpu.memory_space<hbm>>
      tpu.wait_dma2 semaphore(%arg13 : memref<!tpu.dma_semaphore, #tpu.memory_space<semaphore_mem>>) src(%dma_wait3A_101 : memref<128x128xf32, #tpu.memory_space<hbm>>) dst(%arg9 : memref<128x128xf32, #tpu.memory_space<vmem>>)
      %run_scoped3A_102 = arith.constant 1 : i32
      "tpu.region"() ({
        %run_scoped3A_225 = tpu.sem_alloc : memref<!tpu.dma_semaphore, #tpu.memory_space<semaphore_mem>>
        %dma_start3A_226 = arith.constant 0 : i32
        %dma_start3A_227 = tpu.memref_slice %arg7[%rem3A_42, %run_scoped3A_102, %dma_start3A_226] : memref<2x8x128xi32, #tpu.memory_space<vmem>> -> memref<1x1x128xi32, #tpu.memory_space<vmem>>
        %dma_start3A_228 = tpu.memref_squeeze %dma_start3A_227 : memref<1x1x128xi32, #tpu.memory_space<vmem>> -> memref<128xi32, #tpu.memory_space<vmem>>
        %dma_start3A_229 = arith.constant 0 : i32
        %dma_start3A_230 = arith.constant 0 : i32
        %dma_start3A_231 = tpu.memref_slice %arg11[%dma_start3A_229, %dma_start3A_230] : memref<10240x128xf32, #tpu.memory_space<vmem_shared>> -> memref<10240x128xf32, #tpu.memory_space<vmem_shared>>
        tpu.enqueue_indirect_dma source(%arg9 : memref<128x128xf32, #tpu.memory_space<vmem>>) target(%dma_start3A_231 : memref<10240x128xf32, #tpu.memory_space<vmem_shared>>) offsets(%dma_start3A_228 : memref<128xi32, #tpu.memory_space<vmem>>) semaphore(%run_scoped3A_225 : memref<!tpu.dma_semaphore, #tpu.memory_space<semaphore_mem>>) {add = true}
        %dma_wait3A_232 = arith.constant 0 : i32
        %dma_wait3A_233 = tpu.memref_slice %arg7[%rem3A_42, %run_scoped3A_102, %dma_wait3A_232] : memref<2x8x128xi32, #tpu.memory_space<vmem>> -> memref<1x1x128xi32, #tpu.memory_space<vmem>>
        %dma_wait3A_234 = tpu.memref_squeeze %dma_wait3A_233 : memref<1x1x128xi32, #tpu.memory_space<vmem>> -> memref<128xi32, #tpu.memory_space<vmem>>
        %dma_wait3A_235 = arith.constant 0 : i32
        %dma_wait3A_236 = arith.constant 0 : i32
        %dma_wait3A_237 = tpu.memref_slice %arg11[%dma_wait3A_235, %dma_wait3A_236] : memref<10240x128xf32, #tpu.memory_space<vmem_shared>> -> memref<10240x128xf32, #tpu.memory_space<vmem_shared>>
        tpu.wait_indirect_dma semaphore(%run_scoped3A_225 : memref<!tpu.dma_semaphore, #tpu.memory_space<semaphore_mem>>) src(%arg9 : memref<128x128xf32, #tpu.memory_space<vmem>>) dst(%dma_wait3A_237 : memref<10240x128xf32, #tpu.memory_space<vmem_shared>>)
        tpu.yield
      }) : () -> ()
      %mul3A_103 = arith.constant 8 : i32
      %mul3A_104 = arith.muli %scan3A_41, %mul3A_103 : i32
      %add3A_105 = arith.constant 2 : i32
      %add3A_106 = arith.addi %mul3A_104, %add3A_105 : i32
      %add3A_107 = arith.constant 1 : i32
      %add3A_108 = arith.addi %add3A_106, %add3A_107 : i32
      %dma_start3A_109 = arith.constant 0 : i32
      %dma_start3A_110 = tpu.memref_slice %arg6[%add3A_108, %dma_start3A_109] : memref<80x128xi32, #tpu.memory_space<vmem>> -> memref<1x128xi32, #tpu.memory_space<vmem>>
      %dma_start3A_111 = tpu.memref_squeeze %dma_start3A_110 : memref<1x128xi32, #tpu.memory_space<vmem>> -> memref<128xi32, #tpu.memory_space<vmem>>
      %dma_start3A_112 = arith.constant 0 : i32
      %dma_start3A_113 = arith.constant 0 : i32
      %dma_start3A_114 = tpu.memref_slice %arg2[%dma_start3A_112, %dma_start3A_113] : memref<10240x128xf32, #tpu.memory_space<hbm>> -> memref<10240x128xf32, #tpu.memory_space<hbm>>
      tpu.enqueue_indirect_dma source(%dma_start3A_114 : memref<10240x128xf32, #tpu.memory_space<hbm>>) target(%arg9 : memref<128x128xf32, #tpu.memory_space<vmem>>) offsets(%dma_start3A_111 : memref<128xi32, #tpu.memory_space<vmem>>) semaphore(%arg13 : memref<!tpu.dma_semaphore, #tpu.memory_space<semaphore_mem>>)
      %dma_wait3A_115 = arith.constant 0 : i32
      %dma_wait3A_116 = arith.constant 0 : i32
      %dma_wait3A_117 = tpu.memref_slice %arg2[%dma_wait3A_115, %dma_wait3A_116] : memref<10240x128xf32, #tpu.memory_space<hbm>> -> memref<128x128xf32, #tpu.memory_space<hbm>>
      %dma_wait3A_118 = arith.constant 0 : i32
      %dma_wait3A_119 = arith.constant 0 : i32
      %dma_wait3A_120 = tpu.memref_slice %arg2[%dma_wait3A_118, %dma_wait3A_119] : memref<10240x128xf32, #tpu.memory_space<hbm>> -> memref<128x128xf32, #tpu.memory_space<hbm>>
      tpu.wait_dma2 semaphore(%arg12 : memref<!tpu.dma_semaphore, #tpu.memory_space<semaphore_mem>>) src(%dma_wait3A_120 : memref<128x128xf32, #tpu.memory_space<hbm>>) dst(%arg8 : memref<128x128xf32, #tpu.memory_space<vmem>>)
      %run_scoped3A_121 = arith.constant 2 : i32
      "tpu.region"() ({
        %run_scoped3A_225 = tpu.sem_alloc : memref<!tpu.dma_semaphore, #tpu.memory_space<semaphore_mem>>
        %dma_start3A_226 = arith.constant 0 : i32
        %dma_start3A_227 = tpu.memref_slice %arg7[%rem3A_42, %run_scoped3A_121, %dma_start3A_226] : memref<2x8x128xi32, #tpu.memory_space<vmem>> -> memref<1x1x128xi32, #tpu.memory_space<vmem>>
        %dma_start3A_228 = tpu.memref_squeeze %dma_start3A_227 : memref<1x1x128xi32, #tpu.memory_space<vmem>> -> memref<128xi32, #tpu.memory_space<vmem>>
        %dma_start3A_229 = arith.constant 0 : i32
        %dma_start3A_230 = arith.constant 0 : i32
        %dma_start3A_231 = tpu.memref_slice %arg11[%dma_start3A_229, %dma_start3A_230] : memref<10240x128xf32, #tpu.memory_space<vmem_shared>> -> memref<10240x128xf32, #tpu.memory_space<vmem_shared>>
        tpu.enqueue_indirect_dma source(%arg8 : memref<128x128xf32, #tpu.memory_space<vmem>>) target(%dma_start3A_231 : memref<10240x128xf32, #tpu.memory_space<vmem_shared>>) offsets(%dma_start3A_228 : memref<128xi32, #tpu.memory_space<vmem>>) semaphore(%run_scoped3A_225 : memref<!tpu.dma_semaphore, #tpu.memory_space<semaphore_mem>>) {add = true}
        %dma_wait3A_232 = arith.constant 0 : i32
        %dma_wait3A_233 = tpu.memref_slice %arg7[%rem3A_42, %run_scoped3A_121, %dma_wait3A_232] : memref<2x8x128xi32, #tpu.memory_space<vmem>> -> memref<1x1x128xi32, #tpu.memory_space<vmem>>
        %dma_wait3A_234 = tpu.memref_squeeze %dma_wait3A_233 : memref<1x1x128xi32, #tpu.memory_space<vmem>> -> memref<128xi32, #tpu.memory_space<vmem>>
        %dma_wait3A_235 = arith.constant 0 : i32
        %dma_wait3A_236 = arith.constant 0 : i32
        %dma_wait3A_237 = tpu.memref_slice %arg11[%dma_wait3A_235, %dma_wait3A_236] : memref<10240x128xf32, #tpu.memory_space<vmem_shared>> -> memref<10240x128xf32, #tpu.memory_space<vmem_shared>>
        tpu.wait_indirect_dma semaphore(%run_scoped3A_225 : memref<!tpu.dma_semaphore, #tpu.memory_space<semaphore_mem>>) src(%arg8 : memref<128x128xf32, #tpu.memory_space<vmem>>) dst(%dma_wait3A_237 : memref<10240x128xf32, #tpu.memory_space<vmem_shared>>)
        tpu.yield
      }) : () -> ()
      %add3A_122 = arith.constant 2 : i32
      %add3A_123 = arith.addi %add3A_106, %add3A_122 : i32
      %min3A_124 = arith.constant 79 : i32
      %min3A_125 = arith.minsi %add3A_123, %min3A_124 : i32
      %dma_start3A_126 = arith.constant 0 : i32
      %dma_start3A_127 = tpu.memref_slice %arg6[%min3A_125, %dma_start3A_126] : memref<80x128xi32, #tpu.memory_space<vmem>> -> memref<1x128xi32, #tpu.memory_space<vmem>>
      %dma_start3A_128 = tpu.memref_squeeze %dma_start3A_127 : memref<1x128xi32, #tpu.memory_space<vmem>> -> memref<128xi32, #tpu.memory_space<vmem>>
      %dma_start3A_129 = arith.constant 0 : i32
      %dma_start3A_130 = arith.constant 0 : i32
      %dma_start3A_131 = tpu.memref_slice %arg2[%dma_start3A_129, %dma_start3A_130] : memref<10240x128xf32, #tpu.memory_space<hbm>> -> memref<10240x128xf32, #tpu.memory_space<hbm>>
      tpu.enqueue_indirect_dma source(%dma_start3A_131 : memref<10240x128xf32, #tpu.memory_space<hbm>>) target(%arg8 : memref<128x128xf32, #tpu.memory_space<vmem>>) offsets(%dma_start3A_128 : memref<128xi32, #tpu.memory_space<vmem>>) semaphore(%arg12 : memref<!tpu.dma_semaphore, #tpu.memory_space<semaphore_mem>>)
      %dma_wait3A_132 = arith.constant 0 : i32
      %dma_wait3A_133 = arith.constant 0 : i32
      %dma_wait3A_134 = tpu.memref_slice %arg2[%dma_wait3A_132, %dma_wait3A_133] : memref<10240x128xf32, #tpu.memory_space<hbm>> -> memref<128x128xf32, #tpu.memory_space<hbm>>
      %dma_wait3A_135 = arith.constant 0 : i32
      %dma_wait3A_136 = arith.constant 0 : i32
      %dma_wait3A_137 = tpu.memref_slice %arg2[%dma_wait3A_135, %dma_wait3A_136] : memref<10240x128xf32, #tpu.memory_space<hbm>> -> memref<128x128xf32, #tpu.memory_space<hbm>>
      tpu.wait_dma2 semaphore(%arg13 : memref<!tpu.dma_semaphore, #tpu.memory_space<semaphore_mem>>) src(%dma_wait3A_137 : memref<128x128xf32, #tpu.memory_space<hbm>>) dst(%arg9 : memref<128x128xf32, #tpu.memory_space<vmem>>)
      %run_scoped3A_138 = arith.constant 3 : i32
      "tpu.region"() ({
        %run_scoped3A_225 = tpu.sem_alloc : memref<!tpu.dma_semaphore, #tpu.memory_space<semaphore_mem>>
        %dma_start3A_226 = arith.constant 0 : i32
        %dma_start3A_227 = tpu.memref_slice %arg7[%rem3A_42, %run_scoped3A_138, %dma_start3A_226] : memref<2x8x128xi32, #tpu.memory_space<vmem>> -> memref<1x1x128xi32, #tpu.memory_space<vmem>>
        %dma_start3A_228 = tpu.memref_squeeze %dma_start3A_227 : memref<1x1x128xi32, #tpu.memory_space<vmem>> -> memref<128xi32, #tpu.memory_space<vmem>>
        %dma_start3A_229 = arith.constant 0 : i32
        %dma_start3A_230 = arith.constant 0 : i32
        %dma_start3A_231 = tpu.memref_slice %arg11[%dma_start3A_229, %dma_start3A_230] : memref<10240x128xf32, #tpu.memory_space<vmem_shared>> -> memref<10240x128xf32, #tpu.memory_space<vmem_shared>>
        tpu.enqueue_indirect_dma source(%arg9 : memref<128x128xf32, #tpu.memory_space<vmem>>) target(%dma_start3A_231 : memref<10240x128xf32, #tpu.memory_space<vmem_shared>>) offsets(%dma_start3A_228 : memref<128xi32, #tpu.memory_space<vmem>>) semaphore(%run_scoped3A_225 : memref<!tpu.dma_semaphore, #tpu.memory_space<semaphore_mem>>) {add = true}
        %dma_wait3A_232 = arith.constant 0 : i32
        %dma_wait3A_233 = tpu.memref_slice %arg7[%rem3A_42, %run_scoped3A_138, %dma_wait3A_232] : memref<2x8x128xi32, #tpu.memory_space<vmem>> -> memref<1x1x128xi32, #tpu.memory_space<vmem>>
        %dma_wait3A_234 = tpu.memref_squeeze %dma_wait3A_233 : memref<1x1x128xi32, #tpu.memory_space<vmem>> -> memref<128xi32, #tpu.memory_space<vmem>>
        %dma_wait3A_235 = arith.constant 0 : i32
        %dma_wait3A_236 = arith.constant 0 : i32
        %dma_wait3A_237 = tpu.memref_slice %arg11[%dma_wait3A_235, %dma_wait3A_236] : memref<10240x128xf32, #tpu.memory_space<vmem_shared>> -> memref<10240x128xf32, #tpu.memory_space<vmem_shared>>
        tpu.wait_indirect_dma semaphore(%run_scoped3A_225 : memref<!tpu.dma_semaphore, #tpu.memory_space<semaphore_mem>>) src(%arg9 : memref<128x128xf32, #tpu.memory_space<vmem>>) dst(%dma_wait3A_237 : memref<10240x128xf32, #tpu.memory_space<vmem_shared>>)
        tpu.yield
      }) : () -> ()
      %mul3A_139 = arith.constant 8 : i32
      %mul3A_140 = arith.muli %scan3A_41, %mul3A_139 : i32
      %add3A_141 = arith.constant 4 : i32
      %add3A_142 = arith.addi %mul3A_140, %add3A_141 : i32
      %add3A_143 = arith.constant 1 : i32
      %add3A_144 = arith.addi %add3A_142, %add3A_143 : i32
      %dma_start3A_145 = arith.constant 0 : i32
      %dma_start3A_146 = tpu.memref_slice %arg6[%add3A_144, %dma_start3A_145] : memref<80x128xi32, #tpu.memory_space<vmem>> -> memref<1x128xi32, #tpu.memory_space<vmem>>
      %dma_start3A_147 = tpu.memref_squeeze %dma_start3A_146 : memref<1x128xi32, #tpu.memory_space<vmem>> -> memref<128xi32, #tpu.memory_space<vmem>>
      %dma_start3A_148 = arith.constant 0 : i32
      %dma_start3A_149 = arith.constant 0 : i32
      %dma_start3A_150 = tpu.memref_slice %arg2[%dma_start3A_148, %dma_start3A_149] : memref<10240x128xf32, #tpu.memory_space<hbm>> -> memref<10240x128xf32, #tpu.memory_space<hbm>>
      tpu.enqueue_indirect_dma source(%dma_start3A_150 : memref<10240x128xf32, #tpu.memory_space<hbm>>) target(%arg9 : memref<128x128xf32, #tpu.memory_space<vmem>>) offsets(%dma_start3A_147 : memref<128xi32, #tpu.memory_space<vmem>>) semaphore(%arg13 : memref<!tpu.dma_semaphore, #tpu.memory_space<semaphore_mem>>)
      %dma_wait3A_151 = arith.constant 0 : i32
      %dma_wait3A_152 = arith.constant 0 : i32
      %dma_wait3A_153 = tpu.memref_slice %arg2[%dma_wait3A_151, %dma_wait3A_152] : memref<10240x128xf32, #tpu.memory_space<hbm>> -> memref<128x128xf32, #tpu.memory_space<hbm>>
      %dma_wait3A_154 = arith.constant 0 : i32
      %dma_wait3A_155 = arith.constant 0 : i32
      %dma_wait3A_156 = tpu.memref_slice %arg2[%dma_wait3A_154, %dma_wait3A_155] : memref<10240x128xf32, #tpu.memory_space<hbm>> -> memref<128x128xf32, #tpu.memory_space<hbm>>
      tpu.wait_dma2 semaphore(%arg12 : memref<!tpu.dma_semaphore, #tpu.memory_space<semaphore_mem>>) src(%dma_wait3A_156 : memref<128x128xf32, #tpu.memory_space<hbm>>) dst(%arg8 : memref<128x128xf32, #tpu.memory_space<vmem>>)
      %run_scoped3A_157 = arith.constant 4 : i32
      "tpu.region"() ({
        %run_scoped3A_225 = tpu.sem_alloc : memref<!tpu.dma_semaphore, #tpu.memory_space<semaphore_mem>>
        %dma_start3A_226 = arith.constant 0 : i32
        %dma_start3A_227 = tpu.memref_slice %arg7[%rem3A_42, %run_scoped3A_157, %dma_start3A_226] : memref<2x8x128xi32, #tpu.memory_space<vmem>> -> memref<1x1x128xi32, #tpu.memory_space<vmem>>
        %dma_start3A_228 = tpu.memref_squeeze %dma_start3A_227 : memref<1x1x128xi32, #tpu.memory_space<vmem>> -> memref<128xi32, #tpu.memory_space<vmem>>
        %dma_start3A_229 = arith.constant 0 : i32
        %dma_start3A_230 = arith.constant 0 : i32
        %dma_start3A_231 = tpu.memref_slice %arg11[%dma_start3A_229, %dma_start3A_230] : memref<10240x128xf32, #tpu.memory_space<vmem_shared>> -> memref<10240x128xf32, #tpu.memory_space<vmem_shared>>
        tpu.enqueue_indirect_dma source(%arg8 : memref<128x128xf32, #tpu.memory_space<vmem>>) target(%dma_start3A_231 : memref<10240x128xf32, #tpu.memory_space<vmem_shared>>) offsets(%dma_start3A_228 : memref<128xi32, #tpu.memory_space<vmem>>) semaphore(%run_scoped3A_225 : memref<!tpu.dma_semaphore, #tpu.memory_space<semaphore_mem>>) {add = true}
        %dma_wait3A_232 = arith.constant 0 : i32
        %dma_wait3A_233 = tpu.memref_slice %arg7[%rem3A_42, %run_scoped3A_157, %dma_wait3A_232] : memref<2x8x128xi32, #tpu.memory_space<vmem>> -> memref<1x1x128xi32, #tpu.memory_space<vmem>>
        %dma_wait3A_234 = tpu.memref_squeeze %dma_wait3A_233 : memref<1x1x128xi32, #tpu.memory_space<vmem>> -> memref<128xi32, #tpu.memory_space<vmem>>
        %dma_wait3A_235 = arith.constant 0 : i32
        %dma_wait3A_236 = arith.constant 0 : i32
        %dma_wait3A_237 = tpu.memref_slice %arg11[%dma_wait3A_235, %dma_wait3A_236] : memref<10240x128xf32, #tpu.memory_space<vmem_shared>> -> memref<10240x128xf32, #tpu.memory_space<vmem_shared>>
        tpu.wait_indirect_dma semaphore(%run_scoped3A_225 : memref<!tpu.dma_semaphore, #tpu.memory_space<semaphore_mem>>) src(%arg8 : memref<128x128xf32, #tpu.memory_space<vmem>>) dst(%dma_wait3A_237 : memref<10240x128xf32, #tpu.memory_space<vmem_shared>>)
        tpu.yield
      }) : () -> ()
      %add3A_158 = arith.constant 2 : i32
      %add3A_159 = arith.addi %add3A_142, %add3A_158 : i32
      %min3A_160 = arith.constant 79 : i32
      %min3A_161 = arith.minsi %add3A_159, %min3A_160 : i32
      %dma_start3A_162 = arith.constant 0 : i32
      %dma_start3A_163 = tpu.memref_slice %arg6[%min3A_161, %dma_start3A_162] : memref<80x128xi32, #tpu.memory_space<vmem>> -> memref<1x128xi32, #tpu.memory_space<vmem>>
      %dma_start3A_164 = tpu.memref_squeeze %dma_start3A_163 : memref<1x128xi32, #tpu.memory_space<vmem>> -> memref<128xi32, #tpu.memory_space<vmem>>
      %dma_start3A_165 = arith.constant 0 : i32
      %dma_start3A_166 = arith.constant 0 : i32
      %dma_start3A_167 = tpu.memref_slice %arg2[%dma_start3A_165, %dma_start3A_166] : memref<10240x128xf32, #tpu.memory_space<hbm>> -> memref<10240x128xf32, #tpu.memory_space<hbm>>
      tpu.enqueue_indirect_dma source(%dma_start3A_167 : memref<10240x128xf32, #tpu.memory_space<hbm>>) target(%arg8 : memref<128x128xf32, #tpu.memory_space<vmem>>) offsets(%dma_start3A_164 : memref<128xi32, #tpu.memory_space<vmem>>) semaphore(%arg12 : memref<!tpu.dma_semaphore, #tpu.memory_space<semaphore_mem>>)
      %dma_wait3A_168 = arith.constant 0 : i32
      %dma_wait3A_169 = arith.constant 0 : i32
      %dma_wait3A_170 = tpu.memref_slice %arg2[%dma_wait3A_168, %dma_wait3A_169] : memref<10240x128xf32, #tpu.memory_space<hbm>> -> memref<128x128xf32, #tpu.memory_space<hbm>>
      %dma_wait3A_171 = arith.constant 0 : i32
      %dma_wait3A_172 = arith.constant 0 : i32
      %dma_wait3A_173 = tpu.memref_slice %arg2[%dma_wait3A_171, %dma_wait3A_172] : memref<10240x128xf32, #tpu.memory_space<hbm>> -> memref<128x128xf32, #tpu.memory_space<hbm>>
      tpu.wait_dma2 semaphore(%arg13 : memref<!tpu.dma_semaphore, #tpu.memory_space<semaphore_mem>>) src(%dma_wait3A_173 : memref<128x128xf32, #tpu.memory_space<hbm>>) dst(%arg9 : memref<128x128xf32, #tpu.memory_space<vmem>>)
      %run_scoped3A_174 = arith.constant 5 : i32
      "tpu.region"() ({
        %run_scoped3A_225 = tpu.sem_alloc : memref<!tpu.dma_semaphore, #tpu.memory_space<semaphore_mem>>
        %dma_start3A_226 = arith.constant 0 : i32
        %dma_start3A_227 = tpu.memref_slice %arg7[%rem3A_42, %run_scoped3A_174, %dma_start3A_226] : memref<2x8x128xi32, #tpu.memory_space<vmem>> -> memref<1x1x128xi32, #tpu.memory_space<vmem>>
        %dma_start3A_228 = tpu.memref_squeeze %dma_start3A_227 : memref<1x1x128xi32, #tpu.memory_space<vmem>> -> memref<128xi32, #tpu.memory_space<vmem>>
        %dma_start3A_229 = arith.constant 0 : i32
        %dma_start3A_230 = arith.constant 0 : i32
        %dma_start3A_231 = tpu.memref_slice %arg11[%dma_start3A_229, %dma_start3A_230] : memref<10240x128xf32, #tpu.memory_space<vmem_shared>> -> memref<10240x128xf32, #tpu.memory_space<vmem_shared>>
        tpu.enqueue_indirect_dma source(%arg9 : memref<128x128xf32, #tpu.memory_space<vmem>>) target(%dma_start3A_231 : memref<10240x128xf32, #tpu.memory_space<vmem_shared>>) offsets(%dma_start3A_228 : memref<128xi32, #tpu.memory_space<vmem>>) semaphore(%run_scoped3A_225 : memref<!tpu.dma_semaphore, #tpu.memory_space<semaphore_mem>>) {add = true}
        %dma_wait3A_232 = arith.constant 0 : i32
        %dma_wait3A_233 = tpu.memref_slice %arg7[%rem3A_42, %run_scoped3A_174, %dma_wait3A_232] : memref<2x8x128xi32, #tpu.memory_space<vmem>> -> memref<1x1x128xi32, #tpu.memory_space<vmem>>
        %dma_wait3A_234 = tpu.memref_squeeze %dma_wait3A_233 : memref<1x1x128xi32, #tpu.memory_space<vmem>> -> memref<128xi32, #tpu.memory_space<vmem>>
        %dma_wait3A_235 = arith.constant 0 : i32
        %dma_wait3A_236 = arith.constant 0 : i32
        %dma_wait3A_237 = tpu.memref_slice %arg11[%dma_wait3A_235, %dma_wait3A_236] : memref<10240x128xf32, #tpu.memory_space<vmem_shared>> -> memref<10240x128xf32, #tpu.memory_space<vmem_shared>>
        tpu.wait_indirect_dma semaphore(%run_scoped3A_225 : memref<!tpu.dma_semaphore, #tpu.memory_space<semaphore_mem>>) src(%arg9 : memref<128x128xf32, #tpu.memory_space<vmem>>) dst(%dma_wait3A_237 : memref<10240x128xf32, #tpu.memory_space<vmem_shared>>)
        tpu.yield
      }) : () -> ()
      %mul3A_175 = arith.constant 8 : i32
      %mul3A_176 = arith.muli %scan3A_41, %mul3A_175 : i32
      %add3A_177 = arith.constant 6 : i32
      %add3A_178 = arith.addi %mul3A_176, %add3A_177 : i32
      %add3A_179 = arith.constant 1 : i32
      %add3A_180 = arith.addi %add3A_178, %add3A_179 : i32
      %dma_start3A_181 = arith.constant 0 : i32
      %dma_start3A_182 = tpu.memref_slice %arg6[%add3A_180, %dma_start3A_181] : memref<80x128xi32, #tpu.memory_space<vmem>> -> memref<1x128xi32, #tpu.memory_space<vmem>>
      %dma_start3A_183 = tpu.memref_squeeze %dma_start3A_182 : memref<1x128xi32, #tpu.memory_space<vmem>> -> memref<128xi32, #tpu.memory_space<vmem>>
      %dma_start3A_184 = arith.constant 0 : i32
      %dma_start3A_185 = arith.constant 0 : i32
      %dma_start3A_186 = tpu.memref_slice %arg2[%dma_start3A_184, %dma_start3A_185] : memref<10240x128xf32, #tpu.memory_space<hbm>> -> memref<10240x128xf32, #tpu.memory_space<hbm>>
      tpu.enqueue_indirect_dma source(%dma_start3A_186 : memref<10240x128xf32, #tpu.memory_space<hbm>>) target(%arg9 : memref<128x128xf32, #tpu.memory_space<vmem>>) offsets(%dma_start3A_183 : memref<128xi32, #tpu.memory_space<vmem>>) semaphore(%arg13 : memref<!tpu.dma_semaphore, #tpu.memory_space<semaphore_mem>>)
      %dma_wait3A_187 = arith.constant 0 : i32
      %dma_wait3A_188 = arith.constant 0 : i32
      %dma_wait3A_189 = tpu.memref_slice %arg2[%dma_wait3A_187, %dma_wait3A_188] : memref<10240x128xf32, #tpu.memory_space<hbm>> -> memref<128x128xf32, #tpu.memory_space<hbm>>
      %dma_wait3A_190 = arith.constant 0 : i32
      %dma_wait3A_191 = arith.constant 0 : i32
      %dma_wait3A_192 = tpu.memref_slice %arg2[%dma_wait3A_190, %dma_wait3A_191] : memref<10240x128xf32, #tpu.memory_space<hbm>> -> memref<128x128xf32, #tpu.memory_space<hbm>>
      tpu.wait_dma2 semaphore(%arg12 : memref<!tpu.dma_semaphore, #tpu.memory_space<semaphore_mem>>) src(%dma_wait3A_192 : memref<128x128xf32, #tpu.memory_space<hbm>>) dst(%arg8 : memref<128x128xf32, #tpu.memory_space<vmem>>)
      %run_scoped3A_193 = arith.constant 6 : i32
      "tpu.region"() ({
        %run_scoped3A_225 = tpu.sem_alloc : memref<!tpu.dma_semaphore, #tpu.memory_space<semaphore_mem>>
        %dma_start3A_226 = arith.constant 0 : i32
        %dma_start3A_227 = tpu.memref_slice %arg7[%rem3A_42, %run_scoped3A_193, %dma_start3A_226] : memref<2x8x128xi32, #tpu.memory_space<vmem>> -> memref<1x1x128xi32, #tpu.memory_space<vmem>>
        %dma_start3A_228 = tpu.memref_squeeze %dma_start3A_227 : memref<1x1x128xi32, #tpu.memory_space<vmem>> -> memref<128xi32, #tpu.memory_space<vmem>>
        %dma_start3A_229 = arith.constant 0 : i32
        %dma_start3A_230 = arith.constant 0 : i32
        %dma_start3A_231 = tpu.memref_slice %arg11[%dma_start3A_229, %dma_start3A_230] : memref<10240x128xf32, #tpu.memory_space<vmem_shared>> -> memref<10240x128xf32, #tpu.memory_space<vmem_shared>>
        tpu.enqueue_indirect_dma source(%arg8 : memref<128x128xf32, #tpu.memory_space<vmem>>) target(%dma_start3A_231 : memref<10240x128xf32, #tpu.memory_space<vmem_shared>>) offsets(%dma_start3A_228 : memref<128xi32, #tpu.memory_space<vmem>>) semaphore(%run_scoped3A_225 : memref<!tpu.dma_semaphore, #tpu.memory_space<semaphore_mem>>) {add = true}
        %dma_wait3A_232 = arith.constant 0 : i32
        %dma_wait3A_233 = tpu.memref_slice %arg7[%rem3A_42, %run_scoped3A_193, %dma_wait3A_232] : memref<2x8x128xi32, #tpu.memory_space<vmem>> -> memref<1x1x128xi32, #tpu.memory_space<vmem>>
        %dma_wait3A_234 = tpu.memref_squeeze %dma_wait3A_233 : memref<1x1x128xi32, #tpu.memory_space<vmem>> -> memref<128xi32, #tpu.memory_space<vmem>>
        %dma_wait3A_235 = arith.constant 0 : i32
        %dma_wait3A_236 = arith.constant 0 : i32
        %dma_wait3A_237 = tpu.memref_slice %arg11[%dma_wait3A_235, %dma_wait3A_236] : memref<10240x128xf32, #tpu.memory_space<vmem_shared>> -> memref<10240x128xf32, #tpu.memory_space<vmem_shared>>
        tpu.wait_indirect_dma semaphore(%run_scoped3A_225 : memref<!tpu.dma_semaphore, #tpu.memory_space<semaphore_mem>>) src(%arg8 : memref<128x128xf32, #tpu.memory_space<vmem>>) dst(%dma_wait3A_237 : memref<10240x128xf32, #tpu.memory_space<vmem_shared>>)
        tpu.yield
      }) : () -> ()
      %add3A_194 = arith.constant 2 : i32
      %add3A_195 = arith.addi %add3A_178, %add3A_194 : i32
      %min3A_196 = arith.constant 79 : i32
      %min3A_197 = arith.minsi %add3A_195, %min3A_196 : i32
      %dma_start3A_198 = arith.constant 0 : i32
      %dma_start3A_199 = tpu.memref_slice %arg6[%min3A_197, %dma_start3A_198] : memref<80x128xi32, #tpu.memory_space<vmem>> -> memref<1x128xi32, #tpu.memory_space<vmem>>
      %dma_start3A_200 = tpu.memref_squeeze %dma_start3A_199 : memref<1x128xi32, #tpu.memory_space<vmem>> -> memref<128xi32, #tpu.memory_space<vmem>>
      %dma_start3A_201 = arith.constant 0 : i32
      %dma_start3A_202 = arith.constant 0 : i32
      %dma_start3A_203 = tpu.memref_slice %arg2[%dma_start3A_201, %dma_start3A_202] : memref<10240x128xf32, #tpu.memory_space<hbm>> -> memref<10240x128xf32, #tpu.memory_space<hbm>>
      tpu.enqueue_indirect_dma source(%dma_start3A_203 : memref<10240x128xf32, #tpu.memory_space<hbm>>) target(%arg8 : memref<128x128xf32, #tpu.memory_space<vmem>>) offsets(%dma_start3A_200 : memref<128xi32, #tpu.memory_space<vmem>>) semaphore(%arg12 : memref<!tpu.dma_semaphore, #tpu.memory_space<semaphore_mem>>)
      %dma_wait3A_204 = arith.constant 0 : i32
      %dma_wait3A_205 = arith.constant 0 : i32
      %dma_wait3A_206 = tpu.memref_slice %arg2[%dma_wait3A_204, %dma_wait3A_205] : memref<10240x128xf32, #tpu.memory_space<hbm>> -> memref<128x128xf32, #tpu.memory_space<hbm>>
      %dma_wait3A_207 = arith.constant 0 : i32
      %dma_wait3A_208 = arith.constant 0 : i32
      %dma_wait3A_209 = tpu.memref_slice %arg2[%dma_wait3A_207, %dma_wait3A_208] : memref<10240x128xf32, #tpu.memory_space<hbm>> -> memref<128x128xf32, #tpu.memory_space<hbm>>
      tpu.wait_dma2 semaphore(%arg13 : memref<!tpu.dma_semaphore, #tpu.memory_space<semaphore_mem>>) src(%dma_wait3A_209 : memref<128x128xf32, #tpu.memory_space<hbm>>) dst(%arg9 : memref<128x128xf32, #tpu.memory_space<vmem>>)
      %run_scoped3A_210 = arith.constant 7 : i32
      "tpu.region"() ({
        %run_scoped3A_225 = tpu.sem_alloc : memref<!tpu.dma_semaphore, #tpu.memory_space<semaphore_mem>>
        %dma_start3A_226 = arith.constant 0 : i32
        %dma_start3A_227 = tpu.memref_slice %arg7[%rem3A_42, %run_scoped3A_210, %dma_start3A_226] : memref<2x8x128xi32, #tpu.memory_space<vmem>> -> memref<1x1x128xi32, #tpu.memory_space<vmem>>
        %dma_start3A_228 = tpu.memref_squeeze %dma_start3A_227 : memref<1x1x128xi32, #tpu.memory_space<vmem>> -> memref<128xi32, #tpu.memory_space<vmem>>
        %dma_start3A_229 = arith.constant 0 : i32
        %dma_start3A_230 = arith.constant 0 : i32
        %dma_start3A_231 = tpu.memref_slice %arg11[%dma_start3A_229, %dma_start3A_230] : memref<10240x128xf32, #tpu.memory_space<vmem_shared>> -> memref<10240x128xf32, #tpu.memory_space<vmem_shared>>
        tpu.enqueue_indirect_dma source(%arg9 : memref<128x128xf32, #tpu.memory_space<vmem>>) target(%dma_start3A_231 : memref<10240x128xf32, #tpu.memory_space<vmem_shared>>) offsets(%dma_start3A_228 : memref<128xi32, #tpu.memory_space<vmem>>) semaphore(%run_scoped3A_225 : memref<!tpu.dma_semaphore, #tpu.memory_space<semaphore_mem>>) {add = true}
        %dma_wait3A_232 = arith.constant 0 : i32
        %dma_wait3A_233 = tpu.memref_slice %arg7[%rem3A_42, %run_scoped3A_210, %dma_wait3A_232] : memref<2x8x128xi32, #tpu.memory_space<vmem>> -> memref<1x1x128xi32, #tpu.memory_space<vmem>>
        %dma_wait3A_234 = tpu.memref_squeeze %dma_wait3A_233 : memref<1x1x128xi32, #tpu.memory_space<vmem>> -> memref<128xi32, #tpu.memory_space<vmem>>
        %dma_wait3A_235 = arith.constant 0 : i32
        %dma_wait3A_236 = arith.constant 0 : i32
        %dma_wait3A_237 = tpu.memref_slice %arg11[%dma_wait3A_235, %dma_wait3A_236] : memref<10240x128xf32, #tpu.memory_space<vmem_shared>> -> memref<10240x128xf32, #tpu.memory_space<vmem_shared>>
        tpu.wait_indirect_dma semaphore(%run_scoped3A_225 : memref<!tpu.dma_semaphore, #tpu.memory_space<semaphore_mem>>) src(%arg9 : memref<128x128xf32, #tpu.memory_space<vmem>>) dst(%dma_wait3A_237 : memref<10240x128xf32, #tpu.memory_space<vmem_shared>>)
        tpu.yield
      }) : () -> ()
      %dma_wait3A_211 = arith.constant 0 : i32
      %dma_wait3A_212 = arith.constant 0 : i32
      %dma_wait3A_213 = tpu.memref_slice %arg7[%rem3A_46, %dma_wait3A_211, %dma_wait3A_212] : memref<2x8x128xi32, #tpu.memory_space<vmem>> -> memref<1x8x128xi32, #tpu.memory_space<vmem>>
      %dma_wait3A_214 = tpu.memref_squeeze %dma_wait3A_213 : memref<1x8x128xi32, #tpu.memory_space<vmem>> -> memref<8x128xi32, #tpu.memory_space<vmem>>
      %dma_wait3A_215 = arith.constant 0 : i32
      %dma_wait3A_216 = arith.constant 0 : i32
      %dma_wait3A_217 = tpu.memref_slice %arg4[%dma_wait3A_215, %dma_wait3A_216] : memref<2560x128xi32, #tpu.memory_space<hbm>> -> memref<8x128xi32, #tpu.memory_space<hbm>>
      %dma_wait3A_218 = arith.constant 0 : i32
      %dma_wait3A_219 = arith.constant 0 : i32
      %dma_wait3A_220 = tpu.memref_slice %arg7[%rem3A_46, %dma_wait3A_218, %dma_wait3A_219] : memref<2x8x128xi32, #tpu.memory_space<vmem>> -> memref<1x8x128xi32, #tpu.memory_space<vmem>>
      %dma_wait3A_221 = tpu.memref_squeeze %dma_wait3A_220 : memref<1x8x128xi32, #tpu.memory_space<vmem>> -> memref<8x128xi32, #tpu.memory_space<vmem>>
      %dma_wait3A_222 = arith.constant 0 : i32
      %dma_wait3A_223 = arith.constant 0 : i32
      %dma_wait3A_224 = tpu.memref_slice %arg4[%dma_wait3A_222, %dma_wait3A_223] : memref<2560x128xi32, #tpu.memory_space<hbm>> -> memref<8x128xi32, #tpu.memory_space<hbm>>
      tpu.wait_dma2 semaphore(%arg14 : memref<!tpu.dma_semaphore, #tpu.memory_space<semaphore_mem>>) src(%dma_wait3A_224 : memref<8x128xi32, #tpu.memory_space<hbm>>) dst(%dma_wait3A_221 : memref<8x128xi32, #tpu.memory_space<vmem>>)
    }
    %scan3A_27 = arith.constant 10 : i32
    %dma_wait3A = arith.constant 0 : i32
    %dma_wait3A_28 = arith.constant 0 : i32
    %dma_wait3A_29 = tpu.memref_slice %arg2[%dma_wait3A, %dma_wait3A_28] : memref<10240x128xf32, #tpu.memory_space<hbm>> -> memref<128x128xf32, #tpu.memory_space<hbm>>
    %dma_wait3A_30 = arith.constant 0 : i32
    %dma_wait3A_31 = arith.constant 0 : i32
    %dma_wait3A_32 = tpu.memref_slice %arg2[%dma_wait3A_30, %dma_wait3A_31] : memref<10240x128xf32, #tpu.memory_space<hbm>> -> memref<128x128xf32, #tpu.memory_space<hbm>>
    tpu.wait_dma2 semaphore(%arg12 : memref<!tpu.dma_semaphore, #tpu.memory_space<semaphore_mem>>) src(%dma_wait3A_32 : memref<128x128xf32, #tpu.memory_space<hbm>>) dst(%arg8 : memref<128x128xf32, #tpu.memory_space<vmem>>)
    %barrier3A_33 = arith.constant 0 : index
    tpu.barrier barrier_id(%barrier3A_33)
    %eq3A = arith.constant 0 : i32
    %eq3A_34 = arith.cmpi eq, %arg0, %eq3A : i32
    %convert_element_type3A = arith.extui %eq3A_34 : i1 to i32
    %cond3A = arith.constant 0 : i32
    %cond3A_35 = arith.cmpi ne, %convert_element_type3A, %cond3A : i32
    scf.if %cond3A_35 {
      %mul3A_41 = arith.constant 640 : i32
      %mul3A_42 = arith.muli %arg1, %mul3A_41 : i32
      %mul3A_43 = arith.constant 640 : i32
      %mul3A_44 = arith.muli %arg1, %mul3A_43 : i32
      %run_scoped3A_45 = arith.constant 0 : i32
      "tpu.region"() ({
        %run_scoped3A_46 = tpu.sem_alloc : memref<!tpu.dma_semaphore, #tpu.memory_space<semaphore_mem>>
        %dma_start3A_47 = arith.constant 0 : i32
        %dma_start3A_48 = tpu.memref_slice %arg5[%run_scoped3A_45, %mul3A_44, %dma_start3A_47] : memref<2x10240x128xf32, #tpu.memory_space<hbm>> -> memref<1x640x128xf32, #tpu.memory_space<hbm>>
        %dma_start3A_49 = tpu.memref_squeeze %dma_start3A_48 : memref<1x640x128xf32, #tpu.memory_space<hbm>> -> memref<640x128xf32, #tpu.memory_space<hbm>>
        %dma_start3A_50 = arith.constant 0 : i32
        %dma_start3A_51 = tpu.memref_slice %arg11[%mul3A_42, %dma_start3A_50] : memref<10240x128xf32, #tpu.memory_space<vmem_shared>> -> memref<640x128xf32, #tpu.memory_space<vmem_shared>>
        tpu.enqueue_dma source(%dma_start3A_51 : memref<640x128xf32, #tpu.memory_space<vmem_shared>>) target(%dma_start3A_49 : memref<640x128xf32, #tpu.memory_space<hbm>>) target_semaphore(%run_scoped3A_46 : memref<!tpu.dma_semaphore, #tpu.memory_space<semaphore_mem>>)
        %dma_wait3A_52 = arith.constant 0 : i32
        %dma_wait3A_53 = tpu.memref_slice %arg5[%run_scoped3A_45, %mul3A_44, %dma_wait3A_52] : memref<2x10240x128xf32, #tpu.memory_space<hbm>> -> memref<1x640x128xf32, #tpu.memory_space<hbm>>
        %dma_wait3A_54 = tpu.memref_squeeze %dma_wait3A_53 : memref<1x640x128xf32, #tpu.memory_space<hbm>> -> memref<640x128xf32, #tpu.memory_space<hbm>>
        %dma_wait3A_55 = arith.constant 0 : i32
        %dma_wait3A_56 = tpu.memref_slice %arg11[%mul3A_42, %dma_wait3A_55] : memref<10240x128xf32, #tpu.memory_space<vmem_shared>> -> memref<640x128xf32, #tpu.memory_space<vmem_shared>>
        tpu.wait_dma2 semaphore(%run_scoped3A_46 : memref<!tpu.dma_semaphore, #tpu.memory_space<semaphore_mem>>) src(%dma_wait3A_56 : memref<640x128xf32, #tpu.memory_space<vmem_shared>>) dst(%dma_wait3A_54 : memref<640x128xf32, #tpu.memory_space<hbm>>)
        tpu.yield
      }) : () -> ()
    } else {
    }
    %eq3A_36 = arith.constant 1 : i32
    %eq3A_37 = arith.cmpi eq, %arg0, %eq3A_36 : i32
    %convert_element_type3A_38 = arith.extui %eq3A_37 : i1 to i32
    %cond3A_39 = arith.constant 0 : i32
    %cond3A_40 = arith.cmpi ne, %convert_element_type3A_38, %cond3A_39 : i32
    scf.if %cond3A_40 {
      %mul3A_41 = arith.constant 640 : i32
      %mul3A_42 = arith.muli %arg1, %mul3A_41 : i32
      %mul3A_43 = arith.constant 640 : i32
      %mul3A_44 = arith.muli %arg1, %mul3A_43 : i32
      %run_scoped3A_45 = arith.constant 1 : i32
      "tpu.region"() ({
        %run_scoped3A_46 = tpu.sem_alloc : memref<!tpu.dma_semaphore, #tpu.memory_space<semaphore_mem>>
        %dma_start3A_47 = arith.constant 0 : i32
        %dma_start3A_48 = tpu.memref_slice %arg5[%run_scoped3A_45, %mul3A_44, %dma_start3A_47] : memref<2x10240x128xf32, #tpu.memory_space<hbm>> -> memref<1x640x128xf32, #tpu.memory_space<hbm>>
        %dma_start3A_49 = tpu.memref_squeeze %dma_start3A_48 : memref<1x640x128xf32, #tpu.memory_space<hbm>> -> memref<640x128xf32, #tpu.memory_space<hbm>>
        %dma_start3A_50 = arith.constant 0 : i32
        %dma_start3A_51 = tpu.memref_slice %arg11[%mul3A_42, %dma_start3A_50] : memref<10240x128xf32, #tpu.memory_space<vmem_shared>> -> memref<640x128xf32, #tpu.memory_space<vmem_shared>>
        tpu.enqueue_dma source(%dma_start3A_51 : memref<640x128xf32, #tpu.memory_space<vmem_shared>>) target(%dma_start3A_49 : memref<640x128xf32, #tpu.memory_space<hbm>>) target_semaphore(%run_scoped3A_46 : memref<!tpu.dma_semaphore, #tpu.memory_space<semaphore_mem>>)
        %dma_wait3A_52 = arith.constant 0 : i32
        %dma_wait3A_53 = tpu.memref_slice %arg5[%run_scoped3A_45, %mul3A_44, %dma_wait3A_52] : memref<2x10240x128xf32, #tpu.memory_space<hbm>> -> memref<1x640x128xf32, #tpu.memory_space<hbm>>
        %dma_wait3A_54 = tpu.memref_squeeze %dma_wait3A_53 : memref<1x640x128xf32, #tpu.memory_space<hbm>> -> memref<640x128xf32, #tpu.memory_space<hbm>>
        %dma_wait3A_55 = arith.constant 0 : i32
        %dma_wait3A_56 = tpu.memref_slice %arg11[%mul3A_42, %dma_wait3A_55] : memref<10240x128xf32, #tpu.memory_space<vmem_shared>> -> memref<640x128xf32, #tpu.memory_space<vmem_shared>>
        tpu.wait_dma2 semaphore(%run_scoped3A_46 : memref<!tpu.dma_semaphore, #tpu.memory_space<semaphore_mem>>) src(%dma_wait3A_56 : memref<640x128xf32, #tpu.memory_space<vmem_shared>>) dst(%dma_wait3A_54 : memref<640x128xf32, #tpu.memory_space<hbm>>)
        tpu.yield
      }) : () -> ()
    } else {
    }
    return
  }
}

module attributes {stable_mosaic.version = 14 : i64} {
  func.func @_prep_body(%arg0: memref<10240x128xf32, #tpu.memory_space<vmem>>, %arg1: memref<128x128xf32, #tpu.memory_space<vmem>>, %arg2: memref<2x10240x128xf32, #tpu.memory_space<vmem>>, %arg3: memref<10240x128xf32, #tpu.memory_space<vmem>>, %arg4: memref<10240x128xf32, #tpu.memory_space<vmem>>) attributes {dimension_semantics = [], scalar_prefetch = 0 : i64, scratch_operands = 0 : i64, tpu.core_type = #tpu.core_type<tc>} {
    %get3A = arith.constant 0 : index
    %get3A_0 = arith.constant 0 : index
    %get3A_1 = arith.constant 0 : index
    %get3A_2 = vector.load %arg2[%get3A, %get3A_0, %get3A_1] : memref<2x10240x128xf32, #tpu.memory_space<vmem>>, vector<2x10240x128xf32>
    %slice3A = vector.extract_strided_slice %get3A_2 {offsets = [0, 0, 0], sizes = [1, 10240, 1], strides = [1, 1, 1]} : vector<2x10240x128xf32> to vector<1x10240x1xf32>
    %squeeze3A = vector.shape_cast %slice3A : vector<1x10240x1xf32> to vector<10240x1xf32>
    %slice3A_3 = vector.extract_strided_slice %get3A_2 {offsets = [1, 0, 0], sizes = [1, 10240, 1], strides = [1, 1, 1]} : vector<2x10240x128xf32> to vector<1x10240x1xf32>
    %squeeze3A_4 = vector.shape_cast %slice3A_3 : vector<1x10240x1xf32> to vector<10240x1xf32>
    %add3A = arith.addf %squeeze3A, %squeeze3A_4 : vector<10240x1xf32>
    %add3A_5 = arith.constant 1.000000e+00 : f32
    %add3A_6 = vector.broadcast %add3A_5 : f32 to vector<10240x1xf32>
    %add3A_7 = arith.addf %add3A, %add3A_6 : vector<10240x1xf32>
    %rsqrt3A = math.rsqrt %add3A_7 : vector<10240x1xf32>
    %iota3A = tpu.iota {dimensions = array<i32: 0>} : vector<10240x1xi32>
    %lt3A = arith.constant 10000 : i32
    %lt3A_8 = vector.broadcast %lt3A : i32 to vector<10240x1xi32>
    %lt3A_9 = arith.cmpi slt, %iota3A, %lt3A_8 : vector<10240x1xi32>
    %jit3A = arith.constant 0.000000e+00 : f32
    %broadcast_in_dim3A = vector.broadcast %jit3A : f32 to vector<10240x1xf32>
    %select_n3A = arith.select %lt3A_9, %rsqrt3A, %broadcast_in_dim3A : vector<10240x1xi1>, vector<10240x1xf32>
    %broadcast_in_dim3A_10 = vector.shape_cast %select_n3A : vector<10240x1xf32> to vector<10240x1xf32>
    %broadcast_in_dim3A_11 = vector.broadcast %broadcast_in_dim3A_10 : vector<10240x1xf32> to vector<10240x128xf32>
    %swap3A = arith.constant 0 : index
    %swap3A_12 = arith.constant 0 : index
    %swap3A_13 = vector.load %arg4[%swap3A, %swap3A_12] : memref<10240x128xf32, #tpu.memory_space<vmem>>, vector<10240x128xf32>
    tpu.vector_store %arg4[%swap3A, %swap3A_12], %broadcast_in_dim3A_11 {strides = array<i32>} : memref<10240x128xf32, #tpu.memory_space<vmem>>, vector<10240x128xf32>,
    %get3A_14 = arith.constant 0 : index
    %get3A_15 = arith.constant 0 : index
    %get3A_16 = vector.load %arg0[%get3A_14, %get3A_15] : memref<10240x128xf32, #tpu.memory_space<vmem>>, vector<10240x128xf32>
    %get3A_17 = arith.constant 0 : index
    %get3A_18 = arith.constant 0 : index
    %get3A_19 = vector.load %arg1[%get3A_17, %get3A_18] : memref<128x128xf32, #tpu.memory_space<vmem>>, vector<128x128xf32>
    %dot_general3A = arith.constant dense<0.000000e+00> : vector<10240x128xf32>
    %dot_general3A_20 = tpu.matmul %get3A_16, %get3A_19, %dot_general3A {dimension_numbers = #tpu.dot_dimension_numbers<[1], [0], [0], [1], [0, 0, 1, 1], [], []>, transpose_lhs_hint = false} : vector<10240x128xf32>, vector<128x128xf32>, vector<10240x128xf32> -> vector<10240x128xf32>
    %mul3A = arith.mulf %broadcast_in_dim3A_11, %dot_general3A_20 : vector<10240x128xf32>
    %swap3A_21 = arith.constant 0 : index
    %swap3A_22 = arith.constant 0 : index
    %swap3A_23 = vector.load %arg3[%swap3A_21, %swap3A_22] : memref<10240x128xf32, #tpu.memory_space<vmem>>, vector<10240x128xf32>
    tpu.vector_store %arg3[%swap3A_21, %swap3A_22], %mul3A {strides = array<i32>} : memref<10240x128xf32, #tpu.memory_space<vmem>>, vector<10240x128xf32>,
    return
  }
}

module attributes {stable_mosaic.version = 14 : i64} {
  func.func @_layer_body(%arg0: memref<2x10240x128xf32, #tpu.memory_space<vmem>>, %arg1: memref<10240x128xf32, #tpu.memory_space<vmem>>, %arg2: memref<10240x128xf32, #tpu.memory_space<vmem>>, %arg3: memref<1x128xf32, #tpu.memory_space<vmem>>, %arg4: memref<128x128xf32, #tpu.memory_space<vmem>>, %arg5: memref<10240x128xf32, #tpu.memory_space<vmem>>) attributes {dimension_semantics = [], scalar_prefetch = 0 : i64, scratch_operands = 0 : i64, tpu.core_type = #tpu.core_type<tc>} {
    %get3A = arith.constant 0 : index
    %get3A_0 = arith.constant 0 : index
    %get3A_1 = arith.constant 0 : index
    %get3A_2 = vector.load %arg0[%get3A, %get3A_0, %get3A_1] : memref<2x10240x128xf32, #tpu.memory_space<vmem>>, vector<1x10240x128xf32>
    %get3A_3 = vector.shape_cast %get3A_2 : vector<1x10240x128xf32> to vector<10240x128xf32>
    %get3A_4 = arith.constant 1 : index
    %get3A_5 = arith.constant 0 : index
    %get3A_6 = arith.constant 0 : index
    %get3A_7 = vector.load %arg0[%get3A_4, %get3A_5, %get3A_6] : memref<2x10240x128xf32, #tpu.memory_space<vmem>>, vector<1x10240x128xf32>
    %get3A_8 = vector.shape_cast %get3A_7 : vector<1x10240x128xf32> to vector<10240x128xf32>
    %add3A = arith.addf %get3A_3, %get3A_8 : vector<10240x128xf32>
    %get3A_9 = arith.constant 0 : index
    %get3A_10 = arith.constant 0 : index
    %get3A_11 = vector.load %arg2[%get3A_9, %get3A_10] : memref<10240x128xf32, #tpu.memory_space<vmem>>, vector<10240x128xf32>
    %get3A_12 = arith.constant 0 : index
    %get3A_13 = arith.constant 0 : index
    %get3A_14 = vector.load %arg3[%get3A_12, %get3A_13] : memref<1x128xf32, #tpu.memory_space<vmem>>, vector<1x128xf32>
    %get3A_15 = arith.constant 0 : index
    %get3A_16 = arith.constant 0 : index
    %get3A_17 = vector.load %arg1[%get3A_15, %get3A_16] : memref<10240x128xf32, #tpu.memory_space<vmem>>, vector<10240x128xf32>
    %add3A_18 = arith.addf %add3A, %get3A_17 : vector<10240x128xf32>
    %mul3A = arith.mulf %get3A_11, %add3A_18 : vector<10240x128xf32>
    %add3A_19 = vector.broadcast %get3A_14 : vector<1x128xf32> to vector<10240x128xf32>
    %add3A_20 = arith.addf %add3A_19, %mul3A : vector<10240x128xf32>
    %max3A = arith.constant 0.000000e+00 : f32
    %max3A_21 = vector.broadcast %max3A : f32 to vector<10240x128xf32>
    %max3A_22 = arith.maximumf %add3A_20, %max3A_21 : vector<10240x128xf32>
    %get3A_23 = arith.constant 0 : index
    %get3A_24 = arith.constant 0 : index
    %get3A_25 = vector.load %arg4[%get3A_23, %get3A_24] : memref<128x128xf32, #tpu.memory_space<vmem>>, vector<128x128xf32>
    %dot_general3A = arith.constant dense<0.000000e+00> : vector<10240x128xf32>
    %dot_general3A_26 = tpu.matmul %max3A_22, %get3A_25, %dot_general3A {dimension_numbers = #tpu.dot_dimension_numbers<[1], [0], [0], [1], [0, 0, 1, 1], [], []>, transpose_lhs_hint = false} : vector<10240x128xf32>, vector<128x128xf32>, vector<10240x128xf32> -> vector<10240x128xf32>
    %mul3A_27 = arith.mulf %get3A_11, %dot_general3A_26 : vector<10240x128xf32>
    %swap3A = arith.constant 0 : index
    %swap3A_28 = arith.constant 0 : index
    %swap3A_29 = vector.load %arg5[%swap3A, %swap3A_28] : memref<10240x128xf32, #tpu.memory_space<vmem>>, vector<10240x128xf32>
    tpu.vector_store %arg5[%swap3A, %swap3A_28], %mul3A_27 {strides = array<i32>} : memref<10240x128xf32, #tpu.memory_space<vmem>>, vector<10240x128xf32>,
    return
  }
}

module attributes {stable_mosaic.version = 14 : i64} {
  func.func @_final_body(%arg0: memref<2x10240x128xf32, #tpu.memory_space<vmem>>, %arg1: memref<10240x128xf32, #tpu.memory_space<vmem>>, %arg2: memref<10240x128xf32, #tpu.memory_space<vmem>>, %arg3: memref<1x128xf32, #tpu.memory_space<vmem>>, %arg4: memref<10240x1xi32, #tpu.memory_space<vmem>>, %arg5: memref<128x128xf32, #tpu.memory_space<vmem>>, %arg6: memref<1x128xf32, #tpu.memory_space<vmem>>, %arg7: memref<128x16xf32, #tpu.memory_space<vmem>>, %arg8: memref<1x16xf32, #tpu.memory_space<vmem>>, %arg9: memref<128x16xf32, #tpu.memory_space<vmem>>) attributes {dimension_semantics = [], scalar_prefetch = 0 : i64, scratch_operands = 0 : i64, tpu.core_type = #tpu.core_type<tc>} {
    %get3A = arith.constant 0 : index
    %get3A_0 = arith.constant 0 : index
    %get3A_1 = arith.constant 0 : index
    %get3A_2 = vector.load %arg0[%get3A, %get3A_0, %get3A_1] : memref<2x10240x128xf32, #tpu.memory_space<vmem>>, vector<1x10240x128xf32>
    %get3A_3 = vector.shape_cast %get3A_2 : vector<1x10240x128xf32> to vector<10240x128xf32>
    %get3A_4 = arith.constant 1 : index
    %get3A_5 = arith.constant 0 : index
    %get3A_6 = arith.constant 0 : index
    %get3A_7 = vector.load %arg0[%get3A_4, %get3A_5, %get3A_6] : memref<2x10240x128xf32, #tpu.memory_space<vmem>>, vector<1x10240x128xf32>
    %get3A_8 = vector.shape_cast %get3A_7 : vector<1x10240x128xf32> to vector<10240x128xf32>
    %add3A = arith.addf %get3A_3, %get3A_8 : vector<10240x128xf32>
    %get3A_9 = arith.constant 0 : index
    %get3A_10 = arith.constant 0 : index
    %get3A_11 = vector.load %arg3[%get3A_9, %get3A_10] : memref<1x128xf32, #tpu.memory_space<vmem>>, vector<1x128xf32>
    %get3A_12 = arith.constant 0 : index
    %get3A_13 = arith.constant 0 : index
    %get3A_14 = vector.load %arg2[%get3A_12, %get3A_13] : memref<10240x128xf32, #tpu.memory_space<vmem>>, vector<10240x128xf32>
    %get3A_15 = arith.constant 0 : index
    %get3A_16 = arith.constant 0 : index
    %get3A_17 = vector.load %arg1[%get3A_15, %get3A_16] : memref<10240x128xf32, #tpu.memory_space<vmem>>, vector<10240x128xf32>
    %add3A_18 = arith.addf %add3A, %get3A_17 : vector<10240x128xf32>
    %mul3A = arith.mulf %get3A_14, %add3A_18 : vector<10240x128xf32>
    %add3A_19 = vector.broadcast %get3A_11 : vector<1x128xf32> to vector<10240x128xf32>
    %add3A_20 = arith.addf %add3A_19, %mul3A : vector<10240x128xf32>
    %max3A = arith.constant 0.000000e+00 : f32
    %max3A_21 = vector.broadcast %max3A : f32 to vector<10240x128xf32>
    %max3A_22 = arith.maximumf %add3A_20, %max3A_21 : vector<10240x128xf32>
    %iota3A = tpu.iota {dimensions = array<i32: 1>} : vector<10240x128xi32>
    %get3A_23 = arith.constant 0 : index
    %get3A_24 = arith.constant 0 : index
    %get3A_25 = vector.load %arg4[%get3A_23, %get3A_24] : memref<10240x1xi32, #tpu.memory_space<vmem>>, vector<10240x1xi32>
    %eq3A = vector.broadcast %get3A_25 : vector<10240x1xi32> to vector<10240x128xi32>
    %eq3A_26 = arith.cmpi eq, %eq3A, %iota3A : vector<10240x128xi32>
    %convert_element_type3A = arith.extui %eq3A_26 : vector<10240x128xi1> to vector<10240x128xi32>
    %convert_element_type3A_27 = arith.sitofp %convert_element_type3A : vector<10240x128xi32> to vector<10240x128xf32>
    %dot_general3A = arith.constant dense<0.000000e+00> : vector<128x128xf32>
    %dot_general3A_28 = tpu.matmul %convert_element_type3A_27, %max3A_22, %dot_general3A {dimension_numbers = #tpu.dot_dimension_numbers<[0], [0], [1], [1], [0, 1, 1, 1], [], []>, transpose_lhs_hint = false} : vector<10240x128xf32>, vector<10240x128xf32>, vector<128x128xf32> -> vector<128x128xf32>
    %broadcast_in_dim3A = arith.constant 1.000000e+00 : f32
    %broadcast_in_dim3A_29 = vector.broadcast %broadcast_in_dim3A : f32 to vector<10240x1xf32>
    %dot_general3A_30 = arith.constant dense<0.000000e+00> : vector<128x1xf32>
    %dot_general3A_31 = tpu.matmul %convert_element_type3A_27, %broadcast_in_dim3A_29, %dot_general3A_30 {dimension_numbers = #tpu.dot_dimension_numbers<[0], [0], [1], [1], [0, 1, 1, 1], [], []>, transpose_lhs_hint = false} : vector<10240x128xf32>, vector<10240x1xf32>, vector<128x1xf32> -> vector<128x1xf32>
    %max3A_32 = arith.constant 1.000000e+00 : f32
    %max3A_33 = vector.broadcast %max3A_32 : f32 to vector<128x1xf32>
    %max3A_34 = arith.maximumf %dot_general3A_31, %max3A_33 : vector<128x1xf32>
    %div3A = vector.broadcast %max3A_34 : vector<128x1xf32> to vector<128x128xf32>
    %div3A_35 = arith.divf %dot_general3A_28, %div3A : vector<128x128xf32>
    %get3A_36 = arith.constant 0 : index
    %get3A_37 = arith.constant 0 : index
    %get3A_38 = vector.load %arg5[%get3A_36, %get3A_37] : memref<128x128xf32, #tpu.memory_space<vmem>>, vector<128x128xf32>
    %dot_general3A_39 = arith.constant dense<0.000000e+00> : vector<128x128xf32>
    %dot_general3A_40 = tpu.matmul %div3A_35, %get3A_38, %dot_general3A_39 {dimension_numbers = #tpu.dot_dimension_numbers<[1], [0], [0], [1], [0, 0, 1, 1], [], []>, transpose_lhs_hint = false} : vector<128x128xf32>, vector<128x128xf32>, vector<128x128xf32> -> vector<128x128xf32>
    %get3A_41 = arith.constant 0 : index
    %get3A_42 = arith.constant 0 : index
    %get3A_43 = vector.load %arg6[%get3A_41, %get3A_42] : memref<1x128xf32, #tpu.memory_space<vmem>>, vector<1x128xf32>
    %add3A_44 = vector.broadcast %get3A_43 : vector<1x128xf32> to vector<128x128xf32>
    %add3A_45 = arith.addf %dot_general3A_40, %add3A_44 : vector<128x128xf32>
    %max3A_46 = arith.constant 0.000000e+00 : f32
    %max3A_47 = vector.broadcast %max3A_46 : f32 to vector<128x128xf32>
    %max3A_48 = arith.maximumf %add3A_45, %max3A_47 : vector<128x128xf32>
    %get3A_49 = arith.constant 0 : index
    %get3A_50 = arith.constant 0 : index
    %get3A_51 = vector.load %arg7[%get3A_49, %get3A_50] : memref<128x16xf32, #tpu.memory_space<vmem>>, vector<128x16xf32>
    %dot_general3A_52 = arith.constant dense<0.000000e+00> : vector<128x16xf32>
    %dot_general3A_53 = tpu.matmul %max3A_48, %get3A_51, %dot_general3A_52 {dimension_numbers = #tpu.dot_dimension_numbers<[1], [0], [0], [1], [0, 0, 1, 1], [], []>, transpose_lhs_hint = false} : vector<128x128xf32>, vector<128x16xf32>, vector<128x16xf32> -> vector<128x16xf32>
    %get3A_54 = arith.constant 0 : index
    %get3A_55 = arith.constant 0 : index
    %get3A_56 = vector.load %arg8[%get3A_54, %get3A_55] : memref<1x16xf32, #tpu.memory_space<vmem>>, vector<1x16xf32>
    %add3A_57 = vector.broadcast %get3A_56 : vector<1x16xf32> to vector<128x16xf32>
    %add3A_58 = arith.addf %dot_general3A_53, %add3A_57 : vector<128x16xf32>
    %reduce_max3A = arith.constant dense<0xFF800000> : vector<128xf32>
    %reduce_max3A_59 = vector.multi_reduction <maximumf>, %add3A_58, %reduce_max3A [1] : vector<128x16xf32> to vector<128xf32>
    %broadcast_in_dim3A_60 = vector.shape_cast %reduce_max3A_59 : vector<128xf32> to vector<128x1xf32>
    %sub3A = vector.broadcast %broadcast_in_dim3A_60 : vector<128x1xf32> to vector<128x16xf32>
    %sub3A_61 = arith.subf %add3A_58, %sub3A : vector<128x16xf32>
    %exp3A = math.exp %sub3A_61 : vector<128x16xf32>
    %sub3A_62 = vector.broadcast %broadcast_in_dim3A_60 : vector<128x1xf32> to vector<128x16xf32>
    %sub3A_63 = arith.subf %add3A_58, %sub3A_62 : vector<128x16xf32>
    %reduce_sum3A = arith.constant dense<0.000000e+00> : vector<128xf32>
    %reduce_sum3A_64 = vector.multi_reduction <add>, %exp3A, %reduce_sum3A [1] : vector<128x16xf32> to vector<128xf32>
    %broadcast_in_dim3A_65 = vector.shape_cast %reduce_sum3A_64 : vector<128xf32> to vector<128x1xf32>
    %log3A = math.log %broadcast_in_dim3A_65 : vector<128x1xf32>
    %sub3A_66 = vector.broadcast %log3A : vector<128x1xf32> to vector<128x16xf32>
    %sub3A_67 = arith.subf %sub3A_63, %sub3A_66 : vector<128x16xf32>
    %swap3A = arith.constant 0 : index
    %swap3A_68 = arith.constant 0 : index
    %swap3A_69 = vector.load %arg9[%swap3A, %swap3A_68] : memref<128x16xf32, #tpu.memory_space<vmem>>, vector<128x16xf32>
    tpu.vector_store %arg9[%swap3A, %swap3A_68], %sub3A_67 {strides = array<i32>} : memref<128x16xf32, #tpu.memory_space<vmem>>, vector<128x16xf32>,
    return
  }
}

</mosaic_0001>

<sc_bundles>
// kernel: kernel.10.cloned.1.call-start
scs
__scs_entry_jumppad:
0x0: {  	(pc) =	sbr.rel $0x88, $3  }
0x1: {  	(tag) =	ssettag $0x0;
	lr =	simm.s32 $0x1  }
0x2: {  	[smem:$0x3F94] =	sst lr;
	_ =	strace $0xD0000000  }
0x3: {  	_ = 	snop  }
0x4: {  	_ = 	snop  }
0x5: {  	_ = 	snop  }
0x6: {  	_ = 	snop  }
0x7: {  	_ = 	snop  }
__scs_overlays_trampoline_lowered:
0x8: {  	[smem:$0x3FA3] =	sst s0  }
0x9: {  	[smem:$0x3FA4] =	sst s1  }
0xa: {  	[smem:$0x3FA5] =	sst s2  }
0xb: {  	[smem:$0x3FA6] =	sst s3  }
0xc: {  	[smem:$0x3FA7] =	sst s4  }
0xd: {  	[smem:$0x3FA8] =	sst s5  }
0xe: {  	[smem:$0x3FA9] =	sst s6  }
0xf: {  	[smem:$0x3FAA] =	sst s7  }
0x10: {  	[smem:$0x3FAB] =	sst s8  }
0x11: {  	[smem:$0x3FAC] =	sst s9;
	s0 =	simm.s32 @!p0 $0x0  }
0x12: {  	s1 =	sld [smem:$0x3F92];
	s0 =	simm.s32 @p0 $0x1  }
0x13: {  	[smem:$0x3FAD] =	sst s0;
	s0 =	simm.s32 @!p1 $0x0  }
0x14: {  	s2 =	sld [smem:$0x3F91];
	s0 =	simm.s32 @p1 $0x1  }
0x15: {  	[smem:$0x3FAE] =	sst s0;
	s0 =	simm.s32 @!p2 $0x0  }
0x16: {  	s3 =	sld [smem:$0x3FDB];
	s0 =	simm.s32 @p2 $0x1  }
0x17: {  	s4 =	simm.s32 $0x1BF5;
	[smem:$0x3FB0] =	sst s0  }
0x18: {  	s0 =	sld [smem:$0x3F93];
	_ =	swait.ge [sflag:s4], $0x0  }
0x19: {  	s7 =	sld [smem:$0x3F94]  }
0x1a: {  	s8 =	sadd.s32 $0xFFFFE003, lr  }
0x1b: {  	s9 =	sadd.s32 $0xFFFFFEF7, lr;
	s5 =	simm.s32 $0xFFFFFFFF;
	p2 =	slt.u32 s8, $0xFFFFF086  }
0x1c: {  	p1 =	slt.u32 s9, $0xF7A;
	s5 =	simm.s32 @!p2 $0x0  }
0x1d: {  	s5 =	simm.s32 @p1 $0x1;
	p0 =	seq.s32 s7, s2  }
0x1e: {  	s7 =	smul.u32 @!p0 $0xF7A, s2;
	p2 =	seq.s32 @!p0 s5, $0x0  }
0x1f: {  	s9 =	smul.u32 $0xF7A, s1;
	s8 =	simm.s32 @!p0 $0x1BF5;
	p2 =	por !p2, p0  }
0x20: {  	[sflag:s8] =	ssyncset.s32 @!p0 $0xFFFFF086;
	s6 =	sadd.s32 @!p0 s3, s7;
	s7 =	simm.s32 @!p0 $0x108  }
0x21: {  	s3 =	sadd.s32 s3, s9;
	s6 =	sadd.s32 @!p0 $0x88, s6;
	s7 =	simm.s32 @p2 $0x1082  }
0x22: {  	[simem:s7], [sflag:s8] =	dma.local @!p0 [hbm:s6], $0xF7A  }
0x23: {  	s9 =	sor.u32 $0xD0000000, s2;
	s6 =	simm.s32 $0x108;
	_ =	swait.ge @!p0 [sflag:s8], $0x0  }
0x24: {  	s3 =	sadd.s32 $0x88, s3;
	s6 =	simm.s32 @!p1 $0x1082;
	[sflag:s4] =	ssyncset.s32 $0xFFFFF086  }
0x25: {  	[simem:s6], [sflag:s4] =	dma.local [hbm:s3], $0xF7A  }
0x26: {  	[smem:$0x3F94] =	sst s1;
	(tag) =	ssettag s2;
	_ =	strace s9  }
0x27: {  	s1 =	sld [smem:$0x3FA4]  }
0x28: {  	s2 =	sld [smem:$0x3FA5]  }
0x29: {  	s4 =	sld [smem:$0x3FA7]  }
0x2a: {  	p0 =	seq.s32 s5, $0x0;
	s5 =	sld [smem:$0x3FA8]  }
0x2b: {  	s6 =	sld [smem:$0x3FA9]  }
0x2c: {  	s7 =	sld [smem:$0x3FAA]  }
0x2d: {  	s3 =	simm.s32 $0x108;
	s8 =	sld [smem:$0x3FAB]  }
0x2e: {  	s3 =	simm.s32 @!p0 $0x1082;
	s9 =	sld [smem:$0x3FAC]  }
0x2f: {  	lr =	sadd.s32 s0, s3;
	s0 =	sld [smem:$0x3FA3]  }
0x30: {  	s3 =	sld [smem:$0x3FA6]  }
0x31: {  	[smem:$0x3FAF] =	sst s10  }
0x32: {  	s10 =	sld [smem:$0x3FAD];
	_ =	sdelay $0x3  }
0x33: {  	p0 =	seq.s32 s10, $0x1;
	s10 =	sld [smem:$0x3FAF];
	_ =	sdelay $0x3  }
0x34: {  	[smem:$0x3FAF] =	sst s10  }
0x35: {  	s10 =	sld [smem:$0x3FAE];
	_ =	sdelay $0x3  }
0x36: {  	p1 =	seq.s32 s10, $0x1;
	s10 =	sld [smem:$0x3FAF];
	_ =	sdelay $0x3  }
0x37: {  	[smem:$0x3FAF] =	sst s10  }
0x38: {  	s10 =	sld [smem:$0x3FB0]  }
0x39: {  	_ = 	snop;
	(pc) =	sbr.ind lr, $3  }
0x3a: {  	_ = 	snop  }
0x3b: {  	_ = 	snop  }
0x3c: {  	p2 =	seq.s32 s10, $0x1;
	s10 =	sld [smem:$0x3FAF]  }
0x3d: {  	_ =	shalt  }
0x3e: {  	_ =	shalt  }
0x3f: {  	_ =	shalt  }
0x40: {  	_ =	shalt  }
0x41: {  	_ =	shalt  }
0x42: {  	_ =	shalt  }
0x43: {  	_ =	shalt  }
0x44: {  	_ =	shalt  }
0x45: {  	_ =	shalt  }
0x46: {  	_ =	shalt  }
0x47: {  	_ =	shalt  }
0x48: {  	_ =	shalt  }
0x49: {  	_ =	shalt  }
0x4a: {  	_ =	shalt  }
0x4b: {  	_ =	shalt  }
0x4c: {  	_ =	shalt  }
0x4d: {  	_ =	shalt  }
0x4e: {  	_ =	shalt  }
0x4f: {  	_ =	shalt  }
0x50: {  	_ =	shalt  }
0x51: {  	_ =	shalt  }
0x52: {  	_ =	shalt  }
0x53: {  	_ =	shalt  }
0x54: {  	_ =	shalt  }
0x55: {  	_ =	shalt  }
0x56: {  	_ =	shalt  }
0x57: {  	_ =	shalt  }
0x58: {  	_ =	shalt  }
0x59: {  	_ =	shalt  }
0x5a: {  	_ =	shalt  }
0x5b: {  	_ =	shalt  }
0x5c: {  	_ =	shalt  }
0x5d: {  	_ =	shalt  }
0x5e: {  	_ =	shalt  }
0x5f: {  	_ =	shalt  }
0x60: {  	_ =	shalt  }
0x61: {  	_ =	shalt  }
0x62: {  	_ =	shalt  }
0x63: {  	_ =	shalt  }
0x64: {  	_ =	shalt  }
0x65: {  	_ =	shalt  }
0x66: {  	_ =	shalt  }
0x67: {  	_ =	shalt  }
0x68: {  	_ =	shalt  }
0x69: {  	_ =	shalt  }
0x6a: {  	_ =	shalt  }
0x6b: {  	_ =	shalt  }
0x6c: {  	_ =	shalt  }
0x6d: {  	_ =	shalt  }
0x6e: {  	_ =	shalt  }
0x6f: {  	_ =	shalt  }
0x70: {  	_ =	shalt  }
0x71: {  	_ =	shalt  }
0x72: {  	_ =	shalt  }
0x73: {  	_ =	shalt  }
0x74: {  	_ =	shalt  }
0x75: {  	_ =	shalt  }
0x76: {  	_ =	shalt  }
0x77: {  	_ =	shalt  }
0x78: {  	_ =	shalt  }
0x79: {  	_ =	shalt  }
0x7a: {  	_ =	shalt  }
0x7b: {  	_ =	shalt  }
0x7c: {  	_ =	shalt  }
0x7d: {  	_ =	shalt  }
0x7e: {  	_ =	shalt  }
0x7f: {  	_ =	shalt  }
0x80: {  	_ =	shalt  }
0x81: {  	_ =	shalt  }
0x82: {  	_ =	shalt  }
0x83: {  	_ =	shalt  }
0x84: {  	_ =	shalt  }
0x85: {  	_ =	shalt  }
0x86: {  	_ =	shalt  }
0x87: {  	_ =	shalt  }
.Lfunc_end0:
.L_simem_size_0:
called_computation_lowered:
.L_overlay_start_0:
0x88: {  	s2 =	sld [smem:$0x3FD9]  }
0x89: {  	s3 =	sld [smem:$0x3FFE];
	_ =	sdelay $0x1  }
0x8a: {  	s1 =	srdreg.scid  }
0x8b: {  	s0 =	sand.u32 $0x1, s1  }
0x8c: {  	s16 =	sshll.u32 s0, $0xA;
	s2 =	sadd.s32 s3, s2  }
0x8d: {  	s2 =	sadd.s32 s2, s16  }
0x8e: {  	[smem:$0x3FBB] =	sst s2  }
0x8f: {  	_ = 	snop  }
0x90: {  	(tm) =	ssettm $0x1  }
0x91: {  	s17 =	sld [smem:$0x3FFB];
	_ =	sdelay $0x3  }
0x92: {  	_ =	strace s17  }
0x93: {  	s2 =	sld [smem:$0x3FFC];
	_ =	sdelay $0x3  }
0x94: {  	_ =	strace s2  }
0x95: {  	s2 =	sld [smem:$0x3FFD];
	_ =	sdelay $0x3  }
0x96: {  	_ =	strace s2  }
0x97: {  	_ =	strace $0x8FFFFFFF  }
0x98: {  	s18 =	sld [smem:$0x3FDB];
	_ =	sdelay $0x1  }
0x99: {  	s19 =	simm.s32 $_scs_section_size  }
0x9a: {  	s4 =	simm.s32 $_size__tile_overlayer_lowered;
	s5 =	simm.s32 $_tile_overlayer_lowered  }
0x9b: {  	s22 =	simm.s32 $0x1BFF;
	s21 =	sshll.u32 s5, $0x1;
	s2 =	sadd.s32 s19, s18  }
0x9c: {  	s6 =	simm.s32 $0x0;
	s20 =	sshll.u32 s4, $0x1;
	s4 =	sadd.s32 s21, s2  }
0x9d: {  	[timem:s6], [sflag:s22] =	dma.local [hbm:s4], s20  }
0x9e: {  	_ =	swait.ge [sflag:s22], s20  }
0x9f: {  	s3 =	ssub.s32 $0x0, s20;
	[sflag:s22] =	ssyncset.done $0x0  }
0xa0: {  	[sflag:s22] =	ssyncadd.s32 s3;
	_ =	sdelay $0x1  }
0xa1: {  	s23 =	simm.s32 $0x1B8B  }
0xa2: {  	_ =	swait.ge [sflag:s23], $0x1  }
0xa3: {  	[sflag:s23] =	ssyncset.done $0x0  }
0xa4: {  	s25 =	simm.s32 $0x1B8E;
	s24 =	sld [smem:$0x3FFE];
	[sflag:s23] =	ssyncadd.s32 $0xFFFFFFFF  }
0xa5: {  	s26 =	simm.s32 $execute0_lowered;
	[smem:$0x3FD2] =	sst s25  }
0xa6: {  	s4 =	sshll.u32 s26, $0x1;
	_ =	strace $0x80000046;
	[dreg:$0x1] =	wrdreg $0xFFFFFFFF  }
0xa7: {  	s28 =	simm.s32 $_size_execute0_lowered;
	s2 =	sadd.s32 s2, s4;
	[dreg:$0x0] =	wrdreg $0x0  }
0xa8: {  	s4 =	sshll.u32 s28, $0x1;
	[dreg:$0x2] =	wrdreg s2  }
0xa9: {  	[dreg:$0x3] =	wrdreg s4  }
0xaa: {  	[dreg:$0x4] =	wrdreg $0xC0  }
0xab: {  	_ =	task [dreg:s6], $0x5FFFF  }
0xac: {  	[dreg:$0x1] =	wrdreg $0xFFFFFFFF  }
0xad: {  	[dreg:$0x0] =	wrdreg $0x60  }
0xae: {  	[dreg:$0x2] =	wrdreg s24  }
0xaf: {  	[dreg:$0x3] =	wrdreg $0xBA800  }
0xb0: {  	[dreg:$0x4] =	wrdreg $0x9  }
0xb1: {  	_ =	task.clear_ibuf [dreg:s6], $0x5FFFF;
	_ =	strace $0x90000046  }
0xb2: {  	s29 =	simm.s32 $0x9;
	_ =	strace $0x80000048  }
0xb3: {  	_ =	swait.ge [sflag:s29], $0x1  }
0xb4: {  	[sflag:s29] =	ssyncadd.s32 $0xFFFFFFFF  }
0xb5: {  	_ =	strace $0x90000048  }
0xb6: {  	_ =	sfence  }
0xb7: {  	s30 =	sld [smem:$0x0];
	_ =	sdelay $0x2  }
0xb8: {  	s31 =	sshll.u32 s1, $0xD;
	s1 =	sshrl.u32 s1, $0x2  }
0xb9: {  	s3 =	sand.u32 $0x4000, s31;
	s1 =	sadd.s32 s1, s30  }
0xba: {  	s0 =	sor.u32 s3, s0;
	s1 =	sshll.u32 s1, $0x11  }
0xbb: {  	s0 =	sor.u32 s1, s0  }
0xbc: {  	s0 =	sadd.s32 $0x8F2B, s0  }
0xbd: {  	[sflag:s0] =	ssyncadd.remote.s32 $0x1  }
0xbe: {  	_ =	sfence.sel $0xFFFF  }
0xbf: {  	[dreg:$0x0] =	wrdreg $0xFFFFFFFF;
	(pc) =	sbr.abs _section_cstart, $3  }
0xc0: {  	[dreg:$0x1] =	wrdreg $0xFFFFFFFF  }
0xc1: {  	_ =	task.clear_ibuf [dreg:s6], $0x2FFFF;
	_ =	strace $0x9FFFFFFF  }
0xc2: {  	(tm) =	ssettm $0x7FFFFFFF  }
0xc3: {  	_ =	shalt  }
tec
execute0_lowered:
.L_overlay_start_1:
0x0: {  	(tag) =	ssettag $0x1  }
0x1: {  	s3 =	rddreg [dreg:$0x0]  }
0x2: {  	s0 =	srdreg.scid;
	s6 =	rddreg [dreg:$0x1]  }
0x3: {  	s1 =	stileid.u32;
	s2 =	simm.s32 $0x0;
	s14 =	simm.s32 $0x80  }
0x4: {  	s15 =	simm.s32 $0x400;
	s16 =	simm.s32 $0x1400;
	s17 =	simm.s32 $0x14000  }
0x5: {  	s18 =	simm.s32 $0x5000;
	s19 =	simm.s32 $0x7800;
	s20 =	simm.s32 $0x7A80  }
0x6: {  	s21 =	simm.s32 $0x0;
	s5 =	sand.u32 $0x1, s0;
	s0 =	rddreg [dreg:$0x2]  }
0x7: {  	[smem:$0x7FF] =	sst s2;
	s7 =	sshrl.u32 s1, $0x3;
	s10 =	smul.u32 $0x5000, s1  }
0x8: {  	s11 =	sadd.s32 $0x17C00, s3;
	s25 =	sshll.u32 s1, $0x7;
	s26 =	smul.u32 $0x14000, s1  }
0x9: {  	s13 =	smul.u32 $0x2800, s1;
	s4 =	sshll.u32 s5, $0x4;
	_ =	strace $0x80000047  }
0xa: {  	s8 =	ssub.s32 $0x2, s5;
	s7 =	smul.u32 $0x50000, s7;
	s9 =	sand.u32 $0x380, s25  }
0xb: {  	p0 =	seq.s32 s5, $0x0;
	s4 =	sor.u32 s1, s4;
	s24 =	sshrl.u32 s8, $0x1  }
0xc: {  	s28 =	sshrl.u32 s10, $0x2;
	s10 =	simm.s32 $0x10000;
	s12 =	sshrl.u32 s26, $0x3  }
0xd: {  	s4 =	smul.u32 $0x500, s4;
	s8 =	ssub.s32 s8, s24;
	s7 =	sshrl.u32 s7, $0x2  }
0xe: {  	s10 =	simm.s32 @!p0 $0x150000;
	s5 =	sadd.s32 s28, s6;
	s12 =	sadd.s32 $0x28000, s12  }
0xf: {  	s7 =	sadd.s32 s7, s6;
	s29 =	sadd.s32 s10, s26;
	s6 =	smax.u32 s8, $0x1  }
0x10: {  	s12 =	smov.u32 @p0 s13;
	s10 =	simm.s32 $0x4000;
	s13 =	simm.s32 $0xC000  }
0x11: {  	s4 =	sadd.s32 s4, s3;
	s8 =	sadd.s32 s11, s12;
	s10 =	simm.s32 @!p0 $0x144000  }
0x12: {  	s12 =	simm.s32 $0x8000;
	s13 =	simm.s32 @!p0 $0x14C000;
	s3 =	sadd.s32 $0xDC00, s4  }
0x13: {  	s4 =	sadd.s32 s9, s7;
	s7 =	sshrl.u32 s29, $0x3;
	s10 =	sadd.s32 s10, s26  }
0x14: {  	s12 =	simm.s32 @!p0 $0x148000;
	s13 =	sadd.s32 s13, s26;
	s7 =	sadd.s32 s11, s7  }
0x15: {  	s10 =	sshrl.u32 s10, $0x3;
	s12 =	sadd.s32 s12, s26;
	s31 =	sshrl.u32 s13, $0x3  }
0x16: {  	s13 =	simm.s32 $0x2800;
	s9 =	sadd.s32 s11, s10;
	s30 =	sshrl.u32 s12, $0x3  }
0x17: {  	v0 =	vimm.f32 $0.0e+00;
	v1 =	vimm.f32 $1.000000000e+00;
	s12 =	simm.s32 $0x1;
	s10 =	sadd.s32 s11, s30;
	s11 =	sadd.s32 s11, s31  }
.LBB2_1:
0x18: {  	s22 =	simm.s32 $0x40;
	s23 =	simm.s32 $0x0  }
.LBB2_2:
0x19: {  	p0 =	sne.s32 s22, $0x9FC0;
	[tilespmem:s23+$0x2800] =	vst v0;
	s23 =	smov.u32 s22;
	s22 =	sadd.s32 $0x40, s22  }
.Ltmp0:
0x1a: {  	(pc) =	sbr.rel @p0 .LBB2_2-.Ltmp0, $2  }
0x1b: {  	_ =	sdelay $0x2  }
0x1c: {  	s23 =	sshra.s32 s23, $0x2  }
0x1d: {  	[tilespmem:s23+$0x2800] =	vst v0;
	s22 =	simm.s32 $0x0  }
0x1e: {  	[tilespmem:s22], [sflag:$0x1] =	stream.linear.gather [hbm4b:s3+s22], $0x2800, $0x38;
	[tilespmem:$0xE280] =	vst v63  }
0x1f: {  	_ =	swait.ge [sflag:s12], $0x2800  }
0x20: {  	[sflag:s12] =	ssyncset.done $0x0  }
0x21: {  	[sflag:s12] =	ssyncadd.s32 $0xFFFFD800  }
.LBB2_4:
0x22: {  	s23 =	sshra.s32 s22, $0x2  }
0x23: {  	v2 =	vld [tilespmem:s23+$0x0];
	_ =	sdelay $0x7  }
0x24: {  	[tilespmem:v2+s13+$0x0] =	vst.idx.add.f32.msk $0xffff, v1  }
0x25: {  	v2 =	vld [tilespmem:s23+$0x10];
	_ =	sdelay $0x7  }
0x26: {  	[tilespmem:v2+s13+$0x0] =	vst.idx.add.f32.msk $0xffff, v1  }
0x27: {  	v2 =	vld [tilespmem:s23+$0x20];
	_ =	sdelay $0x7  }
0x28: {  	[tilespmem:v2+s13+$0x0] =	vst.idx.add.f32.msk $0xffff, v1  }
0x29: {  	v2 =	vld [tilespmem:s23+$0x30];
	_ =	sdelay $0x7  }
0x2a: {  	[tilespmem:v2+s13+$0x0] =	vst.idx.add.f32.msk $0xffff, v1  }
0x2b: {  	v2 =	vld [tilespmem:s23+$0x40];
	_ =	sdelay $0x7  }
0x2c: {  	[tilespmem:v2+s13+$0x0] =	vst.idx.add.f32.msk $0xffff, v1  }
0x2d: {  	v2 =	vld [tilespmem:s23+$0x50];
	_ =	sdelay $0x7  }
0x2e: {  	[tilespmem:v2+s13+$0x0] =	vst.idx.add.f32.msk $0xffff, v1  }
0x2f: {  	v2 =	vld [tilespmem:s23+$0x60];
	_ =	sdelay $0x7  }
0x30: {  	[tilespmem:v2+s13+$0x0] =	vst.idx.add.f32.msk $0xffff, v1  }
0x31: {  	v2 =	vld [tilespmem:s23+$0x70];
	_ =	sdelay $0x2  }
0x32: {  	p0 =	sne.s32 s22, $0x9E00  }
.Ltmp1:
0x33: {  	_ = 	snop;
	(pc) =	sbr.rel @p0 .LBB2_4-.Ltmp1, $2  }
0x34: {  	_ =	sdelay $0x2  }
0x35: {  	s22 =	sadd.s32 $0x200, s22;
	[tilespmem:v2+s13+$0x0] =	vst.idx.add.f32.msk $0xffff, v1  }
0x36: {  	[spmem:s4] =	stream.strided.scatter [tilespmem:s13], [sflag:$0x1], $0x2800, s15, s14, $0x38;
	[tilespmem:$0xE280] =	vst v63  }
0x37: {  	_ =	swait.ge [sflag:s12], $0x2800  }
0x38: {  	[sflag:s12] =	ssyncset.done $0x0  }
0x39: {  	[sflag:s12] =	ssyncadd.s32 $0xFFFFD800  }
0x3a: {  	[bflag:$0x0] =	sbarrier.arrive $0xFFFF  }
0x3b: {  	[tilespmem:s18], [sflag:$0x1] =	stream.strided.gather [spmem:s5], $0x2800, s17, s16, $0x38;
	[tilespmem:$0xE280] =	vst v63  }
0x3c: {  	s22 =	simm.s32 $0x0;
	_ =	swait.ge [sflag:s12], $0x2800  }
0x3d: {  	s23 =	sand.u32 $0x70, s22;
	s24 =	sand.u32 $0x1C00, s22;
	[sflag:s12] =	ssyncset.done $0x0  }
0x3e: {  	s23 =	sor.u32 s23, s24;
	[sflag:s12] =	ssyncadd.s32 $0xFFFFD800  }
0x3f: {  	v2 =	vld [tilespmem:s23+$0x5080]  }
0x40: {  	v3 =	vld [tilespmem:s23+$0x5000];
	_ =	sdelay $0x1  }
0x41: {  	v4 =	vld [tilespmem:s23+$0x5100];
	_ =	sdelay $0x1  }
0x42: {  	v5 =	vld [tilespmem:s23+$0x5180]  }
0x43: {  	v2 =	vadd.f32 v2, v3  }
0x44: {  	v3 =	vld [tilespmem:s23+$0x5200]  }
0x45: {  	v2 =	vadd.f32 v4, v2  }
0x46: {  	v56 =	vld [tilespmem:s23+$0x5280]  }
0x47: {  	v2 =	vadd.f32 v5, v2  }
0x48: {  	v57 =	vld [tilespmem:s23+$0x5300]  }
0x49: {  	v2 =	vadd.f32 v3, v2  }
0x4a: {  	v3 =	vld [tilespmem:s23+$0x5380]  }
0x4b: {  	v2 =	vadd.f32 v56, v2  }
0x4c: {  	v58 =	vld [tilespmem:s23+$0x6400]  }
0x4d: {  	v2 =	vadd.f32 v57, v2  }
0x4e: {  	v59 =	vld [tilespmem:s23+$0x6480]  }
0x4f: {  	v2 =	vadd.f32 v3, v2  }
0x50: {  	v3 =	vld [tilespmem:s23+$0x6500]  }
0x51: {  	v2 =	vadd.f32 v58, v2  }
0x52: {  	v60 =	vld [tilespmem:s23+$0x6580]  }
0x53: {  	v2 =	vadd.f32 v59, v2  }
0x54: {  	v61 =	vld [tilespmem:s23+$0x6600]  }
0x55: {  	v2 =	vadd.f32 v3, v2  }
0x56: {  	v3 =	vld [tilespmem:s23+$0x6680]  }
0x57: {  	v2 =	vadd.f32 v60, v2  }
0x58: {  	v62 =	vld [tilespmem:s23+$0x6700]  }
0x59: {  	v2 =	vadd.f32 v61, v2  }
0x5a: {  	v63 =	vld [tilespmem:s23+$0x6780]  }
0x5b: {  	v2 =	vadd.f32 v3, v2;
	_ =	sdelay $0x1  }
0x5c: {  	v2 =	vadd.f32 v62, v2;
	_ =	sdelay $0x1  }
0x5d: {  	s31 =	simm.s32 $0x10;
	s25 =	simm.s32 $0x80;
	v2 =	vadd.f32 v63, v2  }
0x5e: {  	s26 =	sand.u32 $0x1C00, s25;
	s24 =	sand.u32 $0x70, s31;
	s23 =	simm.s32 $0x7800  }
0x5f: {  	s24 =	sor.u32 s24, s26;
	s26 =	simm.s32 $0x20;
	[tilespmem:s23+$0x0] =	vst v2  }
.LBB2_6:
0x60: {  	p0 =	sne.s32 s26, $0x270;
	v2 =	vld [tilespmem:s24+$0x5080]  }
0x61: {  	v3 =	vld [tilespmem:s24+$0x5000];
	_ =	sdelay $0x1  }
0x62: {  	v4 =	vld [tilespmem:s24+$0x5100];
	_ =	sdelay $0x1  }
0x63: {  	v5 =	vld [tilespmem:s24+$0x5180]  }
0x64: {  	v2 =	vadd.f32 v2, v3  }
0x65: {  	v3 =	vld [tilespmem:s24+$0x5200]  }
0x66: {  	v2 =	vadd.f32 v4, v2  }
0x67: {  	v4 =	vld [tilespmem:s24+$0x5280]  }
0x68: {  	v2 =	vadd.f32 v5, v2  }
0x69: {  	v5 =	vld [tilespmem:s24+$0x5300]  }
0x6a: {  	v2 =	vadd.f32 v3, v2  }
0x6b: {  	v3 =	vld [tilespmem:s24+$0x5380]  }
0x6c: {  	v2 =	vadd.f32 v4, v2  }
0x6d: {  	v4 =	vld [tilespmem:s24+$0x6400]  }
0x6e: {  	v2 =	vadd.f32 v5, v2  }
0x6f: {  	v5 =	vld [tilespmem:s24+$0x6480]  }
0x70: {  	v2 =	vadd.f32 v3, v2  }
0x71: {  	v3 =	vld [tilespmem:s24+$0x6500]  }
0x72: {  	v2 =	vadd.f32 v4, v2  }
0x73: {  	v4 =	vld [tilespmem:s24+$0x6580]  }
0x74: {  	v2 =	vadd.f32 v5, v2  }
0x75: {  	v5 =	vld [tilespmem:s24+$0x6600]  }
0x76: {  	v2 =	vadd.f32 v3, v2  }
0x77: {  	v3 =	vld [tilespmem:s24+$0x6680]  }
0x78: {  	v2 =	vadd.f32 v4, v2  }
0x79: {  	v4 =	vld [tilespmem:s24+$0x6700]  }
0x7a: {  	v2 =	vadd.f32 v5, v2  }
0x7b: {  	v5 =	vld [tilespmem:s24+$0x6780]  }
0x7c: {  	v2 =	vadd.f32 v3, v2;
	_ =	sdelay $0x1  }
.Ltmp2:
0x7d: {  	v2 =	vadd.f32 v4, v2;
	(pc) =	sbr.rel @p0 .LBB2_6-.Ltmp2, $4  }
0x7e: {  	_ = 	snop  }
0x7f: {  	s25 =	sadd.s32 $0x80, s25;
	v2 =	vadd.f32 v5, v2  }
0x80: {  	s23 =	sadd.s32 $0x10, s23;
	s28 =	sand.u32 $0x1C00, s25;
	s24 =	sand.u32 $0x70, s26  }
0x81: {  	s26 =	sadd.s32 $0x10, s26;
	s24 =	sor.u32 s24, s28;
	[tilespmem:s23+$0x0] =	vst v2  }
0x82: {  	v2 =	vld [tilespmem:s24+$0x5080]  }
0x83: {  	v3 =	vld [tilespmem:s24+$0x5000];
	_ =	sdelay $0x1  }
0x84: {  	v4 =	vld [tilespmem:s24+$0x5100];
	_ =	sdelay $0x1  }
0x85: {  	v5 =	vld [tilespmem:s24+$0x5180]  }
0x86: {  	v2 =	vadd.f32 v2, v3  }
0x87: {  	v3 =	vld [tilespmem:s24+$0x5200]  }
0x88: {  	v2 =	vadd.f32 v4, v2  }
0x89: {  	v4 =	vld [tilespmem:s24+$0x5280]  }
0x8a: {  	v2 =	vadd.f32 v5, v2  }
0x8b: {  	v5 =	vld [tilespmem:s24+$0x5300]  }
0x8c: {  	v2 =	vadd.f32 v3, v2  }
0x8d: {  	v3 =	vld [tilespmem:s24+$0x5380]  }
0x8e: {  	v2 =	vadd.f32 v4, v2  }
0x8f: {  	v4 =	vld [tilespmem:s24+$0x6400]  }
0x90: {  	v2 =	vadd.f32 v5, v2  }
0x91: {  	v5 =	vld [tilespmem:s24+$0x6480]  }
0x92: {  	v2 =	vadd.f32 v3, v2  }
0x93: {  	v3 =	vld [tilespmem:s24+$0x6500]  }
0x94: {  	v2 =	vadd.f32 v4, v2  }
0x95: {  	v4 =	vld [tilespmem:s24+$0x6580]  }
0x96: {  	v2 =	vadd.f32 v5, v2  }
0x97: {  	v5 =	vld [tilespmem:s24+$0x6600]  }
0x98: {  	v2 =	vadd.f32 v3, v2  }
0x99: {  	v3 =	vld [tilespmem:s24+$0x6680]  }
0x9a: {  	v2 =	vadd.f32 v4, v2  }
0x9b: {  	v4 =	vld [tilespmem:s24+$0x6700]  }
0x9c: {  	v2 =	vadd.f32 v5, v2  }
0x9d: {  	v5 =	vld [tilespmem:s24+$0x6780]  }
0x9e: {  	v2 =	vadd.f32 v3, v2;
	_ =	sdelay $0x1  }
0x9f: {  	v3 =	vmov s22;
	v2 =	vadd.f32 v4, v2;
	_ =	sdelay $0x1  }
0xa0: {  	v2 =	vadd.f32 v5, v2  }
0xa1: {  	s30 =	sadd.s32 $0x10, s23  }
0xa2: {  	[tilespmem:s30+$0x0] =	vst v2  }
0xa3: {  	v2 =	vld.idx.msk [tilespmem:v3+s19+$0x0], $0xffff;
	_ =	sdelay $0x3  }
0xa4: {  	s22 =	simm.s32 $0x7AC0  }
0xa5: {  	[tilespmem:s22+$0xFFFFFFC0] =	vst v2  }
0xa6: {  	[tilespmem:s22+$0xFFFFFFD0] =	vst v2  }
0xa7: {  	s31 =	simm.s32 $0x1;
	[tilespmem:s22+$0xFFFFFFE0] =	vst v2  }
0xa8: {  	s23 =	simm.s32 $0x2;
	v3 =	vmov s31;
	[tilespmem:s22+$0xFFFFFFF0] =	vst v2  }
.LBB2_8:
0xa9: {  	p0 =	sne.s32 s23, $0x7F;
	[tilespmem:s22+$0x0] =	vst v2  }
0xaa: {  	[tilespmem:s22+$0x10] =	vst v2  }
0xab: {  	[tilespmem:s22+$0x20] =	vst v2  }
0xac: {  	[tilespmem:s22+$0x30] =	vst v2  }
0xad: {  	v2 =	vld.idx.msk [tilespmem:v3+s19+$0x0], $0xffff;
	_ =	sdelay $0x4  }
.Ltmp3:
0xae: {  	s22 =	sadd.s32 $0x80, s22;
	(pc) =	sbr.rel @p0 .LBB2_8-.Ltmp3, $4  }
0xaf: {  	[tilespmem:s22+$0xFFFFFFC0] =	vst v2  }
0xb0: {  	[tilespmem:s22+$0xFFFFFFD0] =	vst v2  }
0xb1: {  	[tilespmem:s22+$0xFFFFFFE0] =	vst v2  }
0xb2: {  	v3 =	vmov s23;
	s23 =	sadd.s32 $0x1, s23;
	[tilespmem:s22+$0xFFFFFFF0] =	vst v2  }
0xb3: {  	[tilespmem:s22+$0x0] =	vst v2  }
0xb4: {  	[tilespmem:s22+$0x10] =	vst v2  }
0xb5: {  	[tilespmem:s22+$0x20] =	vst v2  }
0xb6: {  	[tilespmem:s22+$0x30] =	vst v2  }
0xb7: {  	v2 =	vld.idx.msk [tilespmem:v3+s19+$0x0], $0xffff;
	_ =	sdelay $0x3  }
0xb8: {  	s30 =	sadd.s32 $0x80, s22  }
0xb9: {  	[tilespmem:s30+$0xFFFFFFC0] =	vst v2  }
0xba: {  	[tilespmem:s30+$0xFFFFFFD0] =	vst v2  }
0xbb: {  	[tilespmem:s30+$0xFFFFFFE0] =	vst v2  }
0xbc: {  	[tilespmem:s30+$0xFFFFFFF0] =	vst v2  }
0xbd: {  	[tilespmem:s30+$0x0] =	vst v2  }
0xbe: {  	[tilespmem:s30+$0x10] =	vst v2  }
0xbf: {  	s23 =	simm.s32 $0x80;
	[tilespmem:s30+$0x20] =	vst v2  }
0xc0: {  	[tilespmem:s30+$0x30] =	vst v2;
	v2 =	vmov s23  }
0xc1: {  	[hbm4b:s8+s2] =	stream.linear.scatter [tilespmem:s20], [sflag:$0x1], $0x4000, $0x38;
	[tilespmem:$0xE280] =	vst v63  }
0xc2: {  	_ =	swait.ge [sflag:s12], $0x4000  }
0xc3: {  	[sflag:s12] =	ssyncset.done $0x0  }
0xc4: {  	[sflag:s12] =	ssyncadd.s32 $0xFFFFC000  }
0xc5: {  	v2 =	vld.idx.msk [tilespmem:v2+s19+$0x0], $0xffff;
	_ =	sdelay $0x3  }
0xc6: {  	s22 =	simm.s32 $0x7AC0  }
0xc7: {  	[tilespmem:s22+$0xFFFFFFC0] =	vst v2  }
0xc8: {  	[tilespmem:s22+$0xFFFFFFD0] =	vst v2  }
0xc9: {  	s31 =	simm.s32 $0x81;
	[tilespmem:s22+$0xFFFFFFE0] =	vst v2  }
0xca: {  	v3 =	vmov s31;
	s23 =	simm.s32 $0x82;
	[tilespmem:s22+$0xFFFFFFF0] =	vst v2  }
.LBB2_10:
0xcb: {  	p0 =	sne.s32 s23, $0xFF;
	[tilespmem:s22+$0x0] =	vst v2  }
0xcc: {  	[tilespmem:s22+$0x10] =	vst v2  }
0xcd: {  	[tilespmem:s22+$0x20] =	vst v2  }
0xce: {  	[tilespmem:s22+$0x30] =	vst v2  }
0xcf: {  	v2 =	vld.idx.msk [tilespmem:v3+s19+$0x0], $0xffff;
	_ =	sdelay $0x4  }
.Ltmp4:
0xd0: {  	s22 =	sadd.s32 $0x80, s22;
	(pc) =	sbr.rel @p0 .LBB2_10-.Ltmp4, $4  }
0xd1: {  	[tilespmem:s22+$0xFFFFFFC0] =	vst v2  }
0xd2: {  	[tilespmem:s22+$0xFFFFFFD0] =	vst v2  }
0xd3: {  	[tilespmem:s22+$0xFFFFFFE0] =	vst v2  }
0xd4: {  	v3 =	vmov s23;
	s23 =	sadd.s32 $0x1, s23;
	[tilespmem:s22+$0xFFFFFFF0] =	vst v2  }
0xd5: {  	[tilespmem:s22+$0x0] =	vst v2  }
0xd6: {  	[tilespmem:s22+$0x10] =	vst v2  }
0xd7: {  	[tilespmem:s22+$0x20] =	vst v2  }
0xd8: {  	[tilespmem:s22+$0x30] =	vst v2  }
0xd9: {  	v2 =	vld.idx.msk [tilespmem:v3+s19+$0x0], $0xffff;
	_ =	sdelay $0x3  }
0xda: {  	s30 =	sadd.s32 $0x80, s22  }
0xdb: {  	[tilespmem:s30+$0xFFFFFFC0] =	vst v2  }
0xdc: {  	[tilespmem:s30+$0xFFFFFFD0] =	vst v2  }
0xdd: {  	[tilespmem:s30+$0xFFFFFFE0] =	vst v2  }
0xde: {  	[tilespmem:s30+$0xFFFFFFF0] =	vst v2  }
0xdf: {  	[tilespmem:s30+$0x0] =	vst v2  }
0xe0: {  	[tilespmem:s30+$0x10] =	vst v2  }
0xe1: {  	s23 =	simm.s32 $0x100;
	[tilespmem:s30+$0x20] =	vst v2  }
0xe2: {  	[tilespmem:s30+$0x30] =	vst v2;
	v2 =	vmov s23  }
0xe3: {  	[hbm4b:s9+s2] =	stream.linear.scatter [tilespmem:s20], [sflag:$0x1], $0x4000, $0x38;
	[tilespmem:$0xE280] =	vst v63  }
0xe4: {  	_ =	swait.ge [sflag:s12], $0x4000  }
0xe5: {  	[sflag:s12] =	ssyncset.done $0x0  }
0xe6: {  	[sflag:s12] =	ssyncadd.s32 $0xFFFFC000  }
0xe7: {  	v2 =	vld.idx.msk [tilespmem:v2+s19+$0x0], $0xffff;
	_ =	sdelay $0x3  }
0xe8: {  	s22 =	simm.s32 $0x7AC0  }
0xe9: {  	[tilespmem:s22+$0xFFFFFFC0] =	vst v2  }
0xea: {  	[tilespmem:s22+$0xFFFFFFD0] =	vst v2  }
0xeb: {  	s31 =	simm.s32 $0x101;
	[tilespmem:s22+$0xFFFFFFE0] =	vst v2  }
0xec: {  	v3 =	vmov s31;
	s23 =	simm.s32 $0x102;
	[tilespmem:s22+$0xFFFFFFF0] =	vst v2  }
.LBB2_12:
0xed: {  	p0 =	sne.s32 s23, $0x17F;
	[tilespmem:s22+$0x0] =	vst v2  }
0xee: {  	[tilespmem:s22+$0x10] =	vst v2  }
0xef: {  	[tilespmem:s22+$0x20] =	vst v2  }
0xf0: {  	[tilespmem:s22+$0x30] =	vst v2  }
0xf1: {  	v2 =	vld.idx.msk [tilespmem:v3+s19+$0x0], $0xffff;
	_ =	sdelay $0x4  }
.Ltmp5:
0xf2: {  	s22 =	sadd.s32 $0x80, s22;
	(pc) =	sbr.rel @p0 .LBB2_12-.Ltmp5, $4  }
0xf3: {  	[tilespmem:s22+$0xFFFFFFC0] =	vst v2  }
0xf4: {  	[tilespmem:s22+$0xFFFFFFD0] =	vst v2  }
0xf5: {  	[tilespmem:s22+$0xFFFFFFE0] =	vst v2  }
0xf6: {  	v3 =	vmov s23;
	s23 =	sadd.s32 $0x1, s23;
	[tilespmem:s22+$0xFFFFFFF0] =	vst v2  }
0xf7: {  	[tilespmem:s22+$0x0] =	vst v2  }
0xf8: {  	[tilespmem:s22+$0x10] =	vst v2  }
0xf9: {  	[tilespmem:s22+$0x20] =	vst v2  }
0xfa: {  	[tilespmem:s22+$0x30] =	vst v2  }
0xfb: {  	v2 =	vld.idx.msk [tilespmem:v3+s19+$0x0], $0xffff;
	_ =	sdelay $0x3  }
0xfc: {  	s30 =	sadd.s32 $0x80, s22  }
0xfd: {  	[tilespmem:s30+$0xFFFFFFC0] =	vst v2  }
0xfe: {  	[tilespmem:s30+$0xFFFFFFD0] =	vst v2  }
0xff: {  	[tilespmem:s30+$0xFFFFFFE0] =	vst v2  }
0x100: {  	[tilespmem:s30+$0xFFFFFFF0] =	vst v2  }
0x101: {  	[tilespmem:s30+$0x0] =	vst v2  }
0x102: {  	[tilespmem:s30+$0x10] =	vst v2  }
0x103: {  	s23 =	simm.s32 $0x180;
	[tilespmem:s30+$0x20] =	vst v2  }
0x104: {  	[tilespmem:s30+$0x30] =	vst v2;
	v2 =	vmov s23  }
0x105: {  	[hbm4b:s10+s2] =	stream.linear.scatter [tilespmem:s20], [sflag:$0x1], $0x4000, $0x38;
	[tilespmem:$0xE280] =	vst v63  }
0x106: {  	_ =	swait.ge [sflag:s12], $0x4000  }
0x107: {  	[sflag:s12] =	ssyncset.done $0x0  }
0x108: {  	[sflag:s12] =	ssyncadd.s32 $0xFFFFC000  }
0x109: {  	v2 =	vld.idx.msk [tilespmem:v2+s19+$0x0], $0xffff;
	_ =	sdelay $0x3  }
0x10a: {  	s22 =	simm.s32 $0x7AC0  }
0x10b: {  	[tilespmem:s22+$0xFFFFFFC0] =	vst v2  }
0x10c: {  	[tilespmem:s22+$0xFFFFFFD0] =	vst v2  }
0x10d: {  	s31 =	simm.s32 $0x181;
	[tilespmem:s22+$0xFFFFFFE0] =	vst v2  }
0x10e: {  	v3 =	vmov s31;
	s23 =	simm.s32 $0x182;
	[tilespmem:s22+$0xFFFFFFF0] =	vst v2  }
.LBB2_14:
0x10f: {  	p0 =	sne.s32 s23, $0x1FF;
	[tilespmem:s22+$0x0] =	vst v2  }
0x110: {  	[tilespmem:s22+$0x10] =	vst v2  }
0x111: {  	[tilespmem:s22+$0x20] =	vst v2  }
0x112: {  	[tilespmem:s22+$0x30] =	vst v2  }
0x113: {  	v2 =	vld.idx.msk [tilespmem:v3+s19+$0x0], $0xffff;
	_ =	sdelay $0x4  }
.Ltmp6:
0x114: {  	s22 =	sadd.s32 $0x80, s22;
	(pc) =	sbr.rel @p0 .LBB2_14-.Ltmp6, $4  }
0x115: {  	[tilespmem:s22+$0xFFFFFFC0] =	vst v2  }
0x116: {  	[tilespmem:s22+$0xFFFFFFD0] =	vst v2  }
0x117: {  	[tilespmem:s22+$0xFFFFFFE0] =	vst v2  }
0x118: {  	v3 =	vmov s23;
	s23 =	sadd.s32 $0x1, s23;
	[tilespmem:s22+$0xFFFFFFF0] =	vst v2  }
0x119: {  	[tilespmem:s22+$0x0] =	vst v2  }
0x11a: {  	[tilespmem:s22+$0x10] =	vst v2  }
0x11b: {  	[tilespmem:s22+$0x20] =	vst v2  }
0x11c: {  	[tilespmem:s22+$0x30] =	vst v2  }
0x11d: {  	v2 =	vld.idx.msk [tilespmem:v3+s19+$0x0], $0xffff;
	_ =	sdelay $0x3  }
0x11e: {  	s30 =	sadd.s32 $0x80, s22  }
0x11f: {  	[tilespmem:s30+$0xFFFFFFC0] =	vst v2  }
0x120: {  	[tilespmem:s30+$0xFFFFFFD0] =	vst v2  }
0x121: {  	[tilespmem:s30+$0xFFFFFFE0] =	vst v2  }
0x122: {  	[tilespmem:s30+$0xFFFFFFF0] =	vst v2  }
0x123: {  	[tilespmem:s30+$0x0] =	vst v2  }
0x124: {  	[tilespmem:s30+$0x10] =	vst v2  }
0x125: {  	s23 =	simm.s32 $0x200;
	[tilespmem:s30+$0x20] =	vst v2  }
0x126: {  	[tilespmem:s30+$0x30] =	vst v2;
	v2 =	vmov s23  }
0x127: {  	[hbm4b:s11+s2] =	stream.linear.scatter [tilespmem:s20], [sflag:$0x1], $0x4000, $0x38;
	[tilespmem:$0xE280] =	vst v63  }
0x128: {  	_ =	swait.ge [sflag:s12], $0x4000  }
0x129: {  	[sflag:s12] =	ssyncset.done $0x0  }
0x12a: {  	[sflag:s12] =	ssyncadd.s32 $0xFFFFC000  }
0x12b: {  	v2 =	vld.idx.msk [tilespmem:v2+s19+$0x0], $0xffff;
	_ =	sdelay $0x3  }
0x12c: {  	s22 =	simm.s32 $0x7AC0  }
0x12d: {  	[tilespmem:s22+$0xFFFFFFC0] =	vst v2  }
0x12e: {  	[tilespmem:s22+$0xFFFFFFD0] =	vst v2  }
0x12f: {  	s31 =	simm.s32 $0x201;
	[tilespmem:s22+$0xFFFFFFE0] =	vst v2  }
0x130: {  	v3 =	vmov s31;
	s23 =	simm.s32 $0x202;
	[tilespmem:s22+$0xFFFFFFF0] =	vst v2  }
.LBB2_16:
0x131: {  	p0 =	sne.s32 s23, $0x27F;
	[tilespmem:s22+$0x0] =	vst v2  }
0x132: {  	[tilespmem:s22+$0x10] =	vst v2  }
0x133: {  	[tilespmem:s22+$0x20] =	vst v2  }
0x134: {  	[tilespmem:s22+$0x30] =	vst v2  }
0x135: {  	v2 =	vld.idx.msk [tilespmem:v3+s19+$0x0], $0xffff;
	_ =	sdelay $0x4  }
.Ltmp7:
0x136: {  	s22 =	sadd.s32 $0x80, s22;
	(pc) =	sbr.rel @p0 .LBB2_16-.Ltmp7, $4  }
0x137: {  	[tilespmem:s22+$0xFFFFFFC0] =	vst v2  }
0x138: {  	[tilespmem:s22+$0xFFFFFFD0] =	vst v2  }
0x139: {  	[tilespmem:s22+$0xFFFFFFE0] =	vst v2  }
0x13a: {  	v3 =	vmov s23;
	s23 =	sadd.s32 $0x1, s23;
	[tilespmem:s22+$0xFFFFFFF0] =	vst v2  }
0x13b: {  	[tilespmem:s22+$0x0] =	vst v2  }
0x13c: {  	[tilespmem:s22+$0x10] =	vst v2  }
0x13d: {  	[tilespmem:s22+$0x20] =	vst v2  }
0x13e: {  	[tilespmem:s22+$0x30] =	vst v2  }
0x13f: {  	v2 =	vld.idx.msk [tilespmem:v3+s19+$0x0], $0xffff;
	_ =	sdelay $0x3  }
0x140: {  	s31 =	sadd.s32 $0x80, s22  }
0x141: {  	[tilespmem:s31+$0xFFFFFFC0] =	vst v2  }
0x142: {  	[tilespmem:s31+$0xFFFFFFD0] =	vst v2  }
0x143: {  	[tilespmem:s31+$0xFFFFFFE0] =	vst v2  }
0x144: {  	[tilespmem:s31+$0xFFFFFFF0] =	vst v2  }
0x145: {  	[tilespmem:s31+$0x0] =	vst v2  }
0x146: {  	s21 =	sadd.s32 $0x1, s21;
	[tilespmem:s31+$0x10] =	vst v2  }
0x147: {  	p0 =	sne.s32 s21, s6;
	[tilespmem:s31+$0x20] =	vst v2  }
.Ltmp8:
0x148: {  	[tilespmem:s31+$0x30] =	vst v2;
	(pc) =	sbr.rel @p0 .LBB2_1-.Ltmp8, $4  }
0x149: {  	[hbm4b:s7+s2] =	stream.linear.scatter [tilespmem:s20], [sflag:$0x1], $0x4000, $0x38;
	[tilespmem:$0xE280] =	vst v63  }
0x14a: {  	_ =	swait.ge [sflag:s12], $0x4000  }
0x14b: {  	[sflag:s12] =	ssyncset.done $0x0  }
0x14c: {  	[sflag:s12] =	ssyncadd.s32 $0xFFFFC000  }
0x14d: {  	_ =	sfence.sel $0x180000  }
0x14e: {  	[bflag:$0x0] =	sbarrier.arrive $0xFFFF  }
0x14f: {  	p0 =	sne.s32 s1, $0x0;
	_ =	strace $0x90000047  }
0x150: {  	s0 =	sadd.s32 @!p0 $0x100000, s0;
	[bflag:$0x2] =	sbarrier.arrive $0xFFFF  }
0x151: {  	[sflag:s0] =	ssyncadd.tile.s32 @!p0 $0x1;
	_ =	shalt  }
.Lfunc_end2:
_tile_overlayer_lowered:
.L_overlay_start_2:
0x152: {  	(tag) =	ssettag $0x2  }
0x153: {  	s0 =	rddreg [dreg:$0x0];
	s2 =	stileid.u32  }
0x154: {  	s1 =	rddreg [dreg:$0x1];
	p0 =	sne.s32 s2, $0x0  }
0x155: {  	s3 =	rddreg [dreg:$0x2];
	[bflag:$0x3] =	sbarrier.arrive $0xFFFF;
	s2 =	simm.s32 @!p0 $0x1C01  }
0x156: {  	[timem:s3], [sflag:s2] =	dma.local @!p0 [hbm:s0], s1  }
0x157: {  	s0 =	simm.s32 @!p0 $0x1  }
0x158: {  	_ =	swait.ge @!p0 [sflag:s0], s1  }
0x159: {  	s1 =	ssub.s32 @!p0 $0x0, s1;
	[sflag:s0] =	ssyncset.done @!p0 $0x0  }
0x15a: {  	[sflag:s0] =	ssyncadd.s32 @!p0 s1  }
0x15b: {  	[bflag:$0x3] =	sbarrier.arrive $0xFFFF  }
0x15c: {  	_ =	shalt  }

// kernel: kernel.13.cloned.1.call-start
scs
__scs_entry_jumppad:
0x0: {  	(pc) =	sbr.rel $0x88, $3  }
0x1: {  	(tag) =	ssettag $0x0;
	lr =	simm.s32 $0x1  }
0x2: {  	[smem:$0x3F94] =	sst lr;
	_ =	strace $0xD0000000  }
0x3: {  	_ = 	snop  }
0x4: {  	_ = 	snop  }
0x5: {  	_ = 	snop  }
0x6: {  	_ = 	snop  }
0x7: {  	_ = 	snop  }
__scs_overlays_trampoline_lowered:
0x8: {  	[smem:$0x3FA3] =	sst s0  }
0x9: {  	[smem:$0x3FA4] =	sst s1  }
0xa: {  	[smem:$0x3FA5] =	sst s2  }
0xb: {  	[smem:$0x3FA6] =	sst s3  }
0xc: {  	[smem:$0x3FA7] =	sst s4  }
0xd: {  	[smem:$0x3FA8] =	sst s5  }
0xe: {  	[smem:$0x3FA9] =	sst s6  }
0xf: {  	[smem:$0x3FAA] =	sst s7  }
0x10: {  	[smem:$0x3FAB] =	sst s8  }
0x11: {  	[smem:$0x3FAC] =	sst s9;
	s0 =	simm.s32 @!p0 $0x0  }
0x12: {  	s1 =	sld [smem:$0x3F92];
	s0 =	simm.s32 @p0 $0x1  }
0x13: {  	[smem:$0x3FAD] =	sst s0;
	s0 =	simm.s32 @!p1 $0x0  }
0x14: {  	s2 =	sld [smem:$0x3F91];
	s0 =	simm.s32 @p1 $0x1  }
0x15: {  	[smem:$0x3FAE] =	sst s0;
	s0 =	simm.s32 @!p2 $0x0  }
0x16: {  	s3 =	sld [smem:$0x3FDB];
	s0 =	simm.s32 @p2 $0x1  }
0x17: {  	s4 =	simm.s32 $0x1BF5;
	[smem:$0x3FB0] =	sst s0  }
0x18: {  	s0 =	sld [smem:$0x3F93];
	_ =	swait.ge [sflag:s4], $0x0  }
0x19: {  	s7 =	sld [smem:$0x3F94]  }
0x1a: {  	s8 =	sadd.s32 $0xFFFFE003, lr  }
0x1b: {  	s9 =	sadd.s32 $0xFFFFFEF7, lr;
	s5 =	simm.s32 $0xFFFFFFFF;
	p2 =	slt.u32 s8, $0xFFFFF086  }
0x1c: {  	p1 =	slt.u32 s9, $0xF7A;
	s5 =	simm.s32 @!p2 $0x0  }
0x1d: {  	s5 =	simm.s32 @p1 $0x1;
	p0 =	seq.s32 s7, s2  }
0x1e: {  	s7 =	smul.u32 @!p0 $0xF7A, s2;
	p2 =	seq.s32 @!p0 s5, $0x0  }
0x1f: {  	s9 =	smul.u32 $0xF7A, s1;
	s8 =	simm.s32 @!p0 $0x1BF5;
	p2 =	por !p2, p0  }
0x20: {  	[sflag:s8] =	ssyncset.s32 @!p0 $0xFFFFF086;
	s6 =	sadd.s32 @!p0 s3, s7;
	s7 =	simm.s32 @!p0 $0x108  }
0x21: {  	s3 =	sadd.s32 s3, s9;
	s6 =	sadd.s32 @!p0 $0x88, s6;
	s7 =	simm.s32 @p2 $0x1082  }
0x22: {  	[simem:s7], [sflag:s8] =	dma.local @!p0 [hbm:s6], $0xF7A  }
0x23: {  	s9 =	sor.u32 $0xD0000000, s2;
	s6 =	simm.s32 $0x108;
	_ =	swait.ge @!p0 [sflag:s8], $0x0  }
0x24: {  	s3 =	sadd.s32 $0x88, s3;
	s6 =	simm.s32 @!p1 $0x1082;
	[sflag:s4] =	ssyncset.s32 $0xFFFFF086  }
0x25: {  	[simem:s6], [sflag:s4] =	dma.local [hbm:s3], $0xF7A  }
0x26: {  	[smem:$0x3F94] =	sst s1;
	(tag) =	ssettag s2;
	_ =	strace s9  }
0x27: {  	s1 =	sld [smem:$0x3FA4]  }
0x28: {  	s2 =	sld [smem:$0x3FA5]  }
0x29: {  	s4 =	sld [smem:$0x3FA7]  }
0x2a: {  	p0 =	seq.s32 s5, $0x0;
	s5 =	sld [smem:$0x3FA8]  }
0x2b: {  	s6 =	sld [smem:$0x3FA9]  }
0x2c: {  	s7 =	sld [smem:$0x3FAA]  }
0x2d: {  	s3 =	simm.s32 $0x108;
	s8 =	sld [smem:$0x3FAB]  }
0x2e: {  	s3 =	simm.s32 @!p0 $0x1082;
	s9 =	sld [smem:$0x3FAC]  }
0x2f: {  	lr =	sadd.s32 s0, s3;
	s0 =	sld [smem:$0x3FA3]  }
0x30: {  	s3 =	sld [smem:$0x3FA6]  }
0x31: {  	[smem:$0x3FAF] =	sst s10  }
0x32: {  	s10 =	sld [smem:$0x3FAD];
	_ =	sdelay $0x3  }
0x33: {  	p0 =	seq.s32 s10, $0x1;
	s10 =	sld [smem:$0x3FAF];
	_ =	sdelay $0x3  }
0x34: {  	[smem:$0x3FAF] =	sst s10  }
0x35: {  	s10 =	sld [smem:$0x3FAE];
	_ =	sdelay $0x3  }
0x36: {  	p1 =	seq.s32 s10, $0x1;
	s10 =	sld [smem:$0x3FAF];
	_ =	sdelay $0x3  }
0x37: {  	[smem:$0x3FAF] =	sst s10  }
0x38: {  	s10 =	sld [smem:$0x3FB0]  }
0x39: {  	_ = 	snop;
	(pc) =	sbr.ind lr, $3  }
0x3a: {  	_ = 	snop  }
0x3b: {  	_ = 	snop  }
0x3c: {  	p2 =	seq.s32 s10, $0x1;
	s10 =	sld [smem:$0x3FAF]  }
0x3d: {  	_ =	shalt  }
0x3e: {  	_ =	shalt  }
0x3f: {  	_ =	shalt  }
0x40: {  	_ =	shalt  }
0x41: {  	_ =	shalt  }
0x42: {  	_ =	shalt  }
0x43: {  	_ =	shalt  }
0x44: {  	_ =	shalt  }
0x45: {  	_ =	shalt  }
0x46: {  	_ =	shalt  }
0x47: {  	_ =	shalt  }
0x48: {  	_ =	shalt  }
0x49: {  	_ =	shalt  }
0x4a: {  	_ =	shalt  }
0x4b: {  	_ =	shalt  }
0x4c: {  	_ =	shalt  }
0x4d: {  	_ =	shalt  }
0x4e: {  	_ =	shalt  }
0x4f: {  	_ =	shalt  }
0x50: {  	_ =	shalt  }
0x51: {  	_ =	shalt  }
0x52: {  	_ =	shalt  }
0x53: {  	_ =	shalt  }
0x54: {  	_ =	shalt  }
0x55: {  	_ =	shalt  }
0x56: {  	_ =	shalt  }
0x57: {  	_ =	shalt  }
0x58: {  	_ =	shalt  }
0x59: {  	_ =	shalt  }
0x5a: {  	_ =	shalt  }
0x5b: {  	_ =	shalt  }
0x5c: {  	_ =	shalt  }
0x5d: {  	_ =	shalt  }
0x5e: {  	_ =	shalt  }
0x5f: {  	_ =	shalt  }
0x60: {  	_ =	shalt  }
0x61: {  	_ =	shalt  }
0x62: {  	_ =	shalt  }
0x63: {  	_ =	shalt  }
0x64: {  	_ =	shalt  }
0x65: {  	_ =	shalt  }
0x66: {  	_ =	shalt  }
0x67: {  	_ =	shalt  }
0x68: {  	_ =	shalt  }
0x69: {  	_ =	shalt  }
0x6a: {  	_ =	shalt  }
0x6b: {  	_ =	shalt  }
0x6c: {  	_ =	shalt  }
0x6d: {  	_ =	shalt  }
0x6e: {  	_ =	shalt  }
0x6f: {  	_ =	shalt  }
0x70: {  	_ =	shalt  }
0x71: {  	_ =	shalt  }
0x72: {  	_ =	shalt  }
0x73: {  	_ =	shalt  }
0x74: {  	_ =	shalt  }
0x75: {  	_ =	shalt  }
0x76: {  	_ =	shalt  }
0x77: {  	_ =	shalt  }
0x78: {  	_ =	shalt  }
0x79: {  	_ =	shalt  }
0x7a: {  	_ =	shalt  }
0x7b: {  	_ =	shalt  }
0x7c: {  	_ =	shalt  }
0x7d: {  	_ =	shalt  }
0x7e: {  	_ =	shalt  }
0x7f: {  	_ =	shalt  }
0x80: {  	_ =	shalt  }
0x81: {  	_ =	shalt  }
0x82: {  	_ =	shalt  }
0x83: {  	_ =	shalt  }
0x84: {  	_ =	shalt  }
0x85: {  	_ =	shalt  }
0x86: {  	_ =	shalt  }
0x87: {  	_ =	shalt  }
.Lfunc_end0:
.L_simem_size_0:
called_computation.1_lowered:
.L_overlay_start_0:
0x88: {  	s2 =	sld [smem:$0x3FD9]  }
0x89: {  	s3 =	sld [smem:$0x3FFE];
	_ =	sdelay $0x1  }
0x8a: {  	s1 =	srdreg.scid  }
0x8b: {  	s0 =	sand.u32 $0x1, s1  }
0x8c: {  	s16 =	sshll.u32 s0, $0xA;
	s2 =	sadd.s32 s3, s2  }
0x8d: {  	s2 =	sadd.s32 s2, s16  }
0x8e: {  	[smem:$0x3FBB] =	sst s2  }
0x8f: {  	_ = 	snop  }
0x90: {  	(tm) =	ssettm $0x1  }
0x91: {  	s17 =	sld [smem:$0x3FFB];
	_ =	sdelay $0x3  }
0x92: {  	_ =	strace s17  }
0x93: {  	s2 =	sld [smem:$0x3FFC];
	_ =	sdelay $0x3  }
0x94: {  	_ =	strace s2  }
0x95: {  	s2 =	sld [smem:$0x3FFD];
	_ =	sdelay $0x3  }
0x96: {  	_ =	strace s2  }
0x97: {  	_ =	strace $0x8FFFFFFF  }
0x98: {  	s18 =	sld [smem:$0x3FDB];
	_ =	sdelay $0x1  }
0x99: {  	s19 =	simm.s32 $_scs_section_size  }
0x9a: {  	s4 =	simm.s32 $_size__tile_overlayer_lowered;
	s5 =	simm.s32 $_tile_overlayer_lowered  }
0x9b: {  	s22 =	simm.s32 $0x1BFF;
	s21 =	sshll.u32 s5, $0x1;
	s2 =	sadd.s32 s19, s18  }
0x9c: {  	s6 =	simm.s32 $0x0;
	s20 =	sshll.u32 s4, $0x1;
	s4 =	sadd.s32 s21, s2  }
0x9d: {  	[timem:s6], [sflag:s22] =	dma.local [hbm:s4], s20  }
0x9e: {  	_ =	swait.ge [sflag:s22], s20  }
0x9f: {  	s3 =	ssub.s32 $0x0, s20;
	[sflag:s22] =	ssyncset.done $0x0  }
0xa0: {  	[sflag:s22] =	ssyncadd.s32 s3;
	_ =	sdelay $0x1  }
0xa1: {  	s23 =	simm.s32 $0x1B8B  }
0xa2: {  	_ =	swait.ge [sflag:s23], $0x1  }
0xa3: {  	[sflag:s23] =	ssyncset.done $0x0  }
0xa4: {  	s25 =	simm.s32 $0x1B8E;
	s24 =	sld [smem:$0x3FFE];
	[sflag:s23] =	ssyncadd.s32 $0xFFFFFFFF  }
0xa5: {  	s26 =	simm.s32 $execute0_lowered;
	[smem:$0x3FD2] =	sst s25  }
0xa6: {  	s4 =	sshll.u32 s26, $0x1;
	_ =	strace $0x80000049;
	[dreg:$0x1] =	wrdreg $0xFFFFFFFF  }
0xa7: {  	s28 =	simm.s32 $_size_execute0_lowered;
	s2 =	sadd.s32 s2, s4;
	[dreg:$0x0] =	wrdreg $0x0  }
0xa8: {  	s4 =	sshll.u32 s28, $0x1;
	[dreg:$0x2] =	wrdreg s2  }
0xa9: {  	[dreg:$0x3] =	wrdreg s4  }
0xaa: {  	[dreg:$0x4] =	wrdreg $0xC0  }
0xab: {  	_ =	task [dreg:s6], $0x5FFFF  }
0xac: {  	[dreg:$0x1] =	wrdreg $0xFFFFFFFF  }
0xad: {  	[dreg:$0x0] =	wrdreg $0x60  }
0xae: {  	[dreg:$0x2] =	wrdreg s24  }
0xaf: {  	[dreg:$0x3] =	wrdreg $0xB8000  }
0xb0: {  	[dreg:$0x4] =	wrdreg $0x9  }
0xb1: {  	_ =	task.clear_ibuf [dreg:s6], $0x5FFFF;
	_ =	strace $0x90000049  }
0xb2: {  	s29 =	simm.s32 $0x9;
	_ =	strace $0x8000004B  }
0xb3: {  	_ =	swait.ge [sflag:s29], $0x1  }
0xb4: {  	[sflag:s29] =	ssyncadd.s32 $0xFFFFFFFF  }
0xb5: {  	_ =	strace $0x9000004B  }
0xb6: {  	_ =	sfence  }
0xb7: {  	s30 =	sld [smem:$0x0];
	_ =	sdelay $0x2  }
0xb8: {  	s31 =	sshll.u32 s1, $0xD;
	s1 =	sshrl.u32 s1, $0x2  }
0xb9: {  	s3 =	sand.u32 $0x4000, s31;
	s1 =	sadd.s32 s1, s30  }
0xba: {  	s0 =	sor.u32 s3, s0;
	s1 =	sshll.u32 s1, $0x11  }
0xbb: {  	s0 =	sor.u32 s1, s0  }
0xbc: {  	s0 =	sadd.s32 $0x8F2B, s0  }
0xbd: {  	[sflag:s0] =	ssyncadd.remote.s32 $0x1  }
0xbe: {  	_ =	sfence.sel $0xFFFF  }
0xbf: {  	[dreg:$0x0] =	wrdreg $0xFFFFFFFF;
	(pc) =	sbr.abs _section_cstart, $3  }
0xc0: {  	[dreg:$0x1] =	wrdreg $0xFFFFFFFF  }
0xc1: {  	_ =	task.clear_ibuf [dreg:s6], $0x2FFFF;
	_ =	strace $0x9FFFFFFF  }
0xc2: {  	(tm) =	ssettm $0x7FFFFFFF  }
0xc3: {  	_ =	shalt  }
tec
execute0_lowered:
.L_overlay_start_1:
0x0: {  	(tag) =	ssettag $0x1  }
0x1: {  	s0 =	srdreg.scid;
	s7 =	rddreg [dreg:$0x0]  }
0x2: {  	s2 =	rddreg [dreg:$0x1];
	s3 =	simm.s32 $0x0;
	s15 =	simm.s32 $0x80  }
0x3: {  	s16 =	simm.s32 $0x3000;
	s17 =	simm.s32 $0x7000;
	s18 =	simm.s32 $0x2  }
0x4: {  	s19 =	simm.s32 $0x3;
	s6 =	sand.u32 $0x1, s0;
	s0 =	stileid.u32  }
0x5: {  	s20 =	simm.s32 $0x0;
	[smem:$0x7FF] =	sst s3;
	s5 =	smul.u32 $0x14000, s0  }
0x6: {  	s4 =	sadd.s32 $0x17C00, s7;
	s1 =	sshll.u32 s6, $0x4;
	s11 =	smul.u32 $0x2800, s0  }
0x7: {  	p0 =	seq.s32 s6, $0x1;
	s13 =	smul.u32 $0x50000, s0;
	s6 =	ssub.s32 $0x2, s6  }
0x8: {  	s8 =	sor.u32 s0, s1;
	s1 =	rddreg [dreg:$0x2];
	_ =	strace $0x8000004A  }
0x9: {  	s31 =	sshrl.u32 s6, $0x1;
	s9 =	smul.u32 $0x500, s8;
	s5 =	sshrl.u32 s5, $0x3  }
0xa: {  	s13 =	sshrl.u32 s13, $0x2;
	s14 =	smul.u32 $0xA, s8;
	s12 =	sadd.s32 $0x28000, s5  }
0xb: {  	s5 =	sadd.s32 $0xDC00, s7;
	s10 =	sadd.s32 s9, s7;
	s11 =	smov.u32 @p0 s12  }
0xc: {  	s12 =	ssub.s32 s6, s31;
	s6 =	sadd.s32 s13, s2;
	s8 =	sadd.s32 s5, s9  }
0xd: {  	[dreg:$0x3] =	wrdreg s14;
	s13 =	simm.s32 $0x4;
	s14 =	simm.s32 $0x2800  }
0xe: {  	s11 =	sadd.s32 s11, s7;
	s7 =	sadd.s32 $0x3C00, s10;
	s9 =	smax.u32 s12, $0x1  }
0xf: {  	v0 =	vimm.f32 $0.0e+00;
	s12 =	simm.s32 $0x1;
	s10 =	sadd.s32 $0x3FC00, s11;
	s11 =	simm.s32 $0xB000  }
.LBB2_1:
0x10: {  	s21 =	simm.s32 $0x0;
	s22 =	simm.s32 $0x200  }
.LBB2_2:
0x11: {  	p0 =	sne.s32 s22, $0x1E00;
	[tilespmem:s21+$0xB070] =	vst v0  }
0x12: {  	[tilespmem:s21+$0xB000] =	vst v0  }
0x13: {  	[tilespmem:s21+$0xB010] =	vst v0  }
.Ltmp0:
0x14: {  	[tilespmem:s21+$0xB020] =	vst v0;
	(pc) =	sbr.rel @p0 .LBB2_2-.Ltmp0, $4  }
0x15: {  	[tilespmem:s21+$0xB030] =	vst v0  }
0x16: {  	[tilespmem:s21+$0xB040] =	vst v0  }
0x17: {  	[tilespmem:s21+$0xB050] =	vst v0  }
0x18: {  	[tilespmem:s21+$0xB060] =	vst v0;
	s21 =	sshra.s32 s22, $0x2;
	s22 =	sadd.s32 $0x200, s22  }
0x19: {  	[tilespmem:s21+$0xB070] =	vst v0  }
0x1a: {  	[tilespmem:s21+$0xB000] =	vst v0  }
0x1b: {  	[tilespmem:s21+$0xB010] =	vst v0  }
0x1c: {  	[tilespmem:s21+$0xB020] =	vst v0  }
0x1d: {  	[tilespmem:s21+$0xB030] =	vst v0  }
0x1e: {  	[tilespmem:s21+$0xB040] =	vst v0  }
0x1f: {  	[tilespmem:s21+$0xB050] =	vst v0  }
0x20: {  	[tilespmem:s21+$0xB060] =	vst v0;
	s25 =	sadd.s32 $0x0, s6  }
0x21: {  	[spmem:s25] =	stream.linear.scatter [tilespmem:s11], [sflag:$0x1], $0x800, $0x38;
	[tilespmem:$0x1F800] =	vst v63  }
0x22: {  	s22 =	sadd.s32 $0x800, s25  }
0x23: {  	[spmem:s22] =	stream.linear.scatter [tilespmem:s11], [sflag:$0x1], $0x800, $0x38;
	[tilespmem:$0x1F800] =	vst v63  }
0x24: {  	s26 =	sadd.s32 $0x1000, s25  }
0x25: {  	[spmem:s26] =	stream.linear.scatter [tilespmem:s11], [sflag:$0x1], $0x800, $0x38;
	[tilespmem:$0x1F800] =	vst v63  }
0x26: {  	s28 =	sadd.s32 $0x1800, s25  }
0x27: {  	[spmem:s28] =	stream.linear.scatter [tilespmem:s11], [sflag:$0x1], $0x800, $0x38;
	[tilespmem:$0x1F800] =	vst v63  }
0x28: {  	s29 =	sadd.s32 $0x2000, s25  }
0x29: {  	[spmem:s29] =	stream.linear.scatter [tilespmem:s11], [sflag:$0x1], $0x800, $0x38;
	[tilespmem:$0x1F800] =	vst v63  }
0x2a: {  	s30 =	sadd.s32 $0x2800, s25  }
0x2b: {  	[spmem:s30] =	stream.linear.scatter [tilespmem:s11], [sflag:$0x1], $0x800, $0x38;
	[tilespmem:$0x1F800] =	vst v63  }
0x2c: {  	s31 =	sadd.s32 $0x3000, s25  }
0x2d: {  	[spmem:s31] =	stream.linear.scatter [tilespmem:s11], [sflag:$0x1], $0x800, $0x38;
	[tilespmem:$0x1F800] =	vst v63  }
0x2e: {  	s21 =	sadd.s32 $0x3800, s25  }
0x2f: {  	[spmem:s21] =	stream.linear.scatter [tilespmem:s11], [sflag:$0x1], $0x800, $0x38;
	[tilespmem:$0x1F800] =	vst v63  }
0x30: {  	_ =	swait.ge [sflag:s12], $0x800  }
0x31: {  	[sflag:s12] =	ssyncset.done $0x0  }
0x32: {  	[sflag:s12] =	ssyncadd.s32 $0xFFFFF800  }
0x33: {  	_ =	swait.ge [sflag:s12], $0x800  }
0x34: {  	[sflag:s12] =	ssyncset.done $0x0  }
0x35: {  	[sflag:s12] =	ssyncadd.s32 $0xFFFFF800  }
0x36: {  	_ =	swait.ge [sflag:s12], $0x800  }
0x37: {  	[sflag:s12] =	ssyncset.done $0x0  }
0x38: {  	[sflag:s12] =	ssyncadd.s32 $0xFFFFF800  }
0x39: {  	_ =	swait.ge [sflag:s12], $0x800  }
0x3a: {  	[sflag:s12] =	ssyncset.done $0x0  }
0x3b: {  	[sflag:s12] =	ssyncadd.s32 $0xFFFFF800  }
0x3c: {  	_ =	swait.ge [sflag:s12], $0x800  }
0x3d: {  	[sflag:s12] =	ssyncset.done $0x0  }
0x3e: {  	[sflag:s12] =	ssyncadd.s32 $0xFFFFF800  }
0x3f: {  	_ =	swait.ge [sflag:s12], $0x800  }
0x40: {  	[sflag:s12] =	ssyncset.done $0x0  }
0x41: {  	[sflag:s12] =	ssyncadd.s32 $0xFFFFF800  }
0x42: {  	_ =	swait.ge [sflag:s12], $0x800  }
0x43: {  	[sflag:s12] =	ssyncset.done $0x0  }
0x44: {  	[sflag:s12] =	ssyncadd.s32 $0xFFFFF800  }
0x45: {  	_ =	swait.ge [sflag:s12], $0x800  }
0x46: {  	s23 =	simm.s32 $0x20000;
	s22 =	simm.s32 $0x4000;
	[sflag:s12] =	ssyncset.done $0x0  }
.LBB2_4:
0x47: {  	s24 =	sadd.s32 s22, s6  }
0x48: {  	[sflag:s12] =	ssyncadd.s32 $0xFFFFF800;
	s22 =	smov.u32 s23;
	s21 =	sadd.s32 $0x10000, s23  }
0x49: {  	[spmem:s24] =	stream.linear.scatter [tilespmem:s11], [sflag:$0x1], $0x800, $0x38;
	[tilespmem:$0x1F800] =	vst v63  }
0x4a: {  	p0 =	sne.s32 s23, $0x40000;
	s23 =	sadd.s32 $0x800, s24  }
0x4b: {  	[spmem:s23] =	stream.linear.scatter [tilespmem:s11], [sflag:$0x1], $0x800, $0x38;
	[tilespmem:$0x1F800] =	vst v63  }
0x4c: {  	s23 =	sadd.s32 $0x1000, s24  }
0x4d: {  	[spmem:s23] =	stream.linear.scatter [tilespmem:s11], [sflag:$0x1], $0x800, $0x38;
	[tilespmem:$0x1F800] =	vst v63  }
0x4e: {  	s23 =	sadd.s32 $0x1800, s24  }
0x4f: {  	[spmem:s23] =	stream.linear.scatter [tilespmem:s11], [sflag:$0x1], $0x800, $0x38;
	[tilespmem:$0x1F800] =	vst v63  }
0x50: {  	s23 =	sadd.s32 $0x2000, s24  }
0x51: {  	[spmem:s23] =	stream.linear.scatter [tilespmem:s11], [sflag:$0x1], $0x800, $0x38;
	[tilespmem:$0x1F800] =	vst v63  }
0x52: {  	s23 =	sadd.s32 $0x2800, s24  }
0x53: {  	[spmem:s23] =	stream.linear.scatter [tilespmem:s11], [sflag:$0x1], $0x800, $0x38;
	[tilespmem:$0x1F800] =	vst v63  }
0x54: {  	s23 =	sadd.s32 $0x3000, s24  }
0x55: {  	[spmem:s23] =	stream.linear.scatter [tilespmem:s11], [sflag:$0x1], $0x800, $0x38;
	[tilespmem:$0x1F800] =	vst v63  }
0x56: {  	s23 =	sadd.s32 $0x3800, s24  }
0x57: {  	[spmem:s23] =	stream.linear.scatter [tilespmem:s11], [sflag:$0x1], $0x800, $0x38;
	[tilespmem:$0x1F800] =	vst v63  }
0x58: {  	_ =	swait.ge [sflag:s12], $0x800  }
0x59: {  	[sflag:s12] =	ssyncset.done $0x0  }
0x5a: {  	[sflag:s12] =	ssyncadd.s32 $0xFFFFF800  }
0x5b: {  	_ =	swait.ge [sflag:s12], $0x800  }
0x5c: {  	[sflag:s12] =	ssyncset.done $0x0  }
0x5d: {  	[sflag:s12] =	ssyncadd.s32 $0xFFFFF800  }
0x5e: {  	_ =	swait.ge [sflag:s12], $0x800  }
0x5f: {  	[sflag:s12] =	ssyncset.done $0x0  }
0x60: {  	[sflag:s12] =	ssyncadd.s32 $0xFFFFF800  }
0x61: {  	_ =	swait.ge [sflag:s12], $0x800  }
0x62: {  	[sflag:s12] =	ssyncset.done $0x0  }
0x63: {  	[sflag:s12] =	ssyncadd.s32 $0xFFFFF800  }
0x64: {  	_ =	swait.ge [sflag:s12], $0x800  }
0x65: {  	[sflag:s12] =	ssyncset.done $0x0  }
0x66: {  	[sflag:s12] =	ssyncadd.s32 $0xFFFFF800  }
0x67: {  	_ =	swait.ge [sflag:s12], $0x800  }
0x68: {  	[sflag:s12] =	ssyncset.done $0x0  }
0x69: {  	[sflag:s12] =	ssyncadd.s32 $0xFFFFF800  }
.Ltmp1:
0x6a: {  	_ =	swait.ge [sflag:s12], $0x800;
	(pc) =	sbr.rel @p0 .LBB2_4-.Ltmp1, $4  }
0x6b: {  	[sflag:s12] =	ssyncset.done $0x0  }
0x6c: {  	[sflag:s12] =	ssyncadd.s32 $0xFFFFF800  }
0x6d: {  	_ =	swait.ge [sflag:s12], $0x800  }
0x6e: {  	s22 =	sshra.s32 s22, $0x2;
	s23 =	smov.u32 s21;
	[sflag:s12] =	ssyncset.done $0x0  }
0x6f: {  	s21 =	sadd.s32 s22, s6;
	[sflag:s12] =	ssyncadd.s32 $0xFFFFF800  }
0x70: {  	[spmem:s21] =	stream.linear.scatter [tilespmem:s11], [sflag:$0x1], $0x800, $0x38;
	[tilespmem:$0x1F800] =	vst v63  }
0x71: {  	s22 =	sadd.s32 $0x800, s21  }
0x72: {  	[spmem:s22] =	stream.linear.scatter [tilespmem:s11], [sflag:$0x1], $0x800, $0x38;
	[tilespmem:$0x1F800] =	vst v63  }
0x73: {  	s23 =	sadd.s32 $0x1000, s21  }
0x74: {  	[spmem:s23] =	stream.linear.scatter [tilespmem:s11], [sflag:$0x1], $0x800, $0x38;
	[tilespmem:$0x1F800] =	vst v63  }
0x75: {  	s24 =	sadd.s32 $0x1800, s21  }
0x76: {  	[spmem:s24] =	stream.linear.scatter [tilespmem:s11], [sflag:$0x1], $0x800, $0x38;
	[tilespmem:$0x1F800] =	vst v63  }
0x77: {  	s25 =	sadd.s32 $0x2000, s21  }
0x78: {  	[spmem:s25] =	stream.linear.scatter [tilespmem:s11], [sflag:$0x1], $0x800, $0x38;
	[tilespmem:$0x1F800] =	vst v63  }
0x79: {  	s26 =	sadd.s32 $0x2800, s21  }
0x7a: {  	[spmem:s26] =	stream.linear.scatter [tilespmem:s11], [sflag:$0x1], $0x800, $0x38;
	[tilespmem:$0x1F800] =	vst v63  }
0x7b: {  	s28 =	sadd.s32 $0x3000, s21  }
0x7c: {  	[spmem:s28] =	stream.linear.scatter [tilespmem:s11], [sflag:$0x1], $0x800, $0x38;
	[tilespmem:$0x1F800] =	vst v63  }
0x7d: {  	s21 =	sadd.s32 $0x3800, s21  }
0x7e: {  	[spmem:s21] =	stream.linear.scatter [tilespmem:s11], [sflag:$0x1], $0x800, $0x38;
	[tilespmem:$0x1F800] =	vst v63  }
0x7f: {  	_ =	swait.ge [sflag:s12], $0x800  }
0x80: {  	[sflag:s12] =	ssyncset.done $0x0  }
0x81: {  	[sflag:s12] =	ssyncadd.s32 $0xFFFFF800  }
0x82: {  	_ =	swait.ge [sflag:s12], $0x800  }
0x83: {  	[sflag:s12] =	ssyncset.done $0x0  }
0x84: {  	[sflag:s12] =	ssyncadd.s32 $0xFFFFF800  }
0x85: {  	_ =	swait.ge [sflag:s12], $0x800  }
0x86: {  	[sflag:s12] =	ssyncset.done $0x0  }
0x87: {  	[sflag:s12] =	ssyncadd.s32 $0xFFFFF800  }
0x88: {  	_ =	swait.ge [sflag:s12], $0x800  }
0x89: {  	[sflag:s12] =	ssyncset.done $0x0  }
0x8a: {  	[sflag:s12] =	ssyncadd.s32 $0xFFFFF800  }
0x8b: {  	_ =	swait.ge [sflag:s12], $0x800  }
0x8c: {  	[sflag:s12] =	ssyncset.done $0x0  }
0x8d: {  	[sflag:s12] =	ssyncadd.s32 $0xFFFFF800  }
0x8e: {  	_ =	swait.ge [sflag:s12], $0x800  }
0x8f: {  	[sflag:s12] =	ssyncset.done $0x0  }
0x90: {  	[sflag:s12] =	ssyncadd.s32 $0xFFFFF800  }
0x91: {  	_ =	swait.ge [sflag:s12], $0x800  }
0x92: {  	[sflag:s12] =	ssyncset.done $0x0  }
0x93: {  	[sflag:s12] =	ssyncadd.s32 $0xFFFFF800  }
0x94: {  	_ =	swait.ge [sflag:s12], $0x800  }
0x95: {  	[sflag:s12] =	ssyncset.done $0x0  }
0x96: {  	s21 =	simm.s32 $0x0;
	[sflag:s12] =	ssyncadd.s32 $0xFFFFF800  }
0x97: {  	[tilespmem:s21], [sflag:$0x4] =	stream.linear.gather [hbm4b:s7+s21], $0x2800, $0x38;
	[tilespmem:$0x1F800] =	vst v63  }
0x98: {  	_ =	swait.ge [sflag:s13], $0x2800  }
0x99: {  	[sflag:s13] =	ssyncset.done $0x0  }
0x9a: {  	[sflag:s13] =	ssyncadd.s32 $0xFFFFD800  }
0x9b: {  	[tilespmem:s14], [sflag:$0x4] =	stream.linear.gather [hbm4b:s8+s21], $0x400, $0x38;
	[tilespmem:$0x1F800] =	vst v63  }
0x9c: {  	_ =	swait.ge [sflag:s13], $0x400  }
0x9d: {  	[sflag:s13] =	ssyncset.done $0x0  }
0x9e: {  	[sflag:s13] =	ssyncadd.s32 $0xFFFFFC00  }
0x9f: {  	[tilespmem:s16], [sflag:$0x1] =	stream.indirect.gather [hbm4b:s4+s15], $0x80, s21, s15, $0xb8;
	[tilespmem:$0x1F800] =	vst v63  }
0xa0: {  	s22 =	simm.s32 $0x1;
	[bflag:$0x0] =	sbarrier.arrive $0xFFFF  }
0xa1: {  	s24 =	simm.s32 $0x1000;
	s25 =	smin.u32 s22, $0x9;
	s23 =	rddreg [dreg:$0x3]  }
0xa2: {  	s24 =	sand.u32 $0x1000, s24;
	s23 =	sadd.s32 s23, s25  }
0xa3: {  	s24 =	sshrl.u32 s24, $0x2;
	s23 =	sshll.u32 s23, $0x7  }
0xa4: {  	s24 =	sor.u32 $0x2800, s24;
	s23 =	sadd.s32 s5, s23  }
0xa5: {  	[tilespmem:s24], [sflag:$0x3] =	stream.linear.gather [hbm4b:s23+s3], $0x400, $0x38;
	[tilespmem:$0x1F800] =	vst v63  }
0xa6: {  	s29 =	simm.s32 $0x80  }
0xa7: {  	[tilespmem:s17], [sflag:$0x2] =	stream.indirect.gather [hbm4b:s4+s15], $0x80, s29, s15, $0xb8;
	[tilespmem:$0x1F800] =	vst v63  }
0xa8: {  	_ =	swait.ge [sflag:s12], $0x4000  }
0xa9: {  	s23 =	sand.u32 $0x400, s21;
	[sflag:s12] =	ssyncset.done $0x0  }
0xaa: {  	s30 =	sor.u32 $0x2800, s23;
	[sflag:s12] =	ssyncadd.s32 $0xFFFFC000  }
0xab: {  	[spmem:s2] =	stream.indirect.scatter.add.f32 [tilespmem:s16], [sflag:$0x4], $0x80, s30, s15, $0xb8;
	[tilespmem:$0x1F800] =	vst v63  }
0xac: {  	_ =	swait.ge [sflag:s13], $0x4000  }
0xad: {  	[sflag:s13] =	ssyncset.done $0x0  }
0xae: {  	s31 =	simm.s32 $0x100;
	[sflag:s13] =	ssyncadd.s32 $0xFFFFC000  }
0xaf: {  	[tilespmem:s16], [sflag:$0x1] =	stream.indirect.gather [hbm4b:s4+s15], $0x80, s31, s15, $0xb8;
	[tilespmem:$0x1F800] =	vst v63  }
0xb0: {  	_ =	swait.ge [sflag:s18], $0x4000  }
0xb1: {  	[sflag:s18] =	ssyncset.done $0x0  }
0xb2: {  	s25 =	sor.u32 $0x2880, s23;
	[sflag:s18] =	ssyncadd.s32 $0xFFFFC000  }
0xb3: {  	[spmem:s2] =	stream.indirect.scatter.add.f32 [tilespmem:s17], [sflag:$0x4], $0x80, s25, s15, $0xb8;
	[tilespmem:$0x1F800] =	vst v63  }
0xb4: {  	_ =	swait.ge [sflag:s13], $0x4000  }
0xb5: {  	[sflag:s13] =	ssyncset.done $0x0  }
0xb6: {  	s26 =	simm.s32 $0x180;
	[sflag:s13] =	ssyncadd.s32 $0xFFFFC000  }
0xb7: {  	[tilespmem:s17], [sflag:$0x2] =	stream.indirect.gather [hbm4b:s4+s15], $0x80, s26, s15, $0xb8;
	[tilespmem:$0x1F800] =	vst v63  }
0xb8: {  	_ =	swait.ge [sflag:s12], $0x4000  }
0xb9: {  	[sflag:s12] =	ssyncset.done $0x0  }
0xba: {  	s28 =	sor.u32 $0x2900, s23;
	[sflag:s12] =	ssyncadd.s32 $0xFFFFC000  }
0xbb: {  	[spmem:s2] =	stream.indirect.scatter.add.f32 [tilespmem:s16], [sflag:$0x4], $0x80, s28, s15, $0xb8;
	[tilespmem:$0x1F800] =	vst v63  }
0xbc: {  	_ =	swait.ge [sflag:s13], $0x4000  }
0xbd: {  	[sflag:s13] =	ssyncset.done $0x0  }
0xbe: {  	s29 =	simm.s32 $0x200;
	[sflag:s13] =	ssyncadd.s32 $0xFFFFC000  }
0xbf: {  	[tilespmem:s16], [sflag:$0x1] =	stream.indirect.gather [hbm4b:s4+s15], $0x80, s29, s15, $0xb8;
	[tilespmem:$0x1F800] =	vst v63  }
0xc0: {  	_ =	swait.ge [sflag:s18], $0x4000  }
0xc1: {  	[sflag:s18] =	ssyncset.done $0x0  }
0xc2: {  	s30 =	sor.u32 $0x2980, s23;
	[sflag:s18] =	ssyncadd.s32 $0xFFFFC000  }
0xc3: {  	[spmem:s2] =	stream.indirect.scatter.add.f32 [tilespmem:s17], [sflag:$0x4], $0x80, s30, s15, $0xb8;
	[tilespmem:$0x1F800] =	vst v63  }
0xc4: {  	_ =	swait.ge [sflag:s13], $0x4000  }
0xc5: {  	[sflag:s13] =	ssyncset.done $0x0  }
0xc6: {  	s31 =	simm.s32 $0x280;
	[sflag:s13] =	ssyncadd.s32 $0xFFFFC000  }
0xc7: {  	[tilespmem:s17], [sflag:$0x2] =	stream.indirect.gather [hbm4b:s4+s15], $0x80, s31, s15, $0xb8;
	[tilespmem:$0x1F800] =	vst v63  }
0xc8: {  	_ =	swait.ge [sflag:s12], $0x4000  }
0xc9: {  	[sflag:s12] =	ssyncset.done $0x0  }
0xca: {  	s25 =	sor.u32 $0x2A00, s23;
	[sflag:s12] =	ssyncadd.s32 $0xFFFFC000  }
0xcb: {  	[spmem:s2] =	stream.indirect.scatter.add.f32 [tilespmem:s16], [sflag:$0x4], $0x80, s25, s15, $0xb8;
	[tilespmem:$0x1F800] =	vst v63  }
0xcc: {  	_ =	swait.ge [sflag:s13], $0x4000  }
0xcd: {  	[sflag:s13] =	ssyncset.done $0x0  }
0xce: {  	s26 =	simm.s32 $0x300;
	[sflag:s13] =	ssyncadd.s32 $0xFFFFC000  }
0xcf: {  	[tilespmem:s16], [sflag:$0x1] =	stream.indirect.gather [hbm4b:s4+s15], $0x80, s26, s15, $0xb8;
	[tilespmem:$0x1F800] =	vst v63  }
0xd0: {  	_ =	swait.ge [sflag:s18], $0x4000  }
0xd1: {  	[sflag:s18] =	ssyncset.done $0x0  }
0xd2: {  	s28 =	sor.u32 $0x2A80, s23;
	[sflag:s18] =	ssyncadd.s32 $0xFFFFC000  }
0xd3: {  	[spmem:s2] =	stream.indirect.scatter.add.f32 [tilespmem:s17], [sflag:$0x4], $0x80, s28, s15, $0xb8;
	[tilespmem:$0x1F800] =	vst v63  }
0xd4: {  	_ =	swait.ge [sflag:s13], $0x4000  }
0xd5: {  	[sflag:s13] =	ssyncset.done $0x0  }
0xd6: {  	s29 =	simm.s32 $0x380;
	[sflag:s13] =	ssyncadd.s32 $0xFFFFC000  }
0xd7: {  	[tilespmem:s17], [sflag:$0x2] =	stream.indirect.gather [hbm4b:s4+s15], $0x80, s29, s15, $0xb8;
	[tilespmem:$0x1F800] =	vst v63  }
0xd8: {  	_ =	swait.ge [sflag:s12], $0x4000  }
0xd9: {  	[sflag:s12] =	ssyncset.done $0x0  }
0xda: {  	s30 =	sor.u32 $0x2B00, s23;
	[sflag:s12] =	ssyncadd.s32 $0xFFFFC000  }
0xdb: {  	[spmem:s2] =	stream.indirect.scatter.add.f32 [tilespmem:s16], [sflag:$0x4], $0x80, s30, s15, $0xb8;
	[tilespmem:$0x1F800] =	vst v63  }
0xdc: {  	s31 =	smin.u32 s21, $0x47;
	_ =	swait.ge [sflag:s13], $0x4000  }
0xdd: {  	s24 =	sshll.u32 s31, $0x7;
	[sflag:s13] =	ssyncset.done $0x0  }
0xde: {  	s24 =	sadd.s32 $0x400, s24;
	[sflag:s13] =	ssyncadd.s32 $0xFFFFC000  }
0xdf: {  	[tilespmem:s16], [sflag:$0x1] =	stream.indirect.gather [hbm4b:s4+s15], $0x80, s24, s15, $0xb8;
	[tilespmem:$0x1F800] =	vst v63  }
0xe0: {  	_ =	swait.ge [sflag:s18], $0x4000  }
0xe1: {  	[sflag:s18] =	ssyncset.done $0x0  }
0xe2: {  	s23 =	sor.u32 $0x2B80, s23;
	[sflag:s18] =	ssyncadd.s32 $0xFFFFC000  }
0xe3: {  	[spmem:s2] =	stream.indirect.scatter.add.f32 [tilespmem:s17], [sflag:$0x4], $0x80, s23, s15, $0xb8;
	[tilespmem:$0x1F800] =	vst v63  }
0xe4: {  	_ =	swait.ge [sflag:s13], $0x4000  }
0xe5: {  	[sflag:s13] =	ssyncset.done $0x0  }
0xe6: {  	[sflag:s13] =	ssyncadd.s32 $0xFFFFC000  }
0xe7: {  	_ =	swait.ge [sflag:s19], $0x400  }
0xe8: {  	s24 =	simm.s32 $0x0;
	s23 =	simm.s32 $0x2000;
	[sflag:s19] =	ssyncset.done $0x0  }
.LBB2_6:
0xe9: {  	s22 =	sadd.s32 $0x1, s22  }
0xea: {  	s25 =	rddreg [dreg:$0x3];
	s26 =	smov.u32 s23;
	s28 =	smin.u32 s22, $0x9  }
0xeb: {  	s29 =	sand.u32 $0x1000, s26;
	s25 =	sadd.s32 s25, s28  }
0xec: {  	[sflag:s19] =	ssyncadd.s32 $0xFFFFFC00;
	s28 =	sshrl.u32 s29, $0x2;
	s25 =	sshll.u32 s25, $0x7  }
0xed: {  	s26 =	sshra.s32 s26, $0x2;
	s28 =	sor.u32 $0x2800, s28;
	s25 =	sadd.s32 s5, s25  }
0xee: {  	[tilespmem:s28], [sflag:$0x3] =	stream.linear.gather [hbm4b:s25+s3], $0x400, $0x38;
	[tilespmem:$0x1F800] =	vst v63  }
0xef: {  	s30 =	sadd.s32 $0xFFFFFC80, s26  }
0xf0: {  	[tilespmem:s17], [sflag:$0x2] =	stream.indirect.gather [hbm4b:s4+s15], $0x80, s30, s15, $0xb8;
	[tilespmem:$0x1F800] =	vst v63  }
0xf1: {  	s21 =	sadd.s32 $0x400, s21;
	_ =	swait.ge [sflag:s12], $0x4000  }
0xf2: {  	s25 =	sand.u32 $0x400, s21;
	[sflag:s12] =	ssyncset.done $0x0  }
0xf3: {  	s31 =	sor.u32 $0x2800, s25;
	[sflag:s12] =	ssyncadd.s32 $0xFFFFC000  }
0xf4: {  	[spmem:s2] =	stream.indirect.scatter.add.f32 [tilespmem:s16], [sflag:$0x4], $0x80, s31, s15, $0xb8;
	[tilespmem:$0x1F800] =	vst v63  }
0xf5: {  	_ =	swait.ge [sflag:s13], $0x4000  }
0xf6: {  	[sflag:s13] =	ssyncset.done $0x0  }
0xf7: {  	s29 =	sadd.s32 $0xFFFFFD00, s26;
	[sflag:s13] =	ssyncadd.s32 $0xFFFFC000  }
0xf8: {  	[tilespmem:s16], [sflag:$0x1] =	stream.indirect.gather [hbm4b:s4+s15], $0x80, s29, s15, $0xb8;
	[tilespmem:$0x1F800] =	vst v63  }
0xf9: {  	_ =	swait.ge [sflag:s18], $0x4000  }
0xfa: {  	[sflag:s18] =	ssyncset.done $0x0  }
0xfb: {  	s30 =	sor.u32 $0x2880, s25;
	[sflag:s18] =	ssyncadd.s32 $0xFFFFC000  }
0xfc: {  	[spmem:s2] =	stream.indirect.scatter.add.f32 [tilespmem:s17], [sflag:$0x4], $0x80, s30, s15, $0xb8;
	[tilespmem:$0x1F800] =	vst v63  }
0xfd: {  	_ =	swait.ge [sflag:s13], $0x4000  }
0xfe: {  	[sflag:s13] =	ssyncset.done $0x0  }
0xff: {  	s31 =	sadd.s32 $0xFFFFFD80, s26;
	[sflag:s13] =	ssyncadd.s32 $0xFFFFC000  }
0x100: {  	[tilespmem:s17], [sflag:$0x2] =	stream.indirect.gather [hbm4b:s4+s15], $0x80, s31, s15, $0xb8;
	[tilespmem:$0x1F800] =	vst v63  }
0x101: {  	_ =	swait.ge [sflag:s12], $0x4000  }
0x102: {  	[sflag:s12] =	ssyncset.done $0x0  }
0x103: {  	s29 =	sor.u32 $0x2900, s25;
	[sflag:s12] =	ssyncadd.s32 $0xFFFFC000  }
0x104: {  	[spmem:s2] =	stream.indirect.scatter.add.f32 [tilespmem:s16], [sflag:$0x4], $0x80, s29, s15, $0xb8;
	[tilespmem:$0x1F800] =	vst v63  }
0x105: {  	_ =	swait.ge [sflag:s13], $0x4000  }
0x106: {  	[sflag:s13] =	ssyncset.done $0x0  }
0x107: {  	s30 =	sadd.s32 $0xFFFFFE00, s26;
	[sflag:s13] =	ssyncadd.s32 $0xFFFFC000  }
0x108: {  	[tilespmem:s16], [sflag:$0x1] =	stream.indirect.gather [hbm4b:s4+s15], $0x80, s30, s15, $0xb8;
	[tilespmem:$0x1F800] =	vst v63  }
0x109: {  	_ =	swait.ge [sflag:s18], $0x4000  }
0x10a: {  	[sflag:s18] =	ssyncset.done $0x0  }
0x10b: {  	s31 =	sor.u32 $0x2980, s25;
	[sflag:s18] =	ssyncadd.s32 $0xFFFFC000  }
0x10c: {  	[spmem:s2] =	stream.indirect.scatter.add.f32 [tilespmem:s17], [sflag:$0x4], $0x80, s31, s15, $0xb8;
	[tilespmem:$0x1F800] =	vst v63  }
0x10d: {  	_ =	swait.ge [sflag:s13], $0x4000  }
0x10e: {  	[sflag:s13] =	ssyncset.done $0x0  }
0x10f: {  	s29 =	sadd.s32 $0xFFFFFE80, s26;
	[sflag:s13] =	ssyncadd.s32 $0xFFFFC000  }
0x110: {  	[tilespmem:s17], [sflag:$0x2] =	stream.indirect.gather [hbm4b:s4+s15], $0x80, s29, s15, $0xb8;
	[tilespmem:$0x1F800] =	vst v63  }
0x111: {  	_ =	swait.ge [sflag:s12], $0x4000  }
0x112: {  	[sflag:s12] =	ssyncset.done $0x0  }
0x113: {  	s30 =	sor.u32 $0x2A00, s25;
	[sflag:s12] =	ssyncadd.s32 $0xFFFFC000  }
0x114: {  	[spmem:s2] =	stream.indirect.scatter.add.f32 [tilespmem:s16], [sflag:$0x4], $0x80, s30, s15, $0xb8;
	[tilespmem:$0x1F800] =	vst v63  }
0x115: {  	_ =	swait.ge [sflag:s13], $0x4000  }
0x116: {  	[sflag:s13] =	ssyncset.done $0x0  }
0x117: {  	s31 =	sadd.s32 $0xFFFFFF00, s26;
	[sflag:s13] =	ssyncadd.s32 $0xFFFFC000  }
0x118: {  	[tilespmem:s16], [sflag:$0x1] =	stream.indirect.gather [hbm4b:s4+s15], $0x80, s31, s15, $0xb8;
	[tilespmem:$0x1F800] =	vst v63  }
0x119: {  	_ =	swait.ge [sflag:s18], $0x4000  }
0x11a: {  	[sflag:s18] =	ssyncset.done $0x0  }
0x11b: {  	s29 =	sor.u32 $0x2A80, s25;
	[sflag:s18] =	ssyncadd.s32 $0xFFFFC000  }
0x11c: {  	[spmem:s2] =	stream.indirect.scatter.add.f32 [tilespmem:s17], [sflag:$0x4], $0x80, s29, s15, $0xb8;
	[tilespmem:$0x1F800] =	vst v63  }
0x11d: {  	_ =	swait.ge [sflag:s13], $0x4000  }
0x11e: {  	[sflag:s13] =	ssyncset.done $0x0  }
0x11f: {  	s26 =	sadd.s32 $0xFFFFFF80, s26;
	[sflag:s13] =	ssyncadd.s32 $0xFFFFC000  }
0x120: {  	[tilespmem:s17], [sflag:$0x2] =	stream.indirect.gather [hbm4b:s4+s15], $0x80, s26, s15, $0xb8;
	[tilespmem:$0x1F800] =	vst v63  }
0x121: {  	_ =	swait.ge [sflag:s12], $0x4000  }
0x122: {  	[sflag:s12] =	ssyncset.done $0x0  }
0x123: {  	s24 =	sadd.s32 $0x8, s24;
	s30 =	sor.u32 $0x2B00, s25;
	[sflag:s12] =	ssyncadd.s32 $0xFFFFC000  }
0x124: {  	[spmem:s2] =	stream.indirect.scatter.add.f32 [tilespmem:s16], [sflag:$0x4], $0x80, s30, s15, $0xb8;
	[tilespmem:$0x1F800] =	vst v63  }
0x125: {  	s31 =	smin.u32 s24, $0x47;
	_ =	swait.ge [sflag:s13], $0x4000  }
0x126: {  	s26 =	sshll.u32 s31, $0x7;
	[sflag:s13] =	ssyncset.done $0x0  }
0x127: {  	s26 =	sadd.s32 $0x400, s26;
	[sflag:s13] =	ssyncadd.s32 $0xFFFFC000  }
0x128: {  	[tilespmem:s16], [sflag:$0x1] =	stream.indirect.gather [hbm4b:s4+s15], $0x80, s26, s15, $0xb8;
	[tilespmem:$0x1F800] =	vst v63  }
0x129: {  	_ =	swait.ge [sflag:s18], $0x4000  }
0x12a: {  	[sflag:s18] =	ssyncset.done $0x0  }
0x12b: {  	p0 =	sne.s32 s23, $0xA000;
	s25 =	sor.u32 $0x2B80, s25;
	[sflag:s18] =	ssyncadd.s32 $0xFFFFC000  }
0x12c: {  	[spmem:s2] =	stream.indirect.scatter.add.f32 [tilespmem:s17], [sflag:$0x4], $0x80, s25, s15, $0xb8;
	[tilespmem:$0x1F800] =	vst v63  }
.Ltmp2:
0x12d: {  	_ =	swait.ge [sflag:s13], $0x4000;
	(pc) =	sbr.rel @p0 .LBB2_6-.Ltmp2, $4  }
0x12e: {  	[sflag:s13] =	ssyncset.done $0x0  }
0x12f: {  	[sflag:s13] =	ssyncadd.s32 $0xFFFFC000  }
0x130: {  	_ =	swait.ge [sflag:s19], $0x400  }
0x131: {  	s23 =	sadd.s32 $0x1000, s23;
	[sflag:s19] =	ssyncset.done $0x0  }
0x132: {  	[sflag:s19] =	ssyncadd.s32 $0xFFFFFC00  }
0x133: {  	_ =	swait.ge [sflag:s12], $0x4000  }
0x134: {  	s21 =	sshll.u32 s0, $0x6;
	s20 =	sadd.s32 $0x1, s20;
	[sflag:s12] =	ssyncset.done $0x0  }
0x135: {  	s22 =	sshrl.u32 s6, $0x3;
	p0 =	sne.s32 s20, s9;
	[sflag:s12] =	ssyncadd.s32 $0xFFFFC000  }
.Ltmp3:
0x136: {  	s21 =	sor.u32 $0x1C04, s21;
	[bflag:$0x0] =	sbarrier.arrive $0xFFFF;
	(pc) =	sbr.rel @p0 .LBB2_1-.Ltmp3, $4  }
0x137: {  	[hbm:s10], [sflag:s21] =	dma.local [spmem:s22], $0x2800  }
0x138: {  	_ =	swait.ge [sflag:s13], $0x2800  }
0x139: {  	[sflag:s13] =	ssyncset.done $0x0  }
0x13a: {  	[sflag:s13] =	ssyncadd.s32 $0xFFFFD800  }
0x13b: {  	_ =	sfence.sel $0x180000  }
0x13c: {  	[bflag:$0x0] =	sbarrier.arrive $0xFFFF  }
0x13d: {  	p0 =	sne.s32 s0, $0x0;
	_ =	strace $0x9000004A  }
0x13e: {  	s0 =	sadd.s32 @!p0 $0x100000, s1;
	[bflag:$0x2] =	sbarrier.arrive $0xFFFF  }
0x13f: {  	[sflag:s0] =	ssyncadd.tile.s32 @!p0 $0x1;
	_ =	shalt  }
.Lfunc_end2:
_tile_overlayer_lowered:
.L_overlay_start_2:
0x140: {  	(tag) =	ssettag $0x2  }
0x141: {  	s0 =	rddreg [dreg:$0x0];
	s2 =	stileid.u32  }
0x142: {  	s1 =	rddreg [dreg:$0x1];
	p0 =	sne.s32 s2, $0x0  }
0x143: {  	s3 =	rddreg [dreg:$0x2];
	[bflag:$0x3] =	sbarrier.arrive $0xFFFF;
	s2 =	simm.s32 @!p0 $0x1C04  }
0x144: {  	[timem:s3], [sflag:s2] =	dma.local @!p0 [hbm:s0], s1  }
0x145: {  	s0 =	simm.s32 @!p0 $0x4  }
0x146: {  	_ =	swait.ge @!p0 [sflag:s0], s1  }
0x147: {  	s1 =	ssub.s32 @!p0 $0x0, s1;
	[sflag:s0] =	ssyncset.done @!p0 $0x0  }
0x148: {  	[sflag:s0] =	ssyncadd.s32 @!p0 s1  }
0x149: {  	[bflag:$0x3] =	sbarrier.arrive $0xFFFF  }
0x14a: {  	_ =	shalt  }

// kernel: kernel.16.cloned.1.call-start
scs
__scs_entry_jumppad:
0x0: {  	(pc) =	sbr.rel $0x88, $3  }
0x1: {  	(tag) =	ssettag $0x0;
	lr =	simm.s32 $0x1  }
0x2: {  	[smem:$0x3F94] =	sst lr;
	_ =	strace $0xD0000000  }
0x3: {  	_ = 	snop  }
0x4: {  	_ = 	snop  }
0x5: {  	_ = 	snop  }
0x6: {  	_ = 	snop  }
0x7: {  	_ = 	snop  }
__scs_overlays_trampoline_lowered:
0x8: {  	[smem:$0x3FA3] =	sst s0  }
0x9: {  	[smem:$0x3FA4] =	sst s1  }
0xa: {  	[smem:$0x3FA5] =	sst s2  }
0xb: {  	[smem:$0x3FA6] =	sst s3  }
0xc: {  	[smem:$0x3FA7] =	sst s4  }
0xd: {  	[smem:$0x3FA8] =	sst s5  }
0xe: {  	[smem:$0x3FA9] =	sst s6  }
0xf: {  	[smem:$0x3FAA] =	sst s7  }
0x10: {  	[smem:$0x3FAB] =	sst s8  }
0x11: {  	[smem:$0x3FAC] =	sst s9;
	s0 =	simm.s32 @!p0 $0x0  }
0x12: {  	s1 =	sld [smem:$0x3F92];
	s0 =	simm.s32 @p0 $0x1  }
0x13: {  	[smem:$0x3FAD] =	sst s0;
	s0 =	simm.s32 @!p1 $0x0  }
0x14: {  	s2 =	sld [smem:$0x3F91];
	s0 =	simm.s32 @p1 $0x1  }
0x15: {  	[smem:$0x3FAE] =	sst s0;
	s0 =	simm.s32 @!p2 $0x0  }
0x16: {  	s3 =	sld [smem:$0x3FDB];
	s0 =	simm.s32 @p2 $0x1  }
0x17: {  	s4 =	simm.s32 $0x1BF5;
	[smem:$0x3FB0] =	sst s0  }
0x18: {  	s0 =	sld [smem:$0x3F93];
	_ =	swait.ge [sflag:s4], $0x0  }
0x19: {  	s7 =	sld [smem:$0x3F94]  }
0x1a: {  	s8 =	sadd.s32 $0xFFFFE003, lr  }
0x1b: {  	s9 =	sadd.s32 $0xFFFFFEF7, lr;
	s5 =	simm.s32 $0xFFFFFFFF;
	p2 =	slt.u32 s8, $0xFFFFF086  }
0x1c: {  	p1 =	slt.u32 s9, $0xF7A;
	s5 =	simm.s32 @!p2 $0x0  }
0x1d: {  	s5 =	simm.s32 @p1 $0x1;
	p0 =	seq.s32 s7, s2  }
0x1e: {  	s7 =	smul.u32 @!p0 $0xF7A, s2;
	p2 =	seq.s32 @!p0 s5, $0x0  }
0x1f: {  	s9 =	smul.u32 $0xF7A, s1;
	s8 =	simm.s32 @!p0 $0x1BF5;
	p2 =	por !p2, p0  }
0x20: {  	[sflag:s8] =	ssyncset.s32 @!p0 $0xFFFFF086;
	s6 =	sadd.s32 @!p0 s3, s7;
	s7 =	simm.s32 @!p0 $0x108  }
0x21: {  	s3 =	sadd.s32 s3, s9;
	s6 =	sadd.s32 @!p0 $0x88, s6;
	s7 =	simm.s32 @p2 $0x1082  }
0x22: {  	[simem:s7], [sflag:s8] =	dma.local @!p0 [hbm:s6], $0xF7A  }
0x23: {  	s9 =	sor.u32 $0xD0000000, s2;
	s6 =	simm.s32 $0x108;
	_ =	swait.ge @!p0 [sflag:s8], $0x0  }
0x24: {  	s3 =	sadd.s32 $0x88, s3;
	s6 =	simm.s32 @!p1 $0x1082;
	[sflag:s4] =	ssyncset.s32 $0xFFFFF086  }
0x25: {  	[simem:s6], [sflag:s4] =	dma.local [hbm:s3], $0xF7A  }
0x26: {  	[smem:$0x3F94] =	sst s1;
	(tag) =	ssettag s2;
	_ =	strace s9  }
0x27: {  	s1 =	sld [smem:$0x3FA4]  }
0x28: {  	s2 =	sld [smem:$0x3FA5]  }
0x29: {  	s4 =	sld [smem:$0x3FA7]  }
0x2a: {  	p0 =	seq.s32 s5, $0x0;
	s5 =	sld [smem:$0x3FA8]  }
0x2b: {  	s6 =	sld [smem:$0x3FA9]  }
0x2c: {  	s7 =	sld [smem:$0x3FAA]  }
0x2d: {  	s3 =	simm.s32 $0x108;
	s8 =	sld [smem:$0x3FAB]  }
0x2e: {  	s3 =	simm.s32 @!p0 $0x1082;
	s9 =	sld [smem:$0x3FAC]  }
0x2f: {  	lr =	sadd.s32 s0, s3;
	s0 =	sld [smem:$0x3FA3]  }
0x30: {  	s3 =	sld [smem:$0x3FA6]  }
0x31: {  	[smem:$0x3FAF] =	sst s10  }
0x32: {  	s10 =	sld [smem:$0x3FAD];
	_ =	sdelay $0x3  }
0x33: {  	p0 =	seq.s32 s10, $0x1;
	s10 =	sld [smem:$0x3FAF];
	_ =	sdelay $0x3  }
0x34: {  	[smem:$0x3FAF] =	sst s10  }
0x35: {  	s10 =	sld [smem:$0x3FAE];
	_ =	sdelay $0x3  }
0x36: {  	p1 =	seq.s32 s10, $0x1;
	s10 =	sld [smem:$0x3FAF];
	_ =	sdelay $0x3  }
0x37: {  	[smem:$0x3FAF] =	sst s10  }
0x38: {  	s10 =	sld [smem:$0x3FB0]  }
0x39: {  	_ = 	snop;
	(pc) =	sbr.ind lr, $3  }
0x3a: {  	_ = 	snop  }
0x3b: {  	_ = 	snop  }
0x3c: {  	p2 =	seq.s32 s10, $0x1;
	s10 =	sld [smem:$0x3FAF]  }
0x3d: {  	_ =	shalt  }
0x3e: {  	_ =	shalt  }
0x3f: {  	_ =	shalt  }
0x40: {  	_ =	shalt  }
0x41: {  	_ =	shalt  }
0x42: {  	_ =	shalt  }
0x43: {  	_ =	shalt  }
0x44: {  	_ =	shalt  }
0x45: {  	_ =	shalt  }
0x46: {  	_ =	shalt  }
0x47: {  	_ =	shalt  }
0x48: {  	_ =	shalt  }
0x49: {  	_ =	shalt  }
0x4a: {  	_ =	shalt  }
0x4b: {  	_ =	shalt  }
0x4c: {  	_ =	shalt  }
0x4d: {  	_ =	shalt  }
0x4e: {  	_ =	shalt  }
0x4f: {  	_ =	shalt  }
0x50: {  	_ =	shalt  }
0x51: {  	_ =	shalt  }
0x52: {  	_ =	shalt  }
0x53: {  	_ =	shalt  }
0x54: {  	_ =	shalt  }
0x55: {  	_ =	shalt  }
0x56: {  	_ =	shalt  }
0x57: {  	_ =	shalt  }
0x58: {  	_ =	shalt  }
0x59: {  	_ =	shalt  }
0x5a: {  	_ =	shalt  }
0x5b: {  	_ =	shalt  }
0x5c: {  	_ =	shalt  }
0x5d: {  	_ =	shalt  }
0x5e: {  	_ =	shalt  }
0x5f: {  	_ =	shalt  }
0x60: {  	_ =	shalt  }
0x61: {  	_ =	shalt  }
0x62: {  	_ =	shalt  }
0x63: {  	_ =	shalt  }
0x64: {  	_ =	shalt  }
0x65: {  	_ =	shalt  }
0x66: {  	_ =	shalt  }
0x67: {  	_ =	shalt  }
0x68: {  	_ =	shalt  }
0x69: {  	_ =	shalt  }
0x6a: {  	_ =	shalt  }
0x6b: {  	_ =	shalt  }
0x6c: {  	_ =	shalt  }
0x6d: {  	_ =	shalt  }
0x6e: {  	_ =	shalt  }
0x6f: {  	_ =	shalt  }
0x70: {  	_ =	shalt  }
0x71: {  	_ =	shalt  }
0x72: {  	_ =	shalt  }
0x73: {  	_ =	shalt  }
0x74: {  	_ =	shalt  }
0x75: {  	_ =	shalt  }
0x76: {  	_ =	shalt  }
0x77: {  	_ =	shalt  }
0x78: {  	_ =	shalt  }
0x79: {  	_ =	shalt  }
0x7a: {  	_ =	shalt  }
0x7b: {  	_ =	shalt  }
0x7c: {  	_ =	shalt  }
0x7d: {  	_ =	shalt  }
0x7e: {  	_ =	shalt  }
0x7f: {  	_ =	shalt  }
0x80: {  	_ =	shalt  }
0x81: {  	_ =	shalt  }
0x82: {  	_ =	shalt  }
0x83: {  	_ =	shalt  }
0x84: {  	_ =	shalt  }
0x85: {  	_ =	shalt  }
0x86: {  	_ =	shalt  }
0x87: {  	_ =	shalt  }
.Lfunc_end0:
.L_simem_size_0:
called_computation.2_lowered:
.L_overlay_start_0:
0x88: {  	s2 =	sld [smem:$0x3FD9]  }
0x89: {  	s3 =	sld [smem:$0x3FFE];
	_ =	sdelay $0x1  }
0x8a: {  	s1 =	srdreg.scid  }
0x8b: {  	s0 =	sand.u32 $0x1, s1  }
0x8c: {  	s16 =	sshll.u32 s0, $0xA;
	s2 =	sadd.s32 s3, s2  }
0x8d: {  	s2 =	sadd.s32 s2, s16  }
0x8e: {  	[smem:$0x3FBB] =	sst s2  }
0x8f: {  	_ = 	snop  }
0x90: {  	(tm) =	ssettm $0x1  }
0x91: {  	s17 =	sld [smem:$0x3FFB];
	_ =	sdelay $0x3  }
0x92: {  	_ =	strace s17  }
0x93: {  	s2 =	sld [smem:$0x3FFC];
	_ =	sdelay $0x3  }
0x94: {  	_ =	strace s2  }
0x95: {  	s2 =	sld [smem:$0x3FFD];
	_ =	sdelay $0x3  }
0x96: {  	_ =	strace s2  }
0x97: {  	_ =	strace $0x8FFFFFFF  }
0x98: {  	s18 =	sld [smem:$0x3FDB];
	_ =	sdelay $0x1  }
0x99: {  	s19 =	simm.s32 $_scs_section_size  }
0x9a: {  	s4 =	simm.s32 $_size__tile_overlayer_lowered;
	s5 =	simm.s32 $_tile_overlayer_lowered  }
0x9b: {  	s22 =	simm.s32 $0x1BFF;
	s21 =	sshll.u32 s5, $0x1;
	s2 =	sadd.s32 s19, s18  }
0x9c: {  	s6 =	simm.s32 $0x0;
	s20 =	sshll.u32 s4, $0x1;
	s4 =	sadd.s32 s21, s2  }
0x9d: {  	[timem:s6], [sflag:s22] =	dma.local [hbm:s4], s20  }
0x9e: {  	_ =	swait.ge [sflag:s22], s20  }
0x9f: {  	s3 =	ssub.s32 $0x0, s20;
	[sflag:s22] =	ssyncset.done $0x0  }
0xa0: {  	[sflag:s22] =	ssyncadd.s32 s3;
	_ =	sdelay $0x1  }
0xa1: {  	s23 =	simm.s32 $0x1B8B  }
0xa2: {  	_ =	swait.ge [sflag:s23], $0x1  }
0xa3: {  	[sflag:s23] =	ssyncset.done $0x0  }
0xa4: {  	s25 =	simm.s32 $0x1B8E;
	s24 =	sld [smem:$0x3FFE];
	[sflag:s23] =	ssyncadd.s32 $0xFFFFFFFF  }
0xa5: {  	s26 =	simm.s32 $execute0_lowered;
	[smem:$0x3FD2] =	sst s25  }
0xa6: {  	s4 =	sshll.u32 s26, $0x1;
	_ =	strace $0x8000004C;
	[dreg:$0x1] =	wrdreg $0xFFFFFFFF  }
0xa7: {  	s28 =	simm.s32 $_size_execute0_lowered;
	s2 =	sadd.s32 s2, s4;
	[dreg:$0x0] =	wrdreg $0x0  }
0xa8: {  	s4 =	sshll.u32 s28, $0x1;
	[dreg:$0x2] =	wrdreg s2  }
0xa9: {  	[dreg:$0x3] =	wrdreg s4  }
0xaa: {  	[dreg:$0x4] =	wrdreg $0xC0  }
0xab: {  	_ =	task [dreg:s6], $0x5FFFF  }
0xac: {  	[dreg:$0x1] =	wrdreg $0xFFFFFFFF  }
0xad: {  	[dreg:$0x0] =	wrdreg $0x60  }
0xae: {  	[dreg:$0x2] =	wrdreg s24  }
0xaf: {  	[dreg:$0x3] =	wrdreg $0xB8000  }
0xb0: {  	[dreg:$0x4] =	wrdreg $0x9  }
0xb1: {  	_ =	task.clear_ibuf [dreg:s6], $0x5FFFF;
	_ =	strace $0x9000004C  }
0xb2: {  	s29 =	simm.s32 $0x9;
	_ =	strace $0x8000004E  }
0xb3: {  	_ =	swait.ge [sflag:s29], $0x1  }
0xb4: {  	[sflag:s29] =	ssyncadd.s32 $0xFFFFFFFF  }
0xb5: {  	_ =	strace $0x9000004E  }
0xb6: {  	_ =	sfence  }
0xb7: {  	s30 =	sld [smem:$0x0];
	_ =	sdelay $0x2  }
0xb8: {  	s31 =	sshll.u32 s1, $0xD;
	s1 =	sshrl.u32 s1, $0x2  }
0xb9: {  	s3 =	sand.u32 $0x4000, s31;
	s1 =	sadd.s32 s1, s30  }
0xba: {  	s0 =	sor.u32 s3, s0;
	s1 =	sshll.u32 s1, $0x11  }
0xbb: {  	s0 =	sor.u32 s1, s0  }
0xbc: {  	s0 =	sadd.s32 $0x8F2B, s0  }
0xbd: {  	[sflag:s0] =	ssyncadd.remote.s32 $0x1  }
0xbe: {  	_ =	sfence.sel $0xFFFF  }
0xbf: {  	[dreg:$0x0] =	wrdreg $0xFFFFFFFF;
	(pc) =	sbr.abs _section_cstart, $3  }
0xc0: {  	[dreg:$0x1] =	wrdreg $0xFFFFFFFF  }
0xc1: {  	_ =	task.clear_ibuf [dreg:s6], $0x2FFFF;
	_ =	strace $0x9FFFFFFF  }
0xc2: {  	(tm) =	ssettm $0x7FFFFFFF  }
0xc3: {  	_ =	shalt  }
tec
execute0_lowered:
.L_overlay_start_1:
0x0: {  	(tag) =	ssettag $0x1  }
0x1: {  	s0 =	srdreg.scid;
	s7 =	rddreg [dreg:$0x0]  }
0x2: {  	s2 =	rddreg [dreg:$0x1];
	s3 =	simm.s32 $0x0;
	s15 =	simm.s32 $0x80  }
0x3: {  	s16 =	simm.s32 $0x3000;
	s17 =	simm.s32 $0x7000;
	s18 =	simm.s32 $0x2  }
0x4: {  	s19 =	simm.s32 $0x3;
	s6 =	sand.u32 $0x1, s0;
	s0 =	stileid.u32  }
0x5: {  	s20 =	simm.s32 $0x0;
	[smem:$0x7FF] =	sst s3;
	s5 =	smul.u32 $0x14000, s0  }
0x6: {  	s4 =	sadd.s32 $0x17C00, s7;
	s1 =	sshll.u32 s6, $0x4;
	s11 =	smul.u32 $0x2800, s0  }
0x7: {  	p0 =	seq.s32 s6, $0x1;
	s13 =	smul.u32 $0x50000, s0;
	s6 =	ssub.s32 $0x2, s6  }
0x8: {  	s8 =	sor.u32 s0, s1;
	s1 =	rddreg [dreg:$0x2];
	_ =	strace $0x8000004D  }
0x9: {  	s31 =	sshrl.u32 s6, $0x1;
	s9 =	smul.u32 $0x500, s8;
	s5 =	sshrl.u32 s5, $0x3  }
0xa: {  	s13 =	sshrl.u32 s13, $0x2;
	s14 =	smul.u32 $0xA, s8;
	s12 =	sadd.s32 $0x28000, s5  }
0xb: {  	s5 =	sadd.s32 $0xDC00, s7;
	s10 =	sadd.s32 s9, s7;
	s11 =	smov.u32 @p0 s12  }
0xc: {  	s12 =	ssub.s32 s6, s31;
	s6 =	sadd.s32 s13, s2;
	s8 =	sadd.s32 s5, s9  }
0xd: {  	[dreg:$0x3] =	wrdreg s14;
	s13 =	simm.s32 $0x4;
	s14 =	simm.s32 $0x2800  }
0xe: {  	s11 =	sadd.s32 s11, s7;
	s7 =	sadd.s32 $0x3C00, s10;
	s9 =	smax.u32 s12, $0x1  }
0xf: {  	v0 =	vimm.f32 $0.0e+00;
	s12 =	simm.s32 $0x1;
	s10 =	sadd.s32 $0x3FC00, s11;
	s11 =	simm.s32 $0xB000  }
.LBB2_1:
0x10: {  	s21 =	simm.s32 $0x0;
	s22 =	simm.s32 $0x200  }
.LBB2_2:
0x11: {  	p0 =	sne.s32 s22, $0x1E00;
	[tilespmem:s21+$0xB070] =	vst v0  }
0x12: {  	[tilespmem:s21+$0xB000] =	vst v0  }
0x13: {  	[tilespmem:s21+$0xB010] =	vst v0  }
.Ltmp0:
0x14: {  	[tilespmem:s21+$0xB020] =	vst v0;
	(pc) =	sbr.rel @p0 .LBB2_2-.Ltmp0, $4  }
0x15: {  	[tilespmem:s21+$0xB030] =	vst v0  }
0x16: {  	[tilespmem:s21+$0xB040] =	vst v0  }
0x17: {  	[tilespmem:s21+$0xB050] =	vst v0  }
0x18: {  	[tilespmem:s21+$0xB060] =	vst v0;
	s21 =	sshra.s32 s22, $0x2;
	s22 =	sadd.s32 $0x200, s22  }
0x19: {  	[tilespmem:s21+$0xB070] =	vst v0  }
0x1a: {  	[tilespmem:s21+$0xB000] =	vst v0  }
0x1b: {  	[tilespmem:s21+$0xB010] =	vst v0  }
0x1c: {  	[tilespmem:s21+$0xB020] =	vst v0  }
0x1d: {  	[tilespmem:s21+$0xB030] =	vst v0  }
0x1e: {  	[tilespmem:s21+$0xB040] =	vst v0  }
0x1f: {  	[tilespmem:s21+$0xB050] =	vst v0  }
0x20: {  	[tilespmem:s21+$0xB060] =	vst v0;
	s25 =	sadd.s32 $0x0, s6  }
0x21: {  	[spmem:s25] =	stream.linear.scatter [tilespmem:s11], [sflag:$0x1], $0x800, $0x38;
	[tilespmem:$0x1F800] =	vst v63  }
0x22: {  	s22 =	sadd.s32 $0x800, s25  }
0x23: {  	[spmem:s22] =	stream.linear.scatter [tilespmem:s11], [sflag:$0x1], $0x800, $0x38;
	[tilespmem:$0x1F800] =	vst v63  }
0x24: {  	s26 =	sadd.s32 $0x1000, s25  }
0x25: {  	[spmem:s26] =	stream.linear.scatter [tilespmem:s11], [sflag:$0x1], $0x800, $0x38;
	[tilespmem:$0x1F800] =	vst v63  }
0x26: {  	s28 =	sadd.s32 $0x1800, s25  }
0x27: {  	[spmem:s28] =	stream.linear.scatter [tilespmem:s11], [sflag:$0x1], $0x800, $0x38;
	[tilespmem:$0x1F800] =	vst v63  }
0x28: {  	s29 =	sadd.s32 $0x2000, s25  }
0x29: {  	[spmem:s29] =	stream.linear.scatter [tilespmem:s11], [sflag:$0x1], $0x800, $0x38;
	[tilespmem:$0x1F800] =	vst v63  }
0x2a: {  	s30 =	sadd.s32 $0x2800, s25  }
0x2b: {  	[spmem:s30] =	stream.linear.scatter [tilespmem:s11], [sflag:$0x1], $0x800, $0x38;
	[tilespmem:$0x1F800] =	vst v63  }
0x2c: {  	s31 =	sadd.s32 $0x3000, s25  }
0x2d: {  	[spmem:s31] =	stream.linear.scatter [tilespmem:s11], [sflag:$0x1], $0x800, $0x38;
	[tilespmem:$0x1F800] =	vst v63  }
0x2e: {  	s21 =	sadd.s32 $0x3800, s25  }
0x2f: {  	[spmem:s21] =	stream.linear.scatter [tilespmem:s11], [sflag:$0x1], $0x800, $0x38;
	[tilespmem:$0x1F800] =	vst v63  }
0x30: {  	_ =	swait.ge [sflag:s12], $0x800  }
0x31: {  	[sflag:s12] =	ssyncset.done $0x0  }
0x32: {  	[sflag:s12] =	ssyncadd.s32 $0xFFFFF800  }
0x33: {  	_ =	swait.ge [sflag:s12], $0x800  }
0x34: {  	[sflag:s12] =	ssyncset.done $0x0  }
0x35: {  	[sflag:s12] =	ssyncadd.s32 $0xFFFFF800  }
0x36: {  	_ =	swait.ge [sflag:s12], $0x800  }
0x37: {  	[sflag:s12] =	ssyncset.done $0x0  }
0x38: {  	[sflag:s12] =	ssyncadd.s32 $0xFFFFF800  }
0x39: {  	_ =	swait.ge [sflag:s12], $0x800  }
0x3a: {  	[sflag:s12] =	ssyncset.done $0x0  }
0x3b: {  	[sflag:s12] =	ssyncadd.s32 $0xFFFFF800  }
0x3c: {  	_ =	swait.ge [sflag:s12], $0x800  }
0x3d: {  	[sflag:s12] =	ssyncset.done $0x0  }
0x3e: {  	[sflag:s12] =	ssyncadd.s32 $0xFFFFF800  }
0x3f: {  	_ =	swait.ge [sflag:s12], $0x800  }
0x40: {  	[sflag:s12] =	ssyncset.done $0x0  }
0x41: {  	[sflag:s12] =	ssyncadd.s32 $0xFFFFF800  }
0x42: {  	_ =	swait.ge [sflag:s12], $0x800  }
0x43: {  	[sflag:s12] =	ssyncset.done $0x0  }
0x44: {  	[sflag:s12] =	ssyncadd.s32 $0xFFFFF800  }
0x45: {  	_ =	swait.ge [sflag:s12], $0x800  }
0x46: {  	s23 =	simm.s32 $0x20000;
	s22 =	simm.s32 $0x4000;
	[sflag:s12] =	ssyncset.done $0x0  }
.LBB2_4:
0x47: {  	s24 =	sadd.s32 s22, s6  }
0x48: {  	[sflag:s12] =	ssyncadd.s32 $0xFFFFF800;
	s22 =	smov.u32 s23;
	s21 =	sadd.s32 $0x10000, s23  }
0x49: {  	[spmem:s24] =	stream.linear.scatter [tilespmem:s11], [sflag:$0x1], $0x800, $0x38;
	[tilespmem:$0x1F800] =	vst v63  }
0x4a: {  	p0 =	sne.s32 s23, $0x40000;
	s23 =	sadd.s32 $0x800, s24  }
0x4b: {  	[spmem:s23] =	stream.linear.scatter [tilespmem:s11], [sflag:$0x1], $0x800, $0x38;
	[tilespmem:$0x1F800] =	vst v63  }
0x4c: {  	s23 =	sadd.s32 $0x1000, s24  }
0x4d: {  	[spmem:s23] =	stream.linear.scatter [tilespmem:s11], [sflag:$0x1], $0x800, $0x38;
	[tilespmem:$0x1F800] =	vst v63  }
0x4e: {  	s23 =	sadd.s32 $0x1800, s24  }
0x4f: {  	[spmem:s23] =	stream.linear.scatter [tilespmem:s11], [sflag:$0x1], $0x800, $0x38;
	[tilespmem:$0x1F800] =	vst v63  }
0x50: {  	s23 =	sadd.s32 $0x2000, s24  }
0x51: {  	[spmem:s23] =	stream.linear.scatter [tilespmem:s11], [sflag:$0x1], $0x800, $0x38;
	[tilespmem:$0x1F800] =	vst v63  }
0x52: {  	s23 =	sadd.s32 $0x2800, s24  }
0x53: {  	[spmem:s23] =	stream.linear.scatter [tilespmem:s11], [sflag:$0x1], $0x800, $0x38;
	[tilespmem:$0x1F800] =	vst v63  }
0x54: {  	s23 =	sadd.s32 $0x3000, s24  }
0x55: {  	[spmem:s23] =	stream.linear.scatter [tilespmem:s11], [sflag:$0x1], $0x800, $0x38;
	[tilespmem:$0x1F800] =	vst v63  }
0x56: {  	s23 =	sadd.s32 $0x3800, s24  }
0x57: {  	[spmem:s23] =	stream.linear.scatter [tilespmem:s11], [sflag:$0x1], $0x800, $0x38;
	[tilespmem:$0x1F800] =	vst v63  }
0x58: {  	_ =	swait.ge [sflag:s12], $0x800  }
0x59: {  	[sflag:s12] =	ssyncset.done $0x0  }
0x5a: {  	[sflag:s12] =	ssyncadd.s32 $0xFFFFF800  }
0x5b: {  	_ =	swait.ge [sflag:s12], $0x800  }
0x5c: {  	[sflag:s12] =	ssyncset.done $0x0  }
0x5d: {  	[sflag:s12] =	ssyncadd.s32 $0xFFFFF800  }
0x5e: {  	_ =	swait.ge [sflag:s12], $0x800  }
0x5f: {  	[sflag:s12] =	ssyncset.done $0x0  }
0x60: {  	[sflag:s12] =	ssyncadd.s32 $0xFFFFF800  }
0x61: {  	_ =	swait.ge [sflag:s12], $0x800  }
0x62: {  	[sflag:s12] =	ssyncset.done $0x0  }
0x63: {  	[sflag:s12] =	ssyncadd.s32 $0xFFFFF800  }
0x64: {  	_ =	swait.ge [sflag:s12], $0x800  }
0x65: {  	[sflag:s12] =	ssyncset.done $0x0  }
0x66: {  	[sflag:s12] =	ssyncadd.s32 $0xFFFFF800  }
0x67: {  	_ =	swait.ge [sflag:s12], $0x800  }
0x68: {  	[sflag:s12] =	ssyncset.done $0x0  }
0x69: {  	[sflag:s12] =	ssyncadd.s32 $0xFFFFF800  }
.Ltmp1:
0x6a: {  	_ =	swait.ge [sflag:s12], $0x800;
	(pc) =	sbr.rel @p0 .LBB2_4-.Ltmp1, $4  }
0x6b: {  	[sflag:s12] =	ssyncset.done $0x0  }
0x6c: {  	[sflag:s12] =	ssyncadd.s32 $0xFFFFF800  }
0x6d: {  	_ =	swait.ge [sflag:s12], $0x800  }
0x6e: {  	s22 =	sshra.s32 s22, $0x2;
	s23 =	smov.u32 s21;
	[sflag:s12] =	ssyncset.done $0x0  }
0x6f: {  	s21 =	sadd.s32 s22, s6;
	[sflag:s12] =	ssyncadd.s32 $0xFFFFF800  }
0x70: {  	[spmem:s21] =	stream.linear.scatter [tilespmem:s11], [sflag:$0x1], $0x800, $0x38;
	[tilespmem:$0x1F800] =	vst v63  }
0x71: {  	s22 =	sadd.s32 $0x800, s21  }
0x72: {  	[spmem:s22] =	stream.linear.scatter [tilespmem:s11], [sflag:$0x1], $0x800, $0x38;
	[tilespmem:$0x1F800] =	vst v63  }
0x73: {  	s23 =	sadd.s32 $0x1000, s21  }
0x74: {  	[spmem:s23] =	stream.linear.scatter [tilespmem:s11], [sflag:$0x1], $0x800, $0x38;
	[tilespmem:$0x1F800] =	vst v63  }
0x75: {  	s24 =	sadd.s32 $0x1800, s21  }
0x76: {  	[spmem:s24] =	stream.linear.scatter [tilespmem:s11], [sflag:$0x1], $0x800, $0x38;
	[tilespmem:$0x1F800] =	vst v63  }
0x77: {  	s25 =	sadd.s32 $0x2000, s21  }
0x78: {  	[spmem:s25] =	stream.linear.scatter [tilespmem:s11], [sflag:$0x1], $0x800, $0x38;
	[tilespmem:$0x1F800] =	vst v63  }
0x79: {  	s26 =	sadd.s32 $0x2800, s21  }
0x7a: {  	[spmem:s26] =	stream.linear.scatter [tilespmem:s11], [sflag:$0x1], $0x800, $0x38;
	[tilespmem:$0x1F800] =	vst v63  }
0x7b: {  	s28 =	sadd.s32 $0x3000, s21  }
0x7c: {  	[spmem:s28] =	stream.linear.scatter [tilespmem:s11], [sflag:$0x1], $0x800, $0x38;
	[tilespmem:$0x1F800] =	vst v63  }
0x7d: {  	s21 =	sadd.s32 $0x3800, s21  }
0x7e: {  	[spmem:s21] =	stream.linear.scatter [tilespmem:s11], [sflag:$0x1], $0x800, $0x38;
	[tilespmem:$0x1F800] =	vst v63  }
0x7f: {  	_ =	swait.ge [sflag:s12], $0x800  }
0x80: {  	[sflag:s12] =	ssyncset.done $0x0  }
0x81: {  	[sflag:s12] =	ssyncadd.s32 $0xFFFFF800  }
0x82: {  	_ =	swait.ge [sflag:s12], $0x800  }
0x83: {  	[sflag:s12] =	ssyncset.done $0x0  }
0x84: {  	[sflag:s12] =	ssyncadd.s32 $0xFFFFF800  }
0x85: {  	_ =	swait.ge [sflag:s12], $0x800  }
0x86: {  	[sflag:s12] =	ssyncset.done $0x0  }
0x87: {  	[sflag:s12] =	ssyncadd.s32 $0xFFFFF800  }
0x88: {  	_ =	swait.ge [sflag:s12], $0x800  }
0x89: {  	[sflag:s12] =	ssyncset.done $0x0  }
0x8a: {  	[sflag:s12] =	ssyncadd.s32 $0xFFFFF800  }
0x8b: {  	_ =	swait.ge [sflag:s12], $0x800  }
0x8c: {  	[sflag:s12] =	ssyncset.done $0x0  }
0x8d: {  	[sflag:s12] =	ssyncadd.s32 $0xFFFFF800  }
0x8e: {  	_ =	swait.ge [sflag:s12], $0x800  }
0x8f: {  	[sflag:s12] =	ssyncset.done $0x0  }
0x90: {  	[sflag:s12] =	ssyncadd.s32 $0xFFFFF800  }
0x91: {  	_ =	swait.ge [sflag:s12], $0x800  }
0x92: {  	[sflag:s12] =	ssyncset.done $0x0  }
0x93: {  	[sflag:s12] =	ssyncadd.s32 $0xFFFFF800  }
0x94: {  	_ =	swait.ge [sflag:s12], $0x800  }
0x95: {  	[sflag:s12] =	ssyncset.done $0x0  }
0x96: {  	s21 =	simm.s32 $0x0;
	[sflag:s12] =	ssyncadd.s32 $0xFFFFF800  }
0x97: {  	[tilespmem:s21], [sflag:$0x4] =	stream.linear.gather [hbm4b:s7+s21], $0x2800, $0x38;
	[tilespmem:$0x1F800] =	vst v63  }
0x98: {  	_ =	swait.ge [sflag:s13], $0x2800  }
0x99: {  	[sflag:s13] =	ssyncset.done $0x0  }
0x9a: {  	[sflag:s13] =	ssyncadd.s32 $0xFFFFD800  }
0x9b: {  	[tilespmem:s14], [sflag:$0x4] =	stream.linear.gather [hbm4b:s8+s21], $0x400, $0x38;
	[tilespmem:$0x1F800] =	vst v63  }
0x9c: {  	_ =	swait.ge [sflag:s13], $0x400  }
0x9d: {  	[sflag:s13] =	ssyncset.done $0x0  }
0x9e: {  	[sflag:s13] =	ssyncadd.s32 $0xFFFFFC00  }
0x9f: {  	[tilespmem:s16], [sflag:$0x1] =	stream.indirect.gather [hbm4b:s4+s15], $0x80, s21, s15, $0xb8;
	[tilespmem:$0x1F800] =	vst v63  }
0xa0: {  	s22 =	simm.s32 $0x1;
	[bflag:$0x0] =	sbarrier.arrive $0xFFFF  }
0xa1: {  	s24 =	simm.s32 $0x1000;
	s25 =	smin.u32 s22, $0x9;
	s23 =	rddreg [dreg:$0x3]  }
0xa2: {  	s24 =	sand.u32 $0x1000, s24;
	s23 =	sadd.s32 s23, s25  }
0xa3: {  	s24 =	sshrl.u32 s24, $0x2;
	s23 =	sshll.u32 s23, $0x7  }
0xa4: {  	s24 =	sor.u32 $0x2800, s24;
	s23 =	sadd.s32 s5, s23  }
0xa5: {  	[tilespmem:s24], [sflag:$0x3] =	stream.linear.gather [hbm4b:s23+s3], $0x400, $0x38;
	[tilespmem:$0x1F800] =	vst v63  }
0xa6: {  	s29 =	simm.s32 $0x80  }
0xa7: {  	[tilespmem:s17], [sflag:$0x2] =	stream.indirect.gather [hbm4b:s4+s15], $0x80, s29, s15, $0xb8;
	[tilespmem:$0x1F800] =	vst v63  }
0xa8: {  	_ =	swait.ge [sflag:s12], $0x4000  }
0xa9: {  	s23 =	sand.u32 $0x400, s21;
	[sflag:s12] =	ssyncset.done $0x0  }
0xaa: {  	s30 =	sor.u32 $0x2800, s23;
	[sflag:s12] =	ssyncadd.s32 $0xFFFFC000  }
0xab: {  	[spmem:s2] =	stream.indirect.scatter.add.f32 [tilespmem:s16], [sflag:$0x4], $0x80, s30, s15, $0xb8;
	[tilespmem:$0x1F800] =	vst v63  }
0xac: {  	_ =	swait.ge [sflag:s13], $0x4000  }
0xad: {  	[sflag:s13] =	ssyncset.done $0x0  }
0xae: {  	s31 =	simm.s32 $0x100;
	[sflag:s13] =	ssyncadd.s32 $0xFFFFC000  }
0xaf: {  	[tilespmem:s16], [sflag:$0x1] =	stream.indirect.gather [hbm4b:s4+s15], $0x80, s31, s15, $0xb8;
	[tilespmem:$0x1F800] =	vst v63  }
0xb0: {  	_ =	swait.ge [sflag:s18], $0x4000  }
0xb1: {  	[sflag:s18] =	ssyncset.done $0x0  }
0xb2: {  	s25 =	sor.u32 $0x2880, s23;
	[sflag:s18] =	ssyncadd.s32 $0xFFFFC000  }
0xb3: {  	[spmem:s2] =	stream.indirect.scatter.add.f32 [tilespmem:s17], [sflag:$0x4], $0x80, s25, s15, $0xb8;
	[tilespmem:$0x1F800] =	vst v63  }
0xb4: {  	_ =	swait.ge [sflag:s13], $0x4000  }
0xb5: {  	[sflag:s13] =	ssyncset.done $0x0  }
0xb6: {  	s26 =	simm.s32 $0x180;
	[sflag:s13] =	ssyncadd.s32 $0xFFFFC000  }
0xb7: {  	[tilespmem:s17], [sflag:$0x2] =	stream.indirect.gather [hbm4b:s4+s15], $0x80, s26, s15, $0xb8;
	[tilespmem:$0x1F800] =	vst v63  }
0xb8: {  	_ =	swait.ge [sflag:s12], $0x4000  }
0xb9: {  	[sflag:s12] =	ssyncset.done $0x0  }
0xba: {  	s28 =	sor.u32 $0x2900, s23;
	[sflag:s12] =	ssyncadd.s32 $0xFFFFC000  }
0xbb: {  	[spmem:s2] =	stream.indirect.scatter.add.f32 [tilespmem:s16], [sflag:$0x4], $0x80, s28, s15, $0xb8;
	[tilespmem:$0x1F800] =	vst v63  }
0xbc: {  	_ =	swait.ge [sflag:s13], $0x4000  }
0xbd: {  	[sflag:s13] =	ssyncset.done $0x0  }
0xbe: {  	s29 =	simm.s32 $0x200;
	[sflag:s13] =	ssyncadd.s32 $0xFFFFC000  }
0xbf: {  	[tilespmem:s16], [sflag:$0x1] =	stream.indirect.gather [hbm4b:s4+s15], $0x80, s29, s15, $0xb8;
	[tilespmem:$0x1F800] =	vst v63  }
0xc0: {  	_ =	swait.ge [sflag:s18], $0x4000  }
0xc1: {  	[sflag:s18] =	ssyncset.done $0x0  }
0xc2: {  	s30 =	sor.u32 $0x2980, s23;
	[sflag:s18] =	ssyncadd.s32 $0xFFFFC000  }
0xc3: {  	[spmem:s2] =	stream.indirect.scatter.add.f32 [tilespmem:s17], [sflag:$0x4], $0x80, s30, s15, $0xb8;
	[tilespmem:$0x1F800] =	vst v63  }
0xc4: {  	_ =	swait.ge [sflag:s13], $0x4000  }
0xc5: {  	[sflag:s13] =	ssyncset.done $0x0  }
0xc6: {  	s31 =	simm.s32 $0x280;
	[sflag:s13] =	ssyncadd.s32 $0xFFFFC000  }
0xc7: {  	[tilespmem:s17], [sflag:$0x2] =	stream.indirect.gather [hbm4b:s4+s15], $0x80, s31, s15, $0xb8;
	[tilespmem:$0x1F800] =	vst v63  }
0xc8: {  	_ =	swait.ge [sflag:s12], $0x4000  }
0xc9: {  	[sflag:s12] =	ssyncset.done $0x0  }
0xca: {  	s25 =	sor.u32 $0x2A00, s23;
	[sflag:s12] =	ssyncadd.s32 $0xFFFFC000  }
0xcb: {  	[spmem:s2] =	stream.indirect.scatter.add.f32 [tilespmem:s16], [sflag:$0x4], $0x80, s25, s15, $0xb8;
	[tilespmem:$0x1F800] =	vst v63  }
0xcc: {  	_ =	swait.ge [sflag:s13], $0x4000  }
0xcd: {  	[sflag:s13] =	ssyncset.done $0x0  }
0xce: {  	s26 =	simm.s32 $0x300;
	[sflag:s13] =	ssyncadd.s32 $0xFFFFC000  }
0xcf: {  	[tilespmem:s16], [sflag:$0x1] =	stream.indirect.gather [hbm4b:s4+s15], $0x80, s26, s15, $0xb8;
	[tilespmem:$0x1F800] =	vst v63  }
0xd0: {  	_ =	swait.ge [sflag:s18], $0x4000  }
0xd1: {  	[sflag:s18] =	ssyncset.done $0x0  }
0xd2: {  	s28 =	sor.u32 $0x2A80, s23;
	[sflag:s18] =	ssyncadd.s32 $0xFFFFC000  }
0xd3: {  	[spmem:s2] =	stream.indirect.scatter.add.f32 [tilespmem:s17], [sflag:$0x4], $0x80, s28, s15, $0xb8;
	[tilespmem:$0x1F800] =	vst v63  }
0xd4: {  	_ =	swait.ge [sflag:s13], $0x4000  }
0xd5: {  	[sflag:s13] =	ssyncset.done $0x0  }
0xd6: {  	s29 =	simm.s32 $0x380;
	[sflag:s13] =	ssyncadd.s32 $0xFFFFC000  }
0xd7: {  	[tilespmem:s17], [sflag:$0x2] =	stream.indirect.gather [hbm4b:s4+s15], $0x80, s29, s15, $0xb8;
	[tilespmem:$0x1F800] =	vst v63  }
0xd8: {  	_ =	swait.ge [sflag:s12], $0x4000  }
0xd9: {  	[sflag:s12] =	ssyncset.done $0x0  }
0xda: {  	s30 =	sor.u32 $0x2B00, s23;
	[sflag:s12] =	ssyncadd.s32 $0xFFFFC000  }
0xdb: {  	[spmem:s2] =	stream.indirect.scatter.add.f32 [tilespmem:s16], [sflag:$0x4], $0x80, s30, s15, $0xb8;
	[tilespmem:$0x1F800] =	vst v63  }
0xdc: {  	s31 =	smin.u32 s21, $0x47;
	_ =	swait.ge [sflag:s13], $0x4000  }
0xdd: {  	s24 =	sshll.u32 s31, $0x7;
	[sflag:s13] =	ssyncset.done $0x0  }
0xde: {  	s24 =	sadd.s32 $0x400, s24;
	[sflag:s13] =	ssyncadd.s32 $0xFFFFC000  }
0xdf: {  	[tilespmem:s16], [sflag:$0x1] =	stream.indirect.gather [hbm4b:s4+s15], $0x80, s24, s15, $0xb8;
	[tilespmem:$0x1F800] =	vst v63  }
0xe0: {  	_ =	swait.ge [sflag:s18], $0x4000  }
0xe1: {  	[sflag:s18] =	ssyncset.done $0x0  }
0xe2: {  	s23 =	sor.u32 $0x2B80, s23;
	[sflag:s18] =	ssyncadd.s32 $0xFFFFC000  }
0xe3: {  	[spmem:s2] =	stream.indirect.scatter.add.f32 [tilespmem:s17], [sflag:$0x4], $0x80, s23, s15, $0xb8;
	[tilespmem:$0x1F800] =	vst v63  }
0xe4: {  	_ =	swait.ge [sflag:s13], $0x4000  }
0xe5: {  	[sflag:s13] =	ssyncset.done $0x0  }
0xe6: {  	[sflag:s13] =	ssyncadd.s32 $0xFFFFC000  }
0xe7: {  	_ =	swait.ge [sflag:s19], $0x400  }
0xe8: {  	s24 =	simm.s32 $0x0;
	s23 =	simm.s32 $0x2000;
	[sflag:s19] =	ssyncset.done $0x0  }
.LBB2_6:
0xe9: {  	s22 =	sadd.s32 $0x1, s22  }
0xea: {  	s25 =	rddreg [dreg:$0x3];
	s26 =	smov.u32 s23;
	s28 =	smin.u32 s22, $0x9  }
0xeb: {  	s29 =	sand.u32 $0x1000, s26;
	s25 =	sadd.s32 s25, s28  }
0xec: {  	[sflag:s19] =	ssyncadd.s32 $0xFFFFFC00;
	s28 =	sshrl.u32 s29, $0x2;
	s25 =	sshll.u32 s25, $0x7  }
0xed: {  	s26 =	sshra.s32 s26, $0x2;
	s28 =	sor.u32 $0x2800, s28;
	s25 =	sadd.s32 s5, s25  }
0xee: {  	[tilespmem:s28], [sflag:$0x3] =	stream.linear.gather [hbm4b:s25+s3], $0x400, $0x38;
	[tilespmem:$0x1F800] =	vst v63  }
0xef: {  	s30 =	sadd.s32 $0xFFFFFC80, s26  }
0xf0: {  	[tilespmem:s17], [sflag:$0x2] =	stream.indirect.gather [hbm4b:s4+s15], $0x80, s30, s15, $0xb8;
	[tilespmem:$0x1F800] =	vst v63  }
0xf1: {  	s21 =	sadd.s32 $0x400, s21;
	_ =	swait.ge [sflag:s12], $0x4000  }
0xf2: {  	s25 =	sand.u32 $0x400, s21;
	[sflag:s12] =	ssyncset.done $0x0  }
0xf3: {  	s31 =	sor.u32 $0x2800, s25;
	[sflag:s12] =	ssyncadd.s32 $0xFFFFC000  }
0xf4: {  	[spmem:s2] =	stream.indirect.scatter.add.f32 [tilespmem:s16], [sflag:$0x4], $0x80, s31, s15, $0xb8;
	[tilespmem:$0x1F800] =	vst v63  }
0xf5: {  	_ =	swait.ge [sflag:s13], $0x4000  }
0xf6: {  	[sflag:s13] =	ssyncset.done $0x0  }
0xf7: {  	s29 =	sadd.s32 $0xFFFFFD00, s26;
	[sflag:s13] =	ssyncadd.s32 $0xFFFFC000  }
0xf8: {  	[tilespmem:s16], [sflag:$0x1] =	stream.indirect.gather [hbm4b:s4+s15], $0x80, s29, s15, $0xb8;
	[tilespmem:$0x1F800] =	vst v63  }
0xf9: {  	_ =	swait.ge [sflag:s18], $0x4000  }
0xfa: {  	[sflag:s18] =	ssyncset.done $0x0  }
0xfb: {  	s30 =	sor.u32 $0x2880, s25;
	[sflag:s18] =	ssyncadd.s32 $0xFFFFC000  }
0xfc: {  	[spmem:s2] =	stream.indirect.scatter.add.f32 [tilespmem:s17], [sflag:$0x4], $0x80, s30, s15, $0xb8;
	[tilespmem:$0x1F800] =	vst v63  }
0xfd: {  	_ =	swait.ge [sflag:s13], $0x4000  }
0xfe: {  	[sflag:s13] =	ssyncset.done $0x0  }
0xff: {  	s31 =	sadd.s32 $0xFFFFFD80, s26;
	[sflag:s13] =	ssyncadd.s32 $0xFFFFC000  }
0x100: {  	[tilespmem:s17], [sflag:$0x2] =	stream.indirect.gather [hbm4b:s4+s15], $0x80, s31, s15, $0xb8;
	[tilespmem:$0x1F800] =	vst v63  }
0x101: {  	_ =	swait.ge [sflag:s12], $0x4000  }
0x102: {  	[sflag:s12] =	ssyncset.done $0x0  }
0x103: {  	s29 =	sor.u32 $0x2900, s25;
	[sflag:s12] =	ssyncadd.s32 $0xFFFFC000  }
0x104: {  	[spmem:s2] =	stream.indirect.scatter.add.f32 [tilespmem:s16], [sflag:$0x4], $0x80, s29, s15, $0xb8;
	[tilespmem:$0x1F800] =	vst v63  }
0x105: {  	_ =	swait.ge [sflag:s13], $0x4000  }
0x106: {  	[sflag:s13] =	ssyncset.done $0x0  }
0x107: {  	s30 =	sadd.s32 $0xFFFFFE00, s26;
	[sflag:s13] =	ssyncadd.s32 $0xFFFFC000  }
0x108: {  	[tilespmem:s16], [sflag:$0x1] =	stream.indirect.gather [hbm4b:s4+s15], $0x80, s30, s15, $0xb8;
	[tilespmem:$0x1F800] =	vst v63  }
0x109: {  	_ =	swait.ge [sflag:s18], $0x4000  }
0x10a: {  	[sflag:s18] =	ssyncset.done $0x0  }
0x10b: {  	s31 =	sor.u32 $0x2980, s25;
	[sflag:s18] =	ssyncadd.s32 $0xFFFFC000  }
0x10c: {  	[spmem:s2] =	stream.indirect.scatter.add.f32 [tilespmem:s17], [sflag:$0x4], $0x80, s31, s15, $0xb8;
	[tilespmem:$0x1F800] =	vst v63  }
0x10d: {  	_ =	swait.ge [sflag:s13], $0x4000  }
0x10e: {  	[sflag:s13] =	ssyncset.done $0x0  }
0x10f: {  	s29 =	sadd.s32 $0xFFFFFE80, s26;
	[sflag:s13] =	ssyncadd.s32 $0xFFFFC000  }
0x110: {  	[tilespmem:s17], [sflag:$0x2] =	stream.indirect.gather [hbm4b:s4+s15], $0x80, s29, s15, $0xb8;
	[tilespmem:$0x1F800] =	vst v63  }
0x111: {  	_ =	swait.ge [sflag:s12], $0x4000  }
0x112: {  	[sflag:s12] =	ssyncset.done $0x0  }
0x113: {  	s30 =	sor.u32 $0x2A00, s25;
	[sflag:s12] =	ssyncadd.s32 $0xFFFFC000  }
0x114: {  	[spmem:s2] =	stream.indirect.scatter.add.f32 [tilespmem:s16], [sflag:$0x4], $0x80, s30, s15, $0xb8;
	[tilespmem:$0x1F800] =	vst v63  }
0x115: {  	_ =	swait.ge [sflag:s13], $0x4000  }
0x116: {  	[sflag:s13] =	ssyncset.done $0x0  }
0x117: {  	s31 =	sadd.s32 $0xFFFFFF00, s26;
	[sflag:s13] =	ssyncadd.s32 $0xFFFFC000  }
0x118: {  	[tilespmem:s16], [sflag:$0x1] =	stream.indirect.gather [hbm4b:s4+s15], $0x80, s31, s15, $0xb8;
	[tilespmem:$0x1F800] =	vst v63  }
0x119: {  	_ =	swait.ge [sflag:s18], $0x4000  }
0x11a: {  	[sflag:s18] =	ssyncset.done $0x0  }
0x11b: {  	s29 =	sor.u32 $0x2A80, s25;
	[sflag:s18] =	ssyncadd.s32 $0xFFFFC000  }
0x11c: {  	[spmem:s2] =	stream.indirect.scatter.add.f32 [tilespmem:s17], [sflag:$0x4], $0x80, s29, s15, $0xb8;
	[tilespmem:$0x1F800] =	vst v63  }
0x11d: {  	_ =	swait.ge [sflag:s13], $0x4000  }
0x11e: {  	[sflag:s13] =	ssyncset.done $0x0  }
0x11f: {  	s26 =	sadd.s32 $0xFFFFFF80, s26;
	[sflag:s13] =	ssyncadd.s32 $0xFFFFC000  }
0x120: {  	[tilespmem:s17], [sflag:$0x2] =	stream.indirect.gather [hbm4b:s4+s15], $0x80, s26, s15, $0xb8;
	[tilespmem:$0x1F800] =	vst v63  }
0x121: {  	_ =	swait.ge [sflag:s12], $0x4000  }
0x122: {  	[sflag:s12] =	ssyncset.done $0x0  }
0x123: {  	s24 =	sadd.s32 $0x8, s24;
	s30 =	sor.u32 $0x2B00, s25;
	[sflag:s12] =	ssyncadd.s32 $0xFFFFC000  }
0x124: {  	[spmem:s2] =	stream.indirect.scatter.add.f32 [tilespmem:s16], [sflag:$0x4], $0x80, s30, s15, $0xb8;
	[tilespmem:$0x1F800] =	vst v63  }
0x125: {  	s31 =	smin.u32 s24, $0x47;
	_ =	swait.ge [sflag:s13], $0x4000  }
0x126: {  	s26 =	sshll.u32 s31, $0x7;
	[sflag:s13] =	ssyncset.done $0x0  }
0x127: {  	s26 =	sadd.s32 $0x400, s26;
	[sflag:s13] =	ssyncadd.s32 $0xFFFFC000  }
0x128: {  	[tilespmem:s16], [sflag:$0x1] =	stream.indirect.gather [hbm4b:s4+s15], $0x80, s26, s15, $0xb8;
	[tilespmem:$0x1F800] =	vst v63  }
0x129: {  	_ =	swait.ge [sflag:s18], $0x4000  }
0x12a: {  	[sflag:s18] =	ssyncset.done $0x0  }
0x12b: {  	p0 =	sne.s32 s23, $0xA000;
	s25 =	sor.u32 $0x2B80, s25;
	[sflag:s18] =	ssyncadd.s32 $0xFFFFC000  }
0x12c: {  	[spmem:s2] =	stream.indirect.scatter.add.f32 [tilespmem:s17], [sflag:$0x4], $0x80, s25, s15, $0xb8;
	[tilespmem:$0x1F800] =	vst v63  }
.Ltmp2:
0x12d: {  	_ =	swait.ge [sflag:s13], $0x4000;
	(pc) =	sbr.rel @p0 .LBB2_6-.Ltmp2, $4  }
0x12e: {  	[sflag:s13] =	ssyncset.done $0x0  }
0x12f: {  	[sflag:s13] =	ssyncadd.s32 $0xFFFFC000  }
0x130: {  	_ =	swait.ge [sflag:s19], $0x400  }
0x131: {  	s23 =	sadd.s32 $0x1000, s23;
	[sflag:s19] =	ssyncset.done $0x0  }
0x132: {  	[sflag:s19] =	ssyncadd.s32 $0xFFFFFC00  }
0x133: {  	_ =	swait.ge [sflag:s12], $0x4000  }
0x134: {  	s21 =	sshll.u32 s0, $0x6;
	s20 =	sadd.s32 $0x1, s20;
	[sflag:s12] =	ssyncset.done $0x0  }
0x135: {  	s22 =	sshrl.u32 s6, $0x3;
	p0 =	sne.s32 s20, s9;
	[sflag:s12] =	ssyncadd.s32 $0xFFFFC000  }
.Ltmp3:
0x136: {  	s21 =	sor.u32 $0x1C04, s21;
	[bflag:$0x0] =	sbarrier.arrive $0xFFFF;
	(pc) =	sbr.rel @p0 .LBB2_1-.Ltmp3, $4  }
0x137: {  	[hbm:s10], [sflag:s21] =	dma.local [spmem:s22], $0x2800  }
0x138: {  	_ =	swait.ge [sflag:s13], $0x2800  }
0x139: {  	[sflag:s13] =	ssyncset.done $0x0  }
0x13a: {  	[sflag:s13] =	ssyncadd.s32 $0xFFFFD800  }
0x13b: {  	_ =	sfence.sel $0x180000  }
0x13c: {  	[bflag:$0x0] =	sbarrier.arrive $0xFFFF  }
0x13d: {  	p0 =	sne.s32 s0, $0x0;
	_ =	strace $0x9000004D  }
0x13e: {  	s0 =	sadd.s32 @!p0 $0x100000, s1;
	[bflag:$0x2] =	sbarrier.arrive $0xFFFF  }
0x13f: {  	[sflag:s0] =	ssyncadd.tile.s32 @!p0 $0x1;
	_ =	shalt  }
.Lfunc_end2:
_tile_overlayer_lowered:
.L_overlay_start_2:
0x140: {  	(tag) =	ssettag $0x2  }
0x141: {  	s0 =	rddreg [dreg:$0x0];
	s2 =	stileid.u32  }
0x142: {  	s1 =	rddreg [dreg:$0x1];
	p0 =	sne.s32 s2, $0x0  }
0x143: {  	s3 =	rddreg [dreg:$0x2];
	[bflag:$0x3] =	sbarrier.arrive $0xFFFF;
	s2 =	simm.s32 @!p0 $0x1C04  }
0x144: {  	[timem:s3], [sflag:s2] =	dma.local @!p0 [hbm:s0], s1  }
0x145: {  	s0 =	simm.s32 @!p0 $0x4  }
0x146: {  	_ =	swait.ge @!p0 [sflag:s0], s1  }
0x147: {  	s1 =	ssub.s32 @!p0 $0x0, s1;
	[sflag:s0] =	ssyncset.done @!p0 $0x0  }
0x148: {  	[sflag:s0] =	ssyncadd.s32 @!p0 s1  }
0x149: {  	[bflag:$0x3] =	sbarrier.arrive $0xFFFF  }
0x14a: {  	_ =	shalt  }

// kernel: kernel.19.cloned.1.call-start
scs
__scs_entry_jumppad:
0x0: {  	(pc) =	sbr.rel $0x88, $3  }
0x1: {  	(tag) =	ssettag $0x0;
	lr =	simm.s32 $0x1  }
0x2: {  	[smem:$0x3F94] =	sst lr;
	_ =	strace $0xD0000000  }
0x3: {  	_ = 	snop  }
0x4: {  	_ = 	snop  }
0x5: {  	_ = 	snop  }
0x6: {  	_ = 	snop  }
0x7: {  	_ = 	snop  }
__scs_overlays_trampoline_lowered:
0x8: {  	[smem:$0x3FA3] =	sst s0  }
0x9: {  	[smem:$0x3FA4] =	sst s1  }
0xa: {  	[smem:$0x3FA5] =	sst s2  }
0xb: {  	[smem:$0x3FA6] =	sst s3  }
0xc: {  	[smem:$0x3FA7] =	sst s4  }
0xd: {  	[smem:$0x3FA8] =	sst s5  }
0xe: {  	[smem:$0x3FA9] =	sst s6  }
0xf: {  	[smem:$0x3FAA] =	sst s7  }
0x10: {  	[smem:$0x3FAB] =	sst s8  }
0x11: {  	[smem:$0x3FAC] =	sst s9;
	s0 =	simm.s32 @!p0 $0x0  }
0x12: {  	s1 =	sld [smem:$0x3F92];
	s0 =	simm.s32 @p0 $0x1  }
0x13: {  	[smem:$0x3FAD] =	sst s0;
	s0 =	simm.s32 @!p1 $0x0  }
0x14: {  	s2 =	sld [smem:$0x3F91];
	s0 =	simm.s32 @p1 $0x1  }
0x15: {  	[smem:$0x3FAE] =	sst s0;
	s0 =	simm.s32 @!p2 $0x0  }
0x16: {  	s3 =	sld [smem:$0x3FDB];
	s0 =	simm.s32 @p2 $0x1  }
0x17: {  	s4 =	simm.s32 $0x1BF5;
	[smem:$0x3FB0] =	sst s0  }
0x18: {  	s0 =	sld [smem:$0x3F93];
	_ =	swait.ge [sflag:s4], $0x0  }
0x19: {  	s7 =	sld [smem:$0x3F94]  }
0x1a: {  	s8 =	sadd.s32 $0xFFFFE003, lr  }
0x1b: {  	s9 =	sadd.s32 $0xFFFFFEF7, lr;
	s5 =	simm.s32 $0xFFFFFFFF;
	p2 =	slt.u32 s8, $0xFFFFF086  }
0x1c: {  	p1 =	slt.u32 s9, $0xF7A;
	s5 =	simm.s32 @!p2 $0x0  }
0x1d: {  	s5 =	simm.s32 @p1 $0x1;
	p0 =	seq.s32 s7, s2  }
0x1e: {  	s7 =	smul.u32 @!p0 $0xF7A, s2;
	p2 =	seq.s32 @!p0 s5, $0x0  }
0x1f: {  	s9 =	smul.u32 $0xF7A, s1;
	s8 =	simm.s32 @!p0 $0x1BF5;
	p2 =	por !p2, p0  }
0x20: {  	[sflag:s8] =	ssyncset.s32 @!p0 $0xFFFFF086;
	s6 =	sadd.s32 @!p0 s3, s7;
	s7 =	simm.s32 @!p0 $0x108  }
0x21: {  	s3 =	sadd.s32 s3, s9;
	s6 =	sadd.s32 @!p0 $0x88, s6;
	s7 =	simm.s32 @p2 $0x1082  }
0x22: {  	[simem:s7], [sflag:s8] =	dma.local @!p0 [hbm:s6], $0xF7A  }
0x23: {  	s9 =	sor.u32 $0xD0000000, s2;
	s6 =	simm.s32 $0x108;
	_ =	swait.ge @!p0 [sflag:s8], $0x0  }
0x24: {  	s3 =	sadd.s32 $0x88, s3;
	s6 =	simm.s32 @!p1 $0x1082;
	[sflag:s4] =	ssyncset.s32 $0xFFFFF086  }
0x25: {  	[simem:s6], [sflag:s4] =	dma.local [hbm:s3], $0xF7A  }
0x26: {  	[smem:$0x3F94] =	sst s1;
	(tag) =	ssettag s2;
	_ =	strace s9  }
0x27: {  	s1 =	sld [smem:$0x3FA4]  }
0x28: {  	s2 =	sld [smem:$0x3FA5]  }
0x29: {  	s4 =	sld [smem:$0x3FA7]  }
0x2a: {  	p0 =	seq.s32 s5, $0x0;
	s5 =	sld [smem:$0x3FA8]  }
0x2b: {  	s6 =	sld [smem:$0x3FA9]  }
0x2c: {  	s7 =	sld [smem:$0x3FAA]  }
0x2d: {  	s3 =	simm.s32 $0x108;
	s8 =	sld [smem:$0x3FAB]  }
0x2e: {  	s3 =	simm.s32 @!p0 $0x1082;
	s9 =	sld [smem:$0x3FAC]  }
0x2f: {  	lr =	sadd.s32 s0, s3;
	s0 =	sld [smem:$0x3FA3]  }
0x30: {  	s3 =	sld [smem:$0x3FA6]  }
0x31: {  	[smem:$0x3FAF] =	sst s10  }
0x32: {  	s10 =	sld [smem:$0x3FAD];
	_ =	sdelay $0x3  }
0x33: {  	p0 =	seq.s32 s10, $0x1;
	s10 =	sld [smem:$0x3FAF];
	_ =	sdelay $0x3  }
0x34: {  	[smem:$0x3FAF] =	sst s10  }
0x35: {  	s10 =	sld [smem:$0x3FAE];
	_ =	sdelay $0x3  }
0x36: {  	p1 =	seq.s32 s10, $0x1;
	s10 =	sld [smem:$0x3FAF];
	_ =	sdelay $0x3  }
0x37: {  	[smem:$0x3FAF] =	sst s10  }
0x38: {  	s10 =	sld [smem:$0x3FB0]  }
0x39: {  	_ = 	snop;
	(pc) =	sbr.ind lr, $3  }
0x3a: {  	_ = 	snop  }
0x3b: {  	_ = 	snop  }
0x3c: {  	p2 =	seq.s32 s10, $0x1;
	s10 =	sld [smem:$0x3FAF]  }
0x3d: {  	_ =	shalt  }
0x3e: {  	_ =	shalt  }
0x3f: {  	_ =	shalt  }
0x40: {  	_ =	shalt  }
0x41: {  	_ =	shalt  }
0x42: {  	_ =	shalt  }
0x43: {  	_ =	shalt  }
0x44: {  	_ =	shalt  }
0x45: {  	_ =	shalt  }
0x46: {  	_ =	shalt  }
0x47: {  	_ =	shalt  }
0x48: {  	_ =	shalt  }
0x49: {  	_ =	shalt  }
0x4a: {  	_ =	shalt  }
0x4b: {  	_ =	shalt  }
0x4c: {  	_ =	shalt  }
0x4d: {  	_ =	shalt  }
0x4e: {  	_ =	shalt  }
0x4f: {  	_ =	shalt  }
0x50: {  	_ =	shalt  }
0x51: {  	_ =	shalt  }
0x52: {  	_ =	shalt  }
0x53: {  	_ =	shalt  }
0x54: {  	_ =	shalt  }
0x55: {  	_ =	shalt  }
0x56: {  	_ =	shalt  }
0x57: {  	_ =	shalt  }
0x58: {  	_ =	shalt  }
0x59: {  	_ =	shalt  }
0x5a: {  	_ =	shalt  }
0x5b: {  	_ =	shalt  }
0x5c: {  	_ =	shalt  }
0x5d: {  	_ =	shalt  }
0x5e: {  	_ =	shalt  }
0x5f: {  	_ =	shalt  }
0x60: {  	_ =	shalt  }
0x61: {  	_ =	shalt  }
0x62: {  	_ =	shalt  }
0x63: {  	_ =	shalt  }
0x64: {  	_ =	shalt  }
0x65: {  	_ =	shalt  }
0x66: {  	_ =	shalt  }
0x67: {  	_ =	shalt  }
0x68: {  	_ =	shalt  }
0x69: {  	_ =	shalt  }
0x6a: {  	_ =	shalt  }
0x6b: {  	_ =	shalt  }
0x6c: {  	_ =	shalt  }
0x6d: {  	_ =	shalt  }
0x6e: {  	_ =	shalt  }
0x6f: {  	_ =	shalt  }
0x70: {  	_ =	shalt  }
0x71: {  	_ =	shalt  }
0x72: {  	_ =	shalt  }
0x73: {  	_ =	shalt  }
0x74: {  	_ =	shalt  }
0x75: {  	_ =	shalt  }
0x76: {  	_ =	shalt  }
0x77: {  	_ =	shalt  }
0x78: {  	_ =	shalt  }
0x79: {  	_ =	shalt  }
0x7a: {  	_ =	shalt  }
0x7b: {  	_ =	shalt  }
0x7c: {  	_ =	shalt  }
0x7d: {  	_ =	shalt  }
0x7e: {  	_ =	shalt  }
0x7f: {  	_ =	shalt  }
0x80: {  	_ =	shalt  }
0x81: {  	_ =	shalt  }
0x82: {  	_ =	shalt  }
0x83: {  	_ =	shalt  }
0x84: {  	_ =	shalt  }
0x85: {  	_ =	shalt  }
0x86: {  	_ =	shalt  }
0x87: {  	_ =	shalt  }
.Lfunc_end0:
.L_simem_size_0:
called_computation.3_lowered:
.L_overlay_start_0:
0x88: {  	s2 =	sld [smem:$0x3FD9]  }
0x89: {  	s3 =	sld [smem:$0x3FFE];
	_ =	sdelay $0x1  }
0x8a: {  	s1 =	srdreg.scid  }
0x8b: {  	s0 =	sand.u32 $0x1, s1  }
0x8c: {  	s16 =	sshll.u32 s0, $0xA;
	s2 =	sadd.s32 s3, s2  }
0x8d: {  	s2 =	sadd.s32 s2, s16  }
0x8e: {  	[smem:$0x3FBB] =	sst s2  }
0x8f: {  	_ = 	snop  }
0x90: {  	(tm) =	ssettm $0x1  }
0x91: {  	s17 =	sld [smem:$0x3FFB];
	_ =	sdelay $0x3  }
0x92: {  	_ =	strace s17  }
0x93: {  	s2 =	sld [smem:$0x3FFC];
	_ =	sdelay $0x3  }
0x94: {  	_ =	strace s2  }
0x95: {  	s2 =	sld [smem:$0x3FFD];
	_ =	sdelay $0x3  }
0x96: {  	_ =	strace s2  }
0x97: {  	_ =	strace $0x8FFFFFFF  }
0x98: {  	s18 =	sld [smem:$0x3FDB];
	_ =	sdelay $0x1  }
0x99: {  	s19 =	simm.s32 $_scs_section_size  }
0x9a: {  	s4 =	simm.s32 $_size__tile_overlayer_lowered;
	s5 =	simm.s32 $_tile_overlayer_lowered  }
0x9b: {  	s22 =	simm.s32 $0x1BFF;
	s21 =	sshll.u32 s5, $0x1;
	s2 =	sadd.s32 s19, s18  }
0x9c: {  	s6 =	simm.s32 $0x0;
	s20 =	sshll.u32 s4, $0x1;
	s4 =	sadd.s32 s21, s2  }
0x9d: {  	[timem:s6], [sflag:s22] =	dma.local [hbm:s4], s20  }
0x9e: {  	_ =	swait.ge [sflag:s22], s20  }
0x9f: {  	s3 =	ssub.s32 $0x0, s20;
	[sflag:s22] =	ssyncset.done $0x0  }
0xa0: {  	[sflag:s22] =	ssyncadd.s32 s3;
	_ =	sdelay $0x1  }
0xa1: {  	s23 =	simm.s32 $0x1B8B  }
0xa2: {  	_ =	swait.ge [sflag:s23], $0x1  }
0xa3: {  	[sflag:s23] =	ssyncset.done $0x0  }
0xa4: {  	s25 =	simm.s32 $0x1B8E;
	s24 =	sld [smem:$0x3FFE];
	[sflag:s23] =	ssyncadd.s32 $0xFFFFFFFF  }
0xa5: {  	s26 =	simm.s32 $execute0_lowered;
	[smem:$0x3FD2] =	sst s25  }
0xa6: {  	s4 =	sshll.u32 s26, $0x1;
	_ =	strace $0x8000004F;
	[dreg:$0x1] =	wrdreg $0xFFFFFFFF  }
0xa7: {  	s28 =	simm.s32 $_size_execute0_lowered;
	s2 =	sadd.s32 s2, s4;
	[dreg:$0x0] =	wrdreg $0x0  }
0xa8: {  	s4 =	sshll.u32 s28, $0x1;
	[dreg:$0x2] =	wrdreg s2  }
0xa9: {  	[dreg:$0x3] =	wrdreg s4  }
0xaa: {  	[dreg:$0x4] =	wrdreg $0xC0  }
0xab: {  	_ =	task [dreg:s6], $0x5FFFF  }
0xac: {  	[dreg:$0x1] =	wrdreg $0xFFFFFFFF  }
0xad: {  	[dreg:$0x0] =	wrdreg $0x60  }
0xae: {  	[dreg:$0x2] =	wrdreg s24  }
0xaf: {  	[dreg:$0x3] =	wrdreg $0xB8000  }
0xb0: {  	[dreg:$0x4] =	wrdreg $0x9  }
0xb1: {  	_ =	task.clear_ibuf [dreg:s6], $0x5FFFF;
	_ =	strace $0x9000004F  }
0xb2: {  	s29 =	simm.s32 $0x9;
	_ =	strace $0x80000051  }
0xb3: {  	_ =	swait.ge [sflag:s29], $0x1  }
0xb4: {  	[sflag:s29] =	ssyncadd.s32 $0xFFFFFFFF  }
0xb5: {  	_ =	strace $0x90000051  }
0xb6: {  	_ =	sfence  }
0xb7: {  	s30 =	sld [smem:$0x0];
	_ =	sdelay $0x2  }
0xb8: {  	s31 =	sshll.u32 s1, $0xD;
	s1 =	sshrl.u32 s1, $0x2  }
0xb9: {  	s3 =	sand.u32 $0x4000, s31;
	s1 =	sadd.s32 s1, s30  }
0xba: {  	s0 =	sor.u32 s3, s0;
	s1 =	sshll.u32 s1, $0x11  }
0xbb: {  	s0 =	sor.u32 s1, s0  }
0xbc: {  	s0 =	sadd.s32 $0x8F2B, s0  }
0xbd: {  	[sflag:s0] =	ssyncadd.remote.s32 $0x1  }
0xbe: {  	_ =	sfence.sel $0xFFFF  }
0xbf: {  	[dreg:$0x0] =	wrdreg $0xFFFFFFFF;
	(pc) =	sbr.abs _section_cstart, $3  }
0xc0: {  	[dreg:$0x1] =	wrdreg $0xFFFFFFFF  }
0xc1: {  	_ =	task.clear_ibuf [dreg:s6], $0x2FFFF;
	_ =	strace $0x9FFFFFFF  }
0xc2: {  	(tm) =	ssettm $0x7FFFFFFF  }
0xc3: {  	_ =	shalt  }
tec
execute0_lowered:
.L_overlay_start_1:
0x0: {  	(tag) =	ssettag $0x1  }
0x1: {  	s0 =	srdreg.scid;
	s7 =	rddreg [dreg:$0x0]  }
0x2: {  	s2 =	rddreg [dreg:$0x1];
	s3 =	simm.s32 $0x0;
	s15 =	simm.s32 $0x80  }
0x3: {  	s16 =	simm.s32 $0x3000;
	s17 =	simm.s32 $0x7000;
	s18 =	simm.s32 $0x2  }
0x4: {  	s19 =	simm.s32 $0x3;
	s6 =	sand.u32 $0x1, s0;
	s0 =	stileid.u32  }
0x5: {  	s20 =	simm.s32 $0x0;
	[smem:$0x7FF] =	sst s3;
	s5 =	smul.u32 $0x14000, s0  }
0x6: {  	s4 =	sadd.s32 $0x17C00, s7;
	s1 =	sshll.u32 s6, $0x4;
	s11 =	smul.u32 $0x2800, s0  }
0x7: {  	p0 =	seq.s32 s6, $0x1;
	s13 =	smul.u32 $0x50000, s0;
	s6 =	ssub.s32 $0x2, s6  }
0x8: {  	s8 =	sor.u32 s0, s1;
	s1 =	rddreg [dreg:$0x2];
	_ =	strace $0x80000050  }
0x9: {  	s31 =	sshrl.u32 s6, $0x1;
	s9 =	smul.u32 $0x500, s8;
	s5 =	sshrl.u32 s5, $0x3  }
0xa: {  	s13 =	sshrl.u32 s13, $0x2;
	s14 =	smul.u32 $0xA, s8;
	s12 =	sadd.s32 $0x28000, s5  }
0xb: {  	s5 =	sadd.s32 $0xDC00, s7;
	s10 =	sadd.s32 s9, s7;
	s11 =	smov.u32 @p0 s12  }
0xc: {  	s12 =	ssub.s32 s6, s31;
	s6 =	sadd.s32 s13, s2;
	s8 =	sadd.s32 s5, s9  }
0xd: {  	[dreg:$0x3] =	wrdreg s14;
	s13 =	simm.s32 $0x4;
	s14 =	simm.s32 $0x2800  }
0xe: {  	s11 =	sadd.s32 s11, s7;
	s7 =	sadd.s32 $0x3C00, s10;
	s9 =	smax.u32 s12, $0x1  }
0xf: {  	v0 =	vimm.f32 $0.0e+00;
	s12 =	simm.s32 $0x1;
	s10 =	sadd.s32 $0x3FC00, s11;
	s11 =	simm.s32 $0xB000  }
.LBB2_1:
0x10: {  	s21 =	simm.s32 $0x0;
	s22 =	simm.s32 $0x200  }
.LBB2_2:
0x11: {  	p0 =	sne.s32 s22, $0x1E00;
	[tilespmem:s21+$0xB070] =	vst v0  }
0x12: {  	[tilespmem:s21+$0xB000] =	vst v0  }
0x13: {  	[tilespmem:s21+$0xB010] =	vst v0  }
.Ltmp0:
0x14: {  	[tilespmem:s21+$0xB020] =	vst v0;
	(pc) =	sbr.rel @p0 .LBB2_2-.Ltmp0, $4  }
0x15: {  	[tilespmem:s21+$0xB030] =	vst v0  }
0x16: {  	[tilespmem:s21+$0xB040] =	vst v0  }
0x17: {  	[tilespmem:s21+$0xB050] =	vst v0  }
0x18: {  	[tilespmem:s21+$0xB060] =	vst v0;
	s21 =	sshra.s32 s22, $0x2;
	s22 =	sadd.s32 $0x200, s22  }
0x19: {  	[tilespmem:s21+$0xB070] =	vst v0  }
0x1a: {  	[tilespmem:s21+$0xB000] =	vst v0  }
0x1b: {  	[tilespmem:s21+$0xB010] =	vst v0  }
0x1c: {  	[tilespmem:s21+$0xB020] =	vst v0  }
0x1d: {  	[tilespmem:s21+$0xB030] =	vst v0  }
0x1e: {  	[tilespmem:s21+$0xB040] =	vst v0  }
0x1f: {  	[tilespmem:s21+$0xB050] =	vst v0  }
0x20: {  	[tilespmem:s21+$0xB060] =	vst v0;
	s25 =	sadd.s32 $0x0, s6  }
0x21: {  	[spmem:s25] =	stream.linear.scatter [tilespmem:s11], [sflag:$0x1], $0x800, $0x38;
	[tilespmem:$0x1F800] =	vst v63  }
0x22: {  	s22 =	sadd.s32 $0x800, s25  }
0x23: {  	[spmem:s22] =	stream.linear.scatter [tilespmem:s11], [sflag:$0x1], $0x800, $0x38;
	[tilespmem:$0x1F800] =	vst v63  }
0x24: {  	s26 =	sadd.s32 $0x1000, s25  }
0x25: {  	[spmem:s26] =	stream.linear.scatter [tilespmem:s11], [sflag:$0x1], $0x800, $0x38;
	[tilespmem:$0x1F800] =	vst v63  }
0x26: {  	s28 =	sadd.s32 $0x1800, s25  }
0x27: {  	[spmem:s28] =	stream.linear.scatter [tilespmem:s11], [sflag:$0x1], $0x800, $0x38;
	[tilespmem:$0x1F800] =	vst v63  }
0x28: {  	s29 =	sadd.s32 $0x2000, s25  }
0x29: {  	[spmem:s29] =	stream.linear.scatter [tilespmem:s11], [sflag:$0x1], $0x800, $0x38;
	[tilespmem:$0x1F800] =	vst v63  }
0x2a: {  	s30 =	sadd.s32 $0x2800, s25  }
0x2b: {  	[spmem:s30] =	stream.linear.scatter [tilespmem:s11], [sflag:$0x1], $0x800, $0x38;
	[tilespmem:$0x1F800] =	vst v63  }
0x2c: {  	s31 =	sadd.s32 $0x3000, s25  }
0x2d: {  	[spmem:s31] =	stream.linear.scatter [tilespmem:s11], [sflag:$0x1], $0x800, $0x38;
	[tilespmem:$0x1F800] =	vst v63  }
0x2e: {  	s21 =	sadd.s32 $0x3800, s25  }
0x2f: {  	[spmem:s21] =	stream.linear.scatter [tilespmem:s11], [sflag:$0x1], $0x800, $0x38;
	[tilespmem:$0x1F800] =	vst v63  }
0x30: {  	_ =	swait.ge [sflag:s12], $0x800  }
0x31: {  	[sflag:s12] =	ssyncset.done $0x0  }
0x32: {  	[sflag:s12] =	ssyncadd.s32 $0xFFFFF800  }
0x33: {  	_ =	swait.ge [sflag:s12], $0x800  }
0x34: {  	[sflag:s12] =	ssyncset.done $0x0  }
0x35: {  	[sflag:s12] =	ssyncadd.s32 $0xFFFFF800  }
0x36: {  	_ =	swait.ge [sflag:s12], $0x800  }
0x37: {  	[sflag:s12] =	ssyncset.done $0x0  }
0x38: {  	[sflag:s12] =	ssyncadd.s32 $0xFFFFF800  }
0x39: {  	_ =	swait.ge [sflag:s12], $0x800  }
0x3a: {  	[sflag:s12] =	ssyncset.done $0x0  }
0x3b: {  	[sflag:s12] =	ssyncadd.s32 $0xFFFFF800  }
0x3c: {  	_ =	swait.ge [sflag:s12], $0x800  }
0x3d: {  	[sflag:s12] =	ssyncset.done $0x0  }
0x3e: {  	[sflag:s12] =	ssyncadd.s32 $0xFFFFF800  }
0x3f: {  	_ =	swait.ge [sflag:s12], $0x800  }
0x40: {  	[sflag:s12] =	ssyncset.done $0x0  }
0x41: {  	[sflag:s12] =	ssyncadd.s32 $0xFFFFF800  }
0x42: {  	_ =	swait.ge [sflag:s12], $0x800  }
0x43: {  	[sflag:s12] =	ssyncset.done $0x0  }
0x44: {  	[sflag:s12] =	ssyncadd.s32 $0xFFFFF800  }
0x45: {  	_ =	swait.ge [sflag:s12], $0x800  }
0x46: {  	s23 =	simm.s32 $0x20000;
	s22 =	simm.s32 $0x4000;
	[sflag:s12] =	ssyncset.done $0x0  }
.LBB2_4:
0x47: {  	s24 =	sadd.s32 s22, s6  }
0x48: {  	[sflag:s12] =	ssyncadd.s32 $0xFFFFF800;
	s22 =	smov.u32 s23;
	s21 =	sadd.s32 $0x10000, s23  }
0x49: {  	[spmem:s24] =	stream.linear.scatter [tilespmem:s11], [sflag:$0x1], $0x800, $0x38;
	[tilespmem:$0x1F800] =	vst v63  }
0x4a: {  	p0 =	sne.s32 s23, $0x40000;
	s23 =	sadd.s32 $0x800, s24  }
0x4b: {  	[spmem:s23] =	stream.linear.scatter [tilespmem:s11], [sflag:$0x1], $0x800, $0x38;
	[tilespmem:$0x1F800] =	vst v63  }
0x4c: {  	s23 =	sadd.s32 $0x1000, s24  }
0x4d: {  	[spmem:s23] =	stream.linear.scatter [tilespmem:s11], [sflag:$0x1], $0x800, $0x38;
	[tilespmem:$0x1F800] =	vst v63  }
0x4e: {  	s23 =	sadd.s32 $0x1800, s24  }
0x4f: {  	[spmem:s23] =	stream.linear.scatter [tilespmem:s11], [sflag:$0x1], $0x800, $0x38;
	[tilespmem:$0x1F800] =	vst v63  }
0x50: {  	s23 =	sadd.s32 $0x2000, s24  }
0x51: {  	[spmem:s23] =	stream.linear.scatter [tilespmem:s11], [sflag:$0x1], $0x800, $0x38;
	[tilespmem:$0x1F800] =	vst v63  }
0x52: {  	s23 =	sadd.s32 $0x2800, s24  }
0x53: {  	[spmem:s23] =	stream.linear.scatter [tilespmem:s11], [sflag:$0x1], $0x800, $0x38;
	[tilespmem:$0x1F800] =	vst v63  }
0x54: {  	s23 =	sadd.s32 $0x3000, s24  }
0x55: {  	[spmem:s23] =	stream.linear.scatter [tilespmem:s11], [sflag:$0x1], $0x800, $0x38;
	[tilespmem:$0x1F800] =	vst v63  }
0x56: {  	s23 =	sadd.s32 $0x3800, s24  }
0x57: {  	[spmem:s23] =	stream.linear.scatter [tilespmem:s11], [sflag:$0x1], $0x800, $0x38;
	[tilespmem:$0x1F800] =	vst v63  }
0x58: {  	_ =	swait.ge [sflag:s12], $0x800  }
0x59: {  	[sflag:s12] =	ssyncset.done $0x0  }
0x5a: {  	[sflag:s12] =	ssyncadd.s32 $0xFFFFF800  }
0x5b: {  	_ =	swait.ge [sflag:s12], $0x800  }
0x5c: {  	[sflag:s12] =	ssyncset.done $0x0  }
0x5d: {  	[sflag:s12] =	ssyncadd.s32 $0xFFFFF800  }
0x5e: {  	_ =	swait.ge [sflag:s12], $0x800  }
0x5f: {  	[sflag:s12] =	ssyncset.done $0x0  }
0x60: {  	[sflag:s12] =	ssyncadd.s32 $0xFFFFF800  }
0x61: {  	_ =	swait.ge [sflag:s12], $0x800  }
0x62: {  	[sflag:s12] =	ssyncset.done $0x0  }
0x63: {  	[sflag:s12] =	ssyncadd.s32 $0xFFFFF800  }
0x64: {  	_ =	swait.ge [sflag:s12], $0x800  }
0x65: {  	[sflag:s12] =	ssyncset.done $0x0  }
0x66: {  	[sflag:s12] =	ssyncadd.s32 $0xFFFFF800  }
0x67: {  	_ =	swait.ge [sflag:s12], $0x800  }
0x68: {  	[sflag:s12] =	ssyncset.done $0x0  }
0x69: {  	[sflag:s12] =	ssyncadd.s32 $0xFFFFF800  }
.Ltmp1:
0x6a: {  	_ =	swait.ge [sflag:s12], $0x800;
	(pc) =	sbr.rel @p0 .LBB2_4-.Ltmp1, $4  }
0x6b: {  	[sflag:s12] =	ssyncset.done $0x0  }
0x6c: {  	[sflag:s12] =	ssyncadd.s32 $0xFFFFF800  }
0x6d: {  	_ =	swait.ge [sflag:s12], $0x800  }
0x6e: {  	s22 =	sshra.s32 s22, $0x2;
	s23 =	smov.u32 s21;
	[sflag:s12] =	ssyncset.done $0x0  }
0x6f: {  	s21 =	sadd.s32 s22, s6;
	[sflag:s12] =	ssyncadd.s32 $0xFFFFF800  }
0x70: {  	[spmem:s21] =	stream.linear.scatter [tilespmem:s11], [sflag:$0x1], $0x800, $0x38;
	[tilespmem:$0x1F800] =	vst v63  }
0x71: {  	s22 =	sadd.s32 $0x800, s21  }
0x72: {  	[spmem:s22] =	stream.linear.scatter [tilespmem:s11], [sflag:$0x1], $0x800, $0x38;
	[tilespmem:$0x1F800] =	vst v63  }
0x73: {  	s23 =	sadd.s32 $0x1000, s21  }
0x74: {  	[spmem:s23] =	stream.linear.scatter [tilespmem:s11], [sflag:$0x1], $0x800, $0x38;
	[tilespmem:$0x1F800] =	vst v63  }
0x75: {  	s24 =	sadd.s32 $0x1800, s21  }
0x76: {  	[spmem:s24] =	stream.linear.scatter [tilespmem:s11], [sflag:$0x1], $0x800, $0x38;
	[tilespmem:$0x1F800] =	vst v63  }
0x77: {  	s25 =	sadd.s32 $0x2000, s21  }
0x78: {  	[spmem:s25] =	stream.linear.scatter [tilespmem:s11], [sflag:$0x1], $0x800, $0x38;
	[tilespmem:$0x1F800] =	vst v63  }
0x79: {  	s26 =	sadd.s32 $0x2800, s21  }
0x7a: {  	[spmem:s26] =	stream.linear.scatter [tilespmem:s11], [sflag:$0x1], $0x800, $0x38;
	[tilespmem:$0x1F800] =	vst v63  }
0x7b: {  	s28 =	sadd.s32 $0x3000, s21  }
0x7c: {  	[spmem:s28] =	stream.linear.scatter [tilespmem:s11], [sflag:$0x1], $0x800, $0x38;
	[tilespmem:$0x1F800] =	vst v63  }
0x7d: {  	s21 =	sadd.s32 $0x3800, s21  }
0x7e: {  	[spmem:s21] =	stream.linear.scatter [tilespmem:s11], [sflag:$0x1], $0x800, $0x38;
	[tilespmem:$0x1F800] =	vst v63  }
0x7f: {  	_ =	swait.ge [sflag:s12], $0x800  }
0x80: {  	[sflag:s12] =	ssyncset.done $0x0  }
0x81: {  	[sflag:s12] =	ssyncadd.s32 $0xFFFFF800  }
0x82: {  	_ =	swait.ge [sflag:s12], $0x800  }
0x83: {  	[sflag:s12] =	ssyncset.done $0x0  }
0x84: {  	[sflag:s12] =	ssyncadd.s32 $0xFFFFF800  }
0x85: {  	_ =	swait.ge [sflag:s12], $0x800  }
0x86: {  	[sflag:s12] =	ssyncset.done $0x0  }
0x87: {  	[sflag:s12] =	ssyncadd.s32 $0xFFFFF800  }
0x88: {  	_ =	swait.ge [sflag:s12], $0x800  }
0x89: {  	[sflag:s12] =	ssyncset.done $0x0  }
0x8a: {  	[sflag:s12] =	ssyncadd.s32 $0xFFFFF800  }
0x8b: {  	_ =	swait.ge [sflag:s12], $0x800  }
0x8c: {  	[sflag:s12] =	ssyncset.done $0x0  }
0x8d: {  	[sflag:s12] =	ssyncadd.s32 $0xFFFFF800  }
0x8e: {  	_ =	swait.ge [sflag:s12], $0x800  }
0x8f: {  	[sflag:s12] =	ssyncset.done $0x0  }
0x90: {  	[sflag:s12] =	ssyncadd.s32 $0xFFFFF800  }
0x91: {  	_ =	swait.ge [sflag:s12], $0x800  }
0x92: {  	[sflag:s12] =	ssyncset.done $0x0  }
0x93: {  	[sflag:s12] =	ssyncadd.s32 $0xFFFFF800  }
0x94: {  	_ =	swait.ge [sflag:s12], $0x800  }
0x95: {  	[sflag:s12] =	ssyncset.done $0x0  }
0x96: {  	s21 =	simm.s32 $0x0;
	[sflag:s12] =	ssyncadd.s32 $0xFFFFF800  }
0x97: {  	[tilespmem:s21], [sflag:$0x4] =	stream.linear.gather [hbm4b:s7+s21], $0x2800, $0x38;
	[tilespmem:$0x1F800] =	vst v63  }
0x98: {  	_ =	swait.ge [sflag:s13], $0x2800  }
0x99: {  	[sflag:s13] =	ssyncset.done $0x0  }
0x9a: {  	[sflag:s13] =	ssyncadd.s32 $0xFFFFD800  }
0x9b: {  	[tilespmem:s14], [sflag:$0x4] =	stream.linear.gather [hbm4b:s8+s21], $0x400, $0x38;
	[tilespmem:$0x1F800] =	vst v63  }
0x9c: {  	_ =	swait.ge [sflag:s13], $0x400  }
0x9d: {  	[sflag:s13] =	ssyncset.done $0x0  }
0x9e: {  	[sflag:s13] =	ssyncadd.s32 $0xFFFFFC00  }
0x9f: {  	[tilespmem:s16], [sflag:$0x1] =	stream.indirect.gather [hbm4b:s4+s15], $0x80, s21, s15, $0xb8;
	[tilespmem:$0x1F800] =	vst v63  }
0xa0: {  	s22 =	simm.s32 $0x1;
	[bflag:$0x0] =	sbarrier.arrive $0xFFFF  }
0xa1: {  	s24 =	simm.s32 $0x1000;
	s25 =	smin.u32 s22, $0x9;
	s23 =	rddreg [dreg:$0x3]  }
0xa2: {  	s24 =	sand.u32 $0x1000, s24;
	s23 =	sadd.s32 s23, s25  }
0xa3: {  	s24 =	sshrl.u32 s24, $0x2;
	s23 =	sshll.u32 s23, $0x7  }
0xa4: {  	s24 =	sor.u32 $0x2800, s24;
	s23 =	sadd.s32 s5, s23  }
0xa5: {  	[tilespmem:s24], [sflag:$0x3] =	stream.linear.gather [hbm4b:s23+s3], $0x400, $0x38;
	[tilespmem:$0x1F800] =	vst v63  }
0xa6: {  	s29 =	simm.s32 $0x80  }
0xa7: {  	[tilespmem:s17], [sflag:$0x2] =	stream.indirect.gather [hbm4b:s4+s15], $0x80, s29, s15, $0xb8;
	[tilespmem:$0x1F800] =	vst v63  }
0xa8: {  	_ =	swait.ge [sflag:s12], $0x4000  }
0xa9: {  	s23 =	sand.u32 $0x400, s21;
	[sflag:s12] =	ssyncset.done $0x0  }
0xaa: {  	s30 =	sor.u32 $0x2800, s23;
	[sflag:s12] =	ssyncadd.s32 $0xFFFFC000  }
0xab: {  	[spmem:s2] =	stream.indirect.scatter.add.f32 [tilespmem:s16], [sflag:$0x4], $0x80, s30, s15, $0xb8;
	[tilespmem:$0x1F800] =	vst v63  }
0xac: {  	_ =	swait.ge [sflag:s13], $0x4000  }
0xad: {  	[sflag:s13] =	ssyncset.done $0x0  }
0xae: {  	s31 =	simm.s32 $0x100;
	[sflag:s13] =	ssyncadd.s32 $0xFFFFC000  }
0xaf: {  	[tilespmem:s16], [sflag:$0x1] =	stream.indirect.gather [hbm4b:s4+s15], $0x80, s31, s15, $0xb8;
	[tilespmem:$0x1F800] =	vst v63  }
0xb0: {  	_ =	swait.ge [sflag:s18], $0x4000  }
0xb1: {  	[sflag:s18] =	ssyncset.done $0x0  }
0xb2: {  	s25 =	sor.u32 $0x2880, s23;
	[sflag:s18] =	ssyncadd.s32 $0xFFFFC000  }
0xb3: {  	[spmem:s2] =	stream.indirect.scatter.add.f32 [tilespmem:s17], [sflag:$0x4], $0x80, s25, s15, $0xb8;
	[tilespmem:$0x1F800] =	vst v63  }
0xb4: {  	_ =	swait.ge [sflag:s13], $0x4000  }
0xb5: {  	[sflag:s13] =	ssyncset.done $0x0  }
0xb6: {  	s26 =	simm.s32 $0x180;
	[sflag:s13] =	ssyncadd.s32 $0xFFFFC000  }
0xb7: {  	[tilespmem:s17], [sflag:$0x2] =	stream.indirect.gather [hbm4b:s4+s15], $0x80, s26, s15, $0xb8;
	[tilespmem:$0x1F800] =	vst v63  }
0xb8: {  	_ =	swait.ge [sflag:s12], $0x4000  }
0xb9: {  	[sflag:s12] =	ssyncset.done $0x0  }
0xba: {  	s28 =	sor.u32 $0x2900, s23;
	[sflag:s12] =	ssyncadd.s32 $0xFFFFC000  }
0xbb: {  	[spmem:s2] =	stream.indirect.scatter.add.f32 [tilespmem:s16], [sflag:$0x4], $0x80, s28, s15, $0xb8;
	[tilespmem:$0x1F800] =	vst v63  }
0xbc: {  	_ =	swait.ge [sflag:s13], $0x4000  }
0xbd: {  	[sflag:s13] =	ssyncset.done $0x0  }
0xbe: {  	s29 =	simm.s32 $0x200;
	[sflag:s13] =	ssyncadd.s32 $0xFFFFC000  }
0xbf: {  	[tilespmem:s16], [sflag:$0x1] =	stream.indirect.gather [hbm4b:s4+s15], $0x80, s29, s15, $0xb8;
	[tilespmem:$0x1F800] =	vst v63  }
0xc0: {  	_ =	swait.ge [sflag:s18], $0x4000  }
0xc1: {  	[sflag:s18] =	ssyncset.done $0x0  }
0xc2: {  	s30 =	sor.u32 $0x2980, s23;
	[sflag:s18] =	ssyncadd.s32 $0xFFFFC000  }
0xc3: {  	[spmem:s2] =	stream.indirect.scatter.add.f32 [tilespmem:s17], [sflag:$0x4], $0x80, s30, s15, $0xb8;
	[tilespmem:$0x1F800] =	vst v63  }
0xc4: {  	_ =	swait.ge [sflag:s13], $0x4000  }
0xc5: {  	[sflag:s13] =	ssyncset.done $0x0  }
0xc6: {  	s31 =	simm.s32 $0x280;
	[sflag:s13] =	ssyncadd.s32 $0xFFFFC000  }
0xc7: {  	[tilespmem:s17], [sflag:$0x2] =	stream.indirect.gather [hbm4b:s4+s15], $0x80, s31, s15, $0xb8;
	[tilespmem:$0x1F800] =	vst v63  }
0xc8: {  	_ =	swait.ge [sflag:s12], $0x4000  }
0xc9: {  	[sflag:s12] =	ssyncset.done $0x0  }
0xca: {  	s25 =	sor.u32 $0x2A00, s23;
	[sflag:s12] =	ssyncadd.s32 $0xFFFFC000  }
0xcb: {  	[spmem:s2] =	stream.indirect.scatter.add.f32 [tilespmem:s16], [sflag:$0x4], $0x80, s25, s15, $0xb8;
	[tilespmem:$0x1F800] =	vst v63  }
0xcc: {  	_ =	swait.ge [sflag:s13], $0x4000  }
0xcd: {  	[sflag:s13] =	ssyncset.done $0x0  }
0xce: {  	s26 =	simm.s32 $0x300;
	[sflag:s13] =	ssyncadd.s32 $0xFFFFC000  }
0xcf: {  	[tilespmem:s16], [sflag:$0x1] =	stream.indirect.gather [hbm4b:s4+s15], $0x80, s26, s15, $0xb8;
	[tilespmem:$0x1F800] =	vst v63  }
0xd0: {  	_ =	swait.ge [sflag:s18], $0x4000  }
0xd1: {  	[sflag:s18] =	ssyncset.done $0x0  }
0xd2: {  	s28 =	sor.u32 $0x2A80, s23;
	[sflag:s18] =	ssyncadd.s32 $0xFFFFC000  }
0xd3: {  	[spmem:s2] =	stream.indirect.scatter.add.f32 [tilespmem:s17], [sflag:$0x4], $0x80, s28, s15, $0xb8;
	[tilespmem:$0x1F800] =	vst v63  }
0xd4: {  	_ =	swait.ge [sflag:s13], $0x4000  }
0xd5: {  	[sflag:s13] =	ssyncset.done $0x0  }
0xd6: {  	s29 =	simm.s32 $0x380;
	[sflag:s13] =	ssyncadd.s32 $0xFFFFC000  }
0xd7: {  	[tilespmem:s17], [sflag:$0x2] =	stream.indirect.gather [hbm4b:s4+s15], $0x80, s29, s15, $0xb8;
	[tilespmem:$0x1F800] =	vst v63  }
0xd8: {  	_ =	swait.ge [sflag:s12], $0x4000  }
0xd9: {  	[sflag:s12] =	ssyncset.done $0x0  }
0xda: {  	s30 =	sor.u32 $0x2B00, s23;
	[sflag:s12] =	ssyncadd.s32 $0xFFFFC000  }
0xdb: {  	[spmem:s2] =	stream.indirect.scatter.add.f32 [tilespmem:s16], [sflag:$0x4], $0x80, s30, s15, $0xb8;
	[tilespmem:$0x1F800] =	vst v63  }
0xdc: {  	s31 =	smin.u32 s21, $0x47;
	_ =	swait.ge [sflag:s13], $0x4000  }
0xdd: {  	s24 =	sshll.u32 s31, $0x7;
	[sflag:s13] =	ssyncset.done $0x0  }
0xde: {  	s24 =	sadd.s32 $0x400, s24;
	[sflag:s13] =	ssyncadd.s32 $0xFFFFC000  }
0xdf: {  	[tilespmem:s16], [sflag:$0x1] =	stream.indirect.gather [hbm4b:s4+s15], $0x80, s24, s15, $0xb8;
	[tilespmem:$0x1F800] =	vst v63  }
0xe0: {  	_ =	swait.ge [sflag:s18], $0x4000  }
0xe1: {  	[sflag:s18] =	ssyncset.done $0x0  }
0xe2: {  	s23 =	sor.u32 $0x2B80, s23;
	[sflag:s18] =	ssyncadd.s32 $0xFFFFC000  }
0xe3: {  	[spmem:s2] =	stream.indirect.scatter.add.f32 [tilespmem:s17], [sflag:$0x4], $0x80, s23, s15, $0xb8;
	[tilespmem:$0x1F800] =	vst v63  }
0xe4: {  	_ =	swait.ge [sflag:s13], $0x4000  }
0xe5: {  	[sflag:s13] =	ssyncset.done $0x0  }
0xe6: {  	[sflag:s13] =	ssyncadd.s32 $0xFFFFC000  }
0xe7: {  	_ =	swait.ge [sflag:s19], $0x400  }
0xe8: {  	s24 =	simm.s32 $0x0;
	s23 =	simm.s32 $0x2000;
	[sflag:s19] =	ssyncset.done $0x0  }
.LBB2_6:
0xe9: {  	s22 =	sadd.s32 $0x1, s22  }
0xea: {  	s25 =	rddreg [dreg:$0x3];
	s26 =	smov.u32 s23;
	s28 =	smin.u32 s22, $0x9  }
0xeb: {  	s29 =	sand.u32 $0x1000, s26;
	s25 =	sadd.s32 s25, s28  }
0xec: {  	[sflag:s19] =	ssyncadd.s32 $0xFFFFFC00;
	s28 =	sshrl.u32 s29, $0x2;
	s25 =	sshll.u32 s25, $0x7  }
0xed: {  	s26 =	sshra.s32 s26, $0x2;
	s28 =	sor.u32 $0x2800, s28;
	s25 =	sadd.s32 s5, s25  }
0xee: {  	[tilespmem:s28], [sflag:$0x3] =	stream.linear.gather [hbm4b:s25+s3], $0x400, $0x38;
	[tilespmem:$0x1F800] =	vst v63  }
0xef: {  	s30 =	sadd.s32 $0xFFFFFC80, s26  }
0xf0: {  	[tilespmem:s17], [sflag:$0x2] =	stream.indirect.gather [hbm4b:s4+s15], $0x80, s30, s15, $0xb8;
	[tilespmem:$0x1F800] =	vst v63  }
0xf1: {  	s21 =	sadd.s32 $0x400, s21;
	_ =	swait.ge [sflag:s12], $0x4000  }
0xf2: {  	s25 =	sand.u32 $0x400, s21;
	[sflag:s12] =	ssyncset.done $0x0  }
0xf3: {  	s31 =	sor.u32 $0x2800, s25;
	[sflag:s12] =	ssyncadd.s32 $0xFFFFC000  }
0xf4: {  	[spmem:s2] =	stream.indirect.scatter.add.f32 [tilespmem:s16], [sflag:$0x4], $0x80, s31, s15, $0xb8;
	[tilespmem:$0x1F800] =	vst v63  }
0xf5: {  	_ =	swait.ge [sflag:s13], $0x4000  }
0xf6: {  	[sflag:s13] =	ssyncset.done $0x0  }
0xf7: {  	s29 =	sadd.s32 $0xFFFFFD00, s26;
	[sflag:s13] =	ssyncadd.s32 $0xFFFFC000  }
0xf8: {  	[tilespmem:s16], [sflag:$0x1] =	stream.indirect.gather [hbm4b:s4+s15], $0x80, s29, s15, $0xb8;
	[tilespmem:$0x1F800] =	vst v63  }
0xf9: {  	_ =	swait.ge [sflag:s18], $0x4000  }
0xfa: {  	[sflag:s18] =	ssyncset.done $0x0  }
0xfb: {  	s30 =	sor.u32 $0x2880, s25;
	[sflag:s18] =	ssyncadd.s32 $0xFFFFC000  }
0xfc: {  	[spmem:s2] =	stream.indirect.scatter.add.f32 [tilespmem:s17], [sflag:$0x4], $0x80, s30, s15, $0xb8;
	[tilespmem:$0x1F800] =	vst v63  }
0xfd: {  	_ =	swait.ge [sflag:s13], $0x4000  }
0xfe: {  	[sflag:s13] =	ssyncset.done $0x0  }
0xff: {  	s31 =	sadd.s32 $0xFFFFFD80, s26;
	[sflag:s13] =	ssyncadd.s32 $0xFFFFC000  }
0x100: {  	[tilespmem:s17], [sflag:$0x2] =	stream.indirect.gather [hbm4b:s4+s15], $0x80, s31, s15, $0xb8;
	[tilespmem:$0x1F800] =	vst v63  }
0x101: {  	_ =	swait.ge [sflag:s12], $0x4000  }
0x102: {  	[sflag:s12] =	ssyncset.done $0x0  }
0x103: {  	s29 =	sor.u32 $0x2900, s25;
	[sflag:s12] =	ssyncadd.s32 $0xFFFFC000  }
0x104: {  	[spmem:s2] =	stream.indirect.scatter.add.f32 [tilespmem:s16], [sflag:$0x4], $0x80, s29, s15, $0xb8;
	[tilespmem:$0x1F800] =	vst v63  }
0x105: {  	_ =	swait.ge [sflag:s13], $0x4000  }
0x106: {  	[sflag:s13] =	ssyncset.done $0x0  }
0x107: {  	s30 =	sadd.s32 $0xFFFFFE00, s26;
	[sflag:s13] =	ssyncadd.s32 $0xFFFFC000  }
0x108: {  	[tilespmem:s16], [sflag:$0x1] =	stream.indirect.gather [hbm4b:s4+s15], $0x80, s30, s15, $0xb8;
	[tilespmem:$0x1F800] =	vst v63  }
0x109: {  	_ =	swait.ge [sflag:s18], $0x4000  }
0x10a: {  	[sflag:s18] =	ssyncset.done $0x0  }
0x10b: {  	s31 =	sor.u32 $0x2980, s25;
	[sflag:s18] =	ssyncadd.s32 $0xFFFFC000  }
0x10c: {  	[spmem:s2] =	stream.indirect.scatter.add.f32 [tilespmem:s17], [sflag:$0x4], $0x80, s31, s15, $0xb8;
	[tilespmem:$0x1F800] =	vst v63  }
0x10d: {  	_ =	swait.ge [sflag:s13], $0x4000  }
0x10e: {  	[sflag:s13] =	ssyncset.done $0x0  }
0x10f: {  	s29 =	sadd.s32 $0xFFFFFE80, s26;
	[sflag:s13] =	ssyncadd.s32 $0xFFFFC000  }
0x110: {  	[tilespmem:s17], [sflag:$0x2] =	stream.indirect.gather [hbm4b:s4+s15], $0x80, s29, s15, $0xb8;
	[tilespmem:$0x1F800] =	vst v63  }
0x111: {  	_ =	swait.ge [sflag:s12], $0x4000  }
0x112: {  	[sflag:s12] =	ssyncset.done $0x0  }
0x113: {  	s30 =	sor.u32 $0x2A00, s25;
	[sflag:s12] =	ssyncadd.s32 $0xFFFFC000  }
0x114: {  	[spmem:s2] =	stream.indirect.scatter.add.f32 [tilespmem:s16], [sflag:$0x4], $0x80, s30, s15, $0xb8;
	[tilespmem:$0x1F800] =	vst v63  }
0x115: {  	_ =	swait.ge [sflag:s13], $0x4000  }
0x116: {  	[sflag:s13] =	ssyncset.done $0x0  }
0x117: {  	s31 =	sadd.s32 $0xFFFFFF00, s26;
	[sflag:s13] =	ssyncadd.s32 $0xFFFFC000  }
0x118: {  	[tilespmem:s16], [sflag:$0x1] =	stream.indirect.gather [hbm4b:s4+s15], $0x80, s31, s15, $0xb8;
	[tilespmem:$0x1F800] =	vst v63  }
0x119: {  	_ =	swait.ge [sflag:s18], $0x4000  }
0x11a: {  	[sflag:s18] =	ssyncset.done $0x0  }
0x11b: {  	s29 =	sor.u32 $0x2A80, s25;
	[sflag:s18] =	ssyncadd.s32 $0xFFFFC000  }
0x11c: {  	[spmem:s2] =	stream.indirect.scatter.add.f32 [tilespmem:s17], [sflag:$0x4], $0x80, s29, s15, $0xb8;
	[tilespmem:$0x1F800] =	vst v63  }
0x11d: {  	_ =	swait.ge [sflag:s13], $0x4000  }
0x11e: {  	[sflag:s13] =	ssyncset.done $0x0  }
0x11f: {  	s26 =	sadd.s32 $0xFFFFFF80, s26;
	[sflag:s13] =	ssyncadd.s32 $0xFFFFC000  }
0x120: {  	[tilespmem:s17], [sflag:$0x2] =	stream.indirect.gather [hbm4b:s4+s15], $0x80, s26, s15, $0xb8;
	[tilespmem:$0x1F800] =	vst v63  }
0x121: {  	_ =	swait.ge [sflag:s12], $0x4000  }
0x122: {  	[sflag:s12] =	ssyncset.done $0x0  }
0x123: {  	s24 =	sadd.s32 $0x8, s24;
	s30 =	sor.u32 $0x2B00, s25;
	[sflag:s12] =	ssyncadd.s32 $0xFFFFC000  }
0x124: {  	[spmem:s2] =	stream.indirect.scatter.add.f32 [tilespmem:s16], [sflag:$0x4], $0x80, s30, s15, $0xb8;
	[tilespmem:$0x1F800] =	vst v63  }
0x125: {  	s31 =	smin.u32 s24, $0x47;
	_ =	swait.ge [sflag:s13], $0x4000  }
0x126: {  	s26 =	sshll.u32 s31, $0x7;
	[sflag:s13] =	ssyncset.done $0x0  }
0x127: {  	s26 =	sadd.s32 $0x400, s26;
	[sflag:s13] =	ssyncadd.s32 $0xFFFFC000  }
0x128: {  	[tilespmem:s16], [sflag:$0x1] =	stream.indirect.gather [hbm4b:s4+s15], $0x80, s26, s15, $0xb8;
	[tilespmem:$0x1F800] =	vst v63  }
0x129: {  	_ =	swait.ge [sflag:s18], $0x4000  }
0x12a: {  	[sflag:s18] =	ssyncset.done $0x0  }
0x12b: {  	p0 =	sne.s32 s23, $0xA000;
	s25 =	sor.u32 $0x2B80, s25;
	[sflag:s18] =	ssyncadd.s32 $0xFFFFC000  }
0x12c: {  	[spmem:s2] =	stream.indirect.scatter.add.f32 [tilespmem:s17], [sflag:$0x4], $0x80, s25, s15, $0xb8;
	[tilespmem:$0x1F800] =	vst v63  }
.Ltmp2:
0x12d: {  	_ =	swait.ge [sflag:s13], $0x4000;
	(pc) =	sbr.rel @p0 .LBB2_6-.Ltmp2, $4  }
0x12e: {  	[sflag:s13] =	ssyncset.done $0x0  }
0x12f: {  	[sflag:s13] =	ssyncadd.s32 $0xFFFFC000  }
0x130: {  	_ =	swait.ge [sflag:s19], $0x400  }
0x131: {  	s23 =	sadd.s32 $0x1000, s23;
	[sflag:s19] =	ssyncset.done $0x0  }
0x132: {  	[sflag:s19] =	ssyncadd.s32 $0xFFFFFC00  }
0x133: {  	_ =	swait.ge [sflag:s12], $0x4000  }
0x134: {  	s21 =	sshll.u32 s0, $0x6;
	s20 =	sadd.s32 $0x1, s20;
	[sflag:s12] =	ssyncset.done $0x0  }
0x135: {  	s22 =	sshrl.u32 s6, $0x3;
	p0 =	sne.s32 s20, s9;
	[sflag:s12] =	ssyncadd.s32 $0xFFFFC000  }
.Ltmp3:
0x136: {  	s21 =	sor.u32 $0x1C04, s21;
	[bflag:$0x0] =	sbarrier.arrive $0xFFFF;
	(pc) =	sbr.rel @p0 .LBB2_1-.Ltmp3, $4  }
0x137: {  	[hbm:s10], [sflag:s21] =	dma.local [spmem:s22], $0x2800  }
0x138: {  	_ =	swait.ge [sflag:s13], $0x2800  }
0x139: {  	[sflag:s13] =	ssyncset.done $0x0  }
0x13a: {  	[sflag:s13] =	ssyncadd.s32 $0xFFFFD800  }
0x13b: {  	_ =	sfence.sel $0x180000  }
0x13c: {  	[bflag:$0x0] =	sbarrier.arrive $0xFFFF  }
0x13d: {  	p0 =	sne.s32 s0, $0x0;
	_ =	strace $0x90000050  }
0x13e: {  	s0 =	sadd.s32 @!p0 $0x100000, s1;
	[bflag:$0x2] =	sbarrier.arrive $0xFFFF  }
0x13f: {  	[sflag:s0] =	ssyncadd.tile.s32 @!p0 $0x1;
	_ =	shalt  }
.Lfunc_end2:
_tile_overlayer_lowered:
.L_overlay_start_2:
0x140: {  	(tag) =	ssettag $0x2  }
0x141: {  	s0 =	rddreg [dreg:$0x0];
	s2 =	stileid.u32  }
0x142: {  	s1 =	rddreg [dreg:$0x1];
	p0 =	sne.s32 s2, $0x0  }
0x143: {  	s3 =	rddreg [dreg:$0x2];
	[bflag:$0x3] =	sbarrier.arrive $0xFFFF;
	s2 =	simm.s32 @!p0 $0x1C04  }
0x144: {  	[timem:s3], [sflag:s2] =	dma.local @!p0 [hbm:s0], s1  }
0x145: {  	s0 =	simm.s32 @!p0 $0x4  }
0x146: {  	_ =	swait.ge @!p0 [sflag:s0], s1  }
0x147: {  	s1 =	ssub.s32 @!p0 $0x0, s1;
	[sflag:s0] =	ssyncset.done @!p0 $0x0  }
0x148: {  	[sflag:s0] =	ssyncadd.s32 @!p0 s1  }
0x149: {  	[bflag:$0x3] =	sbarrier.arrive $0xFFFF  }
0x14a: {  	_ =	shalt  }

</sc_bundles>
